<compile_context>
chip_gen: v7x
topology: tpu7x:2x2x1
jax: 0.10.2.dev20260603
libtpu: 0.0.44.dev20260713+nightly
codegen_flags: <defaults>
</compile_context>

<pallas_src>
import functools

import jax
import jax.numpy as jnp
from jax import lax
from jax.experimental import pallas as pl
from jax.experimental.pallas import tpu as pltpu
from jax.experimental.pallas import tpu_sc as plsc

NC = 2
NS = 16
NW = NC * NS
CH = 80
NP = 10240


def _fill_2d(ref, nrows, ncols, value):
    v = jnp.full((16,), value, jnp.float32)
    npc = ncols // 16

    def body(i, _):
        r = i // npc
        c = (i % npc) * 16
        ref[r, pl.ds(c, 16)] = v
        return 0

    lax.fori_loop(0, nrows * npc, body, 0)


def _fill_1d(ref, n, value):
    v = jnp.full((16,), value, jnp.float32)

    def body(i, _):
        ref[pl.ds(i * 16, 16)] = v
        return 0

    lax.fori_loop(0, n // 16, body, 0)


@functools.lru_cache(maxsize=None)
def _make_deg_kernel(n, epw, ch):
    nch = epw // ch
    mesh = plsc.VectorSubcoreMesh(core_axis_name="c", subcore_axis_name="s")
    out1 = jax.ShapeDtypeStruct((NP,), jnp.float32)

    @functools.partial(
        pl.kernel,
        out_type=(out1, out1, out1, out1),
        mesh=mesh,
        scratch_types=[
            pltpu.VMEM((NP,), jnp.float32),
            pltpu.VMEM((ch,), jnp.float32),
            pltpu.VMEM((10, 2, ch), jnp.int32),
            pltpu.VMEM_SHARED((NP,), jnp.float32),
            pltpu.VMEM_SHARED((NP,), jnp.float32),
            pltpu.SemaphoreType.DMA,
            pltpu.SemaphoreType.DMA,
        ],
    )
    def k(ei_hbm, o_c0, o_c1, i_c0, i_c1,
          zbuf, ones, idx, acc_o, acc_i, sem_i, sem_s):
        cid = lax.axis_index("c")
        sid = lax.axis_index("s")
        wid = sid * NC + cid

        def idx_load(t):
            pltpu.async_copy(ei_hbm.at[wid, t], idx.at[t % 10], sem_i)

        def wait_idx():
            pltpu.make_async_copy(ei_hbm.at[0, 0], idx.at[0], sem_i).wait()

        def wait_scatter():
            pltpu.make_async_copy(ones, acc_o.at[idx.at[0, 0]], sem_s).wait()

        for t in range(4):
            idx_load(t)
        _fill_1d(ones, ch, 1.0)

        @pl.when(sid == 0)
        def _():
            _fill_1d(zbuf, NP, 0.0)
            pltpu.sync_copy(zbuf, acc_o)
            pltpu.sync_copy(zbuf, acc_i)

        plsc.subcore_barrier()

        def body(t, _):
            wait_idx()
            pltpu.async_copy(ones, acc_o.at[idx.at[t % 10, 0]], sem_s, add=True)
            pltpu.async_copy(ones, acc_i.at[idx.at[t % 10, 1]], sem_s, add=True)

            @pl.when(t >= 4)
            def _():
                wait_scatter()
                wait_scatter()

            @pl.when(t + 4 < nch)
            def _():
                idx_load(t + 4)

            return 0

        lax.fori_loop(0, nch, body, 0)
        for _ in range(8):
            wait_scatter()
        plsc.subcore_barrier()

        @pl.when(jnp.logical_and(sid == 0, cid == 0))
        def _():
            pltpu.sync_copy(acc_o, o_c0)
            pltpu.sync_copy(acc_i, i_c0)

        @pl.when(jnp.logical_and(sid == 0, cid == 1))
        def _():
            pltpu.sync_copy(acc_o, o_c1)
            pltpu.sync_copy(acc_i, i_c1)

    return k


@functools.lru_cache(maxsize=None)
def _make_edge_kernel(n, epw, d, ch, tab_rows):
    nch = epw // ch
    rpt = NP // NS
    zr = 32
    g_depth = 2 if d >= 128 else 5
    rr = 2 * g_depth
    ri = 2 * g_depth + 2
    mesh = plsc.VectorSubcoreMesh(core_axis_name="c", subcore_axis_name="s")

    @functools.partial(
        pl.kernel,
        out_type=jax.ShapeDtypeStruct((NC, NP, d), jnp.float32),
        mesh=mesh,
        scratch_types=[
            pltpu.VMEM((ri, 2, ch), jnp.int32),
            pltpu.VMEM((rr, ch, d), jnp.float32),
            pltpu.VMEM((zr, d), jnp.float32),
            pltpu.VMEM_SHARED((NP, d), jnp.float32),
            pltpu.SemaphoreType.DMA,
            pltpu.SemaphoreType.DMA,
            pltpu.SemaphoreType.DMA,
        ],
        compiler_params=pltpu.CompilerParams(use_tc_tiling_on_sc=(d % 128 == 0)),
    )
    def k(g_hbm, ei_hbm, out, idx, rows, zbuf, acc, sem_i, sem_g, sem_s):
        cid = lax.axis_index("c")
        sid = lax.axis_index("s")
        wid = sid * NC + cid

        def idx_load(t):
            pltpu.async_copy(ei_hbm.at[wid, t], idx.at[t % ri], sem_i)

        def gather(t):
            pltpu.async_copy(g_hbm.at[idx.at[t % ri, 0]], rows.at[t % rr], sem_g)

        def scatter(t):
            pltpu.async_copy(rows.at[t % rr], acc.at[idx.at[t % ri, 1]], sem_s,
                             add=True)

        def wait_idx():
            pltpu.make_async_copy(ei_hbm.at[0, 0], idx.at[0], sem_i).wait()

        def wait_gather():
            pltpu.make_async_copy(g_hbm.at[idx.at[0, 0]], rows.at[0], sem_g).wait()

        def wait_scatter():
            pltpu.make_async_copy(rows.at[0], acc.at[idx.at[0, 1]], sem_s).wait()

        for t in range(g_depth + 1):
            idx_load(t)
        _fill_2d(zbuf, zr, d, 0.0)
        r0 = sid * rpt
        for j in range(rpt // zr):
            pltpu.async_copy(zbuf, acc.at[pl.ds(r0 + j * zr, zr)], sem_s)
        for j in range(rpt // zr):
            pltpu.make_async_copy(zbuf, acc.at[pl.ds(r0, zr)], sem_s).wait()
        plsc.subcore_barrier()

        for t in range(g_depth):
            wait_idx()
            gather(t)

        def body(t, _):
            wait_gather()
            scatter(t)

            @pl.when(t + g_depth < nch)
            def _():
                wait_idx()

                @pl.when(t >= g_depth)
                def _():
                    wait_scatter()

                gather(t + g_depth)

                @pl.when(t + g_depth + 1 < nch)
                def _():
                    idx_load(t + g_depth + 1)

            return 0

        lax.fori_loop(0, nch, body, 0)
        for _ in range(2 * g_depth):
            wait_scatter()
        plsc.subcore_barrier()
        pltpu.sync_copy(acc.at[pl.ds(r0, rpt)], out.at[cid, pl.ds(r0, rpt)])

    return k


def _rs_from_deg(o_c0, o_c1, i_c0, i_c1):
    def body(a_ref, b_ref, c_ref, d_ref, o_ref):
        o_ref[0, :] = lax.rsqrt(jnp.maximum(a_ref[...] + b_ref[...], 1.0))
        o_ref[1, :] = lax.rsqrt(jnp.maximum(c_ref[...] + d_ref[...], 1.0))

    return pl.pallas_call(
        body,
        out_shape=jax.ShapeDtypeStruct((2, o_c0.shape[0]), jnp.float32),
    )(o_c0, o_c1, i_c0, i_c1)


def _scale_mm(x, rs, w):
    n, kdim = x.shape
    d2 = w.shape[1]
    bn = 2000

    def body(x_ref, rs_ref, w_ref, o_ref):
        o_ref[...] = jnp.dot(x_ref[...] * rs_ref[...], w_ref[...],
                             preferred_element_type=jnp.float32)

    return pl.pallas_call(
        body,
        grid=(n // bn,),
        in_specs=[
            pl.BlockSpec((bn, kdim), lambda i: (i, 0)),
            pl.BlockSpec((bn, 1), lambda i: (i, 0)),
            pl.BlockSpec((kdim, d2), lambda i: (0, 0)),
        ],
        out_specs=pl.BlockSpec((bn, d2), lambda i: (i, 0)),
        out_shape=jax.ShapeDtypeStruct((n, d2), jnp.float32),
    )(x, rs, w)


def _layer_mid(s, rs_in, b, rs_out, w, out_rows=None):
    kdim = s.shape[2]
    n = rs_in.shape[0]
    d2 = w.shape[1]
    bn = 2000

    def body(s_ref, ri_ref, b_ref, ro_ref, w_ref, o_ref):
        h = jax.nn.relu((s_ref[0] + s_ref[1]) * ri_ref[...] + b_ref[...])
        o_ref[...] = jnp.dot(h * ro_ref[...], w_ref[...],
                             preferred_element_type=jnp.float32)

    return pl.pallas_call(
        body,
        grid=(n // bn,),
        in_specs=[
            pl.BlockSpec((2, bn, kdim), lambda i: (0, i, 0)),
            pl.BlockSpec((bn, 1), lambda i: (i, 0)),
            pl.BlockSpec((1, kdim), lambda i: (0, 0)),
            pl.BlockSpec((bn, 1), lambda i: (i, 0)),
            pl.BlockSpec((kdim, d2), lambda i: (0, 0)),
        ],
        out_specs=pl.BlockSpec((bn, d2), lambda i: (i, 0)),
        out_shape=jax.ShapeDtypeStruct((out_rows or n, d2), jnp.float32),
    )(s, rs_in, b, rs_out, w)


def _final(s, rs_in, b):
    d2 = s.shape[2]
    n = rs_in.shape[0]
    bn = 2000

    def body(s_ref, ri_ref, b_ref, o_ref):
        o_ref[...] = (s_ref[0] + s_ref[1]) * ri_ref[...] + b_ref[...]

    return pl.pallas_call(
        body,
        grid=(n // bn,),
        in_specs=[
            pl.BlockSpec((2, bn, d2), lambda i: (0, i, 0)),
            pl.BlockSpec((bn, 1), lambda i: (i, 0)),
            pl.BlockSpec((1, d2), lambda i: (0, 0)),
        ],
        out_specs=pl.BlockSpec((bn, d2), lambda i: (i, 0)),
        out_shape=jax.ShapeDtypeStruct((n, d2), jnp.float32),
    )(s, rs_in, b)


def kernel(x, edge_index, W0, b0, W1, b1, W2, b2):
    n, d_in = x.shape
    e = edge_index.shape[1]
    d_h = W0.shape[1]
    n_cls = W2.shape[1]
    epw = e // NW
    ch_a, ch_b = CH, 128
    epw_b = -(-epw // ch_b) * ch_b
    ei3 = edge_index.reshape(2, NW, epw)
    ei4a = jnp.transpose(ei3.reshape(2, NW, epw // ch_a, ch_a), (1, 2, 0, 3))
    ei4b = jnp.transpose(
        jnp.pad(ei3, ((0, 0), (0, 0), (0, epw_b - epw)),
                constant_values=NP - 1).reshape(2, NW, epw_b // ch_b, ch_b),
        (1, 2, 0, 3))

    o_c0, o_c1, i_c0, i_c1 = _make_deg_kernel(n, epw_b, ch_b)(ei4b)
    rs = _rs_from_deg(o_c0[:n], o_c1[:n], i_c0[:n], i_c1[:n])
    rs_out = rs[0].reshape(n, 1)
    rs_in = rs[1].reshape(n, 1)

    edge128 = _make_edge_kernel(n, epw, d_h, ch_a, n)
    edge_cls = _make_edge_kernel(n, epw_b, n_cls, ch_b, NP)

    g = _scale_mm(x, rs_out, W0)
    s = edge128(g, ei4a)
    g = _layer_mid(s, rs_in, b0.reshape(1, d_h), rs_out, W1)
    s = edge128(g, ei4a)
    g = _layer_mid(s, rs_in, b1.reshape(1, d_h), rs_out, W2, out_rows=NP)
    s = edge_cls(g, ei4b)
    return _final(s, rs_in, b2.reshape(1, n_cls))

# --- scband reference (transcript-rebuilt; emitter-appended) ---
"""Pipeline reference for scband-gcn-35235911697050 (READ-ONLY COPY).

The authoritative reference and input builder live on the scoring server;
editing this copy changes nothing except your own understanding.
"""

import jax, jax.numpy as jnp
import numpy as np

N = 10000
E = 320000
D_IN = 128
D_H = 128
N_CLS = 16


def setup_inputs(seed: int = 0) -> dict:
    key = jax.random.key(seed)
    ks = jax.random.split(key, 9)
    x = jax.random.normal(ks[0], (N, D_IN), dtype=jnp.float32)
    edge_index = jax.random.randint(ks[1], (2, E), 0, N, dtype=jnp.int32)
    s0 = 1.0 / np.sqrt(D_IN)
    s1 = 1.0 / np.sqrt(D_H)
    W0 = jax.random.normal(ks[2], (D_IN, D_H), dtype=jnp.float32) * s0
    b0 = jnp.zeros((D_H,), dtype=jnp.float32)
    W1 = jax.random.normal(ks[3], (D_H, D_H), dtype=jnp.float32) * s1
    b1 = jnp.zeros((D_H,), dtype=jnp.float32)
    W2 = jax.random.normal(ks[4], (D_H, N_CLS), dtype=jnp.float32) * s1
    b2 = jnp.zeros((N_CLS,), dtype=jnp.float32)
    return {"x": x, "edge_index": edge_index, "W0": W0, "b0": b0, "W1": W1, "b1": b1, "W2": W2, "b2": b2}


def _gcn_layer(x, src, dst, W, b, act):
    # DGL GraphConv with norm='both': D_out^{-1/2} on src side, D_in^{-1/2} on dst side
    ones = jnp.ones((src.shape[0],), dtype=x.dtype)
    deg_out = jnp.clip(jnp.zeros((N,), x.dtype).at[src].add(ones), 1.0, None)
    deg_in = jnp.clip(jnp.zeros((N,), x.dtype).at[dst].add(ones), 1.0, None)
    h = x * jax.lax.rsqrt(deg_out)[:, None]
    msg = jnp.take(h, src, axis=0)
    agg = jnp.zeros((N, h.shape[1]), dtype=h.dtype).at[dst].add(msg)
    agg = agg * jax.lax.rsqrt(deg_in)[:, None]
    out = agg @ W + b
    if act:
        out = jax.nn.relu(out)
    return out


def reference(x, edge_index, W0, b0, W1, b1, W2, b2):
    src = edge_index[0]
    dst = edge_index[1]
    h = _gcn_layer(x, src, dst, W0, b0, True)
    h = _gcn_layer(h, src, dst, W1, b1, True)
    h = _gcn_layer(h, src, dst, W2, b2, False)
    return h

if __name__ == "__main__":
    import jax
    _d = setup_inputs()
    print(jax.jit(kernel)(*tuple(_d.values())))

</pallas_src>

<mosaic_0001>
#map = affine_map<(d0, d1) -> (0, 0)>
#map1 = affine_map<(d0, d1) -> (0, 0, 0, 0)>
#map2 = affine_map<(d0, d1) -> (0, 0, 0)>
module attributes {stable_mosaic.version = 14 : i64} {
  func.func @k(%arg0: i32, %arg1: i32, %arg2: memref<10000x128xf32, #tpu.memory_space<hbm>>, %arg3: memref<32x125x2x80xi32, #tpu.memory_space<hbm>>, %arg4: memref<2x10240x128xf32, #tpu.memory_space<hbm>>, %arg5: memref<6x2x80xi32, #tpu.memory_space<vmem>>, %arg6: memref<4x80x128xf32, #tpu.memory_space<vmem>>, %arg7: memref<32x128xf32, #tpu.memory_space<vmem>>, %arg8: memref<10240x128xf32, #tpu.memory_space<vmem_shared>>, %arg9: memref<!tpu.dma_semaphore, #tpu.memory_space<semaphore_mem>>, %arg10: memref<!tpu.dma_semaphore, #tpu.memory_space<semaphore_mem>>, %arg11: memref<!tpu.dma_semaphore, #tpu.memory_space<semaphore_mem>>) attributes {dimension_semantics = [#tpu.dimension_semantics<core_parallel>, #tpu.dimension_semantics<subcore_parallel>], iteration_bounds = array<i64: 2, 16>, scalar_prefetch = 0 : i64, scratch_operands = 7 : i64, tpu.core_type = #tpu.core_type<sc_vector_subcore>, window_params = [{transform_indices = #map}, {transform_indices = #map1}, {transform_indices = #map2}]} {
    %mul3A = arith.constant 2 : i32
    %mul3A_0 = arith.muli %arg1, %mul3A : i32
    %add3A = arith.addi %mul3A_0, %arg0 : i32
    %dma_start3A = arith.constant 0 : i32
    %dma_start3A_1 = arith.constant 0 : i32
    %dma_start3A_2 = arith.constant 0 : i32
    %dma_start3A_3 = arith.constant 0 : i32
    %dma_start3A_4 = tpu.memref_slice %arg5[%dma_start3A_1, %dma_start3A_2, %dma_start3A_3] : memref<6x2x80xi32, #tpu.memory_space<vmem>> -> memref<1x2x80xi32, #tpu.memory_space<vmem>>
    %dma_start3A_5 = tpu.memref_squeeze %dma_start3A_4 : memref<1x2x80xi32, #tpu.memory_space<vmem>> -> memref<2x80xi32, #tpu.memory_space<vmem>>
    %dma_start3A_6 = arith.constant 0 : i32
    %dma_start3A_7 = arith.constant 0 : i32
    %dma_start3A_8 = tpu.memref_slice %arg3[%add3A, %dma_start3A, %dma_start3A_6, %dma_start3A_7] : memref<32x125x2x80xi32, #tpu.memory_space<hbm>> -> memref<1x1x2x80xi32, #tpu.memory_space<hbm>>
    %dma_start3A_9 = tpu.memref_squeeze %dma_start3A_8 : memref<1x1x2x80xi32, #tpu.memory_space<hbm>> -> memref<2x80xi32, #tpu.memory_space<hbm>>
    %dma_start3A_10 = arith.constant 0 : i32
    %dma_start3A_11 = arith.constant 0 : i32
    %dma_start3A_12 = tpu.memref_slice %arg5[%dma_start3A_1, %dma_start3A_10, %dma_start3A_11] : memref<6x2x80xi32, #tpu.memory_space<vmem>> -> memref<1x2x80xi32, #tpu.memory_space<vmem>>
    %dma_start3A_13 = tpu.memref_squeeze %dma_start3A_12 : memref<1x2x80xi32, #tpu.memory_space<vmem>> -> memref<2x80xi32, #tpu.memory_space<vmem>>
    %dma_start3A_14 = arith.constant 0 : i32
    %dma_start3A_15 = arith.constant 0 : i32
    %dma_start3A_16 = tpu.memref_slice %arg3[%add3A, %dma_start3A, %dma_start3A_14, %dma_start3A_15] : memref<32x125x2x80xi32, #tpu.memory_space<hbm>> -> memref<1x1x2x80xi32, #tpu.memory_space<hbm>>
    %dma_start3A_17 = tpu.memref_squeeze %dma_start3A_16 : memref<1x1x2x80xi32, #tpu.memory_space<hbm>> -> memref<2x80xi32, #tpu.memory_space<hbm>>
    tpu.enqueue_dma source(%dma_start3A_17 : memref<2x80xi32, #tpu.memory_space<hbm>>) target(%dma_start3A_13 : memref<2x80xi32, #tpu.memory_space<vmem>>) target_semaphore(%arg9 : memref<!tpu.dma_semaphore, #tpu.memory_space<semaphore_mem>>)
    %dma_start3A_18 = arith.constant 1 : i32
    %dma_start3A_19 = arith.constant 1 : i32
    %dma_start3A_20 = arith.constant 0 : i32
    %dma_start3A_21 = arith.constant 0 : i32
    %dma_start3A_22 = tpu.memref_slice %arg5[%dma_start3A_19, %dma_start3A_20, %dma_start3A_21] : memref<6x2x80xi32, #tpu.memory_space<vmem>> -> memref<1x2x80xi32, #tpu.memory_space<vmem>>
    %dma_start3A_23 = tpu.memref_squeeze %dma_start3A_22 : memref<1x2x80xi32, #tpu.memory_space<vmem>> -> memref<2x80xi32, #tpu.memory_space<vmem>>
    %dma_start3A_24 = arith.constant 0 : i32
    %dma_start3A_25 = arith.constant 0 : i32
    %dma_start3A_26 = tpu.memref_slice %arg3[%add3A, %dma_start3A_18, %dma_start3A_24, %dma_start3A_25] : memref<32x125x2x80xi32, #tpu.memory_space<hbm>> -> memref<1x1x2x80xi32, #tpu.memory_space<hbm>>
    %dma_start3A_27 = tpu.memref_squeeze %dma_start3A_26 : memref<1x1x2x80xi32, #tpu.memory_space<hbm>> -> memref<2x80xi32, #tpu.memory_space<hbm>>
    %dma_start3A_28 = arith.constant 0 : i32
    %dma_start3A_29 = arith.constant 0 : i32
    %dma_start3A_30 = tpu.memref_slice %arg5[%dma_start3A_19, %dma_start3A_28, %dma_start3A_29] : memref<6x2x80xi32, #tpu.memory_space<vmem>> -> memref<1x2x80xi32, #tpu.memory_space<vmem>>
    %dma_start3A_31 = tpu.memref_squeeze %dma_start3A_30 : memref<1x2x80xi32, #tpu.memory_space<vmem>> -> memref<2x80xi32, #tpu.memory_space<vmem>>
    %dma_start3A_32 = arith.constant 0 : i32
    %dma_start3A_33 = arith.constant 0 : i32
    %dma_start3A_34 = tpu.memref_slice %arg3[%add3A, %dma_start3A_18, %dma_start3A_32, %dma_start3A_33] : memref<32x125x2x80xi32, #tpu.memory_space<hbm>> -> memref<1x1x2x80xi32, #tpu.memory_space<hbm>>
    %dma_start3A_35 = tpu.memref_squeeze %dma_start3A_34 : memref<1x1x2x80xi32, #tpu.memory_space<hbm>> -> memref<2x80xi32, #tpu.memory_space<hbm>>
    tpu.enqueue_dma source(%dma_start3A_35 : memref<2x80xi32, #tpu.memory_space<hbm>>) target(%dma_start3A_31 : memref<2x80xi32, #tpu.memory_space<vmem>>) target_semaphore(%arg9 : memref<!tpu.dma_semaphore, #tpu.memory_space<semaphore_mem>>)
    %dma_start3A_36 = arith.constant 2 : i32
    %dma_start3A_37 = arith.constant 2 : i32
    %dma_start3A_38 = arith.constant 0 : i32
    %dma_start3A_39 = arith.constant 0 : i32
    %dma_start3A_40 = tpu.memref_slice %arg5[%dma_start3A_37, %dma_start3A_38, %dma_start3A_39] : memref<6x2x80xi32, #tpu.memory_space<vmem>> -> memref<1x2x80xi32, #tpu.memory_space<vmem>>
    %dma_start3A_41 = tpu.memref_squeeze %dma_start3A_40 : memref<1x2x80xi32, #tpu.memory_space<vmem>> -> memref<2x80xi32, #tpu.memory_space<vmem>>
    %dma_start3A_42 = arith.constant 0 : i32
    %dma_start3A_43 = arith.constant 0 : i32
    %dma_start3A_44 = tpu.memref_slice %arg3[%add3A, %dma_start3A_36, %dma_start3A_42, %dma_start3A_43] : memref<32x125x2x80xi32, #tpu.memory_space<hbm>> -> memref<1x1x2x80xi32, #tpu.memory_space<hbm>>
    %dma_start3A_45 = tpu.memref_squeeze %dma_start3A_44 : memref<1x1x2x80xi32, #tpu.memory_space<hbm>> -> memref<2x80xi32, #tpu.memory_space<hbm>>
    %dma_start3A_46 = arith.constant 0 : i32
    %dma_start3A_47 = arith.constant 0 : i32
    %dma_start3A_48 = tpu.memref_slice %arg5[%dma_start3A_37, %dma_start3A_46, %dma_start3A_47] : memref<6x2x80xi32, #tpu.memory_space<vmem>> -> memref<1x2x80xi32, #tpu.memory_space<vmem>>
    %dma_start3A_49 = tpu.memref_squeeze %dma_start3A_48 : memref<1x2x80xi32, #tpu.memory_space<vmem>> -> memref<2x80xi32, #tpu.memory_space<vmem>>
    %dma_start3A_50 = arith.constant 0 : i32
    %dma_start3A_51 = arith.constant 0 : i32
    %dma_start3A_52 = tpu.memref_slice %arg3[%add3A, %dma_start3A_36, %dma_start3A_50, %dma_start3A_51] : memref<32x125x2x80xi32, #tpu.memory_space<hbm>> -> memref<1x1x2x80xi32, #tpu.memory_space<hbm>>
    %dma_start3A_53 = tpu.memref_squeeze %dma_start3A_52 : memref<1x1x2x80xi32, #tpu.memory_space<hbm>> -> memref<2x80xi32, #tpu.memory_space<hbm>>
    tpu.enqueue_dma source(%dma_start3A_53 : memref<2x80xi32, #tpu.memory_space<hbm>>) target(%dma_start3A_49 : memref<2x80xi32, #tpu.memory_space<vmem>>) target_semaphore(%arg9 : memref<!tpu.dma_semaphore, #tpu.memory_space<semaphore_mem>>)
    %broadcast_in_dim3A = arith.constant 0.000000e+00 : f32
    %broadcast_in_dim3A_54 = vector.broadcast %broadcast_in_dim3A : f32 to vector<16xf32>
    %scan3A = arith.constant 0 : i32
    %scan3A_55 = arith.constant 0 : i32
    %scan3A_56 = arith.constant 256 : i32
    %scan3A_57 = arith.addi %scan3A_55, %scan3A_56 : i32
    %scan3A_58 = arith.constant 1 : i32
    %scan3A_59 = scf.for %scan3A_386 = %scan3A_55 to %scan3A_57 step %scan3A_58 iter_args(%scan3A_387 = %scan3A) -> (i32)  : i32 {
      %jit3A = arith.constant 8 : i32
      %div3A = arith.divsi %scan3A_386, %jit3A : i32
      %sign3A = arith.constant 0 : i32
      %sign3A_388 = arith.cmpi sgt, %scan3A_386, %sign3A : i32
      %sign3A_389 = arith.extui %sign3A_388 : i1 to i32
      %sign3A_390 = arith.constant 0 : i32
      %sign3A_391 = arith.cmpi slt, %scan3A_386, %sign3A_390 : i32
      %sign3A_392 = arith.extui %sign3A_391 : i1 to i32
      %sign3A_393 = arith.subi %sign3A_389, %sign3A_392 : i32
      %sign3A_394 = arith.constant 0 : i32
      %sign3A_395 = arith.cmpi sgt, %jit3A, %sign3A_394 : i32
      %sign3A_396 = arith.extui %sign3A_395 : i1 to i32
      %sign3A_397 = arith.constant 0 : i32
      %sign3A_398 = arith.cmpi slt, %jit3A, %sign3A_397 : i32
      %sign3A_399 = arith.extui %sign3A_398 : i1 to i32
      %sign3A_400 = arith.subi %sign3A_396, %sign3A_399 : i32
      %ne3A = arith.cmpi ne, %sign3A_393, %sign3A_400 : i32
      %rem3A = arith.remsi %scan3A_386, %jit3A : i32
      %ne3A_401 = arith.constant 0 : i32
      %ne3A_402 = arith.cmpi ne, %rem3A, %ne3A_401 : i32
      %and3A = arith.andi %ne3A, %ne3A_402 : i1
      %sub3A = arith.constant 1 : i32
      %sub3A_403 = arith.subi %div3A, %sub3A : i32
      %select_n3A = arith.select %and3A, %sub3A_403, %div3A : i32
      %jit3A_404 = arith.constant 8 : i32
      %eq3A = arith.constant 0 : i32
      %eq3A_405 = arith.cmpi eq, %jit3A_404, %eq3A : i32
      %jit3A_406 = arith.constant 1 : i32
      %select_n3A_407 = arith.select %eq3A_405, %jit3A_406, %jit3A_404 : i32
      %rem3A_408 = arith.remsi %scan3A_386, %select_n3A_407 : i32
      %ne3A_409 = arith.constant 0 : i32
      %ne3A_410 = arith.cmpi ne, %rem3A_408, %ne3A_409 : i32
      %lt3A = arith.constant 0 : i32
      %lt3A_411 = arith.cmpi slt, %rem3A_408, %lt3A : i32
      %lt3A_412 = arith.constant 0 : i32
      %lt3A_413 = arith.cmpi slt, %select_n3A_407, %lt3A_412 : i32
      %ne3A_414 = arith.xori %lt3A_411, %lt3A_413 : i1
      %and3A_415 = arith.andi %ne3A_414, %ne3A_410 : i1
      %add3A_416 = arith.addi %rem3A_408, %select_n3A_407 : i32
      %select_n3A_417 = arith.select %and3A_415, %add3A_416, %rem3A_408 : i32
      %mul3A_418 = arith.constant 16 : i32
      %mul3A_419 = arith.muli %select_n3A_417, %mul3A_418 : i32
      %swap3A = arith.index_cast %select_n3A : i32 to index
      %swap3A_420 = arith.index_cast %mul3A_419 : i32 to index
      %swap3A_421 = tpu.vector_load %arg7[%swap3A, %swap3A_420] {strides = array<i32>} : memref<32x128xf32, #tpu.memory_space<vmem>>, vector<1x16xf32>,
      %swap3A_422 = vector.shape_cast %swap3A_421 : vector<1x16xf32> to vector<16xf32>
      %swap3A_423 = vector.shape_cast %broadcast_in_dim3A_54 : vector<16xf32> to vector<1x16xf32>
      tpu.vector_store %arg7[%swap3A, %swap3A_420], %swap3A_423 {strides = array<i32>} : memref<32x128xf32, #tpu.memory_space<vmem>>, vector<1x16xf32>,
      %scan3A_424 = arith.constant 0 : i32
      scf.yield %scan3A_424 : i32
    }
    %scan3A_60 = arith.constant 256 : i32
    %mul3A_61 = arith.constant 640 : i32
    %mul3A_62 = arith.muli %arg1, %mul3A_61 : i32
    %add3A_63 = arith.constant 0 : i32
    %add3A_64 = arith.addi %mul3A_62, %add3A_63 : i32
    %dma_start3A_65 = arith.constant 0 : i32
    %dma_start3A_66 = tpu.memref_slice %arg8[%add3A_64, %dma_start3A_65] : memref<10240x128xf32, #tpu.memory_space<vmem_shared>> -> memref<32x128xf32, #tpu.memory_space<vmem_shared>>
    %dma_start3A_67 = arith.constant 0 : i32
    %dma_start3A_68 = tpu.memref_slice %arg8[%add3A_64, %dma_start3A_67] : memref<10240x128xf32, #tpu.memory_space<vmem_shared>> -> memref<32x128xf32, #tpu.memory_space<vmem_shared>>
    tpu.enqueue_dma source(%arg7 : memref<32x128xf32, #tpu.memory_space<vmem>>) target(%dma_start3A_68 : memref<32x128xf32, #tpu.memory_space<vmem_shared>>) target_semaphore(%arg11 : memref<!tpu.dma_semaphore, #tpu.memory_space<semaphore_mem>>)
    %add3A_69 = arith.constant 32 : i32
    %add3A_70 = arith.addi %mul3A_62, %add3A_69 : i32
    %dma_start3A_71 = arith.constant 0 : i32
    %dma_start3A_72 = tpu.memref_slice %arg8[%add3A_70, %dma_start3A_71] : memref<10240x128xf32, #tpu.memory_space<vmem_shared>> -> memref<32x128xf32, #tpu.memory_space<vmem_shared>>
    %dma_start3A_73 = arith.constant 0 : i32
    %dma_start3A_74 = tpu.memref_slice %arg8[%add3A_70, %dma_start3A_73] : memref<10240x128xf32, #tpu.memory_space<vmem_shared>> -> memref<32x128xf32, #tpu.memory_space<vmem_shared>>
    tpu.enqueue_dma source(%arg7 : memref<32x128xf32, #tpu.memory_space<vmem>>) target(%dma_start3A_74 : memref<32x128xf32, #tpu.memory_space<vmem_shared>>) target_semaphore(%arg11 : memref<!tpu.dma_semaphore, #tpu.memory_space<semaphore_mem>>)
    %add3A_75 = arith.constant 64 : i32
    %add3A_76 = arith.addi %mul3A_62, %add3A_75 : i32
    %dma_start3A_77 = arith.constant 0 : i32
    %dma_start3A_78 = tpu.memref_slice %arg8[%add3A_76, %dma_start3A_77] : memref<10240x128xf32, #tpu.memory_space<vmem_shared>> -> memref<32x128xf32, #tpu.memory_space<vmem_shared>>
    %dma_start3A_79 = arith.constant 0 : i32
    %dma_start3A_80 = tpu.memref_slice %arg8[%add3A_76, %dma_start3A_79] : memref<10240x128xf32, #tpu.memory_space<vmem_shared>> -> memref<32x128xf32, #tpu.memory_space<vmem_shared>>
    tpu.enqueue_dma source(%arg7 : memref<32x128xf32, #tpu.memory_space<vmem>>) target(%dma_start3A_80 : memref<32x128xf32, #tpu.memory_space<vmem_shared>>) target_semaphore(%arg11 : memref<!tpu.dma_semaphore, #tpu.memory_space<semaphore_mem>>)
    %add3A_81 = arith.constant 96 : i32
    %add3A_82 = arith.addi %mul3A_62, %add3A_81 : i32
    %dma_start3A_83 = arith.constant 0 : i32
    %dma_start3A_84 = tpu.memref_slice %arg8[%add3A_82, %dma_start3A_83] : memref<10240x128xf32, #tpu.memory_space<vmem_shared>> -> memref<32x128xf32, #tpu.memory_space<vmem_shared>>
    %dma_start3A_85 = arith.constant 0 : i32
    %dma_start3A_86 = tpu.memref_slice %arg8[%add3A_82, %dma_start3A_85] : memref<10240x128xf32, #tpu.memory_space<vmem_shared>> -> memref<32x128xf32, #tpu.memory_space<vmem_shared>>
    tpu.enqueue_dma source(%arg7 : memref<32x128xf32, #tpu.memory_space<vmem>>) target(%dma_start3A_86 : memref<32x128xf32, #tpu.memory_space<vmem_shared>>) target_semaphore(%arg11 : memref<!tpu.dma_semaphore, #tpu.memory_space<semaphore_mem>>)
    %add3A_87 = arith.constant 128 : i32
    %add3A_88 = arith.addi %mul3A_62, %add3A_87 : i32
    %dma_start3A_89 = arith.constant 0 : i32
    %dma_start3A_90 = tpu.memref_slice %arg8[%add3A_88, %dma_start3A_89] : memref<10240x128xf32, #tpu.memory_space<vmem_shared>> -> memref<32x128xf32, #tpu.memory_space<vmem_shared>>
    %dma_start3A_91 = arith.constant 0 : i32
    %dma_start3A_92 = tpu.memref_slice %arg8[%add3A_88, %dma_start3A_91] : memref<10240x128xf32, #tpu.memory_space<vmem_shared>> -> memref<32x128xf32, #tpu.memory_space<vmem_shared>>
    tpu.enqueue_dma source(%arg7 : memref<32x128xf32, #tpu.memory_space<vmem>>) target(%dma_start3A_92 : memref<32x128xf32, #tpu.memory_space<vmem_shared>>) target_semaphore(%arg11 : memref<!tpu.dma_semaphore, #tpu.memory_space<semaphore_mem>>)
    %add3A_93 = arith.constant 160 : i32
    %add3A_94 = arith.addi %mul3A_62, %add3A_93 : i32
    %dma_start3A_95 = arith.constant 0 : i32
    %dma_start3A_96 = tpu.memref_slice %arg8[%add3A_94, %dma_start3A_95] : memref<10240x128xf32, #tpu.memory_space<vmem_shared>> -> memref<32x128xf32, #tpu.memory_space<vmem_shared>>
    %dma_start3A_97 = arith.constant 0 : i32
    %dma_start3A_98 = tpu.memref_slice %arg8[%add3A_94, %dma_start3A_97] : memref<10240x128xf32, #tpu.memory_space<vmem_shared>> -> memref<32x128xf32, #tpu.memory_space<vmem_shared>>
    tpu.enqueue_dma source(%arg7 : memref<32x128xf32, #tpu.memory_space<vmem>>) target(%dma_start3A_98 : memref<32x128xf32, #tpu.memory_space<vmem_shared>>) target_semaphore(%arg11 : memref<!tpu.dma_semaphore, #tpu.memory_space<semaphore_mem>>)
    %add3A_99 = arith.constant 192 : i32
    %add3A_100 = arith.addi %mul3A_62, %add3A_99 : i32
    %dma_start3A_101 = arith.constant 0 : i32
    %dma_start3A_102 = tpu.memref_slice %arg8[%add3A_100, %dma_start3A_101] : memref<10240x128xf32, #tpu.memory_space<vmem_shared>> -> memref<32x128xf32, #tpu.memory_space<vmem_shared>>
    %dma_start3A_103 = arith.constant 0 : i32
    %dma_start3A_104 = tpu.memref_slice %arg8[%add3A_100, %dma_start3A_103] : memref<10240x128xf32, #tpu.memory_space<vmem_shared>> -> memref<32x128xf32, #tpu.memory_space<vmem_shared>>
    tpu.enqueue_dma source(%arg7 : memref<32x128xf32, #tpu.memory_space<vmem>>) target(%dma_start3A_104 : memref<32x128xf32, #tpu.memory_space<vmem_shared>>) target_semaphore(%arg11 : memref<!tpu.dma_semaphore, #tpu.memory_space<semaphore_mem>>)
    %add3A_105 = arith.constant 224 : i32
    %add3A_106 = arith.addi %mul3A_62, %add3A_105 : i32
    %dma_start3A_107 = arith.constant 0 : i32
    %dma_start3A_108 = tpu.memref_slice %arg8[%add3A_106, %dma_start3A_107] : memref<10240x128xf32, #tpu.memory_space<vmem_shared>> -> memref<32x128xf32, #tpu.memory_space<vmem_shared>>
    %dma_start3A_109 = arith.constant 0 : i32
    %dma_start3A_110 = tpu.memref_slice %arg8[%add3A_106, %dma_start3A_109] : memref<10240x128xf32, #tpu.memory_space<vmem_shared>> -> memref<32x128xf32, #tpu.memory_space<vmem_shared>>
    tpu.enqueue_dma source(%arg7 : memref<32x128xf32, #tpu.memory_space<vmem>>) target(%dma_start3A_110 : memref<32x128xf32, #tpu.memory_space<vmem_shared>>) target_semaphore(%arg11 : memref<!tpu.dma_semaphore, #tpu.memory_space<semaphore_mem>>)
    %add3A_111 = arith.constant 256 : i32
    %add3A_112 = arith.addi %mul3A_62, %add3A_111 : i32
    %dma_start3A_113 = arith.constant 0 : i32
    %dma_start3A_114 = tpu.memref_slice %arg8[%add3A_112, %dma_start3A_113] : memref<10240x128xf32, #tpu.memory_space<vmem_shared>> -> memref<32x128xf32, #tpu.memory_space<vmem_shared>>
    %dma_start3A_115 = arith.constant 0 : i32
    %dma_start3A_116 = tpu.memref_slice %arg8[%add3A_112, %dma_start3A_115] : memref<10240x128xf32, #tpu.memory_space<vmem_shared>> -> memref<32x128xf32, #tpu.memory_space<vmem_shared>>
    tpu.enqueue_dma source(%arg7 : memref<32x128xf32, #tpu.memory_space<vmem>>) target(%dma_start3A_116 : memref<32x128xf32, #tpu.memory_space<vmem_shared>>) target_semaphore(%arg11 : memref<!tpu.dma_semaphore, #tpu.memory_space<semaphore_mem>>)
    %add3A_117 = arith.constant 288 : i32
    %add3A_118 = arith.addi %mul3A_62, %add3A_117 : i32
    %dma_start3A_119 = arith.constant 0 : i32
    %dma_start3A_120 = tpu.memref_slice %arg8[%add3A_118, %dma_start3A_119] : memref<10240x128xf32, #tpu.memory_space<vmem_shared>> -> memref<32x128xf32, #tpu.memory_space<vmem_shared>>
    %dma_start3A_121 = arith.constant 0 : i32
    %dma_start3A_122 = tpu.memref_slice %arg8[%add3A_118, %dma_start3A_121] : memref<10240x128xf32, #tpu.memory_space<vmem_shared>> -> memref<32x128xf32, #tpu.memory_space<vmem_shared>>
    tpu.enqueue_dma source(%arg7 : memref<32x128xf32, #tpu.memory_space<vmem>>) target(%dma_start3A_122 : memref<32x128xf32, #tpu.memory_space<vmem_shared>>) target_semaphore(%arg11 : memref<!tpu.dma_semaphore, #tpu.memory_space<semaphore_mem>>)
    %add3A_123 = arith.constant 320 : i32
    %add3A_124 = arith.addi %mul3A_62, %add3A_123 : i32
    %dma_start3A_125 = arith.constant 0 : i32
    %dma_start3A_126 = tpu.memref_slice %arg8[%add3A_124, %dma_start3A_125] : memref<10240x128xf32, #tpu.memory_space<vmem_shared>> -> memref<32x128xf32, #tpu.memory_space<vmem_shared>>
    %dma_start3A_127 = arith.constant 0 : i32
    %dma_start3A_128 = tpu.memref_slice %arg8[%add3A_124, %dma_start3A_127] : memref<10240x128xf32, #tpu.memory_space<vmem_shared>> -> memref<32x128xf32, #tpu.memory_space<vmem_shared>>
    tpu.enqueue_dma source(%arg7 : memref<32x128xf32, #tpu.memory_space<vmem>>) target(%dma_start3A_128 : memref<32x128xf32, #tpu.memory_space<vmem_shared>>) target_semaphore(%arg11 : memref<!tpu.dma_semaphore, #tpu.memory_space<semaphore_mem>>)
    %add3A_129 = arith.constant 352 : i32
    %add3A_130 = arith.addi %mul3A_62, %add3A_129 : i32
    %dma_start3A_131 = arith.constant 0 : i32
    %dma_start3A_132 = tpu.memref_slice %arg8[%add3A_130, %dma_start3A_131] : memref<10240x128xf32, #tpu.memory_space<vmem_shared>> -> memref<32x128xf32, #tpu.memory_space<vmem_shared>>
    %dma_start3A_133 = arith.constant 0 : i32
    %dma_start3A_134 = tpu.memref_slice %arg8[%add3A_130, %dma_start3A_133] : memref<10240x128xf32, #tpu.memory_space<vmem_shared>> -> memref<32x128xf32, #tpu.memory_space<vmem_shared>>
    tpu.enqueue_dma source(%arg7 : memref<32x128xf32, #tpu.memory_space<vmem>>) target(%dma_start3A_134 : memref<32x128xf32, #tpu.memory_space<vmem_shared>>) target_semaphore(%arg11 : memref<!tpu.dma_semaphore, #tpu.memory_space<semaphore_mem>>)
    %add3A_135 = arith.constant 384 : i32
    %add3A_136 = arith.addi %mul3A_62, %add3A_135 : i32
    %dma_start3A_137 = arith.constant 0 : i32
    %dma_start3A_138 = tpu.memref_slice %arg8[%add3A_136, %dma_start3A_137] : memref<10240x128xf32, #tpu.memory_space<vmem_shared>> -> memref<32x128xf32, #tpu.memory_space<vmem_shared>>
    %dma_start3A_139 = arith.constant 0 : i32
    %dma_start3A_140 = tpu.memref_slice %arg8[%add3A_136, %dma_start3A_139] : memref<10240x128xf32, #tpu.memory_space<vmem_shared>> -> memref<32x128xf32, #tpu.memory_space<vmem_shared>>
    tpu.enqueue_dma source(%arg7 : memref<32x128xf32, #tpu.memory_space<vmem>>) target(%dma_start3A_140 : memref<32x128xf32, #tpu.memory_space<vmem_shared>>) target_semaphore(%arg11 : memref<!tpu.dma_semaphore, #tpu.memory_space<semaphore_mem>>)
    %add3A_141 = arith.constant 416 : i32
    %add3A_142 = arith.addi %mul3A_62, %add3A_141 : i32
    %dma_start3A_143 = arith.constant 0 : i32
    %dma_start3A_144 = tpu.memref_slice %arg8[%add3A_142, %dma_start3A_143] : memref<10240x128xf32, #tpu.memory_space<vmem_shared>> -> memref<32x128xf32, #tpu.memory_space<vmem_shared>>
    %dma_start3A_145 = arith.constant 0 : i32
    %dma_start3A_146 = tpu.memref_slice %arg8[%add3A_142, %dma_start3A_145] : memref<10240x128xf32, #tpu.memory_space<vmem_shared>> -> memref<32x128xf32, #tpu.memory_space<vmem_shared>>
    tpu.enqueue_dma source(%arg7 : memref<32x128xf32, #tpu.memory_space<vmem>>) target(%dma_start3A_146 : memref<32x128xf32, #tpu.memory_space<vmem_shared>>) target_semaphore(%arg11 : memref<!tpu.dma_semaphore, #tpu.memory_space<semaphore_mem>>)
    %add3A_147 = arith.constant 448 : i32
    %add3A_148 = arith.addi %mul3A_62, %add3A_147 : i32
    %dma_start3A_149 = arith.constant 0 : i32
    %dma_start3A_150 = tpu.memref_slice %arg8[%add3A_148, %dma_start3A_149] : memref<10240x128xf32, #tpu.memory_space<vmem_shared>> -> memref<32x128xf32, #tpu.memory_space<vmem_shared>>
    %dma_start3A_151 = arith.constant 0 : i32
    %dma_start3A_152 = tpu.memref_slice %arg8[%add3A_148, %dma_start3A_151] : memref<10240x128xf32, #tpu.memory_space<vmem_shared>> -> memref<32x128xf32, #tpu.memory_space<vmem_shared>>
    tpu.enqueue_dma source(%arg7 : memref<32x128xf32, #tpu.memory_space<vmem>>) target(%dma_start3A_152 : memref<32x128xf32, #tpu.memory_space<vmem_shared>>) target_semaphore(%arg11 : memref<!tpu.dma_semaphore, #tpu.memory_space<semaphore_mem>>)
    %add3A_153 = arith.constant 480 : i32
    %add3A_154 = arith.addi %mul3A_62, %add3A_153 : i32
    %dma_start3A_155 = arith.constant 0 : i32
    %dma_start3A_156 = tpu.memref_slice %arg8[%add3A_154, %dma_start3A_155] : memref<10240x128xf32, #tpu.memory_space<vmem_shared>> -> memref<32x128xf32, #tpu.memory_space<vmem_shared>>
    %dma_start3A_157 = arith.constant 0 : i32
    %dma_start3A_158 = tpu.memref_slice %arg8[%add3A_154, %dma_start3A_157] : memref<10240x128xf32, #tpu.memory_space<vmem_shared>> -> memref<32x128xf32, #tpu.memory_space<vmem_shared>>
    tpu.enqueue_dma source(%arg7 : memref<32x128xf32, #tpu.memory_space<vmem>>) target(%dma_start3A_158 : memref<32x128xf32, #tpu.memory_space<vmem_shared>>) target_semaphore(%arg11 : memref<!tpu.dma_semaphore, #tpu.memory_space<semaphore_mem>>)
    %add3A_159 = arith.constant 512 : i32
    %add3A_160 = arith.addi %mul3A_62, %add3A_159 : i32
    %dma_start3A_161 = arith.constant 0 : i32
    %dma_start3A_162 = tpu.memref_slice %arg8[%add3A_160, %dma_start3A_161] : memref<10240x128xf32, #tpu.memory_space<vmem_shared>> -> memref<32x128xf32, #tpu.memory_space<vmem_shared>>
    %dma_start3A_163 = arith.constant 0 : i32
    %dma_start3A_164 = tpu.memref_slice %arg8[%add3A_160, %dma_start3A_163] : memref<10240x128xf32, #tpu.memory_space<vmem_shared>> -> memref<32x128xf32, #tpu.memory_space<vmem_shared>>
    tpu.enqueue_dma source(%arg7 : memref<32x128xf32, #tpu.memory_space<vmem>>) target(%dma_start3A_164 : memref<32x128xf32, #tpu.memory_space<vmem_shared>>) target_semaphore(%arg11 : memref<!tpu.dma_semaphore, #tpu.memory_space<semaphore_mem>>)
    %add3A_165 = arith.constant 544 : i32
    %add3A_166 = arith.addi %mul3A_62, %add3A_165 : i32
    %dma_start3A_167 = arith.constant 0 : i32
    %dma_start3A_168 = tpu.memref_slice %arg8[%add3A_166, %dma_start3A_167] : memref<10240x128xf32, #tpu.memory_space<vmem_shared>> -> memref<32x128xf32, #tpu.memory_space<vmem_shared>>
    %dma_start3A_169 = arith.constant 0 : i32
    %dma_start3A_170 = tpu.memref_slice %arg8[%add3A_166, %dma_start3A_169] : memref<10240x128xf32, #tpu.memory_space<vmem_shared>> -> memref<32x128xf32, #tpu.memory_space<vmem_shared>>
    tpu.enqueue_dma source(%arg7 : memref<32x128xf32, #tpu.memory_space<vmem>>) target(%dma_start3A_170 : memref<32x128xf32, #tpu.memory_space<vmem_shared>>) target_semaphore(%arg11 : memref<!tpu.dma_semaphore, #tpu.memory_space<semaphore_mem>>)
    %add3A_171 = arith.constant 576 : i32
    %add3A_172 = arith.addi %mul3A_62, %add3A_171 : i32
    %dma_start3A_173 = arith.constant 0 : i32
    %dma_start3A_174 = tpu.memref_slice %arg8[%add3A_172, %dma_start3A_173] : memref<10240x128xf32, #tpu.memory_space<vmem_shared>> -> memref<32x128xf32, #tpu.memory_space<vmem_shared>>
    %dma_start3A_175 = arith.constant 0 : i32
    %dma_start3A_176 = tpu.memref_slice %arg8[%add3A_172, %dma_start3A_175] : memref<10240x128xf32, #tpu.memory_space<vmem_shared>> -> memref<32x128xf32, #tpu.memory_space<vmem_shared>>
    tpu.enqueue_dma source(%arg7 : memref<32x128xf32, #tpu.memory_space<vmem>>) target(%dma_start3A_176 : memref<32x128xf32, #tpu.memory_space<vmem_shared>>) target_semaphore(%arg11 : memref<!tpu.dma_semaphore, #tpu.memory_space<semaphore_mem>>)
    %add3A_177 = arith.constant 608 : i32
    %add3A_178 = arith.addi %mul3A_62, %add3A_177 : i32
    %dma_start3A_179 = arith.constant 0 : i32
    %dma_start3A_180 = tpu.memref_slice %arg8[%add3A_178, %dma_start3A_179] : memref<10240x128xf32, #tpu.memory_space<vmem_shared>> -> memref<32x128xf32, #tpu.memory_space<vmem_shared>>
    %dma_start3A_181 = arith.constant 0 : i32
    %dma_start3A_182 = tpu.memref_slice %arg8[%add3A_178, %dma_start3A_181] : memref<10240x128xf32, #tpu.memory_space<vmem_shared>> -> memref<32x128xf32, #tpu.memory_space<vmem_shared>>
    tpu.enqueue_dma source(%arg7 : memref<32x128xf32, #tpu.memory_space<vmem>>) target(%dma_start3A_182 : memref<32x128xf32, #tpu.memory_space<vmem_shared>>) target_semaphore(%arg11 : memref<!tpu.dma_semaphore, #tpu.memory_space<semaphore_mem>>)
    %dma_wait3A = arith.constant 0 : i32
    %dma_wait3A_183 = tpu.memref_slice %arg8[%mul3A_62, %dma_wait3A] : memref<10240x128xf32, #tpu.memory_space<vmem_shared>> -> memref<32x128xf32, #tpu.memory_space<vmem_shared>>
    %dma_wait3A_184 = arith.constant 0 : i32
    %dma_wait3A_185 = tpu.memref_slice %arg8[%mul3A_62, %dma_wait3A_184] : memref<10240x128xf32, #tpu.memory_space<vmem_shared>> -> memref<32x128xf32, #tpu.memory_space<vmem_shared>>
    tpu.wait_dma2 semaphore(%arg11 : memref<!tpu.dma_semaphore, #tpu.memory_space<semaphore_mem>>) src(%arg7 : memref<32x128xf32, #tpu.memory_space<vmem>>) dst(%dma_wait3A_185 : memref<32x128xf32, #tpu.memory_space<vmem_shared>>)
    %dma_wait3A_186 = arith.constant 0 : i32
    %dma_wait3A_187 = tpu.memref_slice %arg8[%mul3A_62, %dma_wait3A_186] : memref<10240x128xf32, #tpu.memory_space<vmem_shared>> -> memref<32x128xf32, #tpu.memory_space<vmem_shared>>
    %dma_wait3A_188 = arith.constant 0 : i32
    %dma_wait3A_189 = tpu.memref_slice %arg8[%mul3A_62, %dma_wait3A_188] : memref<10240x128xf32, #tpu.memory_space<vmem_shared>> -> memref<32x128xf32, #tpu.memory_space<vmem_shared>>
    tpu.wait_dma2 semaphore(%arg11 : memref<!tpu.dma_semaphore, #tpu.memory_space<semaphore_mem>>) src(%arg7 : memref<32x128xf32, #tpu.memory_space<vmem>>) dst(%dma_wait3A_189 : memref<32x128xf32, #tpu.memory_space<vmem_shared>>)
    %dma_wait3A_190 = arith.constant 0 : i32
    %dma_wait3A_191 = tpu.memref_slice %arg8[%mul3A_62, %dma_wait3A_190] : memref<10240x128xf32, #tpu.memory_space<vmem_shared>> -> memref<32x128xf32, #tpu.memory_space<vmem_shared>>
    %dma_wait3A_192 = arith.constant 0 : i32
    %dma_wait3A_193 = tpu.memref_slice %arg8[%mul3A_62, %dma_wait3A_192] : memref<10240x128xf32, #tpu.memory_space<vmem_shared>> -> memref<32x128xf32, #tpu.memory_space<vmem_shared>>
    tpu.wait_dma2 semaphore(%arg11 : memref<!tpu.dma_semaphore, #tpu.memory_space<semaphore_mem>>) src(%arg7 : memref<32x128xf32, #tpu.memory_space<vmem>>) dst(%dma_wait3A_193 : memref<32x128xf32, #tpu.memory_space<vmem_shared>>)
    %dma_wait3A_194 = arith.constant 0 : i32
    %dma_wait3A_195 = tpu.memref_slice %arg8[%mul3A_62, %dma_wait3A_194] : memref<10240x128xf32, #tpu.memory_space<vmem_shared>> -> memref<32x128xf32, #tpu.memory_space<vmem_shared>>
    %dma_wait3A_196 = arith.constant 0 : i32
    %dma_wait3A_197 = tpu.memref_slice %arg8[%mul3A_62, %dma_wait3A_196] : memref<10240x128xf32, #tpu.memory_space<vmem_shared>> -> memref<32x128xf32, #tpu.memory_space<vmem_shared>>
    tpu.wait_dma2 semaphore(%arg11 : memref<!tpu.dma_semaphore, #tpu.memory_space<semaphore_mem>>) src(%arg7 : memref<32x128xf32, #tpu.memory_space<vmem>>) dst(%dma_wait3A_197 : memref<32x128xf32, #tpu.memory_space<vmem_shared>>)
    %dma_wait3A_198 = arith.constant 0 : i32
    %dma_wait3A_199 = tpu.memref_slice %arg8[%mul3A_62, %dma_wait3A_198] : memref<10240x128xf32, #tpu.memory_space<vmem_shared>> -> memref<32x128xf32, #tpu.memory_space<vmem_shared>>
    %dma_wait3A_200 = arith.constant 0 : i32
    %dma_wait3A_201 = tpu.memref_slice %arg8[%mul3A_62, %dma_wait3A_200] : memref<10240x128xf32, #tpu.memory_space<vmem_shared>> -> memref<32x128xf32, #tpu.memory_space<vmem_shared>>
    tpu.wait_dma2 semaphore(%arg11 : memref<!tpu.dma_semaphore, #tpu.memory_space<semaphore_mem>>) src(%arg7 : memref<32x128xf32, #tpu.memory_space<vmem>>) dst(%dma_wait3A_201 : memref<32x128xf32, #tpu.memory_space<vmem_shared>>)
    %dma_wait3A_202 = arith.constant 0 : i32
    %dma_wait3A_203 = tpu.memref_slice %arg8[%mul3A_62, %dma_wait3A_202] : memref<10240x128xf32, #tpu.memory_space<vmem_shared>> -> memref<32x128xf32, #tpu.memory_space<vmem_shared>>
    %dma_wait3A_204 = arith.constant 0 : i32
    %dma_wait3A_205 = tpu.memref_slice %arg8[%mul3A_62, %dma_wait3A_204] : memref<10240x128xf32, #tpu.memory_space<vmem_shared>> -> memref<32x128xf32, #tpu.memory_space<vmem_shared>>
    tpu.wait_dma2 semaphore(%arg11 : memref<!tpu.dma_semaphore, #tpu.memory_space<semaphore_mem>>) src(%arg7 : memref<32x128xf32, #tpu.memory_space<vmem>>) dst(%dma_wait3A_205 : memref<32x128xf32, #tpu.memory_space<vmem_shared>>)
    %dma_wait3A_206 = arith.constant 0 : i32
    %dma_wait3A_207 = tpu.memref_slice %arg8[%mul3A_62, %dma_wait3A_206] : memref<10240x128xf32, #tpu.memory_space<vmem_shared>> -> memref<32x128xf32, #tpu.memory_space<vmem_shared>>
    %dma_wait3A_208 = arith.constant 0 : i32
    %dma_wait3A_209 = tpu.memref_slice %arg8[%mul3A_62, %dma_wait3A_208] : memref<10240x128xf32, #tpu.memory_space<vmem_shared>> -> memref<32x128xf32, #tpu.memory_space<vmem_shared>>
    tpu.wait_dma2 semaphore(%arg11 : memref<!tpu.dma_semaphore, #tpu.memory_space<semaphore_mem>>) src(%arg7 : memref<32x128xf32, #tpu.memory_space<vmem>>) dst(%dma_wait3A_209 : memref<32x128xf32, #tpu.memory_space<vmem_shared>>)
    %dma_wait3A_210 = arith.constant 0 : i32
    %dma_wait3A_211 = tpu.memref_slice %arg8[%mul3A_62, %dma_wait3A_210] : memref<10240x128xf32, #tpu.memory_space<vmem_shared>> -> memref<32x128xf32, #tpu.memory_space<vmem_shared>>
    %dma_wait3A_212 = arith.constant 0 : i32
    %dma_wait3A_213 = tpu.memref_slice %arg8[%mul3A_62, %dma_wait3A_212] : memref<10240x128xf32, #tpu.memory_space<vmem_shared>> -> memref<32x128xf32, #tpu.memory_space<vmem_shared>>
    tpu.wait_dma2 semaphore(%arg11 : memref<!tpu.dma_semaphore, #tpu.memory_space<semaphore_mem>>) src(%arg7 : memref<32x128xf32, #tpu.memory_space<vmem>>) dst(%dma_wait3A_213 : memref<32x128xf32, #tpu.memory_space<vmem_shared>>)
    %dma_wait3A_214 = arith.constant 0 : i32
    %dma_wait3A_215 = tpu.memref_slice %arg8[%mul3A_62, %dma_wait3A_214] : memref<10240x128xf32, #tpu.memory_space<vmem_shared>> -> memref<32x128xf32, #tpu.memory_space<vmem_shared>>
    %dma_wait3A_216 = arith.constant 0 : i32
    %dma_wait3A_217 = tpu.memref_slice %arg8[%mul3A_62, %dma_wait3A_216] : memref<10240x128xf32, #tpu.memory_space<vmem_shared>> -> memref<32x128xf32, #tpu.memory_space<vmem_shared>>
    tpu.wait_dma2 semaphore(%arg11 : memref<!tpu.dma_semaphore, #tpu.memory_space<semaphore_mem>>) src(%arg7 : memref<32x128xf32, #tpu.memory_space<vmem>>) dst(%dma_wait3A_217 : memref<32x128xf32, #tpu.memory_space<vmem_shared>>)
    %dma_wait3A_218 = arith.constant 0 : i32
    %dma_wait3A_219 = tpu.memref_slice %arg8[%mul3A_62, %dma_wait3A_218] : memref<10240x128xf32, #tpu.memory_space<vmem_shared>> -> memref<32x128xf32, #tpu.memory_space<vmem_shared>>
    %dma_wait3A_220 = arith.constant 0 : i32
    %dma_wait3A_221 = tpu.memref_slice %arg8[%mul3A_62, %dma_wait3A_220] : memref<10240x128xf32, #tpu.memory_space<vmem_shared>> -> memref<32x128xf32, #tpu.memory_space<vmem_shared>>
    tpu.wait_dma2 semaphore(%arg11 : memref<!tpu.dma_semaphore, #tpu.memory_space<semaphore_mem>>) src(%arg7 : memref<32x128xf32, #tpu.memory_space<vmem>>) dst(%dma_wait3A_221 : memref<32x128xf32, #tpu.memory_space<vmem_shared>>)
    %dma_wait3A_222 = arith.constant 0 : i32
    %dma_wait3A_223 = tpu.memref_slice %arg8[%mul3A_62, %dma_wait3A_222] : memref<10240x128xf32, #tpu.memory_space<vmem_shared>> -> memref<32x128xf32, #tpu.memory_space<vmem_shared>>
    %dma_wait3A_224 = arith.constant 0 : i32
    %dma_wait3A_225 = tpu.memref_slice %arg8[%mul3A_62, %dma_wait3A_224] : memref<10240x128xf32, #tpu.memory_space<vmem_shared>> -> memref<32x128xf32, #tpu.memory_space<vmem_shared>>
    tpu.wait_dma2 semaphore(%arg11 : memref<!tpu.dma_semaphore, #tpu.memory_space<semaphore_mem>>) src(%arg7 : memref<32x128xf32, #tpu.memory_space<vmem>>) dst(%dma_wait3A_225 : memref<32x128xf32, #tpu.memory_space<vmem_shared>>)
    %dma_wait3A_226 = arith.constant 0 : i32
    %dma_wait3A_227 = tpu.memref_slice %arg8[%mul3A_62, %dma_wait3A_226] : memref<10240x128xf32, #tpu.memory_space<vmem_shared>> -> memref<32x128xf32, #tpu.memory_space<vmem_shared>>
    %dma_wait3A_228 = arith.constant 0 : i32
    %dma_wait3A_229 = tpu.memref_slice %arg8[%mul3A_62, %dma_wait3A_228] : memref<10240x128xf32, #tpu.memory_space<vmem_shared>> -> memref<32x128xf32, #tpu.memory_space<vmem_shared>>
    tpu.wait_dma2 semaphore(%arg11 : memref<!tpu.dma_semaphore, #tpu.memory_space<semaphore_mem>>) src(%arg7 : memref<32x128xf32, #tpu.memory_space<vmem>>) dst(%dma_wait3A_229 : memref<32x128xf32, #tpu.memory_space<vmem_shared>>)
    %dma_wait3A_230 = arith.constant 0 : i32
    %dma_wait3A_231 = tpu.memref_slice %arg8[%mul3A_62, %dma_wait3A_230] : memref<10240x128xf32, #tpu.memory_space<vmem_shared>> -> memref<32x128xf32, #tpu.memory_space<vmem_shared>>
    %dma_wait3A_232 = arith.constant 0 : i32
    %dma_wait3A_233 = tpu.memref_slice %arg8[%mul3A_62, %dma_wait3A_232] : memref<10240x128xf32, #tpu.memory_space<vmem_shared>> -> memref<32x128xf32, #tpu.memory_space<vmem_shared>>
    tpu.wait_dma2 semaphore(%arg11 : memref<!tpu.dma_semaphore, #tpu.memory_space<semaphore_mem>>) src(%arg7 : memref<32x128xf32, #tpu.memory_space<vmem>>) dst(%dma_wait3A_233 : memref<32x128xf32, #tpu.memory_space<vmem_shared>>)
    %dma_wait3A_234 = arith.constant 0 : i32
    %dma_wait3A_235 = tpu.memref_slice %arg8[%mul3A_62, %dma_wait3A_234] : memref<10240x128xf32, #tpu.memory_space<vmem_shared>> -> memref<32x128xf32, #tpu.memory_space<vmem_shared>>
    %dma_wait3A_236 = arith.constant 0 : i32
    %dma_wait3A_237 = tpu.memref_slice %arg8[%mul3A_62, %dma_wait3A_236] : memref<10240x128xf32, #tpu.memory_space<vmem_shared>> -> memref<32x128xf32, #tpu.memory_space<vmem_shared>>
    tpu.wait_dma2 semaphore(%arg11 : memref<!tpu.dma_semaphore, #tpu.memory_space<semaphore_mem>>) src(%arg7 : memref<32x128xf32, #tpu.memory_space<vmem>>) dst(%dma_wait3A_237 : memref<32x128xf32, #tpu.memory_space<vmem_shared>>)
    %dma_wait3A_238 = arith.constant 0 : i32
    %dma_wait3A_239 = tpu.memref_slice %arg8[%mul3A_62, %dma_wait3A_238] : memref<10240x128xf32, #tpu.memory_space<vmem_shared>> -> memref<32x128xf32, #tpu.memory_space<vmem_shared>>
    %dma_wait3A_240 = arith.constant 0 : i32
    %dma_wait3A_241 = tpu.memref_slice %arg8[%mul3A_62, %dma_wait3A_240] : memref<10240x128xf32, #tpu.memory_space<vmem_shared>> -> memref<32x128xf32, #tpu.memory_space<vmem_shared>>
    tpu.wait_dma2 semaphore(%arg11 : memref<!tpu.dma_semaphore, #tpu.memory_space<semaphore_mem>>) src(%arg7 : memref<32x128xf32, #tpu.memory_space<vmem>>) dst(%dma_wait3A_241 : memref<32x128xf32, #tpu.memory_space<vmem_shared>>)
    %dma_wait3A_242 = arith.constant 0 : i32
    %dma_wait3A_243 = tpu.memref_slice %arg8[%mul3A_62, %dma_wait3A_242] : memref<10240x128xf32, #tpu.memory_space<vmem_shared>> -> memref<32x128xf32, #tpu.memory_space<vmem_shared>>
    %dma_wait3A_244 = arith.constant 0 : i32
    %dma_wait3A_245 = tpu.memref_slice %arg8[%mul3A_62, %dma_wait3A_244] : memref<10240x128xf32, #tpu.memory_space<vmem_shared>> -> memref<32x128xf32, #tpu.memory_space<vmem_shared>>
    tpu.wait_dma2 semaphore(%arg11 : memref<!tpu.dma_semaphore, #tpu.memory_space<semaphore_mem>>) src(%arg7 : memref<32x128xf32, #tpu.memory_space<vmem>>) dst(%dma_wait3A_245 : memref<32x128xf32, #tpu.memory_space<vmem_shared>>)
    %dma_wait3A_246 = arith.constant 0 : i32
    %dma_wait3A_247 = tpu.memref_slice %arg8[%mul3A_62, %dma_wait3A_246] : memref<10240x128xf32, #tpu.memory_space<vmem_shared>> -> memref<32x128xf32, #tpu.memory_space<vmem_shared>>
    %dma_wait3A_248 = arith.constant 0 : i32
    %dma_wait3A_249 = tpu.memref_slice %arg8[%mul3A_62, %dma_wait3A_248] : memref<10240x128xf32, #tpu.memory_space<vmem_shared>> -> memref<32x128xf32, #tpu.memory_space<vmem_shared>>
    tpu.wait_dma2 semaphore(%arg11 : memref<!tpu.dma_semaphore, #tpu.memory_space<semaphore_mem>>) src(%arg7 : memref<32x128xf32, #tpu.memory_space<vmem>>) dst(%dma_wait3A_249 : memref<32x128xf32, #tpu.memory_space<vmem_shared>>)
    %dma_wait3A_250 = arith.constant 0 : i32
    %dma_wait3A_251 = tpu.memref_slice %arg8[%mul3A_62, %dma_wait3A_250] : memref<10240x128xf32, #tpu.memory_space<vmem_shared>> -> memref<32x128xf32, #tpu.memory_space<vmem_shared>>
    %dma_wait3A_252 = arith.constant 0 : i32
    %dma_wait3A_253 = tpu.memref_slice %arg8[%mul3A_62, %dma_wait3A_252] : memref<10240x128xf32, #tpu.memory_space<vmem_shared>> -> memref<32x128xf32, #tpu.memory_space<vmem_shared>>
    tpu.wait_dma2 semaphore(%arg11 : memref<!tpu.dma_semaphore, #tpu.memory_space<semaphore_mem>>) src(%arg7 : memref<32x128xf32, #tpu.memory_space<vmem>>) dst(%dma_wait3A_253 : memref<32x128xf32, #tpu.memory_space<vmem_shared>>)
    %dma_wait3A_254 = arith.constant 0 : i32
    %dma_wait3A_255 = tpu.memref_slice %arg8[%mul3A_62, %dma_wait3A_254] : memref<10240x128xf32, #tpu.memory_space<vmem_shared>> -> memref<32x128xf32, #tpu.memory_space<vmem_shared>>
    %dma_wait3A_256 = arith.constant 0 : i32
    %dma_wait3A_257 = tpu.memref_slice %arg8[%mul3A_62, %dma_wait3A_256] : memref<10240x128xf32, #tpu.memory_space<vmem_shared>> -> memref<32x128xf32, #tpu.memory_space<vmem_shared>>
    tpu.wait_dma2 semaphore(%arg11 : memref<!tpu.dma_semaphore, #tpu.memory_space<semaphore_mem>>) src(%arg7 : memref<32x128xf32, #tpu.memory_space<vmem>>) dst(%dma_wait3A_257 : memref<32x128xf32, #tpu.memory_space<vmem_shared>>)
    %dma_wait3A_258 = arith.constant 0 : i32
    %dma_wait3A_259 = tpu.memref_slice %arg8[%mul3A_62, %dma_wait3A_258] : memref<10240x128xf32, #tpu.memory_space<vmem_shared>> -> memref<32x128xf32, #tpu.memory_space<vmem_shared>>
    %dma_wait3A_260 = arith.constant 0 : i32
    %dma_wait3A_261 = tpu.memref_slice %arg8[%mul3A_62, %dma_wait3A_260] : memref<10240x128xf32, #tpu.memory_space<vmem_shared>> -> memref<32x128xf32, #tpu.memory_space<vmem_shared>>
    tpu.wait_dma2 semaphore(%arg11 : memref<!tpu.dma_semaphore, #tpu.memory_space<semaphore_mem>>) src(%arg7 : memref<32x128xf32, #tpu.memory_space<vmem>>) dst(%dma_wait3A_261 : memref<32x128xf32, #tpu.memory_space<vmem_shared>>)
    %barrier3A = arith.constant 0 : index
    tpu.barrier barrier_id(%barrier3A)
    %dma_wait3A_262 = arith.constant 0 : i32
    %dma_wait3A_263 = arith.constant 0 : i32
    %dma_wait3A_264 = arith.constant 0 : i32
    %dma_wait3A_265 = arith.constant 0 : i32
    %dma_wait3A_266 = arith.constant 0 : i32
    %dma_wait3A_267 = tpu.memref_slice %arg5[%dma_wait3A_264, %dma_wait3A_265, %dma_wait3A_266] : memref<6x2x80xi32, #tpu.memory_space<vmem>> -> memref<1x2x80xi32, #tpu.memory_space<vmem>>
    %dma_wait3A_268 = tpu.memref_squeeze %dma_wait3A_267 : memref<1x2x80xi32, #tpu.memory_space<vmem>> -> memref<2x80xi32, #tpu.memory_space<vmem>>
    %dma_wait3A_269 = arith.constant 0 : i32
    %dma_wait3A_270 = arith.constant 0 : i32
    %dma_wait3A_271 = tpu.memref_slice %arg3[%dma_wait3A_262, %dma_wait3A_263, %dma_wait3A_269, %dma_wait3A_270] : memref<32x125x2x80xi32, #tpu.memory_space<hbm>> -> memref<1x1x2x80xi32, #tpu.memory_space<hbm>>
    %dma_wait3A_272 = tpu.memref_squeeze %dma_wait3A_271 : memref<1x1x2x80xi32, #tpu.memory_space<hbm>> -> memref<2x80xi32, #tpu.memory_space<hbm>>
    %dma_wait3A_273 = arith.constant 0 : i32
    %dma_wait3A_274 = arith.constant 0 : i32
    %dma_wait3A_275 = tpu.memref_slice %arg5[%dma_wait3A_264, %dma_wait3A_273, %dma_wait3A_274] : memref<6x2x80xi32, #tpu.memory_space<vmem>> -> memref<1x2x80xi32, #tpu.memory_space<vmem>>
    %dma_wait3A_276 = tpu.memref_squeeze %dma_wait3A_275 : memref<1x2x80xi32, #tpu.memory_space<vmem>> -> memref<2x80xi32, #tpu.memory_space<vmem>>
    %dma_wait3A_277 = arith.constant 0 : i32
    %dma_wait3A_278 = arith.constant 0 : i32
    %dma_wait3A_279 = tpu.memref_slice %arg3[%dma_wait3A_262, %dma_wait3A_263, %dma_wait3A_277, %dma_wait3A_278] : memref<32x125x2x80xi32, #tpu.memory_space<hbm>> -> memref<1x1x2x80xi32, #tpu.memory_space<hbm>>
    %dma_wait3A_280 = tpu.memref_squeeze %dma_wait3A_279 : memref<1x1x2x80xi32, #tpu.memory_space<hbm>> -> memref<2x80xi32, #tpu.memory_space<hbm>>
    tpu.wait_dma2 semaphore(%arg9 : memref<!tpu.dma_semaphore, #tpu.memory_space<semaphore_mem>>) src(%dma_wait3A_280 : memref<2x80xi32, #tpu.memory_space<hbm>>) dst(%dma_wait3A_276 : memref<2x80xi32, #tpu.memory_space<vmem>>)
    %dma_start3A_281 = arith.constant 0 : i32
    %dma_start3A_282 = arith.constant 0 : i32
    %dma_start3A_283 = arith.constant 0 : i32
    %dma_start3A_284 = arith.constant 0 : i32
    %dma_start3A_285 = arith.constant 0 : i32
    %dma_start3A_286 = tpu.memref_slice %arg6[%dma_start3A_283, %dma_start3A_284, %dma_start3A_285] : memref<4x80x128xf32, #tpu.memory_space<vmem>> -> memref<1x80x128xf32, #tpu.memory_space<vmem>>
    %dma_start3A_287 = tpu.memref_squeeze %dma_start3A_286 : memref<1x80x128xf32, #tpu.memory_space<vmem>> -> memref<80x128xf32, #tpu.memory_space<vmem>>
    %dma_start3A_288 = arith.constant 0 : i32
    %dma_start3A_289 = tpu.memref_slice %arg5[%dma_start3A_281, %dma_start3A_282, %dma_start3A_288] : memref<6x2x80xi32, #tpu.memory_space<vmem>> -> memref<1x1x80xi32, #tpu.memory_space<vmem>>
    %dma_start3A_290 = tpu.memref_squeeze %dma_start3A_289 : memref<1x1x80xi32, #tpu.memory_space<vmem>> -> memref<80xi32, #tpu.memory_space<vmem>>
    %dma_start3A_291 = arith.constant 0 : i32
    %dma_start3A_292 = arith.constant 0 : i32
    %dma_start3A_293 = tpu.memref_slice %arg2[%dma_start3A_291, %dma_start3A_292] : memref<10000x128xf32, #tpu.memory_space<hbm>> -> memref<10000x128xf32, #tpu.memory_space<hbm>>
    tpu.enqueue_indirect_dma source(%dma_start3A_293 : memref<10000x128xf32, #tpu.memory_space<hbm>>) target(%dma_start3A_287 : memref<80x128xf32, #tpu.memory_space<vmem>>) offsets(%dma_start3A_290 : memref<80xi32, #tpu.memory_space<vmem>>) semaphore(%arg10 : memref<!tpu.dma_semaphore, #tpu.memory_space<semaphore_mem>>)
    %dma_wait3A_294 = arith.constant 0 : i32
    %dma_wait3A_295 = arith.constant 0 : i32
    %dma_wait3A_296 = arith.constant 0 : i32
    %dma_wait3A_297 = arith.constant 0 : i32
    %dma_wait3A_298 = arith.constant 0 : i32
    %dma_wait3A_299 = tpu.memref_slice %arg5[%dma_wait3A_296, %dma_wait3A_297, %dma_wait3A_298] : memref<6x2x80xi32, #tpu.memory_space<vmem>> -> memref<1x2x80xi32, #tpu.memory_space<vmem>>
    %dma_wait3A_300 = tpu.memref_squeeze %dma_wait3A_299 : memref<1x2x80xi32, #tpu.memory_space<vmem>> -> memref<2x80xi32, #tpu.memory_space<vmem>>
    %dma_wait3A_301 = arith.constant 0 : i32
    %dma_wait3A_302 = arith.constant 0 : i32
    %dma_wait3A_303 = tpu.memref_slice %arg3[%dma_wait3A_294, %dma_wait3A_295, %dma_wait3A_301, %dma_wait3A_302] : memref<32x125x2x80xi32, #tpu.memory_space<hbm>> -> memref<1x1x2x80xi32, #tpu.memory_space<hbm>>
    %dma_wait3A_304 = tpu.memref_squeeze %dma_wait3A_303 : memref<1x1x2x80xi32, #tpu.memory_space<hbm>> -> memref<2x80xi32, #tpu.memory_space<hbm>>
    %dma_wait3A_305 = arith.constant 0 : i32
    %dma_wait3A_306 = arith.constant 0 : i32
    %dma_wait3A_307 = tpu.memref_slice %arg5[%dma_wait3A_296, %dma_wait3A_305, %dma_wait3A_306] : memref<6x2x80xi32, #tpu.memory_space<vmem>> -> memref<1x2x80xi32, #tpu.memory_space<vmem>>
    %dma_wait3A_308 = tpu.memref_squeeze %dma_wait3A_307 : memref<1x2x80xi32, #tpu.memory_space<vmem>> -> memref<2x80xi32, #tpu.memory_space<vmem>>
    %dma_wait3A_309 = arith.constant 0 : i32
    %dma_wait3A_310 = arith.constant 0 : i32
    %dma_wait3A_311 = tpu.memref_slice %arg3[%dma_wait3A_294, %dma_wait3A_295, %dma_wait3A_309, %dma_wait3A_310] : memref<32x125x2x80xi32, #tpu.memory_space<hbm>> -> memref<1x1x2x80xi32, #tpu.memory_space<hbm>>
    %dma_wait3A_312 = tpu.memref_squeeze %dma_wait3A_311 : memref<1x1x2x80xi32, #tpu.memory_space<hbm>> -> memref<2x80xi32, #tpu.memory_space<hbm>>
    tpu.wait_dma2 semaphore(%arg9 : memref<!tpu.dma_semaphore, #tpu.memory_space<semaphore_mem>>) src(%dma_wait3A_312 : memref<2x80xi32, #tpu.memory_space<hbm>>) dst(%dma_wait3A_308 : memref<2x80xi32, #tpu.memory_space<vmem>>)
    %dma_start3A_313 = arith.constant 1 : i32
    %dma_start3A_314 = arith.constant 0 : i32
    %dma_start3A_315 = arith.constant 1 : i32
    %dma_start3A_316 = arith.constant 0 : i32
    %dma_start3A_317 = arith.constant 0 : i32
    %dma_start3A_318 = tpu.memref_slice %arg6[%dma_start3A_315, %dma_start3A_316, %dma_start3A_317] : memref<4x80x128xf32, #tpu.memory_space<vmem>> -> memref<1x80x128xf32, #tpu.memory_space<vmem>>
    %dma_start3A_319 = tpu.memref_squeeze %dma_start3A_318 : memref<1x80x128xf32, #tpu.memory_space<vmem>> -> memref<80x128xf32, #tpu.memory_space<vmem>>
    %dma_start3A_320 = arith.constant 0 : i32
    %dma_start3A_321 = tpu.memref_slice %arg5[%dma_start3A_313, %dma_start3A_314, %dma_start3A_320] : memref<6x2x80xi32, #tpu.memory_space<vmem>> -> memref<1x1x80xi32, #tpu.memory_space<vmem>>
    %dma_start3A_322 = tpu.memref_squeeze %dma_start3A_321 : memref<1x1x80xi32, #tpu.memory_space<vmem>> -> memref<80xi32, #tpu.memory_space<vmem>>
    %dma_start3A_323 = arith.constant 0 : i32
    %dma_start3A_324 = arith.constant 0 : i32
    %dma_start3A_325 = tpu.memref_slice %arg2[%dma_start3A_323, %dma_start3A_324] : memref<10000x128xf32, #tpu.memory_space<hbm>> -> memref<10000x128xf32, #tpu.memory_space<hbm>>
    tpu.enqueue_indirect_dma source(%dma_start3A_325 : memref<10000x128xf32, #tpu.memory_space<hbm>>) target(%dma_start3A_319 : memref<80x128xf32, #tpu.memory_space<vmem>>) offsets(%dma_start3A_322 : memref<80xi32, #tpu.memory_space<vmem>>) semaphore(%arg10 : memref<!tpu.dma_semaphore, #tpu.memory_space<semaphore_mem>>)
    %scan3A_326 = arith.constant 0 : i32
    %scan3A_327 = arith.constant 0 : i32
    %scan3A_328 = arith.constant 125 : i32
    %scan3A_329 = arith.addi %scan3A_327, %scan3A_328 : i32
    %scan3A_330 = arith.constant 1 : i32
    %scan3A_331 = scf.for %scan3A_386 = %scan3A_327 to %scan3A_329 step %scan3A_330 iter_args(%scan3A_387 = %scan3A_326) -> (i32)  : i32 {
      %dma_wait3A_388 = arith.constant 0 : i32
      %dma_wait3A_389 = arith.constant 0 : i32
      %dma_wait3A_390 = arith.constant 0 : i32
      %dma_wait3A_391 = arith.constant 0 : i32
      %dma_wait3A_392 = arith.constant 0 : i32
      %dma_wait3A_393 = tpu.memref_slice %arg6[%dma_wait3A_390, %dma_wait3A_391, %dma_wait3A_392] : memref<4x80x128xf32, #tpu.memory_space<vmem>> -> memref<1x80x128xf32, #tpu.memory_space<vmem>>
      %dma_wait3A_394 = tpu.memref_squeeze %dma_wait3A_393 : memref<1x80x128xf32, #tpu.memory_space<vmem>> -> memref<80x128xf32, #tpu.memory_space<vmem>>
      %dma_wait3A_395 = arith.constant 0 : i32
      %dma_wait3A_396 = tpu.memref_slice %arg5[%dma_wait3A_388, %dma_wait3A_389, %dma_wait3A_395] : memref<6x2x80xi32, #tpu.memory_space<vmem>> -> memref<1x1x80xi32, #tpu.memory_space<vmem>>
      %dma_wait3A_397 = tpu.memref_squeeze %dma_wait3A_396 : memref<1x1x80xi32, #tpu.memory_space<vmem>> -> memref<80xi32, #tpu.memory_space<vmem>>
      %dma_wait3A_398 = arith.constant 0 : i32
      %dma_wait3A_399 = arith.constant 0 : i32
      %dma_wait3A_400 = tpu.memref_slice %arg2[%dma_wait3A_398, %dma_wait3A_399] : memref<10000x128xf32, #tpu.memory_space<hbm>> -> memref<10000x128xf32, #tpu.memory_space<hbm>>
      tpu.wait_indirect_dma semaphore(%arg10 : memref<!tpu.dma_semaphore, #tpu.memory_space<semaphore_mem>>) src(%dma_wait3A_400 : memref<10000x128xf32, #tpu.memory_space<hbm>>) dst(%dma_wait3A_394 : memref<80x128xf32, #tpu.memory_space<vmem>>)
      %jit3A = arith.constant 4 : i32
      %eq3A = arith.constant 0 : i32
      %eq3A_401 = arith.cmpi eq, %jit3A, %eq3A : i32
      %jit3A_402 = arith.constant 1 : i32
      %select_n3A = arith.select %eq3A_401, %jit3A_402, %jit3A : i32
      %rem3A = arith.remsi %scan3A_386, %select_n3A : i32
      %ne3A = arith.constant 0 : i32
      %ne3A_403 = arith.cmpi ne, %rem3A, %ne3A : i32
      %lt3A = arith.constant 0 : i32
      %lt3A_404 = arith.cmpi slt, %rem3A, %lt3A : i32
      %lt3A_405 = arith.constant 0 : i32
      %lt3A_406 = arith.cmpi slt, %select_n3A, %lt3A_405 : i32
      %ne3A_407 = arith.xori %lt3A_404, %lt3A_406 : i1
      %and3A = arith.andi %ne3A_407, %ne3A_403 : i1
      %add3A_408 = arith.addi %rem3A, %select_n3A : i32
      %select_n3A_409 = arith.select %and3A, %add3A_408, %rem3A : i32
      %jit3A_410 = arith.constant 6 : i32
      %eq3A_411 = arith.constant 0 : i32
      %eq3A_412 = arith.cmpi eq, %jit3A_410, %eq3A_411 : i32
      %jit3A_413 = arith.constant 1 : i32
      %select_n3A_414 = arith.select %eq3A_412, %jit3A_413, %jit3A_410 : i32
      %rem3A_415 = arith.remsi %scan3A_386, %select_n3A_414 : i32
      %ne3A_416 = arith.constant 0 : i32
      %ne3A_417 = arith.cmpi ne, %rem3A_415, %ne3A_416 : i32
      %lt3A_418 = arith.constant 0 : i32
      %lt3A_419 = arith.cmpi slt, %rem3A_415, %lt3A_418 : i32
      %lt3A_420 = arith.constant 0 : i32
      %lt3A_421 = arith.cmpi slt, %select_n3A_414, %lt3A_420 : i32
      %ne3A_422 = arith.xori %lt3A_419, %lt3A_421 : i1
      %and3A_423 = arith.andi %ne3A_422, %ne3A_417 : i1
      %add3A_424 = arith.addi %rem3A_415, %select_n3A_414 : i32
      %select_n3A_425 = arith.select %and3A_423, %add3A_424, %rem3A_415 : i32
      %dma_start3A_426 = arith.constant 1 : i32
      %dma_start3A_427 = arith.constant 0 : i32
      %dma_start3A_428 = arith.constant 0 : i32
      %dma_start3A_429 = tpu.memref_slice %arg6[%select_n3A_409, %dma_start3A_427, %dma_start3A_428] : memref<4x80x128xf32, #tpu.memory_space<vmem>> -> memref<1x80x128xf32, #tpu.memory_space<vmem>>
      %dma_start3A_430 = tpu.memref_squeeze %dma_start3A_429 : memref<1x80x128xf32, #tpu.memory_space<vmem>> -> memref<80x128xf32, #tpu.memory_space<vmem>>
      %dma_start3A_431 = arith.constant 0 : i32
      %dma_start3A_432 = tpu.memref_slice %arg5[%select_n3A_425, %dma_start3A_426, %dma_start3A_431] : memref<6x2x80xi32, #tpu.memory_space<vmem>> -> memref<1x1x80xi32, #tpu.memory_space<vmem>>
      %dma_start3A_433 = tpu.memref_squeeze %dma_start3A_432 : memref<1x1x80xi32, #tpu.memory_space<vmem>> -> memref<80xi32, #tpu.memory_space<vmem>>
      %dma_start3A_434 = arith.constant 0 : i32
      %dma_start3A_435 = arith.constant 0 : i32
      %dma_start3A_436 = tpu.memref_slice %arg8[%dma_start3A_434, %dma_start3A_435] : memref<10240x128xf32, #tpu.memory_space<vmem_shared>> -> memref<10240x128xf32, #tpu.memory_space<vmem_shared>>
      tpu.enqueue_indirect_dma source(%dma_start3A_430 : memref<80x128xf32, #tpu.memory_space<vmem>>) target(%dma_start3A_436 : memref<10240x128xf32, #tpu.memory_space<vmem_shared>>) offsets(%dma_start3A_433 : memref<80xi32, #tpu.memory_space<vmem>>) semaphore(%arg11 : memref<!tpu.dma_semaphore, #tpu.memory_space<semaphore_mem>>) {add = true}
      %add3A_437 = arith.constant 2 : i32
      %add3A_438 = arith.addi %scan3A_386, %add3A_437 : i32
      %lt3A_439 = arith.constant 125 : i32
      %lt3A_440 = arith.cmpi slt, %add3A_438, %lt3A_439 : i32
      %convert_element_type3A = arith.extui %lt3A_440 : i1 to i32
      %cond3A = arith.constant 0 : i32
      %cond3A_441 = arith.cmpi ne, %convert_element_type3A, %cond3A : i32
      scf.if %cond3A_441 {
        %dma_wait3A_443 = arith.constant 0 : i32
        %dma_wait3A_444 = arith.constant 0 : i32
        %dma_wait3A_445 = arith.constant 0 : i32
        %dma_wait3A_446 = arith.constant 0 : i32
        %dma_wait3A_447 = arith.constant 0 : i32
        %dma_wait3A_448 = tpu.memref_slice %arg5[%dma_wait3A_445, %dma_wait3A_446, %dma_wait3A_447] : memref<6x2x80xi32, #tpu.memory_space<vmem>> -> memref<1x2x80xi32, #tpu.memory_space<vmem>>
        %dma_wait3A_449 = tpu.memref_squeeze %dma_wait3A_448 : memref<1x2x80xi32, #tpu.memory_space<vmem>> -> memref<2x80xi32, #tpu.memory_space<vmem>>
        %dma_wait3A_450 = arith.constant 0 : i32
        %dma_wait3A_451 = arith.constant 0 : i32
        %dma_wait3A_452 = tpu.memref_slice %arg3[%dma_wait3A_443, %dma_wait3A_444, %dma_wait3A_450, %dma_wait3A_451] : memref<32x125x2x80xi32, #tpu.memory_space<hbm>> -> memref<1x1x2x80xi32, #tpu.memory_space<hbm>>
        %dma_wait3A_453 = tpu.memref_squeeze %dma_wait3A_452 : memref<1x1x2x80xi32, #tpu.memory_space<hbm>> -> memref<2x80xi32, #tpu.memory_space<hbm>>
        %dma_wait3A_454 = arith.constant 0 : i32
        %dma_wait3A_455 = arith.constant 0 : i32
        %dma_wait3A_456 = tpu.memref_slice %arg5[%dma_wait3A_445, %dma_wait3A_454, %dma_wait3A_455] : memref<6x2x80xi32, #tpu.memory_space<vmem>> -> memref<1x2x80xi32, #tpu.memory_space<vmem>>
        %dma_wait3A_457 = tpu.memref_squeeze %dma_wait3A_456 : memref<1x2x80xi32, #tpu.memory_space<vmem>> -> memref<2x80xi32, #tpu.memory_space<vmem>>
        %dma_wait3A_458 = arith.constant 0 : i32
        %dma_wait3A_459 = arith.constant 0 : i32
        %dma_wait3A_460 = tpu.memref_slice %arg3[%dma_wait3A_443, %dma_wait3A_444, %dma_wait3A_458, %dma_wait3A_459] : memref<32x125x2x80xi32, #tpu.memory_space<hbm>> -> memref<1x1x2x80xi32, #tpu.memory_space<hbm>>
        %dma_wait3A_461 = tpu.memref_squeeze %dma_wait3A_460 : memref<1x1x2x80xi32, #tpu.memory_space<hbm>> -> memref<2x80xi32, #tpu.memory_space<hbm>>
        tpu.wait_dma2 semaphore(%arg9 : memref<!tpu.dma_semaphore, #tpu.memory_space<semaphore_mem>>) src(%dma_wait3A_461 : memref<2x80xi32, #tpu.memory_space<hbm>>) dst(%dma_wait3A_457 : memref<2x80xi32, #tpu.memory_space<vmem>>)
        %ge3A = arith.constant 2 : i32
        %ge3A_462 = arith.cmpi sge, %scan3A_386, %ge3A : i32
        %convert_element_type3A_463 = arith.extui %ge3A_462 : i1 to i32
        %cond3A_464 = arith.constant 0 : i32
        %cond3A_465 = arith.cmpi ne, %convert_element_type3A_463, %cond3A_464 : i32
        scf.if %cond3A_465 {
          %dma_wait3A_520 = arith.constant 0 : i32
          %dma_wait3A_521 = arith.constant 0 : i32
          %dma_wait3A_522 = arith.constant 1 : i32
          %dma_wait3A_523 = arith.constant 0 : i32
          %dma_wait3A_524 = arith.constant 0 : i32
          %dma_wait3A_525 = tpu.memref_slice %arg6[%dma_wait3A_520, %dma_wait3A_523, %dma_wait3A_524] : memref<4x80x128xf32, #tpu.memory_space<vmem>> -> memref<1x80x128xf32, #tpu.memory_space<vmem>>
          %dma_wait3A_526 = tpu.memref_squeeze %dma_wait3A_525 : memref<1x80x128xf32, #tpu.memory_space<vmem>> -> memref<80x128xf32, #tpu.memory_space<vmem>>
          %dma_wait3A_527 = arith.constant 0 : i32
          %dma_wait3A_528 = tpu.memref_slice %arg5[%dma_wait3A_521, %dma_wait3A_522, %dma_wait3A_527] : memref<6x2x80xi32, #tpu.memory_space<vmem>> -> memref<1x1x80xi32, #tpu.memory_space<vmem>>
          %dma_wait3A_529 = tpu.memref_squeeze %dma_wait3A_528 : memref<1x1x80xi32, #tpu.memory_space<vmem>> -> memref<80xi32, #tpu.memory_space<vmem>>
          %dma_wait3A_530 = arith.constant 0 : i32
          %dma_wait3A_531 = arith.constant 0 : i32
          %dma_wait3A_532 = tpu.memref_slice %arg8[%dma_wait3A_530, %dma_wait3A_531] : memref<10240x128xf32, #tpu.memory_space<vmem_shared>> -> memref<10240x128xf32, #tpu.memory_space<vmem_shared>>
          tpu.wait_indirect_dma semaphore(%arg11 : memref<!tpu.dma_semaphore, #tpu.memory_space<semaphore_mem>>) src(%dma_wait3A_526 : memref<80x128xf32, #tpu.memory_space<vmem>>) dst(%dma_wait3A_532 : memref<10240x128xf32, #tpu.memory_space<vmem_shared>>)
        } else {
        }
        %add3A_466 = arith.constant 2 : i32
        %add3A_467 = arith.addi %scan3A_386, %add3A_466 : i32
        %jit3A_468 = arith.constant 6 : i32
        %eq3A_469 = arith.constant 0 : i32
        %eq3A_470 = arith.cmpi eq, %jit3A_468, %eq3A_469 : i32
        %jit3A_471 = arith.constant 1 : i32
        %select_n3A_472 = arith.select %eq3A_470, %jit3A_471, %jit3A_468 : i32
        %rem3A_473 = arith.remsi %add3A_467, %select_n3A_472 : i32
        %ne3A_474 = arith.constant 0 : i32
        %ne3A_475 = arith.cmpi ne, %rem3A_473, %ne3A_474 : i32
        %lt3A_476 = arith.constant 0 : i32
        %lt3A_477 = arith.cmpi slt, %rem3A_473, %lt3A_476 : i32
        %lt3A_478 = arith.constant 0 : i32
        %lt3A_479 = arith.cmpi slt, %select_n3A_472, %lt3A_478 : i32
        %ne3A_480 = arith.xori %lt3A_477, %lt3A_479 : i1
        %and3A_481 = arith.andi %ne3A_480, %ne3A_475 : i1
        %add3A_482 = arith.addi %rem3A_473, %select_n3A_472 : i32
        %select_n3A_483 = arith.select %and3A_481, %add3A_482, %rem3A_473 : i32
        %jit3A_484 = arith.constant 4 : i32
        %eq3A_485 = arith.constant 0 : i32
        %eq3A_486 = arith.cmpi eq, %jit3A_484, %eq3A_485 : i32
        %jit3A_487 = arith.constant 1 : i32
        %select_n3A_488 = arith.select %eq3A_486, %jit3A_487, %jit3A_484 : i32
        %rem3A_489 = arith.remsi %add3A_467, %select_n3A_488 : i32
        %ne3A_490 = arith.constant 0 : i32
        %ne3A_491 = arith.cmpi ne, %rem3A_489, %ne3A_490 : i32
        %lt3A_492 = arith.constant 0 : i32
        %lt3A_493 = arith.cmpi slt, %rem3A_489, %lt3A_492 : i32
        %lt3A_494 = arith.constant 0 : i32
        %lt3A_495 = arith.cmpi slt, %select_n3A_488, %lt3A_494 : i32
        %ne3A_496 = arith.xori %lt3A_493, %lt3A_495 : i1
        %and3A_497 = arith.andi %ne3A_496, %ne3A_491 : i1
        %add3A_498 = arith.addi %rem3A_489, %select_n3A_488 : i32
        %select_n3A_499 = arith.select %and3A_497, %add3A_498, %rem3A_489 : i32
        %dma_start3A_500 = arith.constant 0 : i32
        %dma_start3A_501 = arith.constant 0 : i32
        %dma_start3A_502 = arith.constant 0 : i32
        %dma_start3A_503 = tpu.memref_slice %arg6[%select_n3A_499, %dma_start3A_501, %dma_start3A_502] : memref<4x80x128xf32, #tpu.memory_space<vmem>> -> memref<1x80x128xf32, #tpu.memory_space<vmem>>
        %dma_start3A_504 = tpu.memref_squeeze %dma_start3A_503 : memref<1x80x128xf32, #tpu.memory_space<vmem>> -> memref<80x128xf32, #tpu.memory_space<vmem>>
        %dma_start3A_505 = arith.constant 0 : i32
        %dma_start3A_506 = tpu.memref_slice %arg5[%select_n3A_483, %dma_start3A_500, %dma_start3A_505] : memref<6x2x80xi32, #tpu.memory_space<vmem>> -> memref<1x1x80xi32, #tpu.memory_space<vmem>>
        %dma_start3A_507 = tpu.memref_squeeze %dma_start3A_506 : memref<1x1x80xi32, #tpu.memory_space<vmem>> -> memref<80xi32, #tpu.memory_space<vmem>>
        %dma_start3A_508 = arith.constant 0 : i32
        %dma_start3A_509 = arith.constant 0 : i32
        %dma_start3A_510 = tpu.memref_slice %arg2[%dma_start3A_508, %dma_start3A_509] : memref<10000x128xf32, #tpu.memory_space<hbm>> -> memref<10000x128xf32, #tpu.memory_space<hbm>>
        tpu.enqueue_indirect_dma source(%dma_start3A_510 : memref<10000x128xf32, #tpu.memory_space<hbm>>) target(%dma_start3A_504 : memref<80x128xf32, #tpu.memory_space<vmem>>) offsets(%dma_start3A_507 : memref<80xi32, #tpu.memory_space<vmem>>) semaphore(%arg10 : memref<!tpu.dma_semaphore, #tpu.memory_space<semaphore_mem>>)
        %add3A_511 = arith.constant 2 : i32
        %add3A_512 = arith.addi %scan3A_386, %add3A_511 : i32
        %add3A_513 = arith.constant 1 : i32
        %add3A_514 = arith.addi %add3A_512, %add3A_513 : i32
        %lt3A_515 = arith.constant 125 : i32
        %lt3A_516 = arith.cmpi slt, %add3A_514, %lt3A_515 : i32
        %convert_element_type3A_517 = arith.extui %lt3A_516 : i1 to i32
        %cond3A_518 = arith.constant 0 : i32
        %cond3A_519 = arith.cmpi ne, %convert_element_type3A_517, %cond3A_518 : i32
        scf.if %cond3A_519 {
          %add3A_520 = arith.constant 2 : i32
          %add3A_521 = arith.addi %scan3A_386, %add3A_520 : i32
          %add3A_522 = arith.constant 1 : i32
          %add3A_523 = arith.addi %add3A_521, %add3A_522 : i32
          %jit3A_524 = arith.constant 6 : i32
          %eq3A_525 = arith.constant 0 : i32
          %eq3A_526 = arith.cmpi eq, %jit3A_524, %eq3A_525 : i32
          %jit3A_527 = arith.constant 1 : i32
          %select_n3A_528 = arith.select %eq3A_526, %jit3A_527, %jit3A_524 : i32
          %rem3A_529 = arith.remsi %add3A_523, %select_n3A_528 : i32
          %ne3A_530 = arith.constant 0 : i32
          %ne3A_531 = arith.cmpi ne, %rem3A_529, %ne3A_530 : i32
          %lt3A_532 = arith.constant 0 : i32
          %lt3A_533 = arith.cmpi slt, %rem3A_529, %lt3A_532 : i32
          %lt3A_534 = arith.constant 0 : i32
          %lt3A_535 = arith.cmpi slt, %select_n3A_528, %lt3A_534 : i32
          %ne3A_536 = arith.xori %lt3A_533, %lt3A_535 : i1
          %and3A_537 = arith.andi %ne3A_536, %ne3A_531 : i1
          %add3A_538 = arith.addi %rem3A_529, %select_n3A_528 : i32
          %select_n3A_539 = arith.select %and3A_537, %add3A_538, %rem3A_529 : i32
          %dma_start3A_540 = arith.constant 0 : i32
          %dma_start3A_541 = arith.constant 0 : i32
          %dma_start3A_542 = tpu.memref_slice %arg5[%select_n3A_539, %dma_start3A_540, %dma_start3A_541] : memref<6x2x80xi32, #tpu.memory_space<vmem>> -> memref<1x2x80xi32, #tpu.memory_space<vmem>>
          %dma_start3A_543 = tpu.memref_squeeze %dma_start3A_542 : memref<1x2x80xi32, #tpu.memory_space<vmem>> -> memref<2x80xi32, #tpu.memory_space<vmem>>
          %dma_start3A_544 = arith.constant 0 : i32
          %dma_start3A_545 = arith.constant 0 : i32
          %dma_start3A_546 = tpu.memref_slice %arg3[%add3A, %add3A_523, %dma_start3A_544, %dma_start3A_545] : memref<32x125x2x80xi32, #tpu.memory_space<hbm>> -> memref<1x1x2x80xi32, #tpu.memory_space<hbm>>
          %dma_start3A_547 = tpu.memref_squeeze %dma_start3A_546 : memref<1x1x2x80xi32, #tpu.memory_space<hbm>> -> memref<2x80xi32, #tpu.memory_space<hbm>>
          %dma_start3A_548 = arith.constant 0 : i32
          %dma_start3A_549 = arith.constant 0 : i32
          %dma_start3A_550 = tpu.memref_slice %arg5[%select_n3A_539, %dma_start3A_548, %dma_start3A_549] : memref<6x2x80xi32, #tpu.memory_space<vmem>> -> memref<1x2x80xi32, #tpu.memory_space<vmem>>
          %dma_start3A_551 = tpu.memref_squeeze %dma_start3A_550 : memref<1x2x80xi32, #tpu.memory_space<vmem>> -> memref<2x80xi32, #tpu.memory_space<vmem>>
          %dma_start3A_552 = arith.constant 0 : i32
          %dma_start3A_553 = arith.constant 0 : i32
          %dma_start3A_554 = tpu.memref_slice %arg3[%add3A, %add3A_523, %dma_start3A_552, %dma_start3A_553] : memref<32x125x2x80xi32, #tpu.memory_space<hbm>> -> memref<1x1x2x80xi32, #tpu.memory_space<hbm>>
          %dma_start3A_555 = tpu.memref_squeeze %dma_start3A_554 : memref<1x1x2x80xi32, #tpu.memory_space<hbm>> -> memref<2x80xi32, #tpu.memory_space<hbm>>
          tpu.enqueue_dma source(%dma_start3A_555 : memref<2x80xi32, #tpu.memory_space<hbm>>) target(%dma_start3A_551 : memref<2x80xi32, #tpu.memory_space<vmem>>) target_semaphore(%arg9 : memref<!tpu.dma_semaphore, #tpu.memory_space<semaphore_mem>>)
        } else {
        }
      } else {
      }
      %scan3A_442 = arith.constant 0 : i32
      scf.yield %scan3A_442 : i32
    }
    %scan3A_332 = arith.constant 125 : i32
    %dma_wait3A_333 = arith.constant 0 : i32
    %dma_wait3A_334 = arith.constant 0 : i32
    %dma_wait3A_335 = arith.constant 1 : i32
    %dma_wait3A_336 = arith.constant 0 : i32
    %dma_wait3A_337 = arith.constant 0 : i32
    %dma_wait3A_338 = tpu.memref_slice %arg6[%dma_wait3A_333, %dma_wait3A_336, %dma_wait3A_337] : memref<4x80x128xf32, #tpu.memory_space<vmem>> -> memref<1x80x128xf32, #tpu.memory_space<vmem>>
    %dma_wait3A_339 = tpu.memref_squeeze %dma_wait3A_338 : memref<1x80x128xf32, #tpu.memory_space<vmem>> -> memref<80x128xf32, #tpu.memory_space<vmem>>
    %dma_wait3A_340 = arith.constant 0 : i32
    %dma_wait3A_341 = tpu.memref_slice %arg5[%dma_wait3A_334, %dma_wait3A_335, %dma_wait3A_340] : memref<6x2x80xi32, #tpu.memory_space<vmem>> -> memref<1x1x80xi32, #tpu.memory_space<vmem>>
    %dma_wait3A_342 = tpu.memref_squeeze %dma_wait3A_341 : memref<1x1x80xi32, #tpu.memory_space<vmem>> -> memref<80xi32, #tpu.memory_space<vmem>>
    %dma_wait3A_343 = arith.constant 0 : i32
    %dma_wait3A_344 = arith.constant 0 : i32
    %dma_wait3A_345 = tpu.memref_slice %arg8[%dma_wait3A_343, %dma_wait3A_344] : memref<10240x128xf32, #tpu.memory_space<vmem_shared>> -> memref<10240x128xf32, #tpu.memory_space<vmem_shared>>
    tpu.wait_indirect_dma semaphore(%arg11 : memref<!tpu.dma_semaphore, #tpu.memory_space<semaphore_mem>>) src(%dma_wait3A_339 : memref<80x128xf32, #tpu.memory_space<vmem>>) dst(%dma_wait3A_345 : memref<10240x128xf32, #tpu.memory_space<vmem_shared>>)
    %dma_wait3A_346 = arith.constant 0 : i32
    %dma_wait3A_347 = arith.constant 0 : i32
    %dma_wait3A_348 = arith.constant 1 : i32
    %dma_wait3A_349 = arith.constant 0 : i32
    %dma_wait3A_350 = arith.constant 0 : i32
    %dma_wait3A_351 = tpu.memref_slice %arg6[%dma_wait3A_346, %dma_wait3A_349, %dma_wait3A_350] : memref<4x80x128xf32, #tpu.memory_space<vmem>> -> memref<1x80x128xf32, #tpu.memory_space<vmem>>
    %dma_wait3A_352 = tpu.memref_squeeze %dma_wait3A_351 : memref<1x80x128xf32, #tpu.memory_space<vmem>> -> memref<80x128xf32, #tpu.memory_space<vmem>>
    %dma_wait3A_353 = arith.constant 0 : i32
    %dma_wait3A_354 = tpu.memref_slice %arg5[%dma_wait3A_347, %dma_wait3A_348, %dma_wait3A_353] : memref<6x2x80xi32, #tpu.memory_space<vmem>> -> memref<1x1x80xi32, #tpu.memory_space<vmem>>
    %dma_wait3A_355 = tpu.memref_squeeze %dma_wait3A_354 : memref<1x1x80xi32, #tpu.memory_space<vmem>> -> memref<80xi32, #tpu.memory_space<vmem>>
    %dma_wait3A_356 = arith.constant 0 : i32
    %dma_wait3A_357 = arith.constant 0 : i32
    %dma_wait3A_358 = tpu.memref_slice %arg8[%dma_wait3A_356, %dma_wait3A_357] : memref<10240x128xf32, #tpu.memory_space<vmem_shared>> -> memref<10240x128xf32, #tpu.memory_space<vmem_shared>>
    tpu.wait_indirect_dma semaphore(%arg11 : memref<!tpu.dma_semaphore, #tpu.memory_space<semaphore_mem>>) src(%dma_wait3A_352 : memref<80x128xf32, #tpu.memory_space<vmem>>) dst(%dma_wait3A_358 : memref<10240x128xf32, #tpu.memory_space<vmem_shared>>)
    %dma_wait3A_359 = arith.constant 0 : i32
    %dma_wait3A_360 = arith.constant 0 : i32
    %dma_wait3A_361 = arith.constant 1 : i32
    %dma_wait3A_362 = arith.constant 0 : i32
    %dma_wait3A_363 = arith.constant 0 : i32
    %dma_wait3A_364 = tpu.memref_slice %arg6[%dma_wait3A_359, %dma_wait3A_362, %dma_wait3A_363] : memref<4x80x128xf32, #tpu.memory_space<vmem>> -> memref<1x80x128xf32, #tpu.memory_space<vmem>>
    %dma_wait3A_365 = tpu.memref_squeeze %dma_wait3A_364 : memref<1x80x128xf32, #tpu.memory_space<vmem>> -> memref<80x128xf32, #tpu.memory_space<vmem>>
    %dma_wait3A_366 = arith.constant 0 : i32
    %dma_wait3A_367 = tpu.memref_slice %arg5[%dma_wait3A_360, %dma_wait3A_361, %dma_wait3A_366] : memref<6x2x80xi32, #tpu.memory_space<vmem>> -> memref<1x1x80xi32, #tpu.memory_space<vmem>>
    %dma_wait3A_368 = tpu.memref_squeeze %dma_wait3A_367 : memref<1x1x80xi32, #tpu.memory_space<vmem>> -> memref<80xi32, #tpu.memory_space<vmem>>
    %dma_wait3A_369 = arith.constant 0 : i32
    %dma_wait3A_370 = arith.constant 0 : i32
    %dma_wait3A_371 = tpu.memref_slice %arg8[%dma_wait3A_369, %dma_wait3A_370] : memref<10240x128xf32, #tpu.memory_space<vmem_shared>> -> memref<10240x128xf32, #tpu.memory_space<vmem_shared>>
    tpu.wait_indirect_dma semaphore(%arg11 : memref<!tpu.dma_semaphore, #tpu.memory_space<semaphore_mem>>) src(%dma_wait3A_365 : memref<80x128xf32, #tpu.memory_space<vmem>>) dst(%dma_wait3A_371 : memref<10240x128xf32, #tpu.memory_space<vmem_shared>>)
    %dma_wait3A_372 = arith.constant 0 : i32
    %dma_wait3A_373 = arith.constant 0 : i32
    %dma_wait3A_374 = arith.constant 1 : i32
    %dma_wait3A_375 = arith.constant 0 : i32
    %dma_wait3A_376 = arith.constant 0 : i32
    %dma_wait3A_377 = tpu.memref_slice %arg6[%dma_wait3A_372, %dma_wait3A_375, %dma_wait3A_376] : memref<4x80x128xf32, #tpu.memory_space<vmem>> -> memref<1x80x128xf32, #tpu.memory_space<vmem>>
    %dma_wait3A_378 = tpu.memref_squeeze %dma_wait3A_377 : memref<1x80x128xf32, #tpu.memory_space<vmem>> -> memref<80x128xf32, #tpu.memory_space<vmem>>
    %dma_wait3A_379 = arith.constant 0 : i32
    %dma_wait3A_380 = tpu.memref_slice %arg5[%dma_wait3A_373, %dma_wait3A_374, %dma_wait3A_379] : memref<6x2x80xi32, #tpu.memory_space<vmem>> -> memref<1x1x80xi32, #tpu.memory_space<vmem>>
    %dma_wait3A_381 = tpu.memref_squeeze %dma_wait3A_380 : memref<1x1x80xi32, #tpu.memory_space<vmem>> -> memref<80xi32, #tpu.memory_space<vmem>>
    %dma_wait3A_382 = arith.constant 0 : i32
    %dma_wait3A_383 = arith.constant 0 : i32
    %dma_wait3A_384 = tpu.memref_slice %arg8[%dma_wait3A_382, %dma_wait3A_383] : memref<10240x128xf32, #tpu.memory_space<vmem_shared>> -> memref<10240x128xf32, #tpu.memory_space<vmem_shared>>
    tpu.wait_indirect_dma semaphore(%arg11 : memref<!tpu.dma_semaphore, #tpu.memory_space<semaphore_mem>>) src(%dma_wait3A_378 : memref<80x128xf32, #tpu.memory_space<vmem>>) dst(%dma_wait3A_384 : memref<10240x128xf32, #tpu.memory_space<vmem_shared>>)
    %barrier3A_385 = arith.constant 0 : index
    tpu.barrier barrier_id(%barrier3A_385)
    "tpu.region"() ({
      %run_scoped3A = tpu.sem_alloc : memref<!tpu.dma_semaphore, #tpu.memory_space<semaphore_mem>>
      %dma_start3A_386 = arith.constant 0 : i32
      %dma_start3A_387 = tpu.memref_slice %arg4[%arg0, %mul3A_62, %dma_start3A_386] : memref<2x10240x128xf32, #tpu.memory_space<hbm>> -> memref<1x640x128xf32, #tpu.memory_space<hbm>>
      %dma_start3A_388 = tpu.memref_squeeze %dma_start3A_387 : memref<1x640x128xf32, #tpu.memory_space<hbm>> -> memref<640x128xf32, #tpu.memory_space<hbm>>
      %dma_start3A_389 = arith.constant 0 : i32
      %dma_start3A_390 = tpu.memref_slice %arg8[%mul3A_62, %dma_start3A_389] : memref<10240x128xf32, #tpu.memory_space<vmem_shared>> -> memref<640x128xf32, #tpu.memory_space<vmem_shared>>
      tpu.enqueue_dma source(%dma_start3A_390 : memref<640x128xf32, #tpu.memory_space<vmem_shared>>) target(%dma_start3A_388 : memref<640x128xf32, #tpu.memory_space<hbm>>) target_semaphore(%run_scoped3A : memref<!tpu.dma_semaphore, #tpu.memory_space<semaphore_mem>>)
      %dma_wait3A_391 = arith.constant 0 : i32
      %dma_wait3A_392 = tpu.memref_slice %arg4[%arg0, %mul3A_62, %dma_wait3A_391] : memref<2x10240x128xf32, #tpu.memory_space<hbm>> -> memref<1x640x128xf32, #tpu.memory_space<hbm>>
      %dma_wait3A_393 = tpu.memref_squeeze %dma_wait3A_392 : memref<1x640x128xf32, #tpu.memory_space<hbm>> -> memref<640x128xf32, #tpu.memory_space<hbm>>
      %dma_wait3A_394 = arith.constant 0 : i32
      %dma_wait3A_395 = tpu.memref_slice %arg8[%mul3A_62, %dma_wait3A_394] : memref<10240x128xf32, #tpu.memory_space<vmem_shared>> -> memref<640x128xf32, #tpu.memory_space<vmem_shared>>
      tpu.wait_dma2 semaphore(%run_scoped3A : memref<!tpu.dma_semaphore, #tpu.memory_space<semaphore_mem>>) src(%dma_wait3A_395 : memref<640x128xf32, #tpu.memory_space<vmem_shared>>) dst(%dma_wait3A_393 : memref<640x128xf32, #tpu.memory_space<hbm>>)
      tpu.yield
    }) : () -> ()
    return
  }
}

#map = affine_map<(d0, d1) -> (0, 0, 0, 0)>
#map1 = affine_map<(d0, d1) -> (0)>
module attributes {stable_mosaic.version = 14 : i64} {
  func.func @k(%arg0: i32, %arg1: i32, %arg2: memref<32x79x2x128xi32, #tpu.memory_space<hbm>>, %arg3: memref<10240xf32, #tpu.memory_space<hbm>>, %arg4: memref<10240xf32, #tpu.memory_space<hbm>>, %arg5: memref<10240xf32, #tpu.memory_space<hbm>>, %arg6: memref<10240xf32, #tpu.memory_space<hbm>>, %arg7: memref<10240xf32, #tpu.memory_space<vmem>>, %arg8: memref<128xf32, #tpu.memory_space<vmem>>, %arg9: memref<10x2x128xi32, #tpu.memory_space<vmem>>, %arg10: memref<10240xf32, #tpu.memory_space<vmem_shared>>, %arg11: memref<10240xf32, #tpu.memory_space<vmem_shared>>, %arg12: memref<!tpu.dma_semaphore, #tpu.memory_space<semaphore_mem>>, %arg13: memref<!tpu.dma_semaphore, #tpu.memory_space<semaphore_mem>>) attributes {dimension_semantics = [#tpu.dimension_semantics<core_parallel>, #tpu.dimension_semantics<subcore_parallel>], iteration_bounds = array<i64: 2, 16>, scalar_prefetch = 0 : i64, scratch_operands = 7 : i64, tpu.core_type = #tpu.core_type<sc_vector_subcore>, window_params = [{transform_indices = #map}, {transform_indices = #map1}, {transform_indices = #map1}, {transform_indices = #map1}, {transform_indices = #map1}]} {
    %mul3A = arith.constant 2 : i32
    %mul3A_0 = arith.muli %arg1, %mul3A : i32
    %add3A = arith.addi %mul3A_0, %arg0 : i32
    %dma_start3A = arith.constant 0 : i32
    %dma_start3A_1 = arith.constant 0 : i32
    %dma_start3A_2 = arith.constant 0 : i32
    %dma_start3A_3 = arith.constant 0 : i32
    %dma_start3A_4 = tpu.memref_slice %arg9[%dma_start3A_1, %dma_start3A_2, %dma_start3A_3] : memref<10x2x128xi32, #tpu.memory_space<vmem>> -> memref<1x2x128xi32, #tpu.memory_space<vmem>>
    %dma_start3A_5 = tpu.memref_squeeze %dma_start3A_4 : memref<1x2x128xi32, #tpu.memory_space<vmem>> -> memref<2x128xi32, #tpu.memory_space<vmem>>
    %dma_start3A_6 = arith.constant 0 : i32
    %dma_start3A_7 = arith.constant 0 : i32
    %dma_start3A_8 = tpu.memref_slice %arg2[%add3A, %dma_start3A, %dma_start3A_6, %dma_start3A_7] : memref<32x79x2x128xi32, #tpu.memory_space<hbm>> -> memref<1x1x2x128xi32, #tpu.memory_space<hbm>>
    %dma_start3A_9 = tpu.memref_squeeze %dma_start3A_8 : memref<1x1x2x128xi32, #tpu.memory_space<hbm>> -> memref<2x128xi32, #tpu.memory_space<hbm>>
    %dma_start3A_10 = arith.constant 0 : i32
    %dma_start3A_11 = arith.constant 0 : i32
    %dma_start3A_12 = tpu.memref_slice %arg9[%dma_start3A_1, %dma_start3A_10, %dma_start3A_11] : memref<10x2x128xi32, #tpu.memory_space<vmem>> -> memref<1x2x128xi32, #tpu.memory_space<vmem>>
    %dma_start3A_13 = tpu.memref_squeeze %dma_start3A_12 : memref<1x2x128xi32, #tpu.memory_space<vmem>> -> memref<2x128xi32, #tpu.memory_space<vmem>>
    %dma_start3A_14 = arith.constant 0 : i32
    %dma_start3A_15 = arith.constant 0 : i32
    %dma_start3A_16 = tpu.memref_slice %arg2[%add3A, %dma_start3A, %dma_start3A_14, %dma_start3A_15] : memref<32x79x2x128xi32, #tpu.memory_space<hbm>> -> memref<1x1x2x128xi32, #tpu.memory_space<hbm>>
    %dma_start3A_17 = tpu.memref_squeeze %dma_start3A_16 : memref<1x1x2x128xi32, #tpu.memory_space<hbm>> -> memref<2x128xi32, #tpu.memory_space<hbm>>
    tpu.enqueue_dma source(%dma_start3A_17 : memref<2x128xi32, #tpu.memory_space<hbm>>) target(%dma_start3A_13 : memref<2x128xi32, #tpu.memory_space<vmem>>) target_semaphore(%arg12 : memref<!tpu.dma_semaphore, #tpu.memory_space<semaphore_mem>>)
    %dma_start3A_18 = arith.constant 1 : i32
    %dma_start3A_19 = arith.constant 1 : i32
    %dma_start3A_20 = arith.constant 0 : i32
    %dma_start3A_21 = arith.constant 0 : i32
    %dma_start3A_22 = tpu.memref_slice %arg9[%dma_start3A_19, %dma_start3A_20, %dma_start3A_21] : memref<10x2x128xi32, #tpu.memory_space<vmem>> -> memref<1x2x128xi32, #tpu.memory_space<vmem>>
    %dma_start3A_23 = tpu.memref_squeeze %dma_start3A_22 : memref<1x2x128xi32, #tpu.memory_space<vmem>> -> memref<2x128xi32, #tpu.memory_space<vmem>>
    %dma_start3A_24 = arith.constant 0 : i32
    %dma_start3A_25 = arith.constant 0 : i32
    %dma_start3A_26 = tpu.memref_slice %arg2[%add3A, %dma_start3A_18, %dma_start3A_24, %dma_start3A_25] : memref<32x79x2x128xi32, #tpu.memory_space<hbm>> -> memref<1x1x2x128xi32, #tpu.memory_space<hbm>>
    %dma_start3A_27 = tpu.memref_squeeze %dma_start3A_26 : memref<1x1x2x128xi32, #tpu.memory_space<hbm>> -> memref<2x128xi32, #tpu.memory_space<hbm>>
    %dma_start3A_28 = arith.constant 0 : i32
    %dma_start3A_29 = arith.constant 0 : i32
    %dma_start3A_30 = tpu.memref_slice %arg9[%dma_start3A_19, %dma_start3A_28, %dma_start3A_29] : memref<10x2x128xi32, #tpu.memory_space<vmem>> -> memref<1x2x128xi32, #tpu.memory_space<vmem>>
    %dma_start3A_31 = tpu.memref_squeeze %dma_start3A_30 : memref<1x2x128xi32, #tpu.memory_space<vmem>> -> memref<2x128xi32, #tpu.memory_space<vmem>>
    %dma_start3A_32 = arith.constant 0 : i32
    %dma_start3A_33 = arith.constant 0 : i32
    %dma_start3A_34 = tpu.memref_slice %arg2[%add3A, %dma_start3A_18, %dma_start3A_32, %dma_start3A_33] : memref<32x79x2x128xi32, #tpu.memory_space<hbm>> -> memref<1x1x2x128xi32, #tpu.memory_space<hbm>>
    %dma_start3A_35 = tpu.memref_squeeze %dma_start3A_34 : memref<1x1x2x128xi32, #tpu.memory_space<hbm>> -> memref<2x128xi32, #tpu.memory_space<hbm>>
    tpu.enqueue_dma source(%dma_start3A_35 : memref<2x128xi32, #tpu.memory_space<hbm>>) target(%dma_start3A_31 : memref<2x128xi32, #tpu.memory_space<vmem>>) target_semaphore(%arg12 : memref<!tpu.dma_semaphore, #tpu.memory_space<semaphore_mem>>)
    %dma_start3A_36 = arith.constant 2 : i32
    %dma_start3A_37 = arith.constant 2 : i32
    %dma_start3A_38 = arith.constant 0 : i32
    %dma_start3A_39 = arith.constant 0 : i32
    %dma_start3A_40 = tpu.memref_slice %arg9[%dma_start3A_37, %dma_start3A_38, %dma_start3A_39] : memref<10x2x128xi32, #tpu.memory_space<vmem>> -> memref<1x2x128xi32, #tpu.memory_space<vmem>>
    %dma_start3A_41 = tpu.memref_squeeze %dma_start3A_40 : memref<1x2x128xi32, #tpu.memory_space<vmem>> -> memref<2x128xi32, #tpu.memory_space<vmem>>
    %dma_start3A_42 = arith.constant 0 : i32
    %dma_start3A_43 = arith.constant 0 : i32
    %dma_start3A_44 = tpu.memref_slice %arg2[%add3A, %dma_start3A_36, %dma_start3A_42, %dma_start3A_43] : memref<32x79x2x128xi32, #tpu.memory_space<hbm>> -> memref<1x1x2x128xi32, #tpu.memory_space<hbm>>
    %dma_start3A_45 = tpu.memref_squeeze %dma_start3A_44 : memref<1x1x2x128xi32, #tpu.memory_space<hbm>> -> memref<2x128xi32, #tpu.memory_space<hbm>>
    %dma_start3A_46 = arith.constant 0 : i32
    %dma_start3A_47 = arith.constant 0 : i32
    %dma_start3A_48 = tpu.memref_slice %arg9[%dma_start3A_37, %dma_start3A_46, %dma_start3A_47] : memref<10x2x128xi32, #tpu.memory_space<vmem>> -> memref<1x2x128xi32, #tpu.memory_space<vmem>>
    %dma_start3A_49 = tpu.memref_squeeze %dma_start3A_48 : memref<1x2x128xi32, #tpu.memory_space<vmem>> -> memref<2x128xi32, #tpu.memory_space<vmem>>
    %dma_start3A_50 = arith.constant 0 : i32
    %dma_start3A_51 = arith.constant 0 : i32
    %dma_start3A_52 = tpu.memref_slice %arg2[%add3A, %dma_start3A_36, %dma_start3A_50, %dma_start3A_51] : memref<32x79x2x128xi32, #tpu.memory_space<hbm>> -> memref<1x1x2x128xi32, #tpu.memory_space<hbm>>
    %dma_start3A_53 = tpu.memref_squeeze %dma_start3A_52 : memref<1x1x2x128xi32, #tpu.memory_space<hbm>> -> memref<2x128xi32, #tpu.memory_space<hbm>>
    tpu.enqueue_dma source(%dma_start3A_53 : memref<2x128xi32, #tpu.memory_space<hbm>>) target(%dma_start3A_49 : memref<2x128xi32, #tpu.memory_space<vmem>>) target_semaphore(%arg12 : memref<!tpu.dma_semaphore, #tpu.memory_space<semaphore_mem>>)
    %dma_start3A_54 = arith.constant 3 : i32
    %dma_start3A_55 = arith.constant 3 : i32
    %dma_start3A_56 = arith.constant 0 : i32
    %dma_start3A_57 = arith.constant 0 : i32
    %dma_start3A_58 = tpu.memref_slice %arg9[%dma_start3A_55, %dma_start3A_56, %dma_start3A_57] : memref<10x2x128xi32, #tpu.memory_space<vmem>> -> memref<1x2x128xi32, #tpu.memory_space<vmem>>
    %dma_start3A_59 = tpu.memref_squeeze %dma_start3A_58 : memref<1x2x128xi32, #tpu.memory_space<vmem>> -> memref<2x128xi32, #tpu.memory_space<vmem>>
    %dma_start3A_60 = arith.constant 0 : i32
    %dma_start3A_61 = arith.constant 0 : i32
    %dma_start3A_62 = tpu.memref_slice %arg2[%add3A, %dma_start3A_54, %dma_start3A_60, %dma_start3A_61] : memref<32x79x2x128xi32, #tpu.memory_space<hbm>> -> memref<1x1x2x128xi32, #tpu.memory_space<hbm>>
    %dma_start3A_63 = tpu.memref_squeeze %dma_start3A_62 : memref<1x1x2x128xi32, #tpu.memory_space<hbm>> -> memref<2x128xi32, #tpu.memory_space<hbm>>
    %dma_start3A_64 = arith.constant 0 : i32
    %dma_start3A_65 = arith.constant 0 : i32
    %dma_start3A_66 = tpu.memref_slice %arg9[%dma_start3A_55, %dma_start3A_64, %dma_start3A_65] : memref<10x2x128xi32, #tpu.memory_space<vmem>> -> memref<1x2x128xi32, #tpu.memory_space<vmem>>
    %dma_start3A_67 = tpu.memref_squeeze %dma_start3A_66 : memref<1x2x128xi32, #tpu.memory_space<vmem>> -> memref<2x128xi32, #tpu.memory_space<vmem>>
    %dma_start3A_68 = arith.constant 0 : i32
    %dma_start3A_69 = arith.constant 0 : i32
    %dma_start3A_70 = tpu.memref_slice %arg2[%add3A, %dma_start3A_54, %dma_start3A_68, %dma_start3A_69] : memref<32x79x2x128xi32, #tpu.memory_space<hbm>> -> memref<1x1x2x128xi32, #tpu.memory_space<hbm>>
    %dma_start3A_71 = tpu.memref_squeeze %dma_start3A_70 : memref<1x1x2x128xi32, #tpu.memory_space<hbm>> -> memref<2x128xi32, #tpu.memory_space<hbm>>
    tpu.enqueue_dma source(%dma_start3A_71 : memref<2x128xi32, #tpu.memory_space<hbm>>) target(%dma_start3A_67 : memref<2x128xi32, #tpu.memory_space<vmem>>) target_semaphore(%arg12 : memref<!tpu.dma_semaphore, #tpu.memory_space<semaphore_mem>>)
    %broadcast_in_dim3A = arith.constant 1.000000e+00 : f32
    %broadcast_in_dim3A_72 = vector.broadcast %broadcast_in_dim3A : f32 to vector<16xf32>
    %scan3A = arith.constant 0 : i32
    %scan3A_73 = arith.constant 0 : i32
    %scan3A_74 = arith.constant 8 : i32
    %scan3A_75 = arith.addi %scan3A_73, %scan3A_74 : i32
    %scan3A_76 = arith.constant 1 : i32
    %scan3A_77 = scf.for %scan3A_159 = %scan3A_73 to %scan3A_75 step %scan3A_76 iter_args(%scan3A_160 = %scan3A) -> (i32)  : i32 {
      %mul3A_161 = arith.constant 16 : i32
      %mul3A_162 = arith.muli %scan3A_159, %mul3A_161 : i32
      %swap3A = arith.index_cast %mul3A_162 : i32 to index
      %swap3A_163 = tpu.vector_load %arg8[%swap3A] {strides = array<i32>} : memref<128xf32, #tpu.memory_space<vmem>>, vector<16xf32>,
      %swap3A_164 = vector.shape_cast %swap3A_163 : vector<16xf32> to vector<16xf32>
      %swap3A_165 = vector.shape_cast %broadcast_in_dim3A_72 : vector<16xf32> to vector<16xf32>
      tpu.vector_store %arg8[%swap3A], %swap3A_165 {strides = array<i32>} : memref<128xf32, #tpu.memory_space<vmem>>, vector<16xf32>,
      %scan3A_166 = arith.constant 0 : i32
      scf.yield %scan3A_166 : i32
    }
    %scan3A_78 = arith.constant 8 : i32
    %eq3A = arith.constant 0 : i32
    %eq3A_79 = arith.cmpi eq, %arg1, %eq3A : i32
    %convert_element_type3A = arith.extui %eq3A_79 : i1 to i32
    %cond3A = arith.constant 0 : i32
    %cond3A_80 = arith.cmpi ne, %convert_element_type3A, %cond3A : i32
    scf.if %cond3A_80 {
      %broadcast_in_dim3A_159 = arith.constant 0.000000e+00 : f32
      %broadcast_in_dim3A_160 = vector.broadcast %broadcast_in_dim3A_159 : f32 to vector<16xf32>
      %scan3A_161 = arith.constant 0 : i32
      %scan3A_162 = arith.constant 0 : i32
      %scan3A_163 = arith.constant 640 : i32
      %scan3A_164 = arith.addi %scan3A_162, %scan3A_163 : i32
      %scan3A_165 = arith.constant 1 : i32
      %scan3A_166 = scf.for %scan3A_168 = %scan3A_162 to %scan3A_164 step %scan3A_165 iter_args(%scan3A_169 = %scan3A_161) -> (i32)  : i32 {
        %mul3A_170 = arith.constant 16 : i32
        %mul3A_171 = arith.muli %scan3A_168, %mul3A_170 : i32
        %swap3A = arith.index_cast %mul3A_171 : i32 to index
        %swap3A_172 = tpu.vector_load %arg7[%swap3A] {strides = array<i32>} : memref<10240xf32, #tpu.memory_space<vmem>>, vector<16xf32>,
        %swap3A_173 = vector.shape_cast %swap3A_172 : vector<16xf32> to vector<16xf32>
        %swap3A_174 = vector.shape_cast %broadcast_in_dim3A_160 : vector<16xf32> to vector<16xf32>
        tpu.vector_store %arg7[%swap3A], %swap3A_174 {strides = array<i32>} : memref<10240xf32, #tpu.memory_space<vmem>>, vector<16xf32>,
        %scan3A_175 = arith.constant 0 : i32
        scf.yield %scan3A_175 : i32
      }
      %scan3A_167 = arith.constant 640 : i32
      "tpu.region"() ({
        %run_scoped3A = tpu.sem_alloc : memref<!tpu.dma_semaphore, #tpu.memory_space<semaphore_mem>>
        tpu.enqueue_dma source(%arg7 : memref<10240xf32, #tpu.memory_space<vmem>>) target(%arg10 : memref<10240xf32, #tpu.memory_space<vmem_shared>>) target_semaphore(%run_scoped3A : memref<!tpu.dma_semaphore, #tpu.memory_space<semaphore_mem>>)
        tpu.wait_dma2 semaphore(%run_scoped3A : memref<!tpu.dma_semaphore, #tpu.memory_space<semaphore_mem>>) src(%arg7 : memref<10240xf32, #tpu.memory_space<vmem>>) dst(%arg10 : memref<10240xf32, #tpu.memory_space<vmem_shared>>)
        tpu.yield
      }) : () -> ()
      "tpu.region"() ({
        %run_scoped3A = tpu.sem_alloc : memref<!tpu.dma_semaphore, #tpu.memory_space<semaphore_mem>>
        tpu.enqueue_dma source(%arg7 : memref<10240xf32, #tpu.memory_space<vmem>>) target(%arg11 : memref<10240xf32, #tpu.memory_space<vmem_shared>>) target_semaphore(%run_scoped3A : memref<!tpu.dma_semaphore, #tpu.memory_space<semaphore_mem>>)
        tpu.wait_dma2 semaphore(%run_scoped3A : memref<!tpu.dma_semaphore, #tpu.memory_space<semaphore_mem>>) src(%arg7 : memref<10240xf32, #tpu.memory_space<vmem>>) dst(%arg11 : memref<10240xf32, #tpu.memory_space<vmem_shared>>)
        tpu.yield
      }) : () -> ()
    } else {
    }
    %barrier3A = arith.constant 0 : index
    tpu.barrier barrier_id(%barrier3A)
    %scan3A_81 = arith.constant 0 : i32
    %scan3A_82 = arith.constant 0 : i32
    %scan3A_83 = arith.constant 79 : i32
    %scan3A_84 = arith.addi %scan3A_82, %scan3A_83 : i32
    %scan3A_85 = arith.constant 1 : i32
    %scan3A_86 = scf.for %scan3A_159 = %scan3A_82 to %scan3A_84 step %scan3A_85 iter_args(%scan3A_160 = %scan3A_81) -> (i32)  : i32 {
      %dma_wait3A_161 = arith.constant 0 : i32
      %dma_wait3A_162 = arith.constant 0 : i32
      %dma_wait3A_163 = arith.constant 0 : i32
      %dma_wait3A_164 = arith.constant 0 : i32
      %dma_wait3A_165 = arith.constant 0 : i32
      %dma_wait3A_166 = tpu.memref_slice %arg9[%dma_wait3A_163, %dma_wait3A_164, %dma_wait3A_165] : memref<10x2x128xi32, #tpu.memory_space<vmem>> -> memref<1x2x128xi32, #tpu.memory_space<vmem>>
      %dma_wait3A_167 = tpu.memref_squeeze %dma_wait3A_166 : memref<1x2x128xi32, #tpu.memory_space<vmem>> -> memref<2x128xi32, #tpu.memory_space<vmem>>
      %dma_wait3A_168 = arith.constant 0 : i32
      %dma_wait3A_169 = arith.constant 0 : i32
      %dma_wait3A_170 = tpu.memref_slice %arg2[%dma_wait3A_161, %dma_wait3A_162, %dma_wait3A_168, %dma_wait3A_169] : memref<32x79x2x128xi32, #tpu.memory_space<hbm>> -> memref<1x1x2x128xi32, #tpu.memory_space<hbm>>
      %dma_wait3A_171 = tpu.memref_squeeze %dma_wait3A_170 : memref<1x1x2x128xi32, #tpu.memory_space<hbm>> -> memref<2x128xi32, #tpu.memory_space<hbm>>
      %dma_wait3A_172 = arith.constant 0 : i32
      %dma_wait3A_173 = arith.constant 0 : i32
      %dma_wait3A_174 = tpu.memref_slice %arg9[%dma_wait3A_163, %dma_wait3A_172, %dma_wait3A_173] : memref<10x2x128xi32, #tpu.memory_space<vmem>> -> memref<1x2x128xi32, #tpu.memory_space<vmem>>
      %dma_wait3A_175 = tpu.memref_squeeze %dma_wait3A_174 : memref<1x2x128xi32, #tpu.memory_space<vmem>> -> memref<2x128xi32, #tpu.memory_space<vmem>>
      %dma_wait3A_176 = arith.constant 0 : i32
      %dma_wait3A_177 = arith.constant 0 : i32
      %dma_wait3A_178 = tpu.memref_slice %arg2[%dma_wait3A_161, %dma_wait3A_162, %dma_wait3A_176, %dma_wait3A_177] : memref<32x79x2x128xi32, #tpu.memory_space<hbm>> -> memref<1x1x2x128xi32, #tpu.memory_space<hbm>>
      %dma_wait3A_179 = tpu.memref_squeeze %dma_wait3A_178 : memref<1x1x2x128xi32, #tpu.memory_space<hbm>> -> memref<2x128xi32, #tpu.memory_space<hbm>>
      tpu.wait_dma2 semaphore(%arg12 : memref<!tpu.dma_semaphore, #tpu.memory_space<semaphore_mem>>) src(%dma_wait3A_179 : memref<2x128xi32, #tpu.memory_space<hbm>>) dst(%dma_wait3A_175 : memref<2x128xi32, #tpu.memory_space<vmem>>)
      %jit3A = arith.constant 10 : i32
      %eq3A_180 = arith.constant 0 : i32
      %eq3A_181 = arith.cmpi eq, %jit3A, %eq3A_180 : i32
      %jit3A_182 = arith.constant 1 : i32
      %select_n3A = arith.select %eq3A_181, %jit3A_182, %jit3A : i32
      %rem3A = arith.remsi %scan3A_159, %select_n3A : i32
      %ne3A = arith.constant 0 : i32
      %ne3A_183 = arith.cmpi ne, %rem3A, %ne3A : i32
      %lt3A = arith.constant 0 : i32
      %lt3A_184 = arith.cmpi slt, %rem3A, %lt3A : i32
      %lt3A_185 = arith.constant 0 : i32
      %lt3A_186 = arith.cmpi slt, %select_n3A, %lt3A_185 : i32
      %ne3A_187 = arith.xori %lt3A_184, %lt3A_186 : i1
      %and3A_188 = arith.andi %ne3A_187, %ne3A_183 : i1
      %add3A_189 = arith.addi %rem3A, %select_n3A : i32
      %select_n3A_190 = arith.select %and3A_188, %add3A_189, %rem3A : i32
      %dma_start3A_191 = arith.constant 0 : i32
      %dma_start3A_192 = arith.constant 0 : i32
      %dma_start3A_193 = tpu.memref_slice %arg9[%select_n3A_190, %dma_start3A_191, %dma_start3A_192] : memref<10x2x128xi32, #tpu.memory_space<vmem>> -> memref<1x1x128xi32, #tpu.memory_space<vmem>>
      %dma_start3A_194 = tpu.memref_squeeze %dma_start3A_193 : memref<1x1x128xi32, #tpu.memory_space<vmem>> -> memref<128xi32, #tpu.memory_space<vmem>>
      %dma_start3A_195 = arith.constant 0 : i32
      %dma_start3A_196 = tpu.memref_slice %arg10[%dma_start3A_195] : memref<10240xf32, #tpu.memory_space<vmem_shared>> -> memref<10240xf32, #tpu.memory_space<vmem_shared>>
      tpu.enqueue_indirect_dma source(%arg8 : memref<128xf32, #tpu.memory_space<vmem>>) target(%dma_start3A_196 : memref<10240xf32, #tpu.memory_space<vmem_shared>>) offsets(%dma_start3A_194 : memref<128xi32, #tpu.memory_space<vmem>>) semaphore(%arg13 : memref<!tpu.dma_semaphore, #tpu.memory_space<semaphore_mem>>) {add = true}
      %jit3A_197 = arith.constant 10 : i32
      %eq3A_198 = arith.constant 0 : i32
      %eq3A_199 = arith.cmpi eq, %jit3A_197, %eq3A_198 : i32
      %jit3A_200 = arith.constant 1 : i32
      %select_n3A_201 = arith.select %eq3A_199, %jit3A_200, %jit3A_197 : i32
      %rem3A_202 = arith.remsi %scan3A_159, %select_n3A_201 : i32
      %ne3A_203 = arith.constant 0 : i32
      %ne3A_204 = arith.cmpi ne, %rem3A_202, %ne3A_203 : i32
      %lt3A_205 = arith.constant 0 : i32
      %lt3A_206 = arith.cmpi slt, %rem3A_202, %lt3A_205 : i32
      %lt3A_207 = arith.constant 0 : i32
      %lt3A_208 = arith.cmpi slt, %select_n3A_201, %lt3A_207 : i32
      %ne3A_209 = arith.xori %lt3A_206, %lt3A_208 : i1
      %and3A_210 = arith.andi %ne3A_209, %ne3A_204 : i1
      %add3A_211 = arith.addi %rem3A_202, %select_n3A_201 : i32
      %select_n3A_212 = arith.select %and3A_210, %add3A_211, %rem3A_202 : i32
      %dma_start3A_213 = arith.constant 1 : i32
      %dma_start3A_214 = arith.constant 0 : i32
      %dma_start3A_215 = tpu.memref_slice %arg9[%select_n3A_212, %dma_start3A_213, %dma_start3A_214] : memref<10x2x128xi32, #tpu.memory_space<vmem>> -> memref<1x1x128xi32, #tpu.memory_space<vmem>>
      %dma_start3A_216 = tpu.memref_squeeze %dma_start3A_215 : memref<1x1x128xi32, #tpu.memory_space<vmem>> -> memref<128xi32, #tpu.memory_space<vmem>>
      %dma_start3A_217 = arith.constant 0 : i32
      %dma_start3A_218 = tpu.memref_slice %arg11[%dma_start3A_217] : memref<10240xf32, #tpu.memory_space<vmem_shared>> -> memref<10240xf32, #tpu.memory_space<vmem_shared>>
      tpu.enqueue_indirect_dma source(%arg8 : memref<128xf32, #tpu.memory_space<vmem>>) target(%dma_start3A_218 : memref<10240xf32, #tpu.memory_space<vmem_shared>>) offsets(%dma_start3A_216 : memref<128xi32, #tpu.memory_space<vmem>>) semaphore(%arg13 : memref<!tpu.dma_semaphore, #tpu.memory_space<semaphore_mem>>) {add = true}
      %ge3A = arith.constant 4 : i32
      %ge3A_219 = arith.cmpi sge, %scan3A_159, %ge3A : i32
      %convert_element_type3A_220 = arith.extui %ge3A_219 : i1 to i32
      %cond3A_221 = arith.constant 0 : i32
      %cond3A_222 = arith.cmpi ne, %convert_element_type3A_220, %cond3A_221 : i32
      scf.if %cond3A_222 {
        %dma_wait3A_231 = arith.constant 0 : i32
        %dma_wait3A_232 = arith.constant 0 : i32
        %dma_wait3A_233 = arith.constant 0 : i32
        %dma_wait3A_234 = tpu.memref_slice %arg9[%dma_wait3A_231, %dma_wait3A_232, %dma_wait3A_233] : memref<10x2x128xi32, #tpu.memory_space<vmem>> -> memref<1x1x128xi32, #tpu.memory_space<vmem>>
        %dma_wait3A_235 = tpu.memref_squeeze %dma_wait3A_234 : memref<1x1x128xi32, #tpu.memory_space<vmem>> -> memref<128xi32, #tpu.memory_space<vmem>>
        %dma_wait3A_236 = arith.constant 0 : i32
        %dma_wait3A_237 = tpu.memref_slice %arg10[%dma_wait3A_236] : memref<10240xf32, #tpu.memory_space<vmem_shared>> -> memref<10240xf32, #tpu.memory_space<vmem_shared>>
        tpu.wait_indirect_dma semaphore(%arg13 : memref<!tpu.dma_semaphore, #tpu.memory_space<semaphore_mem>>) src(%arg8 : memref<128xf32, #tpu.memory_space<vmem>>) dst(%dma_wait3A_237 : memref<10240xf32, #tpu.memory_space<vmem_shared>>)
        %dma_wait3A_238 = arith.constant 0 : i32
        %dma_wait3A_239 = arith.constant 0 : i32
        %dma_wait3A_240 = arith.constant 0 : i32
        %dma_wait3A_241 = tpu.memref_slice %arg9[%dma_wait3A_238, %dma_wait3A_239, %dma_wait3A_240] : memref<10x2x128xi32, #tpu.memory_space<vmem>> -> memref<1x1x128xi32, #tpu.memory_space<vmem>>
        %dma_wait3A_242 = tpu.memref_squeeze %dma_wait3A_241 : memref<1x1x128xi32, #tpu.memory_space<vmem>> -> memref<128xi32, #tpu.memory_space<vmem>>
        %dma_wait3A_243 = arith.constant 0 : i32
        %dma_wait3A_244 = tpu.memref_slice %arg10[%dma_wait3A_243] : memref<10240xf32, #tpu.memory_space<vmem_shared>> -> memref<10240xf32, #tpu.memory_space<vmem_shared>>
        tpu.wait_indirect_dma semaphore(%arg13 : memref<!tpu.dma_semaphore, #tpu.memory_space<semaphore_mem>>) src(%arg8 : memref<128xf32, #tpu.memory_space<vmem>>) dst(%dma_wait3A_244 : memref<10240xf32, #tpu.memory_space<vmem_shared>>)
      } else {
      }
      %add3A_223 = arith.constant 4 : i32
      %add3A_224 = arith.addi %scan3A_159, %add3A_223 : i32
      %lt3A_225 = arith.constant 79 : i32
      %lt3A_226 = arith.cmpi slt, %add3A_224, %lt3A_225 : i32
      %convert_element_type3A_227 = arith.extui %lt3A_226 : i1 to i32
      %cond3A_228 = arith.constant 0 : i32
      %cond3A_229 = arith.cmpi ne, %convert_element_type3A_227, %cond3A_228 : i32
      scf.if %cond3A_229 {
        %add3A_231 = arith.constant 4 : i32
        %add3A_232 = arith.addi %scan3A_159, %add3A_231 : i32
        %jit3A_233 = arith.constant 10 : i32
        %eq3A_234 = arith.constant 0 : i32
        %eq3A_235 = arith.cmpi eq, %jit3A_233, %eq3A_234 : i32
        %jit3A_236 = arith.constant 1 : i32
        %select_n3A_237 = arith.select %eq3A_235, %jit3A_236, %jit3A_233 : i32
        %rem3A_238 = arith.remsi %add3A_232, %select_n3A_237 : i32
        %ne3A_239 = arith.constant 0 : i32
        %ne3A_240 = arith.cmpi ne, %rem3A_238, %ne3A_239 : i32
        %lt3A_241 = arith.constant 0 : i32
        %lt3A_242 = arith.cmpi slt, %rem3A_238, %lt3A_241 : i32
        %lt3A_243 = arith.constant 0 : i32
        %lt3A_244 = arith.cmpi slt, %select_n3A_237, %lt3A_243 : i32
        %ne3A_245 = arith.xori %lt3A_242, %lt3A_244 : i1
        %and3A_246 = arith.andi %ne3A_245, %ne3A_240 : i1
        %add3A_247 = arith.addi %rem3A_238, %select_n3A_237 : i32
        %select_n3A_248 = arith.select %and3A_246, %add3A_247, %rem3A_238 : i32
        %dma_start3A_249 = arith.constant 0 : i32
        %dma_start3A_250 = arith.constant 0 : i32
        %dma_start3A_251 = tpu.memref_slice %arg9[%select_n3A_248, %dma_start3A_249, %dma_start3A_250] : memref<10x2x128xi32, #tpu.memory_space<vmem>> -> memref<1x2x128xi32, #tpu.memory_space<vmem>>
        %dma_start3A_252 = tpu.memref_squeeze %dma_start3A_251 : memref<1x2x128xi32, #tpu.memory_space<vmem>> -> memref<2x128xi32, #tpu.memory_space<vmem>>
        %dma_start3A_253 = arith.constant 0 : i32
        %dma_start3A_254 = arith.constant 0 : i32
        %dma_start3A_255 = tpu.memref_slice %arg2[%add3A, %add3A_232, %dma_start3A_253, %dma_start3A_254] : memref<32x79x2x128xi32, #tpu.memory_space<hbm>> -> memref<1x1x2x128xi32, #tpu.memory_space<hbm>>
        %dma_start3A_256 = tpu.memref_squeeze %dma_start3A_255 : memref<1x1x2x128xi32, #tpu.memory_space<hbm>> -> memref<2x128xi32, #tpu.memory_space<hbm>>
        %dma_start3A_257 = arith.constant 0 : i32
        %dma_start3A_258 = arith.constant 0 : i32
        %dma_start3A_259 = tpu.memref_slice %arg9[%select_n3A_248, %dma_start3A_257, %dma_start3A_258] : memref<10x2x128xi32, #tpu.memory_space<vmem>> -> memref<1x2x128xi32, #tpu.memory_space<vmem>>
        %dma_start3A_260 = tpu.memref_squeeze %dma_start3A_259 : memref<1x2x128xi32, #tpu.memory_space<vmem>> -> memref<2x128xi32, #tpu.memory_space<vmem>>
        %dma_start3A_261 = arith.constant 0 : i32
        %dma_start3A_262 = arith.constant 0 : i32
        %dma_start3A_263 = tpu.memref_slice %arg2[%add3A, %add3A_232, %dma_start3A_261, %dma_start3A_262] : memref<32x79x2x128xi32, #tpu.memory_space<hbm>> -> memref<1x1x2x128xi32, #tpu.memory_space<hbm>>
        %dma_start3A_264 = tpu.memref_squeeze %dma_start3A_263 : memref<1x1x2x128xi32, #tpu.memory_space<hbm>> -> memref<2x128xi32, #tpu.memory_space<hbm>>
        tpu.enqueue_dma source(%dma_start3A_264 : memref<2x128xi32, #tpu.memory_space<hbm>>) target(%dma_start3A_260 : memref<2x128xi32, #tpu.memory_space<vmem>>) target_semaphore(%arg12 : memref<!tpu.dma_semaphore, #tpu.memory_space<semaphore_mem>>)
      } else {
      }
      %scan3A_230 = arith.constant 0 : i32
      scf.yield %scan3A_230 : i32
    }
    %scan3A_87 = arith.constant 79 : i32
    %dma_wait3A = arith.constant 0 : i32
    %dma_wait3A_88 = arith.constant 0 : i32
    %dma_wait3A_89 = arith.constant 0 : i32
    %dma_wait3A_90 = tpu.memref_slice %arg9[%dma_wait3A, %dma_wait3A_88, %dma_wait3A_89] : memref<10x2x128xi32, #tpu.memory_space<vmem>> -> memref<1x1x128xi32, #tpu.memory_space<vmem>>
    %dma_wait3A_91 = tpu.memref_squeeze %dma_wait3A_90 : memref<1x1x128xi32, #tpu.memory_space<vmem>> -> memref<128xi32, #tpu.memory_space<vmem>>
    %dma_wait3A_92 = arith.constant 0 : i32
    %dma_wait3A_93 = tpu.memref_slice %arg10[%dma_wait3A_92] : memref<10240xf32, #tpu.memory_space<vmem_shared>> -> memref<10240xf32, #tpu.memory_space<vmem_shared>>
    tpu.wait_indirect_dma semaphore(%arg13 : memref<!tpu.dma_semaphore, #tpu.memory_space<semaphore_mem>>) src(%arg8 : memref<128xf32, #tpu.memory_space<vmem>>) dst(%dma_wait3A_93 : memref<10240xf32, #tpu.memory_space<vmem_shared>>)
    %dma_wait3A_94 = arith.constant 0 : i32
    %dma_wait3A_95 = arith.constant 0 : i32
    %dma_wait3A_96 = arith.constant 0 : i32
    %dma_wait3A_97 = tpu.memref_slice %arg9[%dma_wait3A_94, %dma_wait3A_95, %dma_wait3A_96] : memref<10x2x128xi32, #tpu.memory_space<vmem>> -> memref<1x1x128xi32, #tpu.memory_space<vmem>>
    %dma_wait3A_98 = tpu.memref_squeeze %dma_wait3A_97 : memref<1x1x128xi32, #tpu.memory_space<vmem>> -> memref<128xi32, #tpu.memory_space<vmem>>
    %dma_wait3A_99 = arith.constant 0 : i32
    %dma_wait3A_100 = tpu.memref_slice %arg10[%dma_wait3A_99] : memref<10240xf32, #tpu.memory_space<vmem_shared>> -> memref<10240xf32, #tpu.memory_space<vmem_shared>>
    tpu.wait_indirect_dma semaphore(%arg13 : memref<!tpu.dma_semaphore, #tpu.memory_space<semaphore_mem>>) src(%arg8 : memref<128xf32, #tpu.memory_space<vmem>>) dst(%dma_wait3A_100 : memref<10240xf32, #tpu.memory_space<vmem_shared>>)
    %dma_wait3A_101 = arith.constant 0 : i32
    %dma_wait3A_102 = arith.constant 0 : i32
    %dma_wait3A_103 = arith.constant 0 : i32
    %dma_wait3A_104 = tpu.memref_slice %arg9[%dma_wait3A_101, %dma_wait3A_102, %dma_wait3A_103] : memref<10x2x128xi32, #tpu.memory_space<vmem>> -> memref<1x1x128xi32, #tpu.memory_space<vmem>>
    %dma_wait3A_105 = tpu.memref_squeeze %dma_wait3A_104 : memref<1x1x128xi32, #tpu.memory_space<vmem>> -> memref<128xi32, #tpu.memory_space<vmem>>
    %dma_wait3A_106 = arith.constant 0 : i32
    %dma_wait3A_107 = tpu.memref_slice %arg10[%dma_wait3A_106] : memref<10240xf32, #tpu.memory_space<vmem_shared>> -> memref<10240xf32, #tpu.memory_space<vmem_shared>>
    tpu.wait_indirect_dma semaphore(%arg13 : memref<!tpu.dma_semaphore, #tpu.memory_space<semaphore_mem>>) src(%arg8 : memref<128xf32, #tpu.memory_space<vmem>>) dst(%dma_wait3A_107 : memref<10240xf32, #tpu.memory_space<vmem_shared>>)
    %dma_wait3A_108 = arith.constant 0 : i32
    %dma_wait3A_109 = arith.constant 0 : i32
    %dma_wait3A_110 = arith.constant 0 : i32
    %dma_wait3A_111 = tpu.memref_slice %arg9[%dma_wait3A_108, %dma_wait3A_109, %dma_wait3A_110] : memref<10x2x128xi32, #tpu.memory_space<vmem>> -> memref<1x1x128xi32, #tpu.memory_space<vmem>>
    %dma_wait3A_112 = tpu.memref_squeeze %dma_wait3A_111 : memref<1x1x128xi32, #tpu.memory_space<vmem>> -> memref<128xi32, #tpu.memory_space<vmem>>
    %dma_wait3A_113 = arith.constant 0 : i32
    %dma_wait3A_114 = tpu.memref_slice %arg10[%dma_wait3A_113] : memref<10240xf32, #tpu.memory_space<vmem_shared>> -> memref<10240xf32, #tpu.memory_space<vmem_shared>>
    tpu.wait_indirect_dma semaphore(%arg13 : memref<!tpu.dma_semaphore, #tpu.memory_space<semaphore_mem>>) src(%arg8 : memref<128xf32, #tpu.memory_space<vmem>>) dst(%dma_wait3A_114 : memref<10240xf32, #tpu.memory_space<vmem_shared>>)
    %dma_wait3A_115 = arith.constant 0 : i32
    %dma_wait3A_116 = arith.constant 0 : i32
    %dma_wait3A_117 = arith.constant 0 : i32
    %dma_wait3A_118 = tpu.memref_slice %arg9[%dma_wait3A_115, %dma_wait3A_116, %dma_wait3A_117] : memref<10x2x128xi32, #tpu.memory_space<vmem>> -> memref<1x1x128xi32, #tpu.memory_space<vmem>>
    %dma_wait3A_119 = tpu.memref_squeeze %dma_wait3A_118 : memref<1x1x128xi32, #tpu.memory_space<vmem>> -> memref<128xi32, #tpu.memory_space<vmem>>
    %dma_wait3A_120 = arith.constant 0 : i32
    %dma_wait3A_121 = tpu.memref_slice %arg10[%dma_wait3A_120] : memref<10240xf32, #tpu.memory_space<vmem_shared>> -> memref<10240xf32, #tpu.memory_space<vmem_shared>>
    tpu.wait_indirect_dma semaphore(%arg13 : memref<!tpu.dma_semaphore, #tpu.memory_space<semaphore_mem>>) src(%arg8 : memref<128xf32, #tpu.memory_space<vmem>>) dst(%dma_wait3A_121 : memref<10240xf32, #tpu.memory_space<vmem_shared>>)
    %dma_wait3A_122 = arith.constant 0 : i32
    %dma_wait3A_123 = arith.constant 0 : i32
    %dma_wait3A_124 = arith.constant 0 : i32
    %dma_wait3A_125 = tpu.memref_slice %arg9[%dma_wait3A_122, %dma_wait3A_123, %dma_wait3A_124] : memref<10x2x128xi32, #tpu.memory_space<vmem>> -> memref<1x1x128xi32, #tpu.memory_space<vmem>>
    %dma_wait3A_126 = tpu.memref_squeeze %dma_wait3A_125 : memref<1x1x128xi32, #tpu.memory_space<vmem>> -> memref<128xi32, #tpu.memory_space<vmem>>
    %dma_wait3A_127 = arith.constant 0 : i32
    %dma_wait3A_128 = tpu.memref_slice %arg10[%dma_wait3A_127] : memref<10240xf32, #tpu.memory_space<vmem_shared>> -> memref<10240xf32, #tpu.memory_space<vmem_shared>>
    tpu.wait_indirect_dma semaphore(%arg13 : memref<!tpu.dma_semaphore, #tpu.memory_space<semaphore_mem>>) src(%arg8 : memref<128xf32, #tpu.memory_space<vmem>>) dst(%dma_wait3A_128 : memref<10240xf32, #tpu.memory_space<vmem_shared>>)
    %dma_wait3A_129 = arith.constant 0 : i32
    %dma_wait3A_130 = arith.constant 0 : i32
    %dma_wait3A_131 = arith.constant 0 : i32
    %dma_wait3A_132 = tpu.memref_slice %arg9[%dma_wait3A_129, %dma_wait3A_130, %dma_wait3A_131] : memref<10x2x128xi32, #tpu.memory_space<vmem>> -> memref<1x1x128xi32, #tpu.memory_space<vmem>>
    %dma_wait3A_133 = tpu.memref_squeeze %dma_wait3A_132 : memref<1x1x128xi32, #tpu.memory_space<vmem>> -> memref<128xi32, #tpu.memory_space<vmem>>
    %dma_wait3A_134 = arith.constant 0 : i32
    %dma_wait3A_135 = tpu.memref_slice %arg10[%dma_wait3A_134] : memref<10240xf32, #tpu.memory_space<vmem_shared>> -> memref<10240xf32, #tpu.memory_space<vmem_shared>>
    tpu.wait_indirect_dma semaphore(%arg13 : memref<!tpu.dma_semaphore, #tpu.memory_space<semaphore_mem>>) src(%arg8 : memref<128xf32, #tpu.memory_space<vmem>>) dst(%dma_wait3A_135 : memref<10240xf32, #tpu.memory_space<vmem_shared>>)
    %dma_wait3A_136 = arith.constant 0 : i32
    %dma_wait3A_137 = arith.constant 0 : i32
    %dma_wait3A_138 = arith.constant 0 : i32
    %dma_wait3A_139 = tpu.memref_slice %arg9[%dma_wait3A_136, %dma_wait3A_137, %dma_wait3A_138] : memref<10x2x128xi32, #tpu.memory_space<vmem>> -> memref<1x1x128xi32, #tpu.memory_space<vmem>>
    %dma_wait3A_140 = tpu.memref_squeeze %dma_wait3A_139 : memref<1x1x128xi32, #tpu.memory_space<vmem>> -> memref<128xi32, #tpu.memory_space<vmem>>
    %dma_wait3A_141 = arith.constant 0 : i32
    %dma_wait3A_142 = tpu.memref_slice %arg10[%dma_wait3A_141] : memref<10240xf32, #tpu.memory_space<vmem_shared>> -> memref<10240xf32, #tpu.memory_space<vmem_shared>>
    tpu.wait_indirect_dma semaphore(%arg13 : memref<!tpu.dma_semaphore, #tpu.memory_space<semaphore_mem>>) src(%arg8 : memref<128xf32, #tpu.memory_space<vmem>>) dst(%dma_wait3A_142 : memref<10240xf32, #tpu.memory_space<vmem_shared>>)
    %barrier3A_143 = arith.constant 0 : index
    tpu.barrier barrier_id(%barrier3A_143)
    %eq3A_144 = arith.constant 0 : i32
    %eq3A_145 = arith.cmpi eq, %arg1, %eq3A_144 : i32
    %eq3A_146 = arith.constant 0 : i32
    %eq3A_147 = arith.cmpi eq, %arg0, %eq3A_146 : i32
    %and3A = arith.andi %eq3A_145, %eq3A_147 : i1
    %convert_element_type3A_148 = arith.extui %and3A : i1 to i32
    %cond3A_149 = arith.constant 0 : i32
    %cond3A_150 = arith.cmpi ne, %convert_element_type3A_148, %cond3A_149 : i32
    scf.if %cond3A_150 {
      "tpu.region"() ({
        %run_scoped3A = tpu.sem_alloc : memref<!tpu.dma_semaphore, #tpu.memory_space<semaphore_mem>>
        tpu.enqueue_dma source(%arg10 : memref<10240xf32, #tpu.memory_space<vmem_shared>>) target(%arg3 : memref<10240xf32, #tpu.memory_space<hbm>>) target_semaphore(%run_scoped3A : memref<!tpu.dma_semaphore, #tpu.memory_space<semaphore_mem>>)
        tpu.wait_dma2 semaphore(%run_scoped3A : memref<!tpu.dma_semaphore, #tpu.memory_space<semaphore_mem>>) src(%arg10 : memref<10240xf32, #tpu.memory_space<vmem_shared>>) dst(%arg3 : memref<10240xf32, #tpu.memory_space<hbm>>)
        tpu.yield
      }) : () -> ()
      "tpu.region"() ({
        %run_scoped3A = tpu.sem_alloc : memref<!tpu.dma_semaphore, #tpu.memory_space<semaphore_mem>>
        tpu.enqueue_dma source(%arg11 : memref<10240xf32, #tpu.memory_space<vmem_shared>>) target(%arg5 : memref<10240xf32, #tpu.memory_space<hbm>>) target_semaphore(%run_scoped3A : memref<!tpu.dma_semaphore, #tpu.memory_space<semaphore_mem>>)
        tpu.wait_dma2 semaphore(%run_scoped3A : memref<!tpu.dma_semaphore, #tpu.memory_space<semaphore_mem>>) src(%arg11 : memref<10240xf32, #tpu.memory_space<vmem_shared>>) dst(%arg5 : memref<10240xf32, #tpu.memory_space<hbm>>)
        tpu.yield
      }) : () -> ()
    } else {
    }
    %eq3A_151 = arith.constant 0 : i32
    %eq3A_152 = arith.cmpi eq, %arg1, %eq3A_151 : i32
    %eq3A_153 = arith.constant 1 : i32
    %eq3A_154 = arith.cmpi eq, %arg0, %eq3A_153 : i32
    %and3A_155 = arith.andi %eq3A_152, %eq3A_154 : i1
    %convert_element_type3A_156 = arith.extui %and3A_155 : i1 to i32
    %cond3A_157 = arith.constant 0 : i32
    %cond3A_158 = arith.cmpi ne, %convert_element_type3A_156, %cond3A_157 : i32
    scf.if %cond3A_158 {
      "tpu.region"() ({
        %run_scoped3A = tpu.sem_alloc : memref<!tpu.dma_semaphore, #tpu.memory_space<semaphore_mem>>
        tpu.enqueue_dma source(%arg10 : memref<10240xf32, #tpu.memory_space<vmem_shared>>) target(%arg4 : memref<10240xf32, #tpu.memory_space<hbm>>) target_semaphore(%run_scoped3A : memref<!tpu.dma_semaphore, #tpu.memory_space<semaphore_mem>>)
        tpu.wait_dma2 semaphore(%run_scoped3A : memref<!tpu.dma_semaphore, #tpu.memory_space<semaphore_mem>>) src(%arg10 : memref<10240xf32, #tpu.memory_space<vmem_shared>>) dst(%arg4 : memref<10240xf32, #tpu.memory_space<hbm>>)
        tpu.yield
      }) : () -> ()
      "tpu.region"() ({
        %run_scoped3A = tpu.sem_alloc : memref<!tpu.dma_semaphore, #tpu.memory_space<semaphore_mem>>
        tpu.enqueue_dma source(%arg11 : memref<10240xf32, #tpu.memory_space<vmem_shared>>) target(%arg6 : memref<10240xf32, #tpu.memory_space<hbm>>) target_semaphore(%run_scoped3A : memref<!tpu.dma_semaphore, #tpu.memory_space<semaphore_mem>>)
        tpu.wait_dma2 semaphore(%run_scoped3A : memref<!tpu.dma_semaphore, #tpu.memory_space<semaphore_mem>>) src(%arg11 : memref<10240xf32, #tpu.memory_space<vmem_shared>>) dst(%arg6 : memref<10240xf32, #tpu.memory_space<hbm>>)
        tpu.yield
      }) : () -> ()
    } else {
    }
    return
  }
}

#map = affine_map<(d0, d1) -> (0, 0)>
#map1 = affine_map<(d0, d1) -> (0, 0, 0, 0)>
#map2 = affine_map<(d0, d1) -> (0, 0, 0)>
module attributes {stable_mosaic.version = 14 : i64} {
  func.func @k(%arg0: i32, %arg1: i32, %arg2: memref<10240x16xf32, #tpu.memory_space<hbm>>, %arg3: memref<32x79x2x128xi32, #tpu.memory_space<hbm>>, %arg4: memref<2x10240x16xf32, #tpu.memory_space<hbm>>, %arg5: memref<12x2x128xi32, #tpu.memory_space<vmem>>, %arg6: memref<10x128x16xf32, #tpu.memory_space<vmem>>, %arg7: memref<32x16xf32, #tpu.memory_space<vmem>>, %arg8: memref<10240x16xf32, #tpu.memory_space<vmem_shared>>, %arg9: memref<!tpu.dma_semaphore, #tpu.memory_space<semaphore_mem>>, %arg10: memref<!tpu.dma_semaphore, #tpu.memory_space<semaphore_mem>>, %arg11: memref<!tpu.dma_semaphore, #tpu.memory_space<semaphore_mem>>) attributes {dimension_semantics = [#tpu.dimension_semantics<core_parallel>, #tpu.dimension_semantics<subcore_parallel>], iteration_bounds = array<i64: 2, 16>, scalar_prefetch = 0 : i64, scratch_operands = 7 : i64, tpu.core_type = #tpu.core_type<sc_vector_subcore>, window_params = [{transform_indices = #map}, {transform_indices = #map1}, {transform_indices = #map2}]} {
    %mul3A = arith.constant 2 : i32
    %mul3A_0 = arith.muli %arg1, %mul3A : i32
    %add3A = arith.addi %mul3A_0, %arg0 : i32
    %dma_start3A = arith.constant 0 : i32
    %dma_start3A_1 = arith.constant 0 : i32
    %dma_start3A_2 = arith.constant 0 : i32
    %dma_start3A_3 = arith.constant 0 : i32
    %dma_start3A_4 = tpu.memref_slice %arg5[%dma_start3A_1, %dma_start3A_2, %dma_start3A_3] : memref<12x2x128xi32, #tpu.memory_space<vmem>> -> memref<1x2x128xi32, #tpu.memory_space<vmem>>
    %dma_start3A_5 = tpu.memref_squeeze %dma_start3A_4 : memref<1x2x128xi32, #tpu.memory_space<vmem>> -> memref<2x128xi32, #tpu.memory_space<vmem>>
    %dma_start3A_6 = arith.constant 0 : i32
    %dma_start3A_7 = arith.constant 0 : i32
    %dma_start3A_8 = tpu.memref_slice %arg3[%add3A, %dma_start3A, %dma_start3A_6, %dma_start3A_7] : memref<32x79x2x128xi32, #tpu.memory_space<hbm>> -> memref<1x1x2x128xi32, #tpu.memory_space<hbm>>
    %dma_start3A_9 = tpu.memref_squeeze %dma_start3A_8 : memref<1x1x2x128xi32, #tpu.memory_space<hbm>> -> memref<2x128xi32, #tpu.memory_space<hbm>>
    %dma_start3A_10 = arith.constant 0 : i32
    %dma_start3A_11 = arith.constant 0 : i32
    %dma_start3A_12 = tpu.memref_slice %arg5[%dma_start3A_1, %dma_start3A_10, %dma_start3A_11] : memref<12x2x128xi32, #tpu.memory_space<vmem>> -> memref<1x2x128xi32, #tpu.memory_space<vmem>>
    %dma_start3A_13 = tpu.memref_squeeze %dma_start3A_12 : memref<1x2x128xi32, #tpu.memory_space<vmem>> -> memref<2x128xi32, #tpu.memory_space<vmem>>
    %dma_start3A_14 = arith.constant 0 : i32
    %dma_start3A_15 = arith.constant 0 : i32
    %dma_start3A_16 = tpu.memref_slice %arg3[%add3A, %dma_start3A, %dma_start3A_14, %dma_start3A_15] : memref<32x79x2x128xi32, #tpu.memory_space<hbm>> -> memref<1x1x2x128xi32, #tpu.memory_space<hbm>>
    %dma_start3A_17 = tpu.memref_squeeze %dma_start3A_16 : memref<1x1x2x128xi32, #tpu.memory_space<hbm>> -> memref<2x128xi32, #tpu.memory_space<hbm>>
    tpu.enqueue_dma source(%dma_start3A_17 : memref<2x128xi32, #tpu.memory_space<hbm>>) target(%dma_start3A_13 : memref<2x128xi32, #tpu.memory_space<vmem>>) target_semaphore(%arg9 : memref<!tpu.dma_semaphore, #tpu.memory_space<semaphore_mem>>)
    %dma_start3A_18 = arith.constant 1 : i32
    %dma_start3A_19 = arith.constant 1 : i32
    %dma_start3A_20 = arith.constant 0 : i32
    %dma_start3A_21 = arith.constant 0 : i32
    %dma_start3A_22 = tpu.memref_slice %arg5[%dma_start3A_19, %dma_start3A_20, %dma_start3A_21] : memref<12x2x128xi32, #tpu.memory_space<vmem>> -> memref<1x2x128xi32, #tpu.memory_space<vmem>>
    %dma_start3A_23 = tpu.memref_squeeze %dma_start3A_22 : memref<1x2x128xi32, #tpu.memory_space<vmem>> -> memref<2x128xi32, #tpu.memory_space<vmem>>
    %dma_start3A_24 = arith.constant 0 : i32
    %dma_start3A_25 = arith.constant 0 : i32
    %dma_start3A_26 = tpu.memref_slice %arg3[%add3A, %dma_start3A_18, %dma_start3A_24, %dma_start3A_25] : memref<32x79x2x128xi32, #tpu.memory_space<hbm>> -> memref<1x1x2x128xi32, #tpu.memory_space<hbm>>
    %dma_start3A_27 = tpu.memref_squeeze %dma_start3A_26 : memref<1x1x2x128xi32, #tpu.memory_space<hbm>> -> memref<2x128xi32, #tpu.memory_space<hbm>>
    %dma_start3A_28 = arith.constant 0 : i32
    %dma_start3A_29 = arith.constant 0 : i32
    %dma_start3A_30 = tpu.memref_slice %arg5[%dma_start3A_19, %dma_start3A_28, %dma_start3A_29] : memref<12x2x128xi32, #tpu.memory_space<vmem>> -> memref<1x2x128xi32, #tpu.memory_space<vmem>>
    %dma_start3A_31 = tpu.memref_squeeze %dma_start3A_30 : memref<1x2x128xi32, #tpu.memory_space<vmem>> -> memref<2x128xi32, #tpu.memory_space<vmem>>
    %dma_start3A_32 = arith.constant 0 : i32
    %dma_start3A_33 = arith.constant 0 : i32
    %dma_start3A_34 = tpu.memref_slice %arg3[%add3A, %dma_start3A_18, %dma_start3A_32, %dma_start3A_33] : memref<32x79x2x128xi32, #tpu.memory_space<hbm>> -> memref<1x1x2x128xi32, #tpu.memory_space<hbm>>
    %dma_start3A_35 = tpu.memref_squeeze %dma_start3A_34 : memref<1x1x2x128xi32, #tpu.memory_space<hbm>> -> memref<2x128xi32, #tpu.memory_space<hbm>>
    tpu.enqueue_dma source(%dma_start3A_35 : memref<2x128xi32, #tpu.memory_space<hbm>>) target(%dma_start3A_31 : memref<2x128xi32, #tpu.memory_space<vmem>>) target_semaphore(%arg9 : memref<!tpu.dma_semaphore, #tpu.memory_space<semaphore_mem>>)
    %dma_start3A_36 = arith.constant 2 : i32
    %dma_start3A_37 = arith.constant 2 : i32
    %dma_start3A_38 = arith.constant 0 : i32
    %dma_start3A_39 = arith.constant 0 : i32
    %dma_start3A_40 = tpu.memref_slice %arg5[%dma_start3A_37, %dma_start3A_38, %dma_start3A_39] : memref<12x2x128xi32, #tpu.memory_space<vmem>> -> memref<1x2x128xi32, #tpu.memory_space<vmem>>
    %dma_start3A_41 = tpu.memref_squeeze %dma_start3A_40 : memref<1x2x128xi32, #tpu.memory_space<vmem>> -> memref<2x128xi32, #tpu.memory_space<vmem>>
    %dma_start3A_42 = arith.constant 0 : i32
    %dma_start3A_43 = arith.constant 0 : i32
    %dma_start3A_44 = tpu.memref_slice %arg3[%add3A, %dma_start3A_36, %dma_start3A_42, %dma_start3A_43] : memref<32x79x2x128xi32, #tpu.memory_space<hbm>> -> memref<1x1x2x128xi32, #tpu.memory_space<hbm>>
    %dma_start3A_45 = tpu.memref_squeeze %dma_start3A_44 : memref<1x1x2x128xi32, #tpu.memory_space<hbm>> -> memref<2x128xi32, #tpu.memory_space<hbm>>
    %dma_start3A_46 = arith.constant 0 : i32
    %dma_start3A_47 = arith.constant 0 : i32
    %dma_start3A_48 = tpu.memref_slice %arg5[%dma_start3A_37, %dma_start3A_46, %dma_start3A_47] : memref<12x2x128xi32, #tpu.memory_space<vmem>> -> memref<1x2x128xi32, #tpu.memory_space<vmem>>
    %dma_start3A_49 = tpu.memref_squeeze %dma_start3A_48 : memref<1x2x128xi32, #tpu.memory_space<vmem>> -> memref<2x128xi32, #tpu.memory_space<vmem>>
    %dma_start3A_50 = arith.constant 0 : i32
    %dma_start3A_51 = arith.constant 0 : i32
    %dma_start3A_52 = tpu.memref_slice %arg3[%add3A, %dma_start3A_36, %dma_start3A_50, %dma_start3A_51] : memref<32x79x2x128xi32, #tpu.memory_space<hbm>> -> memref<1x1x2x128xi32, #tpu.memory_space<hbm>>
    %dma_start3A_53 = tpu.memref_squeeze %dma_start3A_52 : memref<1x1x2x128xi32, #tpu.memory_space<hbm>> -> memref<2x128xi32, #tpu.memory_space<hbm>>
    tpu.enqueue_dma source(%dma_start3A_53 : memref<2x128xi32, #tpu.memory_space<hbm>>) target(%dma_start3A_49 : memref<2x128xi32, #tpu.memory_space<vmem>>) target_semaphore(%arg9 : memref<!tpu.dma_semaphore, #tpu.memory_space<semaphore_mem>>)
    %dma_start3A_54 = arith.constant 3 : i32
    %dma_start3A_55 = arith.constant 3 : i32
    %dma_start3A_56 = arith.constant 0 : i32
    %dma_start3A_57 = arith.constant 0 : i32
    %dma_start3A_58 = tpu.memref_slice %arg5[%dma_start3A_55, %dma_start3A_56, %dma_start3A_57] : memref<12x2x128xi32, #tpu.memory_space<vmem>> -> memref<1x2x128xi32, #tpu.memory_space<vmem>>
    %dma_start3A_59 = tpu.memref_squeeze %dma_start3A_58 : memref<1x2x128xi32, #tpu.memory_space<vmem>> -> memref<2x128xi32, #tpu.memory_space<vmem>>
    %dma_start3A_60 = arith.constant 0 : i32
    %dma_start3A_61 = arith.constant 0 : i32
    %dma_start3A_62 = tpu.memref_slice %arg3[%add3A, %dma_start3A_54, %dma_start3A_60, %dma_start3A_61] : memref<32x79x2x128xi32, #tpu.memory_space<hbm>> -> memref<1x1x2x128xi32, #tpu.memory_space<hbm>>
    %dma_start3A_63 = tpu.memref_squeeze %dma_start3A_62 : memref<1x1x2x128xi32, #tpu.memory_space<hbm>> -> memref<2x128xi32, #tpu.memory_space<hbm>>
    %dma_start3A_64 = arith.constant 0 : i32
    %dma_start3A_65 = arith.constant 0 : i32
    %dma_start3A_66 = tpu.memref_slice %arg5[%dma_start3A_55, %dma_start3A_64, %dma_start3A_65] : memref<12x2x128xi32, #tpu.memory_space<vmem>> -> memref<1x2x128xi32, #tpu.memory_space<vmem>>
    %dma_start3A_67 = tpu.memref_squeeze %dma_start3A_66 : memref<1x2x128xi32, #tpu.memory_space<vmem>> -> memref<2x128xi32, #tpu.memory_space<vmem>>
    %dma_start3A_68 = arith.constant 0 : i32
    %dma_start3A_69 = arith.constant 0 : i32
    %dma_start3A_70 = tpu.memref_slice %arg3[%add3A, %dma_start3A_54, %dma_start3A_68, %dma_start3A_69] : memref<32x79x2x128xi32, #tpu.memory_space<hbm>> -> memref<1x1x2x128xi32, #tpu.memory_space<hbm>>
    %dma_start3A_71 = tpu.memref_squeeze %dma_start3A_70 : memref<1x1x2x128xi32, #tpu.memory_space<hbm>> -> memref<2x128xi32, #tpu.memory_space<hbm>>
    tpu.enqueue_dma source(%dma_start3A_71 : memref<2x128xi32, #tpu.memory_space<hbm>>) target(%dma_start3A_67 : memref<2x128xi32, #tpu.memory_space<vmem>>) target_semaphore(%arg9 : memref<!tpu.dma_semaphore, #tpu.memory_space<semaphore_mem>>)
    %dma_start3A_72 = arith.constant 4 : i32
    %dma_start3A_73 = arith.constant 4 : i32
    %dma_start3A_74 = arith.constant 0 : i32
    %dma_start3A_75 = arith.constant 0 : i32
    %dma_start3A_76 = tpu.memref_slice %arg5[%dma_start3A_73, %dma_start3A_74, %dma_start3A_75] : memref<12x2x128xi32, #tpu.memory_space<vmem>> -> memref<1x2x128xi32, #tpu.memory_space<vmem>>
    %dma_start3A_77 = tpu.memref_squeeze %dma_start3A_76 : memref<1x2x128xi32, #tpu.memory_space<vmem>> -> memref<2x128xi32, #tpu.memory_space<vmem>>
    %dma_start3A_78 = arith.constant 0 : i32
    %dma_start3A_79 = arith.constant 0 : i32
    %dma_start3A_80 = tpu.memref_slice %arg3[%add3A, %dma_start3A_72, %dma_start3A_78, %dma_start3A_79] : memref<32x79x2x128xi32, #tpu.memory_space<hbm>> -> memref<1x1x2x128xi32, #tpu.memory_space<hbm>>
    %dma_start3A_81 = tpu.memref_squeeze %dma_start3A_80 : memref<1x1x2x128xi32, #tpu.memory_space<hbm>> -> memref<2x128xi32, #tpu.memory_space<hbm>>
    %dma_start3A_82 = arith.constant 0 : i32
    %dma_start3A_83 = arith.constant 0 : i32
    %dma_start3A_84 = tpu.memref_slice %arg5[%dma_start3A_73, %dma_start3A_82, %dma_start3A_83] : memref<12x2x128xi32, #tpu.memory_space<vmem>> -> memref<1x2x128xi32, #tpu.memory_space<vmem>>
    %dma_start3A_85 = tpu.memref_squeeze %dma_start3A_84 : memref<1x2x128xi32, #tpu.memory_space<vmem>> -> memref<2x128xi32, #tpu.memory_space<vmem>>
    %dma_start3A_86 = arith.constant 0 : i32
    %dma_start3A_87 = arith.constant 0 : i32
    %dma_start3A_88 = tpu.memref_slice %arg3[%add3A, %dma_start3A_72, %dma_start3A_86, %dma_start3A_87] : memref<32x79x2x128xi32, #tpu.memory_space<hbm>> -> memref<1x1x2x128xi32, #tpu.memory_space<hbm>>
    %dma_start3A_89 = tpu.memref_squeeze %dma_start3A_88 : memref<1x1x2x128xi32, #tpu.memory_space<hbm>> -> memref<2x128xi32, #tpu.memory_space<hbm>>
    tpu.enqueue_dma source(%dma_start3A_89 : memref<2x128xi32, #tpu.memory_space<hbm>>) target(%dma_start3A_85 : memref<2x128xi32, #tpu.memory_space<vmem>>) target_semaphore(%arg9 : memref<!tpu.dma_semaphore, #tpu.memory_space<semaphore_mem>>)
    %dma_start3A_90 = arith.constant 5 : i32
    %dma_start3A_91 = arith.constant 5 : i32
    %dma_start3A_92 = arith.constant 0 : i32
    %dma_start3A_93 = arith.constant 0 : i32
    %dma_start3A_94 = tpu.memref_slice %arg5[%dma_start3A_91, %dma_start3A_92, %dma_start3A_93] : memref<12x2x128xi32, #tpu.memory_space<vmem>> -> memref<1x2x128xi32, #tpu.memory_space<vmem>>
    %dma_start3A_95 = tpu.memref_squeeze %dma_start3A_94 : memref<1x2x128xi32, #tpu.memory_space<vmem>> -> memref<2x128xi32, #tpu.memory_space<vmem>>
    %dma_start3A_96 = arith.constant 0 : i32
    %dma_start3A_97 = arith.constant 0 : i32
    %dma_start3A_98 = tpu.memref_slice %arg3[%add3A, %dma_start3A_90, %dma_start3A_96, %dma_start3A_97] : memref<32x79x2x128xi32, #tpu.memory_space<hbm>> -> memref<1x1x2x128xi32, #tpu.memory_space<hbm>>
    %dma_start3A_99 = tpu.memref_squeeze %dma_start3A_98 : memref<1x1x2x128xi32, #tpu.memory_space<hbm>> -> memref<2x128xi32, #tpu.memory_space<hbm>>
    %dma_start3A_100 = arith.constant 0 : i32
    %dma_start3A_101 = arith.constant 0 : i32
    %dma_start3A_102 = tpu.memref_slice %arg5[%dma_start3A_91, %dma_start3A_100, %dma_start3A_101] : memref<12x2x128xi32, #tpu.memory_space<vmem>> -> memref<1x2x128xi32, #tpu.memory_space<vmem>>
    %dma_start3A_103 = tpu.memref_squeeze %dma_start3A_102 : memref<1x2x128xi32, #tpu.memory_space<vmem>> -> memref<2x128xi32, #tpu.memory_space<vmem>>
    %dma_start3A_104 = arith.constant 0 : i32
    %dma_start3A_105 = arith.constant 0 : i32
    %dma_start3A_106 = tpu.memref_slice %arg3[%add3A, %dma_start3A_90, %dma_start3A_104, %dma_start3A_105] : memref<32x79x2x128xi32, #tpu.memory_space<hbm>> -> memref<1x1x2x128xi32, #tpu.memory_space<hbm>>
    %dma_start3A_107 = tpu.memref_squeeze %dma_start3A_106 : memref<1x1x2x128xi32, #tpu.memory_space<hbm>> -> memref<2x128xi32, #tpu.memory_space<hbm>>
    tpu.enqueue_dma source(%dma_start3A_107 : memref<2x128xi32, #tpu.memory_space<hbm>>) target(%dma_start3A_103 : memref<2x128xi32, #tpu.memory_space<vmem>>) target_semaphore(%arg9 : memref<!tpu.dma_semaphore, #tpu.memory_space<semaphore_mem>>)
    %broadcast_in_dim3A = arith.constant 0.000000e+00 : f32
    %broadcast_in_dim3A_108 = vector.broadcast %broadcast_in_dim3A : f32 to vector<16xf32>
    %scan3A = arith.constant 0 : i32
    %scan3A_109 = arith.constant 0 : i32
    %scan3A_110 = arith.constant 32 : i32
    %scan3A_111 = arith.addi %scan3A_109, %scan3A_110 : i32
    %scan3A_112 = arith.constant 1 : i32
    %scan3A_113 = scf.for %scan3A_614 = %scan3A_109 to %scan3A_111 step %scan3A_112 iter_args(%scan3A_615 = %scan3A) -> (i32)  : i32 {
      %jit3A = arith.constant 1 : i32
      %div3A = arith.divsi %scan3A_614, %jit3A : i32
      %sign3A = arith.constant 0 : i32
      %sign3A_616 = arith.cmpi sgt, %scan3A_614, %sign3A : i32
      %sign3A_617 = arith.extui %sign3A_616 : i1 to i32
      %sign3A_618 = arith.constant 0 : i32
      %sign3A_619 = arith.cmpi slt, %scan3A_614, %sign3A_618 : i32
      %sign3A_620 = arith.extui %sign3A_619 : i1 to i32
      %sign3A_621 = arith.subi %sign3A_617, %sign3A_620 : i32
      %sign3A_622 = arith.constant 0 : i32
      %sign3A_623 = arith.cmpi sgt, %jit3A, %sign3A_622 : i32
      %sign3A_624 = arith.extui %sign3A_623 : i1 to i32
      %sign3A_625 = arith.constant 0 : i32
      %sign3A_626 = arith.cmpi slt, %jit3A, %sign3A_625 : i32
      %sign3A_627 = arith.extui %sign3A_626 : i1 to i32
      %sign3A_628 = arith.subi %sign3A_624, %sign3A_627 : i32
      %ne3A = arith.cmpi ne, %sign3A_621, %sign3A_628 : i32
      %rem3A = arith.remsi %scan3A_614, %jit3A : i32
      %ne3A_629 = arith.constant 0 : i32
      %ne3A_630 = arith.cmpi ne, %rem3A, %ne3A_629 : i32
      %and3A = arith.andi %ne3A, %ne3A_630 : i1
      %sub3A = arith.constant 1 : i32
      %sub3A_631 = arith.subi %div3A, %sub3A : i32
      %select_n3A = arith.select %and3A, %sub3A_631, %div3A : i32
      %jit3A_632 = arith.constant 1 : i32
      %eq3A = arith.constant 0 : i32
      %eq3A_633 = arith.cmpi eq, %jit3A_632, %eq3A : i32
      %jit3A_634 = arith.constant 1 : i32
      %select_n3A_635 = arith.select %eq3A_633, %jit3A_634, %jit3A_632 : i32
      %rem3A_636 = arith.remsi %scan3A_614, %select_n3A_635 : i32
      %ne3A_637 = arith.constant 0 : i32
      %ne3A_638 = arith.cmpi ne, %rem3A_636, %ne3A_637 : i32
      %lt3A = arith.constant 0 : i32
      %lt3A_639 = arith.cmpi slt, %rem3A_636, %lt3A : i32
      %lt3A_640 = arith.constant 0 : i32
      %lt3A_641 = arith.cmpi slt, %select_n3A_635, %lt3A_640 : i32
      %ne3A_642 = arith.xori %lt3A_639, %lt3A_641 : i1
      %and3A_643 = arith.andi %ne3A_642, %ne3A_638 : i1
      %add3A_644 = arith.addi %rem3A_636, %select_n3A_635 : i32
      %select_n3A_645 = arith.select %and3A_643, %add3A_644, %rem3A_636 : i32
      %mul3A_646 = arith.constant 16 : i32
      %mul3A_647 = arith.muli %select_n3A_645, %mul3A_646 : i32
      %swap3A = arith.index_cast %select_n3A : i32 to index
      %swap3A_648 = arith.index_cast %mul3A_647 : i32 to index
      %swap3A_649 = tpu.vector_load %arg7[%swap3A, %swap3A_648] {strides = array<i32>} : memref<32x16xf32, #tpu.memory_space<vmem>>, vector<1x16xf32>,
      %swap3A_650 = vector.shape_cast %swap3A_649 : vector<1x16xf32> to vector<16xf32>
      %swap3A_651 = vector.shape_cast %broadcast_in_dim3A_108 : vector<16xf32> to vector<1x16xf32>
      tpu.vector_store %arg7[%swap3A, %swap3A_648], %swap3A_651 {strides = array<i32>} : memref<32x16xf32, #tpu.memory_space<vmem>>, vector<1x16xf32>,
      %scan3A_652 = arith.constant 0 : i32
      scf.yield %scan3A_652 : i32
    }
    %scan3A_114 = arith.constant 32 : i32
    %mul3A_115 = arith.constant 640 : i32
    %mul3A_116 = arith.muli %arg1, %mul3A_115 : i32
    %add3A_117 = arith.constant 0 : i32
    %add3A_118 = arith.addi %mul3A_116, %add3A_117 : i32
    %dma_start3A_119 = arith.constant 0 : i32
    %dma_start3A_120 = tpu.memref_slice %arg8[%add3A_118, %dma_start3A_119] : memref<10240x16xf32, #tpu.memory_space<vmem_shared>> -> memref<32x16xf32, #tpu.memory_space<vmem_shared>>
    %dma_start3A_121 = arith.constant 0 : i32
    %dma_start3A_122 = tpu.memref_slice %arg8[%add3A_118, %dma_start3A_121] : memref<10240x16xf32, #tpu.memory_space<vmem_shared>> -> memref<32x16xf32, #tpu.memory_space<vmem_shared>>
    tpu.enqueue_dma source(%arg7 : memref<32x16xf32, #tpu.memory_space<vmem>>) target(%dma_start3A_122 : memref<32x16xf32, #tpu.memory_space<vmem_shared>>) target_semaphore(%arg11 : memref<!tpu.dma_semaphore, #tpu.memory_space<semaphore_mem>>)
    %add3A_123 = arith.constant 32 : i32
    %add3A_124 = arith.addi %mul3A_116, %add3A_123 : i32
    %dma_start3A_125 = arith.constant 0 : i32
    %dma_start3A_126 = tpu.memref_slice %arg8[%add3A_124, %dma_start3A_125] : memref<10240x16xf32, #tpu.memory_space<vmem_shared>> -> memref<32x16xf32, #tpu.memory_space<vmem_shared>>
    %dma_start3A_127 = arith.constant 0 : i32
    %dma_start3A_128 = tpu.memref_slice %arg8[%add3A_124, %dma_start3A_127] : memref<10240x16xf32, #tpu.memory_space<vmem_shared>> -> memref<32x16xf32, #tpu.memory_space<vmem_shared>>
    tpu.enqueue_dma source(%arg7 : memref<32x16xf32, #tpu.memory_space<vmem>>) target(%dma_start3A_128 : memref<32x16xf32, #tpu.memory_space<vmem_shared>>) target_semaphore(%arg11 : memref<!tpu.dma_semaphore, #tpu.memory_space<semaphore_mem>>)
    %add3A_129 = arith.constant 64 : i32
    %add3A_130 = arith.addi %mul3A_116, %add3A_129 : i32
    %dma_start3A_131 = arith.constant 0 : i32
    %dma_start3A_132 = tpu.memref_slice %arg8[%add3A_130, %dma_start3A_131] : memref<10240x16xf32, #tpu.memory_space<vmem_shared>> -> memref<32x16xf32, #tpu.memory_space<vmem_shared>>
    %dma_start3A_133 = arith.constant 0 : i32
    %dma_start3A_134 = tpu.memref_slice %arg8[%add3A_130, %dma_start3A_133] : memref<10240x16xf32, #tpu.memory_space<vmem_shared>> -> memref<32x16xf32, #tpu.memory_space<vmem_shared>>
    tpu.enqueue_dma source(%arg7 : memref<32x16xf32, #tpu.memory_space<vmem>>) target(%dma_start3A_134 : memref<32x16xf32, #tpu.memory_space<vmem_shared>>) target_semaphore(%arg11 : memref<!tpu.dma_semaphore, #tpu.memory_space<semaphore_mem>>)
    %add3A_135 = arith.constant 96 : i32
    %add3A_136 = arith.addi %mul3A_116, %add3A_135 : i32
    %dma_start3A_137 = arith.constant 0 : i32
    %dma_start3A_138 = tpu.memref_slice %arg8[%add3A_136, %dma_start3A_137] : memref<10240x16xf32, #tpu.memory_space<vmem_shared>> -> memref<32x16xf32, #tpu.memory_space<vmem_shared>>
    %dma_start3A_139 = arith.constant 0 : i32
    %dma_start3A_140 = tpu.memref_slice %arg8[%add3A_136, %dma_start3A_139] : memref<10240x16xf32, #tpu.memory_space<vmem_shared>> -> memref<32x16xf32, #tpu.memory_space<vmem_shared>>
    tpu.enqueue_dma source(%arg7 : memref<32x16xf32, #tpu.memory_space<vmem>>) target(%dma_start3A_140 : memref<32x16xf32, #tpu.memory_space<vmem_shared>>) target_semaphore(%arg11 : memref<!tpu.dma_semaphore, #tpu.memory_space<semaphore_mem>>)
    %add3A_141 = arith.constant 128 : i32
    %add3A_142 = arith.addi %mul3A_116, %add3A_141 : i32
    %dma_start3A_143 = arith.constant 0 : i32
    %dma_start3A_144 = tpu.memref_slice %arg8[%add3A_142, %dma_start3A_143] : memref<10240x16xf32, #tpu.memory_space<vmem_shared>> -> memref<32x16xf32, #tpu.memory_space<vmem_shared>>
    %dma_start3A_145 = arith.constant 0 : i32
    %dma_start3A_146 = tpu.memref_slice %arg8[%add3A_142, %dma_start3A_145] : memref<10240x16xf32, #tpu.memory_space<vmem_shared>> -> memref<32x16xf32, #tpu.memory_space<vmem_shared>>
    tpu.enqueue_dma source(%arg7 : memref<32x16xf32, #tpu.memory_space<vmem>>) target(%dma_start3A_146 : memref<32x16xf32, #tpu.memory_space<vmem_shared>>) target_semaphore(%arg11 : memref<!tpu.dma_semaphore, #tpu.memory_space<semaphore_mem>>)
    %add3A_147 = arith.constant 160 : i32
    %add3A_148 = arith.addi %mul3A_116, %add3A_147 : i32
    %dma_start3A_149 = arith.constant 0 : i32
    %dma_start3A_150 = tpu.memref_slice %arg8[%add3A_148, %dma_start3A_149] : memref<10240x16xf32, #tpu.memory_space<vmem_shared>> -> memref<32x16xf32, #tpu.memory_space<vmem_shared>>
    %dma_start3A_151 = arith.constant 0 : i32
    %dma_start3A_152 = tpu.memref_slice %arg8[%add3A_148, %dma_start3A_151] : memref<10240x16xf32, #tpu.memory_space<vmem_shared>> -> memref<32x16xf32, #tpu.memory_space<vmem_shared>>
    tpu.enqueue_dma source(%arg7 : memref<32x16xf32, #tpu.memory_space<vmem>>) target(%dma_start3A_152 : memref<32x16xf32, #tpu.memory_space<vmem_shared>>) target_semaphore(%arg11 : memref<!tpu.dma_semaphore, #tpu.memory_space<semaphore_mem>>)
    %add3A_153 = arith.constant 192 : i32
    %add3A_154 = arith.addi %mul3A_116, %add3A_153 : i32
    %dma_start3A_155 = arith.constant 0 : i32
    %dma_start3A_156 = tpu.memref_slice %arg8[%add3A_154, %dma_start3A_155] : memref<10240x16xf32, #tpu.memory_space<vmem_shared>> -> memref<32x16xf32, #tpu.memory_space<vmem_shared>>
    %dma_start3A_157 = arith.constant 0 : i32
    %dma_start3A_158 = tpu.memref_slice %arg8[%add3A_154, %dma_start3A_157] : memref<10240x16xf32, #tpu.memory_space<vmem_shared>> -> memref<32x16xf32, #tpu.memory_space<vmem_shared>>
    tpu.enqueue_dma source(%arg7 : memref<32x16xf32, #tpu.memory_space<vmem>>) target(%dma_start3A_158 : memref<32x16xf32, #tpu.memory_space<vmem_shared>>) target_semaphore(%arg11 : memref<!tpu.dma_semaphore, #tpu.memory_space<semaphore_mem>>)
    %add3A_159 = arith.constant 224 : i32
    %add3A_160 = arith.addi %mul3A_116, %add3A_159 : i32
    %dma_start3A_161 = arith.constant 0 : i32
    %dma_start3A_162 = tpu.memref_slice %arg8[%add3A_160, %dma_start3A_161] : memref<10240x16xf32, #tpu.memory_space<vmem_shared>> -> memref<32x16xf32, #tpu.memory_space<vmem_shared>>
    %dma_start3A_163 = arith.constant 0 : i32
    %dma_start3A_164 = tpu.memref_slice %arg8[%add3A_160, %dma_start3A_163] : memref<10240x16xf32, #tpu.memory_space<vmem_shared>> -> memref<32x16xf32, #tpu.memory_space<vmem_shared>>
    tpu.enqueue_dma source(%arg7 : memref<32x16xf32, #tpu.memory_space<vmem>>) target(%dma_start3A_164 : memref<32x16xf32, #tpu.memory_space<vmem_shared>>) target_semaphore(%arg11 : memref<!tpu.dma_semaphore, #tpu.memory_space<semaphore_mem>>)
    %add3A_165 = arith.constant 256 : i32
    %add3A_166 = arith.addi %mul3A_116, %add3A_165 : i32
    %dma_start3A_167 = arith.constant 0 : i32
    %dma_start3A_168 = tpu.memref_slice %arg8[%add3A_166, %dma_start3A_167] : memref<10240x16xf32, #tpu.memory_space<vmem_shared>> -> memref<32x16xf32, #tpu.memory_space<vmem_shared>>
    %dma_start3A_169 = arith.constant 0 : i32
    %dma_start3A_170 = tpu.memref_slice %arg8[%add3A_166, %dma_start3A_169] : memref<10240x16xf32, #tpu.memory_space<vmem_shared>> -> memref<32x16xf32, #tpu.memory_space<vmem_shared>>
    tpu.enqueue_dma source(%arg7 : memref<32x16xf32, #tpu.memory_space<vmem>>) target(%dma_start3A_170 : memref<32x16xf32, #tpu.memory_space<vmem_shared>>) target_semaphore(%arg11 : memref<!tpu.dma_semaphore, #tpu.memory_space<semaphore_mem>>)
    %add3A_171 = arith.constant 288 : i32
    %add3A_172 = arith.addi %mul3A_116, %add3A_171 : i32
    %dma_start3A_173 = arith.constant 0 : i32
    %dma_start3A_174 = tpu.memref_slice %arg8[%add3A_172, %dma_start3A_173] : memref<10240x16xf32, #tpu.memory_space<vmem_shared>> -> memref<32x16xf32, #tpu.memory_space<vmem_shared>>
    %dma_start3A_175 = arith.constant 0 : i32
    %dma_start3A_176 = tpu.memref_slice %arg8[%add3A_172, %dma_start3A_175] : memref<10240x16xf32, #tpu.memory_space<vmem_shared>> -> memref<32x16xf32, #tpu.memory_space<vmem_shared>>
    tpu.enqueue_dma source(%arg7 : memref<32x16xf32, #tpu.memory_space<vmem>>) target(%dma_start3A_176 : memref<32x16xf32, #tpu.memory_space<vmem_shared>>) target_semaphore(%arg11 : memref<!tpu.dma_semaphore, #tpu.memory_space<semaphore_mem>>)
    %add3A_177 = arith.constant 320 : i32
    %add3A_178 = arith.addi %mul3A_116, %add3A_177 : i32
    %dma_start3A_179 = arith.constant 0 : i32
    %dma_start3A_180 = tpu.memref_slice %arg8[%add3A_178, %dma_start3A_179] : memref<10240x16xf32, #tpu.memory_space<vmem_shared>> -> memref<32x16xf32, #tpu.memory_space<vmem_shared>>
    %dma_start3A_181 = arith.constant 0 : i32
    %dma_start3A_182 = tpu.memref_slice %arg8[%add3A_178, %dma_start3A_181] : memref<10240x16xf32, #tpu.memory_space<vmem_shared>> -> memref<32x16xf32, #tpu.memory_space<vmem_shared>>
    tpu.enqueue_dma source(%arg7 : memref<32x16xf32, #tpu.memory_space<vmem>>) target(%dma_start3A_182 : memref<32x16xf32, #tpu.memory_space<vmem_shared>>) target_semaphore(%arg11 : memref<!tpu.dma_semaphore, #tpu.memory_space<semaphore_mem>>)
    %add3A_183 = arith.constant 352 : i32
    %add3A_184 = arith.addi %mul3A_116, %add3A_183 : i32
    %dma_start3A_185 = arith.constant 0 : i32
    %dma_start3A_186 = tpu.memref_slice %arg8[%add3A_184, %dma_start3A_185] : memref<10240x16xf32, #tpu.memory_space<vmem_shared>> -> memref<32x16xf32, #tpu.memory_space<vmem_shared>>
    %dma_start3A_187 = arith.constant 0 : i32
    %dma_start3A_188 = tpu.memref_slice %arg8[%add3A_184, %dma_start3A_187] : memref<10240x16xf32, #tpu.memory_space<vmem_shared>> -> memref<32x16xf32, #tpu.memory_space<vmem_shared>>
    tpu.enqueue_dma source(%arg7 : memref<32x16xf32, #tpu.memory_space<vmem>>) target(%dma_start3A_188 : memref<32x16xf32, #tpu.memory_space<vmem_shared>>) target_semaphore(%arg11 : memref<!tpu.dma_semaphore, #tpu.memory_space<semaphore_mem>>)
    %add3A_189 = arith.constant 384 : i32
    %add3A_190 = arith.addi %mul3A_116, %add3A_189 : i32
    %dma_start3A_191 = arith.constant 0 : i32
    %dma_start3A_192 = tpu.memref_slice %arg8[%add3A_190, %dma_start3A_191] : memref<10240x16xf32, #tpu.memory_space<vmem_shared>> -> memref<32x16xf32, #tpu.memory_space<vmem_shared>>
    %dma_start3A_193 = arith.constant 0 : i32
    %dma_start3A_194 = tpu.memref_slice %arg8[%add3A_190, %dma_start3A_193] : memref<10240x16xf32, #tpu.memory_space<vmem_shared>> -> memref<32x16xf32, #tpu.memory_space<vmem_shared>>
    tpu.enqueue_dma source(%arg7 : memref<32x16xf32, #tpu.memory_space<vmem>>) target(%dma_start3A_194 : memref<32x16xf32, #tpu.memory_space<vmem_shared>>) target_semaphore(%arg11 : memref<!tpu.dma_semaphore, #tpu.memory_space<semaphore_mem>>)
    %add3A_195 = arith.constant 416 : i32
    %add3A_196 = arith.addi %mul3A_116, %add3A_195 : i32
    %dma_start3A_197 = arith.constant 0 : i32
    %dma_start3A_198 = tpu.memref_slice %arg8[%add3A_196, %dma_start3A_197] : memref<10240x16xf32, #tpu.memory_space<vmem_shared>> -> memref<32x16xf32, #tpu.memory_space<vmem_shared>>
    %dma_start3A_199 = arith.constant 0 : i32
    %dma_start3A_200 = tpu.memref_slice %arg8[%add3A_196, %dma_start3A_199] : memref<10240x16xf32, #tpu.memory_space<vmem_shared>> -> memref<32x16xf32, #tpu.memory_space<vmem_shared>>
    tpu.enqueue_dma source(%arg7 : memref<32x16xf32, #tpu.memory_space<vmem>>) target(%dma_start3A_200 : memref<32x16xf32, #tpu.memory_space<vmem_shared>>) target_semaphore(%arg11 : memref<!tpu.dma_semaphore, #tpu.memory_space<semaphore_mem>>)
    %add3A_201 = arith.constant 448 : i32
    %add3A_202 = arith.addi %mul3A_116, %add3A_201 : i32
    %dma_start3A_203 = arith.constant 0 : i32
    %dma_start3A_204 = tpu.memref_slice %arg8[%add3A_202, %dma_start3A_203] : memref<10240x16xf32, #tpu.memory_space<vmem_shared>> -> memref<32x16xf32, #tpu.memory_space<vmem_shared>>
    %dma_start3A_205 = arith.constant 0 : i32
    %dma_start3A_206 = tpu.memref_slice %arg8[%add3A_202, %dma_start3A_205] : memref<10240x16xf32, #tpu.memory_space<vmem_shared>> -> memref<32x16xf32, #tpu.memory_space<vmem_shared>>
    tpu.enqueue_dma source(%arg7 : memref<32x16xf32, #tpu.memory_space<vmem>>) target(%dma_start3A_206 : memref<32x16xf32, #tpu.memory_space<vmem_shared>>) target_semaphore(%arg11 : memref<!tpu.dma_semaphore, #tpu.memory_space<semaphore_mem>>)
    %add3A_207 = arith.constant 480 : i32
    %add3A_208 = arith.addi %mul3A_116, %add3A_207 : i32
    %dma_start3A_209 = arith.constant 0 : i32
    %dma_start3A_210 = tpu.memref_slice %arg8[%add3A_208, %dma_start3A_209] : memref<10240x16xf32, #tpu.memory_space<vmem_shared>> -> memref<32x16xf32, #tpu.memory_space<vmem_shared>>
    %dma_start3A_211 = arith.constant 0 : i32
    %dma_start3A_212 = tpu.memref_slice %arg8[%add3A_208, %dma_start3A_211] : memref<10240x16xf32, #tpu.memory_space<vmem_shared>> -> memref<32x16xf32, #tpu.memory_space<vmem_shared>>
    tpu.enqueue_dma source(%arg7 : memref<32x16xf32, #tpu.memory_space<vmem>>) target(%dma_start3A_212 : memref<32x16xf32, #tpu.memory_space<vmem_shared>>) target_semaphore(%arg11 : memref<!tpu.dma_semaphore, #tpu.memory_space<semaphore_mem>>)
    %add3A_213 = arith.constant 512 : i32
    %add3A_214 = arith.addi %mul3A_116, %add3A_213 : i32
    %dma_start3A_215 = arith.constant 0 : i32
    %dma_start3A_216 = tpu.memref_slice %arg8[%add3A_214, %dma_start3A_215] : memref<10240x16xf32, #tpu.memory_space<vmem_shared>> -> memref<32x16xf32, #tpu.memory_space<vmem_shared>>
    %dma_start3A_217 = arith.constant 0 : i32
    %dma_start3A_218 = tpu.memref_slice %arg8[%add3A_214, %dma_start3A_217] : memref<10240x16xf32, #tpu.memory_space<vmem_shared>> -> memref<32x16xf32, #tpu.memory_space<vmem_shared>>
    tpu.enqueue_dma source(%arg7 : memref<32x16xf32, #tpu.memory_space<vmem>>) target(%dma_start3A_218 : memref<32x16xf32, #tpu.memory_space<vmem_shared>>) target_semaphore(%arg11 : memref<!tpu.dma_semaphore, #tpu.memory_space<semaphore_mem>>)
    %add3A_219 = arith.constant 544 : i32
    %add3A_220 = arith.addi %mul3A_116, %add3A_219 : i32
    %dma_start3A_221 = arith.constant 0 : i32
    %dma_start3A_222 = tpu.memref_slice %arg8[%add3A_220, %dma_start3A_221] : memref<10240x16xf32, #tpu.memory_space<vmem_shared>> -> memref<32x16xf32, #tpu.memory_space<vmem_shared>>
    %dma_start3A_223 = arith.constant 0 : i32
    %dma_start3A_224 = tpu.memref_slice %arg8[%add3A_220, %dma_start3A_223] : memref<10240x16xf32, #tpu.memory_space<vmem_shared>> -> memref<32x16xf32, #tpu.memory_space<vmem_shared>>
    tpu.enqueue_dma source(%arg7 : memref<32x16xf32, #tpu.memory_space<vmem>>) target(%dma_start3A_224 : memref<32x16xf32, #tpu.memory_space<vmem_shared>>) target_semaphore(%arg11 : memref<!tpu.dma_semaphore, #tpu.memory_space<semaphore_mem>>)
    %add3A_225 = arith.constant 576 : i32
    %add3A_226 = arith.addi %mul3A_116, %add3A_225 : i32
    %dma_start3A_227 = arith.constant 0 : i32
    %dma_start3A_228 = tpu.memref_slice %arg8[%add3A_226, %dma_start3A_227] : memref<10240x16xf32, #tpu.memory_space<vmem_shared>> -> memref<32x16xf32, #tpu.memory_space<vmem_shared>>
    %dma_start3A_229 = arith.constant 0 : i32
    %dma_start3A_230 = tpu.memref_slice %arg8[%add3A_226, %dma_start3A_229] : memref<10240x16xf32, #tpu.memory_space<vmem_shared>> -> memref<32x16xf32, #tpu.memory_space<vmem_shared>>
    tpu.enqueue_dma source(%arg7 : memref<32x16xf32, #tpu.memory_space<vmem>>) target(%dma_start3A_230 : memref<32x16xf32, #tpu.memory_space<vmem_shared>>) target_semaphore(%arg11 : memref<!tpu.dma_semaphore, #tpu.memory_space<semaphore_mem>>)
    %add3A_231 = arith.constant 608 : i32
    %add3A_232 = arith.addi %mul3A_116, %add3A_231 : i32
    %dma_start3A_233 = arith.constant 0 : i32
    %dma_start3A_234 = tpu.memref_slice %arg8[%add3A_232, %dma_start3A_233] : memref<10240x16xf32, #tpu.memory_space<vmem_shared>> -> memref<32x16xf32, #tpu.memory_space<vmem_shared>>
    %dma_start3A_235 = arith.constant 0 : i32
    %dma_start3A_236 = tpu.memref_slice %arg8[%add3A_232, %dma_start3A_235] : memref<10240x16xf32, #tpu.memory_space<vmem_shared>> -> memref<32x16xf32, #tpu.memory_space<vmem_shared>>
    tpu.enqueue_dma source(%arg7 : memref<32x16xf32, #tpu.memory_space<vmem>>) target(%dma_start3A_236 : memref<32x16xf32, #tpu.memory_space<vmem_shared>>) target_semaphore(%arg11 : memref<!tpu.dma_semaphore, #tpu.memory_space<semaphore_mem>>)
    %dma_wait3A = arith.constant 0 : i32
    %dma_wait3A_237 = tpu.memref_slice %arg8[%mul3A_116, %dma_wait3A] : memref<10240x16xf32, #tpu.memory_space<vmem_shared>> -> memref<32x16xf32, #tpu.memory_space<vmem_shared>>
    %dma_wait3A_238 = arith.constant 0 : i32
    %dma_wait3A_239 = tpu.memref_slice %arg8[%mul3A_116, %dma_wait3A_238] : memref<10240x16xf32, #tpu.memory_space<vmem_shared>> -> memref<32x16xf32, #tpu.memory_space<vmem_shared>>
    tpu.wait_dma2 semaphore(%arg11 : memref<!tpu.dma_semaphore, #tpu.memory_space<semaphore_mem>>) src(%arg7 : memref<32x16xf32, #tpu.memory_space<vmem>>) dst(%dma_wait3A_239 : memref<32x16xf32, #tpu.memory_space<vmem_shared>>)
    %dma_wait3A_240 = arith.constant 0 : i32
    %dma_wait3A_241 = tpu.memref_slice %arg8[%mul3A_116, %dma_wait3A_240] : memref<10240x16xf32, #tpu.memory_space<vmem_shared>> -> memref<32x16xf32, #tpu.memory_space<vmem_shared>>
    %dma_wait3A_242 = arith.constant 0 : i32
    %dma_wait3A_243 = tpu.memref_slice %arg8[%mul3A_116, %dma_wait3A_242] : memref<10240x16xf32, #tpu.memory_space<vmem_shared>> -> memref<32x16xf32, #tpu.memory_space<vmem_shared>>
    tpu.wait_dma2 semaphore(%arg11 : memref<!tpu.dma_semaphore, #tpu.memory_space<semaphore_mem>>) src(%arg7 : memref<32x16xf32, #tpu.memory_space<vmem>>) dst(%dma_wait3A_243 : memref<32x16xf32, #tpu.memory_space<vmem_shared>>)
    %dma_wait3A_244 = arith.constant 0 : i32
    %dma_wait3A_245 = tpu.memref_slice %arg8[%mul3A_116, %dma_wait3A_244] : memref<10240x16xf32, #tpu.memory_space<vmem_shared>> -> memref<32x16xf32, #tpu.memory_space<vmem_shared>>
    %dma_wait3A_246 = arith.constant 0 : i32
    %dma_wait3A_247 = tpu.memref_slice %arg8[%mul3A_116, %dma_wait3A_246] : memref<10240x16xf32, #tpu.memory_space<vmem_shared>> -> memref<32x16xf32, #tpu.memory_space<vmem_shared>>
    tpu.wait_dma2 semaphore(%arg11 : memref<!tpu.dma_semaphore, #tpu.memory_space<semaphore_mem>>) src(%arg7 : memref<32x16xf32, #tpu.memory_space<vmem>>) dst(%dma_wait3A_247 : memref<32x16xf32, #tpu.memory_space<vmem_shared>>)
    %dma_wait3A_248 = arith.constant 0 : i32
    %dma_wait3A_249 = tpu.memref_slice %arg8[%mul3A_116, %dma_wait3A_248] : memref<10240x16xf32, #tpu.memory_space<vmem_shared>> -> memref<32x16xf32, #tpu.memory_space<vmem_shared>>
    %dma_wait3A_250 = arith.constant 0 : i32
    %dma_wait3A_251 = tpu.memref_slice %arg8[%mul3A_116, %dma_wait3A_250] : memref<10240x16xf32, #tpu.memory_space<vmem_shared>> -> memref<32x16xf32, #tpu.memory_space<vmem_shared>>
    tpu.wait_dma2 semaphore(%arg11 : memref<!tpu.dma_semaphore, #tpu.memory_space<semaphore_mem>>) src(%arg7 : memref<32x16xf32, #tpu.memory_space<vmem>>) dst(%dma_wait3A_251 : memref<32x16xf32, #tpu.memory_space<vmem_shared>>)
    %dma_wait3A_252 = arith.constant 0 : i32
    %dma_wait3A_253 = tpu.memref_slice %arg8[%mul3A_116, %dma_wait3A_252] : memref<10240x16xf32, #tpu.memory_space<vmem_shared>> -> memref<32x16xf32, #tpu.memory_space<vmem_shared>>
    %dma_wait3A_254 = arith.constant 0 : i32
    %dma_wait3A_255 = tpu.memref_slice %arg8[%mul3A_116, %dma_wait3A_254] : memref<10240x16xf32, #tpu.memory_space<vmem_shared>> -> memref<32x16xf32, #tpu.memory_space<vmem_shared>>
    tpu.wait_dma2 semaphore(%arg11 : memref<!tpu.dma_semaphore, #tpu.memory_space<semaphore_mem>>) src(%arg7 : memref<32x16xf32, #tpu.memory_space<vmem>>) dst(%dma_wait3A_255 : memref<32x16xf32, #tpu.memory_space<vmem_shared>>)
    %dma_wait3A_256 = arith.constant 0 : i32
    %dma_wait3A_257 = tpu.memref_slice %arg8[%mul3A_116, %dma_wait3A_256] : memref<10240x16xf32, #tpu.memory_space<vmem_shared>> -> memref<32x16xf32, #tpu.memory_space<vmem_shared>>
    %dma_wait3A_258 = arith.constant 0 : i32
    %dma_wait3A_259 = tpu.memref_slice %arg8[%mul3A_116, %dma_wait3A_258] : memref<10240x16xf32, #tpu.memory_space<vmem_shared>> -> memref<32x16xf32, #tpu.memory_space<vmem_shared>>
    tpu.wait_dma2 semaphore(%arg11 : memref<!tpu.dma_semaphore, #tpu.memory_space<semaphore_mem>>) src(%arg7 : memref<32x16xf32, #tpu.memory_space<vmem>>) dst(%dma_wait3A_259 : memref<32x16xf32, #tpu.memory_space<vmem_shared>>)
    %dma_wait3A_260 = arith.constant 0 : i32
    %dma_wait3A_261 = tpu.memref_slice %arg8[%mul3A_116, %dma_wait3A_260] : memref<10240x16xf32, #tpu.memory_space<vmem_shared>> -> memref<32x16xf32, #tpu.memory_space<vmem_shared>>
    %dma_wait3A_262 = arith.constant 0 : i32
    %dma_wait3A_263 = tpu.memref_slice %arg8[%mul3A_116, %dma_wait3A_262] : memref<10240x16xf32, #tpu.memory_space<vmem_shared>> -> memref<32x16xf32, #tpu.memory_space<vmem_shared>>
    tpu.wait_dma2 semaphore(%arg11 : memref<!tpu.dma_semaphore, #tpu.memory_space<semaphore_mem>>) src(%arg7 : memref<32x16xf32, #tpu.memory_space<vmem>>) dst(%dma_wait3A_263 : memref<32x16xf32, #tpu.memory_space<vmem_shared>>)
    %dma_wait3A_264 = arith.constant 0 : i32
    %dma_wait3A_265 = tpu.memref_slice %arg8[%mul3A_116, %dma_wait3A_264] : memref<10240x16xf32, #tpu.memory_space<vmem_shared>> -> memref<32x16xf32, #tpu.memory_space<vmem_shared>>
    %dma_wait3A_266 = arith.constant 0 : i32
    %dma_wait3A_267 = tpu.memref_slice %arg8[%mul3A_116, %dma_wait3A_266] : memref<10240x16xf32, #tpu.memory_space<vmem_shared>> -> memref<32x16xf32, #tpu.memory_space<vmem_shared>>
    tpu.wait_dma2 semaphore(%arg11 : memref<!tpu.dma_semaphore, #tpu.memory_space<semaphore_mem>>) src(%arg7 : memref<32x16xf32, #tpu.memory_space<vmem>>) dst(%dma_wait3A_267 : memref<32x16xf32, #tpu.memory_space<vmem_shared>>)
    %dma_wait3A_268 = arith.constant 0 : i32
    %dma_wait3A_269 = tpu.memref_slice %arg8[%mul3A_116, %dma_wait3A_268] : memref<10240x16xf32, #tpu.memory_space<vmem_shared>> -> memref<32x16xf32, #tpu.memory_space<vmem_shared>>
    %dma_wait3A_270 = arith.constant 0 : i32
    %dma_wait3A_271 = tpu.memref_slice %arg8[%mul3A_116, %dma_wait3A_270] : memref<10240x16xf32, #tpu.memory_space<vmem_shared>> -> memref<32x16xf32, #tpu.memory_space<vmem_shared>>
    tpu.wait_dma2 semaphore(%arg11 : memref<!tpu.dma_semaphore, #tpu.memory_space<semaphore_mem>>) src(%arg7 : memref<32x16xf32, #tpu.memory_space<vmem>>) dst(%dma_wait3A_271 : memref<32x16xf32, #tpu.memory_space<vmem_shared>>)
    %dma_wait3A_272 = arith.constant 0 : i32
    %dma_wait3A_273 = tpu.memref_slice %arg8[%mul3A_116, %dma_wait3A_272] : memref<10240x16xf32, #tpu.memory_space<vmem_shared>> -> memref<32x16xf32, #tpu.memory_space<vmem_shared>>
    %dma_wait3A_274 = arith.constant 0 : i32
    %dma_wait3A_275 = tpu.memref_slice %arg8[%mul3A_116, %dma_wait3A_274] : memref<10240x16xf32, #tpu.memory_space<vmem_shared>> -> memref<32x16xf32, #tpu.memory_space<vmem_shared>>
    tpu.wait_dma2 semaphore(%arg11 : memref<!tpu.dma_semaphore, #tpu.memory_space<semaphore_mem>>) src(%arg7 : memref<32x16xf32, #tpu.memory_space<vmem>>) dst(%dma_wait3A_275 : memref<32x16xf32, #tpu.memory_space<vmem_shared>>)
    %dma_wait3A_276 = arith.constant 0 : i32
    %dma_wait3A_277 = tpu.memref_slice %arg8[%mul3A_116, %dma_wait3A_276] : memref<10240x16xf32, #tpu.memory_space<vmem_shared>> -> memref<32x16xf32, #tpu.memory_space<vmem_shared>>
    %dma_wait3A_278 = arith.constant 0 : i32
    %dma_wait3A_279 = tpu.memref_slice %arg8[%mul3A_116, %dma_wait3A_278] : memref<10240x16xf32, #tpu.memory_space<vmem_shared>> -> memref<32x16xf32, #tpu.memory_space<vmem_shared>>
    tpu.wait_dma2 semaphore(%arg11 : memref<!tpu.dma_semaphore, #tpu.memory_space<semaphore_mem>>) src(%arg7 : memref<32x16xf32, #tpu.memory_space<vmem>>) dst(%dma_wait3A_279 : memref<32x16xf32, #tpu.memory_space<vmem_shared>>)
    %dma_wait3A_280 = arith.constant 0 : i32
    %dma_wait3A_281 = tpu.memref_slice %arg8[%mul3A_116, %dma_wait3A_280] : memref<10240x16xf32, #tpu.memory_space<vmem_shared>> -> memref<32x16xf32, #tpu.memory_space<vmem_shared>>
    %dma_wait3A_282 = arith.constant 0 : i32
    %dma_wait3A_283 = tpu.memref_slice %arg8[%mul3A_116, %dma_wait3A_282] : memref<10240x16xf32, #tpu.memory_space<vmem_shared>> -> memref<32x16xf32, #tpu.memory_space<vmem_shared>>
    tpu.wait_dma2 semaphore(%arg11 : memref<!tpu.dma_semaphore, #tpu.memory_space<semaphore_mem>>) src(%arg7 : memref<32x16xf32, #tpu.memory_space<vmem>>) dst(%dma_wait3A_283 : memref<32x16xf32, #tpu.memory_space<vmem_shared>>)
    %dma_wait3A_284 = arith.constant 0 : i32
    %dma_wait3A_285 = tpu.memref_slice %arg8[%mul3A_116, %dma_wait3A_284] : memref<10240x16xf32, #tpu.memory_space<vmem_shared>> -> memref<32x16xf32, #tpu.memory_space<vmem_shared>>
    %dma_wait3A_286 = arith.constant 0 : i32
    %dma_wait3A_287 = tpu.memref_slice %arg8[%mul3A_116, %dma_wait3A_286] : memref<10240x16xf32, #tpu.memory_space<vmem_shared>> -> memref<32x16xf32, #tpu.memory_space<vmem_shared>>
    tpu.wait_dma2 semaphore(%arg11 : memref<!tpu.dma_semaphore, #tpu.memory_space<semaphore_mem>>) src(%arg7 : memref<32x16xf32, #tpu.memory_space<vmem>>) dst(%dma_wait3A_287 : memref<32x16xf32, #tpu.memory_space<vmem_shared>>)
    %dma_wait3A_288 = arith.constant 0 : i32
    %dma_wait3A_289 = tpu.memref_slice %arg8[%mul3A_116, %dma_wait3A_288] : memref<10240x16xf32, #tpu.memory_space<vmem_shared>> -> memref<32x16xf32, #tpu.memory_space<vmem_shared>>
    %dma_wait3A_290 = arith.constant 0 : i32
    %dma_wait3A_291 = tpu.memref_slice %arg8[%mul3A_116, %dma_wait3A_290] : memref<10240x16xf32, #tpu.memory_space<vmem_shared>> -> memref<32x16xf32, #tpu.memory_space<vmem_shared>>
    tpu.wait_dma2 semaphore(%arg11 : memref<!tpu.dma_semaphore, #tpu.memory_space<semaphore_mem>>) src(%arg7 : memref<32x16xf32, #tpu.memory_space<vmem>>) dst(%dma_wait3A_291 : memref<32x16xf32, #tpu.memory_space<vmem_shared>>)
    %dma_wait3A_292 = arith.constant 0 : i32
    %dma_wait3A_293 = tpu.memref_slice %arg8[%mul3A_116, %dma_wait3A_292] : memref<10240x16xf32, #tpu.memory_space<vmem_shared>> -> memref<32x16xf32, #tpu.memory_space<vmem_shared>>
    %dma_wait3A_294 = arith.constant 0 : i32
    %dma_wait3A_295 = tpu.memref_slice %arg8[%mul3A_116, %dma_wait3A_294] : memref<10240x16xf32, #tpu.memory_space<vmem_shared>> -> memref<32x16xf32, #tpu.memory_space<vmem_shared>>
    tpu.wait_dma2 semaphore(%arg11 : memref<!tpu.dma_semaphore, #tpu.memory_space<semaphore_mem>>) src(%arg7 : memref<32x16xf32, #tpu.memory_space<vmem>>) dst(%dma_wait3A_295 : memref<32x16xf32, #tpu.memory_space<vmem_shared>>)
    %dma_wait3A_296 = arith.constant 0 : i32
    %dma_wait3A_297 = tpu.memref_slice %arg8[%mul3A_116, %dma_wait3A_296] : memref<10240x16xf32, #tpu.memory_space<vmem_shared>> -> memref<32x16xf32, #tpu.memory_space<vmem_shared>>
    %dma_wait3A_298 = arith.constant 0 : i32
    %dma_wait3A_299 = tpu.memref_slice %arg8[%mul3A_116, %dma_wait3A_298] : memref<10240x16xf32, #tpu.memory_space<vmem_shared>> -> memref<32x16xf32, #tpu.memory_space<vmem_shared>>
    tpu.wait_dma2 semaphore(%arg11 : memref<!tpu.dma_semaphore, #tpu.memory_space<semaphore_mem>>) src(%arg7 : memref<32x16xf32, #tpu.memory_space<vmem>>) dst(%dma_wait3A_299 : memref<32x16xf32, #tpu.memory_space<vmem_shared>>)
    %dma_wait3A_300 = arith.constant 0 : i32
    %dma_wait3A_301 = tpu.memref_slice %arg8[%mul3A_116, %dma_wait3A_300] : memref<10240x16xf32, #tpu.memory_space<vmem_shared>> -> memref<32x16xf32, #tpu.memory_space<vmem_shared>>
    %dma_wait3A_302 = arith.constant 0 : i32
    %dma_wait3A_303 = tpu.memref_slice %arg8[%mul3A_116, %dma_wait3A_302] : memref<10240x16xf32, #tpu.memory_space<vmem_shared>> -> memref<32x16xf32, #tpu.memory_space<vmem_shared>>
    tpu.wait_dma2 semaphore(%arg11 : memref<!tpu.dma_semaphore, #tpu.memory_space<semaphore_mem>>) src(%arg7 : memref<32x16xf32, #tpu.memory_space<vmem>>) dst(%dma_wait3A_303 : memref<32x16xf32, #tpu.memory_space<vmem_shared>>)
    %dma_wait3A_304 = arith.constant 0 : i32
    %dma_wait3A_305 = tpu.memref_slice %arg8[%mul3A_116, %dma_wait3A_304] : memref<10240x16xf32, #tpu.memory_space<vmem_shared>> -> memref<32x16xf32, #tpu.memory_space<vmem_shared>>
    %dma_wait3A_306 = arith.constant 0 : i32
    %dma_wait3A_307 = tpu.memref_slice %arg8[%mul3A_116, %dma_wait3A_306] : memref<10240x16xf32, #tpu.memory_space<vmem_shared>> -> memref<32x16xf32, #tpu.memory_space<vmem_shared>>
    tpu.wait_dma2 semaphore(%arg11 : memref<!tpu.dma_semaphore, #tpu.memory_space<semaphore_mem>>) src(%arg7 : memref<32x16xf32, #tpu.memory_space<vmem>>) dst(%dma_wait3A_307 : memref<32x16xf32, #tpu.memory_space<vmem_shared>>)
    %dma_wait3A_308 = arith.constant 0 : i32
    %dma_wait3A_309 = tpu.memref_slice %arg8[%mul3A_116, %dma_wait3A_308] : memref<10240x16xf32, #tpu.memory_space<vmem_shared>> -> memref<32x16xf32, #tpu.memory_space<vmem_shared>>
    %dma_wait3A_310 = arith.constant 0 : i32
    %dma_wait3A_311 = tpu.memref_slice %arg8[%mul3A_116, %dma_wait3A_310] : memref<10240x16xf32, #tpu.memory_space<vmem_shared>> -> memref<32x16xf32, #tpu.memory_space<vmem_shared>>
    tpu.wait_dma2 semaphore(%arg11 : memref<!tpu.dma_semaphore, #tpu.memory_space<semaphore_mem>>) src(%arg7 : memref<32x16xf32, #tpu.memory_space<vmem>>) dst(%dma_wait3A_311 : memref<32x16xf32, #tpu.memory_space<vmem_shared>>)
    %dma_wait3A_312 = arith.constant 0 : i32
    %dma_wait3A_313 = tpu.memref_slice %arg8[%mul3A_116, %dma_wait3A_312] : memref<10240x16xf32, #tpu.memory_space<vmem_shared>> -> memref<32x16xf32, #tpu.memory_space<vmem_shared>>
    %dma_wait3A_314 = arith.constant 0 : i32
    %dma_wait3A_315 = tpu.memref_slice %arg8[%mul3A_116, %dma_wait3A_314] : memref<10240x16xf32, #tpu.memory_space<vmem_shared>> -> memref<32x16xf32, #tpu.memory_space<vmem_shared>>
    tpu.wait_dma2 semaphore(%arg11 : memref<!tpu.dma_semaphore, #tpu.memory_space<semaphore_mem>>) src(%arg7 : memref<32x16xf32, #tpu.memory_space<vmem>>) dst(%dma_wait3A_315 : memref<32x16xf32, #tpu.memory_space<vmem_shared>>)
    %barrier3A = arith.constant 0 : index
    tpu.barrier barrier_id(%barrier3A)
    %dma_wait3A_316 = arith.constant 0 : i32
    %dma_wait3A_317 = arith.constant 0 : i32
    %dma_wait3A_318 = arith.constant 0 : i32
    %dma_wait3A_319 = arith.constant 0 : i32
    %dma_wait3A_320 = arith.constant 0 : i32
    %dma_wait3A_321 = tpu.memref_slice %arg5[%dma_wait3A_318, %dma_wait3A_319, %dma_wait3A_320] : memref<12x2x128xi32, #tpu.memory_space<vmem>> -> memref<1x2x128xi32, #tpu.memory_space<vmem>>
    %dma_wait3A_322 = tpu.memref_squeeze %dma_wait3A_321 : memref<1x2x128xi32, #tpu.memory_space<vmem>> -> memref<2x128xi32, #tpu.memory_space<vmem>>
    %dma_wait3A_323 = arith.constant 0 : i32
    %dma_wait3A_324 = arith.constant 0 : i32
    %dma_wait3A_325 = tpu.memref_slice %arg3[%dma_wait3A_316, %dma_wait3A_317, %dma_wait3A_323, %dma_wait3A_324] : memref<32x79x2x128xi32, #tpu.memory_space<hbm>> -> memref<1x1x2x128xi32, #tpu.memory_space<hbm>>
    %dma_wait3A_326 = tpu.memref_squeeze %dma_wait3A_325 : memref<1x1x2x128xi32, #tpu.memory_space<hbm>> -> memref<2x128xi32, #tpu.memory_space<hbm>>
    %dma_wait3A_327 = arith.constant 0 : i32
    %dma_wait3A_328 = arith.constant 0 : i32
    %dma_wait3A_329 = tpu.memref_slice %arg5[%dma_wait3A_318, %dma_wait3A_327, %dma_wait3A_328] : memref<12x2x128xi32, #tpu.memory_space<vmem>> -> memref<1x2x128xi32, #tpu.memory_space<vmem>>
    %dma_wait3A_330 = tpu.memref_squeeze %dma_wait3A_329 : memref<1x2x128xi32, #tpu.memory_space<vmem>> -> memref<2x128xi32, #tpu.memory_space<vmem>>
    %dma_wait3A_331 = arith.constant 0 : i32
    %dma_wait3A_332 = arith.constant 0 : i32
    %dma_wait3A_333 = tpu.memref_slice %arg3[%dma_wait3A_316, %dma_wait3A_317, %dma_wait3A_331, %dma_wait3A_332] : memref<32x79x2x128xi32, #tpu.memory_space<hbm>> -> memref<1x1x2x128xi32, #tpu.memory_space<hbm>>
    %dma_wait3A_334 = tpu.memref_squeeze %dma_wait3A_333 : memref<1x1x2x128xi32, #tpu.memory_space<hbm>> -> memref<2x128xi32, #tpu.memory_space<hbm>>
    tpu.wait_dma2 semaphore(%arg9 : memref<!tpu.dma_semaphore, #tpu.memory_space<semaphore_mem>>) src(%dma_wait3A_334 : memref<2x128xi32, #tpu.memory_space<hbm>>) dst(%dma_wait3A_330 : memref<2x128xi32, #tpu.memory_space<vmem>>)
    %dma_start3A_335 = arith.constant 0 : i32
    %dma_start3A_336 = arith.constant 0 : i32
    %dma_start3A_337 = arith.constant 0 : i32
    %dma_start3A_338 = arith.constant 0 : i32
    %dma_start3A_339 = arith.constant 0 : i32
    %dma_start3A_340 = tpu.memref_slice %arg6[%dma_start3A_337, %dma_start3A_338, %dma_start3A_339] : memref<10x128x16xf32, #tpu.memory_space<vmem>> -> memref<1x128x16xf32, #tpu.memory_space<vmem>>
    %dma_start3A_341 = tpu.memref_squeeze %dma_start3A_340 : memref<1x128x16xf32, #tpu.memory_space<vmem>> -> memref<128x16xf32, #tpu.memory_space<vmem>>
    %dma_start3A_342 = arith.constant 0 : i32
    %dma_start3A_343 = tpu.memref_slice %arg5[%dma_start3A_335, %dma_start3A_336, %dma_start3A_342] : memref<12x2x128xi32, #tpu.memory_space<vmem>> -> memref<1x1x128xi32, #tpu.memory_space<vmem>>
    %dma_start3A_344 = tpu.memref_squeeze %dma_start3A_343 : memref<1x1x128xi32, #tpu.memory_space<vmem>> -> memref<128xi32, #tpu.memory_space<vmem>>
    %dma_start3A_345 = arith.constant 0 : i32
    %dma_start3A_346 = arith.constant 0 : i32
    %dma_start3A_347 = tpu.memref_slice %arg2[%dma_start3A_345, %dma_start3A_346] : memref<10240x16xf32, #tpu.memory_space<hbm>> -> memref<10240x16xf32, #tpu.memory_space<hbm>>
    tpu.enqueue_indirect_dma source(%dma_start3A_347 : memref<10240x16xf32, #tpu.memory_space<hbm>>) target(%dma_start3A_341 : memref<128x16xf32, #tpu.memory_space<vmem>>) offsets(%dma_start3A_344 : memref<128xi32, #tpu.memory_space<vmem>>) semaphore(%arg10 : memref<!tpu.dma_semaphore, #tpu.memory_space<semaphore_mem>>)
    %dma_wait3A_348 = arith.constant 0 : i32
    %dma_wait3A_349 = arith.constant 0 : i32
    %dma_wait3A_350 = arith.constant 0 : i32
    %dma_wait3A_351 = arith.constant 0 : i32
    %dma_wait3A_352 = arith.constant 0 : i32
    %dma_wait3A_353 = tpu.memref_slice %arg5[%dma_wait3A_350, %dma_wait3A_351, %dma_wait3A_352] : memref<12x2x128xi32, #tpu.memory_space<vmem>> -> memref<1x2x128xi32, #tpu.memory_space<vmem>>
    %dma_wait3A_354 = tpu.memref_squeeze %dma_wait3A_353 : memref<1x2x128xi32, #tpu.memory_space<vmem>> -> memref<2x128xi32, #tpu.memory_space<vmem>>
    %dma_wait3A_355 = arith.constant 0 : i32
    %dma_wait3A_356 = arith.constant 0 : i32
    %dma_wait3A_357 = tpu.memref_slice %arg3[%dma_wait3A_348, %dma_wait3A_349, %dma_wait3A_355, %dma_wait3A_356] : memref<32x79x2x128xi32, #tpu.memory_space<hbm>> -> memref<1x1x2x128xi32, #tpu.memory_space<hbm>>
    %dma_wait3A_358 = tpu.memref_squeeze %dma_wait3A_357 : memref<1x1x2x128xi32, #tpu.memory_space<hbm>> -> memref<2x128xi32, #tpu.memory_space<hbm>>
    %dma_wait3A_359 = arith.constant 0 : i32
    %dma_wait3A_360 = arith.constant 0 : i32
    %dma_wait3A_361 = tpu.memref_slice %arg5[%dma_wait3A_350, %dma_wait3A_359, %dma_wait3A_360] : memref<12x2x128xi32, #tpu.memory_space<vmem>> -> memref<1x2x128xi32, #tpu.memory_space<vmem>>
    %dma_wait3A_362 = tpu.memref_squeeze %dma_wait3A_361 : memref<1x2x128xi32, #tpu.memory_space<vmem>> -> memref<2x128xi32, #tpu.memory_space<vmem>>
    %dma_wait3A_363 = arith.constant 0 : i32
    %dma_wait3A_364 = arith.constant 0 : i32
    %dma_wait3A_365 = tpu.memref_slice %arg3[%dma_wait3A_348, %dma_wait3A_349, %dma_wait3A_363, %dma_wait3A_364] : memref<32x79x2x128xi32, #tpu.memory_space<hbm>> -> memref<1x1x2x128xi32, #tpu.memory_space<hbm>>
    %dma_wait3A_366 = tpu.memref_squeeze %dma_wait3A_365 : memref<1x1x2x128xi32, #tpu.memory_space<hbm>> -> memref<2x128xi32, #tpu.memory_space<hbm>>
    tpu.wait_dma2 semaphore(%arg9 : memref<!tpu.dma_semaphore, #tpu.memory_space<semaphore_mem>>) src(%dma_wait3A_366 : memref<2x128xi32, #tpu.memory_space<hbm>>) dst(%dma_wait3A_362 : memref<2x128xi32, #tpu.memory_space<vmem>>)
    %dma_start3A_367 = arith.constant 1 : i32
    %dma_start3A_368 = arith.constant 0 : i32
    %dma_start3A_369 = arith.constant 1 : i32
    %dma_start3A_370 = arith.constant 0 : i32
    %dma_start3A_371 = arith.constant 0 : i32
    %dma_start3A_372 = tpu.memref_slice %arg6[%dma_start3A_369, %dma_start3A_370, %dma_start3A_371] : memref<10x128x16xf32, #tpu.memory_space<vmem>> -> memref<1x128x16xf32, #tpu.memory_space<vmem>>
    %dma_start3A_373 = tpu.memref_squeeze %dma_start3A_372 : memref<1x128x16xf32, #tpu.memory_space<vmem>> -> memref<128x16xf32, #tpu.memory_space<vmem>>
    %dma_start3A_374 = arith.constant 0 : i32
    %dma_start3A_375 = tpu.memref_slice %arg5[%dma_start3A_367, %dma_start3A_368, %dma_start3A_374] : memref<12x2x128xi32, #tpu.memory_space<vmem>> -> memref<1x1x128xi32, #tpu.memory_space<vmem>>
    %dma_start3A_376 = tpu.memref_squeeze %dma_start3A_375 : memref<1x1x128xi32, #tpu.memory_space<vmem>> -> memref<128xi32, #tpu.memory_space<vmem>>
    %dma_start3A_377 = arith.constant 0 : i32
    %dma_start3A_378 = arith.constant 0 : i32
    %dma_start3A_379 = tpu.memref_slice %arg2[%dma_start3A_377, %dma_start3A_378] : memref<10240x16xf32, #tpu.memory_space<hbm>> -> memref<10240x16xf32, #tpu.memory_space<hbm>>
    tpu.enqueue_indirect_dma source(%dma_start3A_379 : memref<10240x16xf32, #tpu.memory_space<hbm>>) target(%dma_start3A_373 : memref<128x16xf32, #tpu.memory_space<vmem>>) offsets(%dma_start3A_376 : memref<128xi32, #tpu.memory_space<vmem>>) semaphore(%arg10 : memref<!tpu.dma_semaphore, #tpu.memory_space<semaphore_mem>>)
    %dma_wait3A_380 = arith.constant 0 : i32
    %dma_wait3A_381 = arith.constant 0 : i32
    %dma_wait3A_382 = arith.constant 0 : i32
    %dma_wait3A_383 = arith.constant 0 : i32
    %dma_wait3A_384 = arith.constant 0 : i32
    %dma_wait3A_385 = tpu.memref_slice %arg5[%dma_wait3A_382, %dma_wait3A_383, %dma_wait3A_384] : memref<12x2x128xi32, #tpu.memory_space<vmem>> -> memref<1x2x128xi32, #tpu.memory_space<vmem>>
    %dma_wait3A_386 = tpu.memref_squeeze %dma_wait3A_385 : memref<1x2x128xi32, #tpu.memory_space<vmem>> -> memref<2x128xi32, #tpu.memory_space<vmem>>
    %dma_wait3A_387 = arith.constant 0 : i32
    %dma_wait3A_388 = arith.constant 0 : i32
    %dma_wait3A_389 = tpu.memref_slice %arg3[%dma_wait3A_380, %dma_wait3A_381, %dma_wait3A_387, %dma_wait3A_388] : memref<32x79x2x128xi32, #tpu.memory_space<hbm>> -> memref<1x1x2x128xi32, #tpu.memory_space<hbm>>
    %dma_wait3A_390 = tpu.memref_squeeze %dma_wait3A_389 : memref<1x1x2x128xi32, #tpu.memory_space<hbm>> -> memref<2x128xi32, #tpu.memory_space<hbm>>
    %dma_wait3A_391 = arith.constant 0 : i32
    %dma_wait3A_392 = arith.constant 0 : i32
    %dma_wait3A_393 = tpu.memref_slice %arg5[%dma_wait3A_382, %dma_wait3A_391, %dma_wait3A_392] : memref<12x2x128xi32, #tpu.memory_space<vmem>> -> memref<1x2x128xi32, #tpu.memory_space<vmem>>
    %dma_wait3A_394 = tpu.memref_squeeze %dma_wait3A_393 : memref<1x2x128xi32, #tpu.memory_space<vmem>> -> memref<2x128xi32, #tpu.memory_space<vmem>>
    %dma_wait3A_395 = arith.constant 0 : i32
    %dma_wait3A_396 = arith.constant 0 : i32
    %dma_wait3A_397 = tpu.memref_slice %arg3[%dma_wait3A_380, %dma_wait3A_381, %dma_wait3A_395, %dma_wait3A_396] : memref<32x79x2x128xi32, #tpu.memory_space<hbm>> -> memref<1x1x2x128xi32, #tpu.memory_space<hbm>>
    %dma_wait3A_398 = tpu.memref_squeeze %dma_wait3A_397 : memref<1x1x2x128xi32, #tpu.memory_space<hbm>> -> memref<2x128xi32, #tpu.memory_space<hbm>>
    tpu.wait_dma2 semaphore(%arg9 : memref<!tpu.dma_semaphore, #tpu.memory_space<semaphore_mem>>) src(%dma_wait3A_398 : memref<2x128xi32, #tpu.memory_space<hbm>>) dst(%dma_wait3A_394 : memref<2x128xi32, #tpu.memory_space<vmem>>)
    %dma_start3A_399 = arith.constant 2 : i32
    %dma_start3A_400 = arith.constant 0 : i32
    %dma_start3A_401 = arith.constant 2 : i32
    %dma_start3A_402 = arith.constant 0 : i32
    %dma_start3A_403 = arith.constant 0 : i32
    %dma_start3A_404 = tpu.memref_slice %arg6[%dma_start3A_401, %dma_start3A_402, %dma_start3A_403] : memref<10x128x16xf32, #tpu.memory_space<vmem>> -> memref<1x128x16xf32, #tpu.memory_space<vmem>>
    %dma_start3A_405 = tpu.memref_squeeze %dma_start3A_404 : memref<1x128x16xf32, #tpu.memory_space<vmem>> -> memref<128x16xf32, #tpu.memory_space<vmem>>
    %dma_start3A_406 = arith.constant 0 : i32
    %dma_start3A_407 = tpu.memref_slice %arg5[%dma_start3A_399, %dma_start3A_400, %dma_start3A_406] : memref<12x2x128xi32, #tpu.memory_space<vmem>> -> memref<1x1x128xi32, #tpu.memory_space<vmem>>
    %dma_start3A_408 = tpu.memref_squeeze %dma_start3A_407 : memref<1x1x128xi32, #tpu.memory_space<vmem>> -> memref<128xi32, #tpu.memory_space<vmem>>
    %dma_start3A_409 = arith.constant 0 : i32
    %dma_start3A_410 = arith.constant 0 : i32
    %dma_start3A_411 = tpu.memref_slice %arg2[%dma_start3A_409, %dma_start3A_410] : memref<10240x16xf32, #tpu.memory_space<hbm>> -> memref<10240x16xf32, #tpu.memory_space<hbm>>
    tpu.enqueue_indirect_dma source(%dma_start3A_411 : memref<10240x16xf32, #tpu.memory_space<hbm>>) target(%dma_start3A_405 : memref<128x16xf32, #tpu.memory_space<vmem>>) offsets(%dma_start3A_408 : memref<128xi32, #tpu.memory_space<vmem>>) semaphore(%arg10 : memref<!tpu.dma_semaphore, #tpu.memory_space<semaphore_mem>>)
    %dma_wait3A_412 = arith.constant 0 : i32
    %dma_wait3A_413 = arith.constant 0 : i32
    %dma_wait3A_414 = arith.constant 0 : i32
    %dma_wait3A_415 = arith.constant 0 : i32
    %dma_wait3A_416 = arith.constant 0 : i32
    %dma_wait3A_417 = tpu.memref_slice %arg5[%dma_wait3A_414, %dma_wait3A_415, %dma_wait3A_416] : memref<12x2x128xi32, #tpu.memory_space<vmem>> -> memref<1x2x128xi32, #tpu.memory_space<vmem>>
    %dma_wait3A_418 = tpu.memref_squeeze %dma_wait3A_417 : memref<1x2x128xi32, #tpu.memory_space<vmem>> -> memref<2x128xi32, #tpu.memory_space<vmem>>
    %dma_wait3A_419 = arith.constant 0 : i32
    %dma_wait3A_420 = arith.constant 0 : i32
    %dma_wait3A_421 = tpu.memref_slice %arg3[%dma_wait3A_412, %dma_wait3A_413, %dma_wait3A_419, %dma_wait3A_420] : memref<32x79x2x128xi32, #tpu.memory_space<hbm>> -> memref<1x1x2x128xi32, #tpu.memory_space<hbm>>
    %dma_wait3A_422 = tpu.memref_squeeze %dma_wait3A_421 : memref<1x1x2x128xi32, #tpu.memory_space<hbm>> -> memref<2x128xi32, #tpu.memory_space<hbm>>
    %dma_wait3A_423 = arith.constant 0 : i32
    %dma_wait3A_424 = arith.constant 0 : i32
    %dma_wait3A_425 = tpu.memref_slice %arg5[%dma_wait3A_414, %dma_wait3A_423, %dma_wait3A_424] : memref<12x2x128xi32, #tpu.memory_space<vmem>> -> memref<1x2x128xi32, #tpu.memory_space<vmem>>
    %dma_wait3A_426 = tpu.memref_squeeze %dma_wait3A_425 : memref<1x2x128xi32, #tpu.memory_space<vmem>> -> memref<2x128xi32, #tpu.memory_space<vmem>>
    %dma_wait3A_427 = arith.constant 0 : i32
    %dma_wait3A_428 = arith.constant 0 : i32
    %dma_wait3A_429 = tpu.memref_slice %arg3[%dma_wait3A_412, %dma_wait3A_413, %dma_wait3A_427, %dma_wait3A_428] : memref<32x79x2x128xi32, #tpu.memory_space<hbm>> -> memref<1x1x2x128xi32, #tpu.memory_space<hbm>>
    %dma_wait3A_430 = tpu.memref_squeeze %dma_wait3A_429 : memref<1x1x2x128xi32, #tpu.memory_space<hbm>> -> memref<2x128xi32, #tpu.memory_space<hbm>>
    tpu.wait_dma2 semaphore(%arg9 : memref<!tpu.dma_semaphore, #tpu.memory_space<semaphore_mem>>) src(%dma_wait3A_430 : memref<2x128xi32, #tpu.memory_space<hbm>>) dst(%dma_wait3A_426 : memref<2x128xi32, #tpu.memory_space<vmem>>)
    %dma_start3A_431 = arith.constant 3 : i32
    %dma_start3A_432 = arith.constant 0 : i32
    %dma_start3A_433 = arith.constant 3 : i32
    %dma_start3A_434 = arith.constant 0 : i32
    %dma_start3A_435 = arith.constant 0 : i32
    %dma_start3A_436 = tpu.memref_slice %arg6[%dma_start3A_433, %dma_start3A_434, %dma_start3A_435] : memref<10x128x16xf32, #tpu.memory_space<vmem>> -> memref<1x128x16xf32, #tpu.memory_space<vmem>>
    %dma_start3A_437 = tpu.memref_squeeze %dma_start3A_436 : memref<1x128x16xf32, #tpu.memory_space<vmem>> -> memref<128x16xf32, #tpu.memory_space<vmem>>
    %dma_start3A_438 = arith.constant 0 : i32
    %dma_start3A_439 = tpu.memref_slice %arg5[%dma_start3A_431, %dma_start3A_432, %dma_start3A_438] : memref<12x2x128xi32, #tpu.memory_space<vmem>> -> memref<1x1x128xi32, #tpu.memory_space<vmem>>
    %dma_start3A_440 = tpu.memref_squeeze %dma_start3A_439 : memref<1x1x128xi32, #tpu.memory_space<vmem>> -> memref<128xi32, #tpu.memory_space<vmem>>
    %dma_start3A_441 = arith.constant 0 : i32
    %dma_start3A_442 = arith.constant 0 : i32
    %dma_start3A_443 = tpu.memref_slice %arg2[%dma_start3A_441, %dma_start3A_442] : memref<10240x16xf32, #tpu.memory_space<hbm>> -> memref<10240x16xf32, #tpu.memory_space<hbm>>
    tpu.enqueue_indirect_dma source(%dma_start3A_443 : memref<10240x16xf32, #tpu.memory_space<hbm>>) target(%dma_start3A_437 : memref<128x16xf32, #tpu.memory_space<vmem>>) offsets(%dma_start3A_440 : memref<128xi32, #tpu.memory_space<vmem>>) semaphore(%arg10 : memref<!tpu.dma_semaphore, #tpu.memory_space<semaphore_mem>>)
    %dma_wait3A_444 = arith.constant 0 : i32
    %dma_wait3A_445 = arith.constant 0 : i32
    %dma_wait3A_446 = arith.constant 0 : i32
    %dma_wait3A_447 = arith.constant 0 : i32
    %dma_wait3A_448 = arith.constant 0 : i32
    %dma_wait3A_449 = tpu.memref_slice %arg5[%dma_wait3A_446, %dma_wait3A_447, %dma_wait3A_448] : memref<12x2x128xi32, #tpu.memory_space<vmem>> -> memref<1x2x128xi32, #tpu.memory_space<vmem>>
    %dma_wait3A_450 = tpu.memref_squeeze %dma_wait3A_449 : memref<1x2x128xi32, #tpu.memory_space<vmem>> -> memref<2x128xi32, #tpu.memory_space<vmem>>
    %dma_wait3A_451 = arith.constant 0 : i32
    %dma_wait3A_452 = arith.constant 0 : i32
    %dma_wait3A_453 = tpu.memref_slice %arg3[%dma_wait3A_444, %dma_wait3A_445, %dma_wait3A_451, %dma_wait3A_452] : memref<32x79x2x128xi32, #tpu.memory_space<hbm>> -> memref<1x1x2x128xi32, #tpu.memory_space<hbm>>
    %dma_wait3A_454 = tpu.memref_squeeze %dma_wait3A_453 : memref<1x1x2x128xi32, #tpu.memory_space<hbm>> -> memref<2x128xi32, #tpu.memory_space<hbm>>
    %dma_wait3A_455 = arith.constant 0 : i32
    %dma_wait3A_456 = arith.constant 0 : i32
    %dma_wait3A_457 = tpu.memref_slice %arg5[%dma_wait3A_446, %dma_wait3A_455, %dma_wait3A_456] : memref<12x2x128xi32, #tpu.memory_space<vmem>> -> memref<1x2x128xi32, #tpu.memory_space<vmem>>
    %dma_wait3A_458 = tpu.memref_squeeze %dma_wait3A_457 : memref<1x2x128xi32, #tpu.memory_space<vmem>> -> memref<2x128xi32, #tpu.memory_space<vmem>>
    %dma_wait3A_459 = arith.constant 0 : i32
    %dma_wait3A_460 = arith.constant 0 : i32
    %dma_wait3A_461 = tpu.memref_slice %arg3[%dma_wait3A_444, %dma_wait3A_445, %dma_wait3A_459, %dma_wait3A_460] : memref<32x79x2x128xi32, #tpu.memory_space<hbm>> -> memref<1x1x2x128xi32, #tpu.memory_space<hbm>>
    %dma_wait3A_462 = tpu.memref_squeeze %dma_wait3A_461 : memref<1x1x2x128xi32, #tpu.memory_space<hbm>> -> memref<2x128xi32, #tpu.memory_space<hbm>>
    tpu.wait_dma2 semaphore(%arg9 : memref<!tpu.dma_semaphore, #tpu.memory_space<semaphore_mem>>) src(%dma_wait3A_462 : memref<2x128xi32, #tpu.memory_space<hbm>>) dst(%dma_wait3A_458 : memref<2x128xi32, #tpu.memory_space<vmem>>)
    %dma_start3A_463 = arith.constant 4 : i32
    %dma_start3A_464 = arith.constant 0 : i32
    %dma_start3A_465 = arith.constant 4 : i32
    %dma_start3A_466 = arith.constant 0 : i32
    %dma_start3A_467 = arith.constant 0 : i32
    %dma_start3A_468 = tpu.memref_slice %arg6[%dma_start3A_465, %dma_start3A_466, %dma_start3A_467] : memref<10x128x16xf32, #tpu.memory_space<vmem>> -> memref<1x128x16xf32, #tpu.memory_space<vmem>>
    %dma_start3A_469 = tpu.memref_squeeze %dma_start3A_468 : memref<1x128x16xf32, #tpu.memory_space<vmem>> -> memref<128x16xf32, #tpu.memory_space<vmem>>
    %dma_start3A_470 = arith.constant 0 : i32
    %dma_start3A_471 = tpu.memref_slice %arg5[%dma_start3A_463, %dma_start3A_464, %dma_start3A_470] : memref<12x2x128xi32, #tpu.memory_space<vmem>> -> memref<1x1x128xi32, #tpu.memory_space<vmem>>
    %dma_start3A_472 = tpu.memref_squeeze %dma_start3A_471 : memref<1x1x128xi32, #tpu.memory_space<vmem>> -> memref<128xi32, #tpu.memory_space<vmem>>
    %dma_start3A_473 = arith.constant 0 : i32
    %dma_start3A_474 = arith.constant 0 : i32
    %dma_start3A_475 = tpu.memref_slice %arg2[%dma_start3A_473, %dma_start3A_474] : memref<10240x16xf32, #tpu.memory_space<hbm>> -> memref<10240x16xf32, #tpu.memory_space<hbm>>
    tpu.enqueue_indirect_dma source(%dma_start3A_475 : memref<10240x16xf32, #tpu.memory_space<hbm>>) target(%dma_start3A_469 : memref<128x16xf32, #tpu.memory_space<vmem>>) offsets(%dma_start3A_472 : memref<128xi32, #tpu.memory_space<vmem>>) semaphore(%arg10 : memref<!tpu.dma_semaphore, #tpu.memory_space<semaphore_mem>>)
    %scan3A_476 = arith.constant 0 : i32
    %scan3A_477 = arith.constant 0 : i32
    %scan3A_478 = arith.constant 79 : i32
    %scan3A_479 = arith.addi %scan3A_477, %scan3A_478 : i32
    %scan3A_480 = arith.constant 1 : i32
    %scan3A_481 = scf.for %scan3A_614 = %scan3A_477 to %scan3A_479 step %scan3A_480 iter_args(%scan3A_615 = %scan3A_476) -> (i32)  : i32 {
      %dma_wait3A_616 = arith.constant 0 : i32
      %dma_wait3A_617 = arith.constant 0 : i32
      %dma_wait3A_618 = arith.constant 0 : i32
      %dma_wait3A_619 = arith.constant 0 : i32
      %dma_wait3A_620 = arith.constant 0 : i32
      %dma_wait3A_621 = tpu.memref_slice %arg6[%dma_wait3A_618, %dma_wait3A_619, %dma_wait3A_620] : memref<10x128x16xf32, #tpu.memory_space<vmem>> -> memref<1x128x16xf32, #tpu.memory_space<vmem>>
      %dma_wait3A_622 = tpu.memref_squeeze %dma_wait3A_621 : memref<1x128x16xf32, #tpu.memory_space<vmem>> -> memref<128x16xf32, #tpu.memory_space<vmem>>
      %dma_wait3A_623 = arith.constant 0 : i32
      %dma_wait3A_624 = tpu.memref_slice %arg5[%dma_wait3A_616, %dma_wait3A_617, %dma_wait3A_623] : memref<12x2x128xi32, #tpu.memory_space<vmem>> -> memref<1x1x128xi32, #tpu.memory_space<vmem>>
      %dma_wait3A_625 = tpu.memref_squeeze %dma_wait3A_624 : memref<1x1x128xi32, #tpu.memory_space<vmem>> -> memref<128xi32, #tpu.memory_space<vmem>>
      %dma_wait3A_626 = arith.constant 0 : i32
      %dma_wait3A_627 = arith.constant 0 : i32
      %dma_wait3A_628 = tpu.memref_slice %arg2[%dma_wait3A_626, %dma_wait3A_627] : memref<10240x16xf32, #tpu.memory_space<hbm>> -> memref<10240x16xf32, #tpu.memory_space<hbm>>
      tpu.wait_indirect_dma semaphore(%arg10 : memref<!tpu.dma_semaphore, #tpu.memory_space<semaphore_mem>>) src(%dma_wait3A_628 : memref<10240x16xf32, #tpu.memory_space<hbm>>) dst(%dma_wait3A_622 : memref<128x16xf32, #tpu.memory_space<vmem>>)
      %jit3A = arith.constant 10 : i32
      %eq3A = arith.constant 0 : i32
      %eq3A_629 = arith.cmpi eq, %jit3A, %eq3A : i32
      %jit3A_630 = arith.constant 1 : i32
      %select_n3A = arith.select %eq3A_629, %jit3A_630, %jit3A : i32
      %rem3A = arith.remsi %scan3A_614, %select_n3A : i32
      %ne3A = arith.constant 0 : i32
      %ne3A_631 = arith.cmpi ne, %rem3A, %ne3A : i32
      %lt3A = arith.constant 0 : i32
      %lt3A_632 = arith.cmpi slt, %rem3A, %lt3A : i32
      %lt3A_633 = arith.constant 0 : i32
      %lt3A_634 = arith.cmpi slt, %select_n3A, %lt3A_633 : i32
      %ne3A_635 = arith.xori %lt3A_632, %lt3A_634 : i1
      %and3A = arith.andi %ne3A_635, %ne3A_631 : i1
      %add3A_636 = arith.addi %rem3A, %select_n3A : i32
      %select_n3A_637 = arith.select %and3A, %add3A_636, %rem3A : i32
      %jit3A_638 = arith.constant 12 : i32
      %eq3A_639 = arith.constant 0 : i32
      %eq3A_640 = arith.cmpi eq, %jit3A_638, %eq3A_639 : i32
      %jit3A_641 = arith.constant 1 : i32
      %select_n3A_642 = arith.select %eq3A_640, %jit3A_641, %jit3A_638 : i32
      %rem3A_643 = arith.remsi %scan3A_614, %select_n3A_642 : i32
      %ne3A_644 = arith.constant 0 : i32
      %ne3A_645 = arith.cmpi ne, %rem3A_643, %ne3A_644 : i32
      %lt3A_646 = arith.constant 0 : i32
      %lt3A_647 = arith.cmpi slt, %rem3A_643, %lt3A_646 : i32
      %lt3A_648 = arith.constant 0 : i32
      %lt3A_649 = arith.cmpi slt, %select_n3A_642, %lt3A_648 : i32
      %ne3A_650 = arith.xori %lt3A_647, %lt3A_649 : i1
      %and3A_651 = arith.andi %ne3A_650, %ne3A_645 : i1
      %add3A_652 = arith.addi %rem3A_643, %select_n3A_642 : i32
      %select_n3A_653 = arith.select %and3A_651, %add3A_652, %rem3A_643 : i32
      %dma_start3A_654 = arith.constant 1 : i32
      %dma_start3A_655 = arith.constant 0 : i32
      %dma_start3A_656 = arith.constant 0 : i32
      %dma_start3A_657 = tpu.memref_slice %arg6[%select_n3A_637, %dma_start3A_655, %dma_start3A_656] : memref<10x128x16xf32, #tpu.memory_space<vmem>> -> memref<1x128x16xf32, #tpu.memory_space<vmem>>
      %dma_start3A_658 = tpu.memref_squeeze %dma_start3A_657 : memref<1x128x16xf32, #tpu.memory_space<vmem>> -> memref<128x16xf32, #tpu.memory_space<vmem>>
      %dma_start3A_659 = arith.constant 0 : i32
      %dma_start3A_660 = tpu.memref_slice %arg5[%select_n3A_653, %dma_start3A_654, %dma_start3A_659] : memref<12x2x128xi32, #tpu.memory_space<vmem>> -> memref<1x1x128xi32, #tpu.memory_space<vmem>>
      %dma_start3A_661 = tpu.memref_squeeze %dma_start3A_660 : memref<1x1x128xi32, #tpu.memory_space<vmem>> -> memref<128xi32, #tpu.memory_space<vmem>>
      %dma_start3A_662 = arith.constant 0 : i32
      %dma_start3A_663 = arith.constant 0 : i32
      %dma_start3A_664 = tpu.memref_slice %arg8[%dma_start3A_662, %dma_start3A_663] : memref<10240x16xf32, #tpu.memory_space<vmem_shared>> -> memref<10240x16xf32, #tpu.memory_space<vmem_shared>>
      tpu.enqueue_indirect_dma source(%dma_start3A_658 : memref<128x16xf32, #tpu.memory_space<vmem>>) target(%dma_start3A_664 : memref<10240x16xf32, #tpu.memory_space<vmem_shared>>) offsets(%dma_start3A_661 : memref<128xi32, #tpu.memory_space<vmem>>) semaphore(%arg11 : memref<!tpu.dma_semaphore, #tpu.memory_space<semaphore_mem>>) {add = true}
      %add3A_665 = arith.constant 5 : i32
      %add3A_666 = arith.addi %scan3A_614, %add3A_665 : i32
      %lt3A_667 = arith.constant 79 : i32
      %lt3A_668 = arith.cmpi slt, %add3A_666, %lt3A_667 : i32
      %convert_element_type3A = arith.extui %lt3A_668 : i1 to i32
      %cond3A = arith.constant 0 : i32
      %cond3A_669 = arith.cmpi ne, %convert_element_type3A, %cond3A : i32
      scf.if %cond3A_669 {
        %dma_wait3A_671 = arith.constant 0 : i32
        %dma_wait3A_672 = arith.constant 0 : i32
        %dma_wait3A_673 = arith.constant 0 : i32
        %dma_wait3A_674 = arith.constant 0 : i32
        %dma_wait3A_675 = arith.constant 0 : i32
        %dma_wait3A_676 = tpu.memref_slice %arg5[%dma_wait3A_673, %dma_wait3A_674, %dma_wait3A_675] : memref<12x2x128xi32, #tpu.memory_space<vmem>> -> memref<1x2x128xi32, #tpu.memory_space<vmem>>
        %dma_wait3A_677 = tpu.memref_squeeze %dma_wait3A_676 : memref<1x2x128xi32, #tpu.memory_space<vmem>> -> memref<2x128xi32, #tpu.memory_space<vmem>>
        %dma_wait3A_678 = arith.constant 0 : i32
        %dma_wait3A_679 = arith.constant 0 : i32
        %dma_wait3A_680 = tpu.memref_slice %arg3[%dma_wait3A_671, %dma_wait3A_672, %dma_wait3A_678, %dma_wait3A_679] : memref<32x79x2x128xi32, #tpu.memory_space<hbm>> -> memref<1x1x2x128xi32, #tpu.memory_space<hbm>>
        %dma_wait3A_681 = tpu.memref_squeeze %dma_wait3A_680 : memref<1x1x2x128xi32, #tpu.memory_space<hbm>> -> memref<2x128xi32, #tpu.memory_space<hbm>>
        %dma_wait3A_682 = arith.constant 0 : i32
        %dma_wait3A_683 = arith.constant 0 : i32
        %dma_wait3A_684 = tpu.memref_slice %arg5[%dma_wait3A_673, %dma_wait3A_682, %dma_wait3A_683] : memref<12x2x128xi32, #tpu.memory_space<vmem>> -> memref<1x2x128xi32, #tpu.memory_space<vmem>>
        %dma_wait3A_685 = tpu.memref_squeeze %dma_wait3A_684 : memref<1x2x128xi32, #tpu.memory_space<vmem>> -> memref<2x128xi32, #tpu.memory_space<vmem>>
        %dma_wait3A_686 = arith.constant 0 : i32
        %dma_wait3A_687 = arith.constant 0 : i32
        %dma_wait3A_688 = tpu.memref_slice %arg3[%dma_wait3A_671, %dma_wait3A_672, %dma_wait3A_686, %dma_wait3A_687] : memref<32x79x2x128xi32, #tpu.memory_space<hbm>> -> memref<1x1x2x128xi32, #tpu.memory_space<hbm>>
        %dma_wait3A_689 = tpu.memref_squeeze %dma_wait3A_688 : memref<1x1x2x128xi32, #tpu.memory_space<hbm>> -> memref<2x128xi32, #tpu.memory_space<hbm>>
        tpu.wait_dma2 semaphore(%arg9 : memref<!tpu.dma_semaphore, #tpu.memory_space<semaphore_mem>>) src(%dma_wait3A_689 : memref<2x128xi32, #tpu.memory_space<hbm>>) dst(%dma_wait3A_685 : memref<2x128xi32, #tpu.memory_space<vmem>>)
        %ge3A = arith.constant 5 : i32
        %ge3A_690 = arith.cmpi sge, %scan3A_614, %ge3A : i32
        %convert_element_type3A_691 = arith.extui %ge3A_690 : i1 to i32
        %cond3A_692 = arith.constant 0 : i32
        %cond3A_693 = arith.cmpi ne, %convert_element_type3A_691, %cond3A_692 : i32
        scf.if %cond3A_693 {
          %dma_wait3A_748 = arith.constant 0 : i32
          %dma_wait3A_749 = arith.constant 0 : i32
          %dma_wait3A_750 = arith.constant 1 : i32
          %dma_wait3A_751 = arith.constant 0 : i32
          %dma_wait3A_752 = arith.constant 0 : i32
          %dma_wait3A_753 = tpu.memref_slice %arg6[%dma_wait3A_748, %dma_wait3A_751, %dma_wait3A_752] : memref<10x128x16xf32, #tpu.memory_space<vmem>> -> memref<1x128x16xf32, #tpu.memory_space<vmem>>
          %dma_wait3A_754 = tpu.memref_squeeze %dma_wait3A_753 : memref<1x128x16xf32, #tpu.memory_space<vmem>> -> memref<128x16xf32, #tpu.memory_space<vmem>>
          %dma_wait3A_755 = arith.constant 0 : i32
          %dma_wait3A_756 = tpu.memref_slice %arg5[%dma_wait3A_749, %dma_wait3A_750, %dma_wait3A_755] : memref<12x2x128xi32, #tpu.memory_space<vmem>> -> memref<1x1x128xi32, #tpu.memory_space<vmem>>
          %dma_wait3A_757 = tpu.memref_squeeze %dma_wait3A_756 : memref<1x1x128xi32, #tpu.memory_space<vmem>> -> memref<128xi32, #tpu.memory_space<vmem>>
          %dma_wait3A_758 = arith.constant 0 : i32
          %dma_wait3A_759 = arith.constant 0 : i32
          %dma_wait3A_760 = tpu.memref_slice %arg8[%dma_wait3A_758, %dma_wait3A_759] : memref<10240x16xf32, #tpu.memory_space<vmem_shared>> -> memref<10240x16xf32, #tpu.memory_space<vmem_shared>>
          tpu.wait_indirect_dma semaphore(%arg11 : memref<!tpu.dma_semaphore, #tpu.memory_space<semaphore_mem>>) src(%dma_wait3A_754 : memref<128x16xf32, #tpu.memory_space<vmem>>) dst(%dma_wait3A_760 : memref<10240x16xf32, #tpu.memory_space<vmem_shared>>)
        } else {
        }
        %add3A_694 = arith.constant 5 : i32
        %add3A_695 = arith.addi %scan3A_614, %add3A_694 : i32
        %jit3A_696 = arith.constant 12 : i32
        %eq3A_697 = arith.constant 0 : i32
        %eq3A_698 = arith.cmpi eq, %jit3A_696, %eq3A_697 : i32
        %jit3A_699 = arith.constant 1 : i32
        %select_n3A_700 = arith.select %eq3A_698, %jit3A_699, %jit3A_696 : i32
        %rem3A_701 = arith.remsi %add3A_695, %select_n3A_700 : i32
        %ne3A_702 = arith.constant 0 : i32
        %ne3A_703 = arith.cmpi ne, %rem3A_701, %ne3A_702 : i32
        %lt3A_704 = arith.constant 0 : i32
        %lt3A_705 = arith.cmpi slt, %rem3A_701, %lt3A_704 : i32
        %lt3A_706 = arith.constant 0 : i32
        %lt3A_707 = arith.cmpi slt, %select_n3A_700, %lt3A_706 : i32
        %ne3A_708 = arith.xori %lt3A_705, %lt3A_707 : i1
        %and3A_709 = arith.andi %ne3A_708, %ne3A_703 : i1
        %add3A_710 = arith.addi %rem3A_701, %select_n3A_700 : i32
        %select_n3A_711 = arith.select %and3A_709, %add3A_710, %rem3A_701 : i32
        %jit3A_712 = arith.constant 10 : i32
        %eq3A_713 = arith.constant 0 : i32
        %eq3A_714 = arith.cmpi eq, %jit3A_712, %eq3A_713 : i32
        %jit3A_715 = arith.constant 1 : i32
        %select_n3A_716 = arith.select %eq3A_714, %jit3A_715, %jit3A_712 : i32
        %rem3A_717 = arith.remsi %add3A_695, %select_n3A_716 : i32
        %ne3A_718 = arith.constant 0 : i32
        %ne3A_719 = arith.cmpi ne, %rem3A_717, %ne3A_718 : i32
        %lt3A_720 = arith.constant 0 : i32
        %lt3A_721 = arith.cmpi slt, %rem3A_717, %lt3A_720 : i32
        %lt3A_722 = arith.constant 0 : i32
        %lt3A_723 = arith.cmpi slt, %select_n3A_716, %lt3A_722 : i32
        %ne3A_724 = arith.xori %lt3A_721, %lt3A_723 : i1
        %and3A_725 = arith.andi %ne3A_724, %ne3A_719 : i1
        %add3A_726 = arith.addi %rem3A_717, %select_n3A_716 : i32
        %select_n3A_727 = arith.select %and3A_725, %add3A_726, %rem3A_717 : i32
        %dma_start3A_728 = arith.constant 0 : i32
        %dma_start3A_729 = arith.constant 0 : i32
        %dma_start3A_730 = arith.constant 0 : i32
        %dma_start3A_731 = tpu.memref_slice %arg6[%select_n3A_727, %dma_start3A_729, %dma_start3A_730] : memref<10x128x16xf32, #tpu.memory_space<vmem>> -> memref<1x128x16xf32, #tpu.memory_space<vmem>>
        %dma_start3A_732 = tpu.memref_squeeze %dma_start3A_731 : memref<1x128x16xf32, #tpu.memory_space<vmem>> -> memref<128x16xf32, #tpu.memory_space<vmem>>
        %dma_start3A_733 = arith.constant 0 : i32
        %dma_start3A_734 = tpu.memref_slice %arg5[%select_n3A_711, %dma_start3A_728, %dma_start3A_733] : memref<12x2x128xi32, #tpu.memory_space<vmem>> -> memref<1x1x128xi32, #tpu.memory_space<vmem>>
        %dma_start3A_735 = tpu.memref_squeeze %dma_start3A_734 : memref<1x1x128xi32, #tpu.memory_space<vmem>> -> memref<128xi32, #tpu.memory_space<vmem>>
        %dma_start3A_736 = arith.constant 0 : i32
        %dma_start3A_737 = arith.constant 0 : i32
        %dma_start3A_738 = tpu.memref_slice %arg2[%dma_start3A_736, %dma_start3A_737] : memref<10240x16xf32, #tpu.memory_space<hbm>> -> memref<10240x16xf32, #tpu.memory_space<hbm>>
        tpu.enqueue_indirect_dma source(%dma_start3A_738 : memref<10240x16xf32, #tpu.memory_space<hbm>>) target(%dma_start3A_732 : memref<128x16xf32, #tpu.memory_space<vmem>>) offsets(%dma_start3A_735 : memref<128xi32, #tpu.memory_space<vmem>>) semaphore(%arg10 : memref<!tpu.dma_semaphore, #tpu.memory_space<semaphore_mem>>)
        %add3A_739 = arith.constant 5 : i32
        %add3A_740 = arith.addi %scan3A_614, %add3A_739 : i32
        %add3A_741 = arith.constant 1 : i32
        %add3A_742 = arith.addi %add3A_740, %add3A_741 : i32
        %lt3A_743 = arith.constant 79 : i32
        %lt3A_744 = arith.cmpi slt, %add3A_742, %lt3A_743 : i32
        %convert_element_type3A_745 = arith.extui %lt3A_744 : i1 to i32
        %cond3A_746 = arith.constant 0 : i32
        %cond3A_747 = arith.cmpi ne, %convert_element_type3A_745, %cond3A_746 : i32
        scf.if %cond3A_747 {
          %add3A_748 = arith.constant 5 : i32
          %add3A_749 = arith.addi %scan3A_614, %add3A_748 : i32
          %add3A_750 = arith.constant 1 : i32
          %add3A_751 = arith.addi %add3A_749, %add3A_750 : i32
          %jit3A_752 = arith.constant 12 : i32
          %eq3A_753 = arith.constant 0 : i32
          %eq3A_754 = arith.cmpi eq, %jit3A_752, %eq3A_753 : i32
          %jit3A_755 = arith.constant 1 : i32
          %select_n3A_756 = arith.select %eq3A_754, %jit3A_755, %jit3A_752 : i32
          %rem3A_757 = arith.remsi %add3A_751, %select_n3A_756 : i32
          %ne3A_758 = arith.constant 0 : i32
          %ne3A_759 = arith.cmpi ne, %rem3A_757, %ne3A_758 : i32
          %lt3A_760 = arith.constant 0 : i32
          %lt3A_761 = arith.cmpi slt, %rem3A_757, %lt3A_760 : i32
          %lt3A_762 = arith.constant 0 : i32
          %lt3A_763 = arith.cmpi slt, %select_n3A_756, %lt3A_762 : i32
          %ne3A_764 = arith.xori %lt3A_761, %lt3A_763 : i1
          %and3A_765 = arith.andi %ne3A_764, %ne3A_759 : i1
          %add3A_766 = arith.addi %rem3A_757, %select_n3A_756 : i32
          %select_n3A_767 = arith.select %and3A_765, %add3A_766, %rem3A_757 : i32
          %dma_start3A_768 = arith.constant 0 : i32
          %dma_start3A_769 = arith.constant 0 : i32
          %dma_start3A_770 = tpu.memref_slice %arg5[%select_n3A_767, %dma_start3A_768, %dma_start3A_769] : memref<12x2x128xi32, #tpu.memory_space<vmem>> -> memref<1x2x128xi32, #tpu.memory_space<vmem>>
          %dma_start3A_771 = tpu.memref_squeeze %dma_start3A_770 : memref<1x2x128xi32, #tpu.memory_space<vmem>> -> memref<2x128xi32, #tpu.memory_space<vmem>>
          %dma_start3A_772 = arith.constant 0 : i32
          %dma_start3A_773 = arith.constant 0 : i32
          %dma_start3A_774 = tpu.memref_slice %arg3[%add3A, %add3A_751, %dma_start3A_772, %dma_start3A_773] : memref<32x79x2x128xi32, #tpu.memory_space<hbm>> -> memref<1x1x2x128xi32, #tpu.memory_space<hbm>>
          %dma_start3A_775 = tpu.memref_squeeze %dma_start3A_774 : memref<1x1x2x128xi32, #tpu.memory_space<hbm>> -> memref<2x128xi32, #tpu.memory_space<hbm>>
          %dma_start3A_776 = arith.constant 0 : i32
          %dma_start3A_777 = arith.constant 0 : i32
          %dma_start3A_778 = tpu.memref_slice %arg5[%select_n3A_767, %dma_start3A_776, %dma_start3A_777] : memref<12x2x128xi32, #tpu.memory_space<vmem>> -> memref<1x2x128xi32, #tpu.memory_space<vmem>>
          %dma_start3A_779 = tpu.memref_squeeze %dma_start3A_778 : memref<1x2x128xi32, #tpu.memory_space<vmem>> -> memref<2x128xi32, #tpu.memory_space<vmem>>
          %dma_start3A_780 = arith.constant 0 : i32
          %dma_start3A_781 = arith.constant 0 : i32
          %dma_start3A_782 = tpu.memref_slice %arg3[%add3A, %add3A_751, %dma_start3A_780, %dma_start3A_781] : memref<32x79x2x128xi32, #tpu.memory_space<hbm>> -> memref<1x1x2x128xi32, #tpu.memory_space<hbm>>
          %dma_start3A_783 = tpu.memref_squeeze %dma_start3A_782 : memref<1x1x2x128xi32, #tpu.memory_space<hbm>> -> memref<2x128xi32, #tpu.memory_space<hbm>>
          tpu.enqueue_dma source(%dma_start3A_783 : memref<2x128xi32, #tpu.memory_space<hbm>>) target(%dma_start3A_779 : memref<2x128xi32, #tpu.memory_space<vmem>>) target_semaphore(%arg9 : memref<!tpu.dma_semaphore, #tpu.memory_space<semaphore_mem>>)
        } else {
        }
      } else {
      }
      %scan3A_670 = arith.constant 0 : i32
      scf.yield %scan3A_670 : i32
    }
    %scan3A_482 = arith.constant 79 : i32
    %dma_wait3A_483 = arith.constant 0 : i32
    %dma_wait3A_484 = arith.constant 0 : i32
    %dma_wait3A_485 = arith.constant 1 : i32
    %dma_wait3A_486 = arith.constant 0 : i32
    %dma_wait3A_487 = arith.constant 0 : i32
    %dma_wait3A_488 = tpu.memref_slice %arg6[%dma_wait3A_483, %dma_wait3A_486, %dma_wait3A_487] : memref<10x128x16xf32, #tpu.memory_space<vmem>> -> memref<1x128x16xf32, #tpu.memory_space<vmem>>
    %dma_wait3A_489 = tpu.memref_squeeze %dma_wait3A_488 : memref<1x128x16xf32, #tpu.memory_space<vmem>> -> memref<128x16xf32, #tpu.memory_space<vmem>>
    %dma_wait3A_490 = arith.constant 0 : i32
    %dma_wait3A_491 = tpu.memref_slice %arg5[%dma_wait3A_484, %dma_wait3A_485, %dma_wait3A_490] : memref<12x2x128xi32, #tpu.memory_space<vmem>> -> memref<1x1x128xi32, #tpu.memory_space<vmem>>
    %dma_wait3A_492 = tpu.memref_squeeze %dma_wait3A_491 : memref<1x1x128xi32, #tpu.memory_space<vmem>> -> memref<128xi32, #tpu.memory_space<vmem>>
    %dma_wait3A_493 = arith.constant 0 : i32
    %dma_wait3A_494 = arith.constant 0 : i32
    %dma_wait3A_495 = tpu.memref_slice %arg8[%dma_wait3A_493, %dma_wait3A_494] : memref<10240x16xf32, #tpu.memory_space<vmem_shared>> -> memref<10240x16xf32, #tpu.memory_space<vmem_shared>>
    tpu.wait_indirect_dma semaphore(%arg11 : memref<!tpu.dma_semaphore, #tpu.memory_space<semaphore_mem>>) src(%dma_wait3A_489 : memref<128x16xf32, #tpu.memory_space<vmem>>) dst(%dma_wait3A_495 : memref<10240x16xf32, #tpu.memory_space<vmem_shared>>)
    %dma_wait3A_496 = arith.constant 0 : i32
    %dma_wait3A_497 = arith.constant 0 : i32
    %dma_wait3A_498 = arith.constant 1 : i32
    %dma_wait3A_499 = arith.constant 0 : i32
    %dma_wait3A_500 = arith.constant 0 : i32
    %dma_wait3A_501 = tpu.memref_slice %arg6[%dma_wait3A_496, %dma_wait3A_499, %dma_wait3A_500] : memref<10x128x16xf32, #tpu.memory_space<vmem>> -> memref<1x128x16xf32, #tpu.memory_space<vmem>>
    %dma_wait3A_502 = tpu.memref_squeeze %dma_wait3A_501 : memref<1x128x16xf32, #tpu.memory_space<vmem>> -> memref<128x16xf32, #tpu.memory_space<vmem>>
    %dma_wait3A_503 = arith.constant 0 : i32
    %dma_wait3A_504 = tpu.memref_slice %arg5[%dma_wait3A_497, %dma_wait3A_498, %dma_wait3A_503] : memref<12x2x128xi32, #tpu.memory_space<vmem>> -> memref<1x1x128xi32, #tpu.memory_space<vmem>>
    %dma_wait3A_505 = tpu.memref_squeeze %dma_wait3A_504 : memref<1x1x128xi32, #tpu.memory_space<vmem>> -> memref<128xi32, #tpu.memory_space<vmem>>
    %dma_wait3A_506 = arith.constant 0 : i32
    %dma_wait3A_507 = arith.constant 0 : i32
    %dma_wait3A_508 = tpu.memref_slice %arg8[%dma_wait3A_506, %dma_wait3A_507] : memref<10240x16xf32, #tpu.memory_space<vmem_shared>> -> memref<10240x16xf32, #tpu.memory_space<vmem_shared>>
    tpu.wait_indirect_dma semaphore(%arg11 : memref<!tpu.dma_semaphore, #tpu.memory_space<semaphore_mem>>) src(%dma_wait3A_502 : memref<128x16xf32, #tpu.memory_space<vmem>>) dst(%dma_wait3A_508 : memref<10240x16xf32, #tpu.memory_space<vmem_shared>>)
    %dma_wait3A_509 = arith.constant 0 : i32
    %dma_wait3A_510 = arith.constant 0 : i32
    %dma_wait3A_511 = arith.constant 1 : i32
    %dma_wait3A_512 = arith.constant 0 : i32
    %dma_wait3A_513 = arith.constant 0 : i32
    %dma_wait3A_514 = tpu.memref_slice %arg6[%dma_wait3A_509, %dma_wait3A_512, %dma_wait3A_513] : memref<10x128x16xf32, #tpu.memory_space<vmem>> -> memref<1x128x16xf32, #tpu.memory_space<vmem>>
    %dma_wait3A_515 = tpu.memref_squeeze %dma_wait3A_514 : memref<1x128x16xf32, #tpu.memory_space<vmem>> -> memref<128x16xf32, #tpu.memory_space<vmem>>
    %dma_wait3A_516 = arith.constant 0 : i32
    %dma_wait3A_517 = tpu.memref_slice %arg5[%dma_wait3A_510, %dma_wait3A_511, %dma_wait3A_516] : memref<12x2x128xi32, #tpu.memory_space<vmem>> -> memref<1x1x128xi32, #tpu.memory_space<vmem>>
    %dma_wait3A_518 = tpu.memref_squeeze %dma_wait3A_517 : memref<1x1x128xi32, #tpu.memory_space<vmem>> -> memref<128xi32, #tpu.memory_space<vmem>>
    %dma_wait3A_519 = arith.constant 0 : i32
    %dma_wait3A_520 = arith.constant 0 : i32
    %dma_wait3A_521 = tpu.memref_slice %arg8[%dma_wait3A_519, %dma_wait3A_520] : memref<10240x16xf32, #tpu.memory_space<vmem_shared>> -> memref<10240x16xf32, #tpu.memory_space<vmem_shared>>
    tpu.wait_indirect_dma semaphore(%arg11 : memref<!tpu.dma_semaphore, #tpu.memory_space<semaphore_mem>>) src(%dma_wait3A_515 : memref<128x16xf32, #tpu.memory_space<vmem>>) dst(%dma_wait3A_521 : memref<10240x16xf32, #tpu.memory_space<vmem_shared>>)
    %dma_wait3A_522 = arith.constant 0 : i32
    %dma_wait3A_523 = arith.constant 0 : i32
    %dma_wait3A_524 = arith.constant 1 : i32
    %dma_wait3A_525 = arith.constant 0 : i32
    %dma_wait3A_526 = arith.constant 0 : i32
    %dma_wait3A_527 = tpu.memref_slice %arg6[%dma_wait3A_522, %dma_wait3A_525, %dma_wait3A_526] : memref<10x128x16xf32, #tpu.memory_space<vmem>> -> memref<1x128x16xf32, #tpu.memory_space<vmem>>
    %dma_wait3A_528 = tpu.memref_squeeze %dma_wait3A_527 : memref<1x128x16xf32, #tpu.memory_space<vmem>> -> memref<128x16xf32, #tpu.memory_space<vmem>>
    %dma_wait3A_529 = arith.constant 0 : i32
    %dma_wait3A_530 = tpu.memref_slice %arg5[%dma_wait3A_523, %dma_wait3A_524, %dma_wait3A_529] : memref<12x2x128xi32, #tpu.memory_space<vmem>> -> memref<1x1x128xi32, #tpu.memory_space<vmem>>
    %dma_wait3A_531 = tpu.memref_squeeze %dma_wait3A_530 : memref<1x1x128xi32, #tpu.memory_space<vmem>> -> memref<128xi32, #tpu.memory_space<vmem>>
    %dma_wait3A_532 = arith.constant 0 : i32
    %dma_wait3A_533 = arith.constant 0 : i32
    %dma_wait3A_534 = tpu.memref_slice %arg8[%dma_wait3A_532, %dma_wait3A_533] : memref<10240x16xf32, #tpu.memory_space<vmem_shared>> -> memref<10240x16xf32, #tpu.memory_space<vmem_shared>>
    tpu.wait_indirect_dma semaphore(%arg11 : memref<!tpu.dma_semaphore, #tpu.memory_space<semaphore_mem>>) src(%dma_wait3A_528 : memref<128x16xf32, #tpu.memory_space<vmem>>) dst(%dma_wait3A_534 : memref<10240x16xf32, #tpu.memory_space<vmem_shared>>)
    %dma_wait3A_535 = arith.constant 0 : i32
    %dma_wait3A_536 = arith.constant 0 : i32
    %dma_wait3A_537 = arith.constant 1 : i32
    %dma_wait3A_538 = arith.constant 0 : i32
    %dma_wait3A_539 = arith.constant 0 : i32
    %dma_wait3A_540 = tpu.memref_slice %arg6[%dma_wait3A_535, %dma_wait3A_538, %dma_wait3A_539] : memref<10x128x16xf32, #tpu.memory_space<vmem>> -> memref<1x128x16xf32, #tpu.memory_space<vmem>>
    %dma_wait3A_541 = tpu.memref_squeeze %dma_wait3A_540 : memref<1x128x16xf32, #tpu.memory_space<vmem>> -> memref<128x16xf32, #tpu.memory_space<vmem>>
    %dma_wait3A_542 = arith.constant 0 : i32
    %dma_wait3A_543 = tpu.memref_slice %arg5[%dma_wait3A_536, %dma_wait3A_537, %dma_wait3A_542] : memref<12x2x128xi32, #tpu.memory_space<vmem>> -> memref<1x1x128xi32, #tpu.memory_space<vmem>>
    %dma_wait3A_544 = tpu.memref_squeeze %dma_wait3A_543 : memref<1x1x128xi32, #tpu.memory_space<vmem>> -> memref<128xi32, #tpu.memory_space<vmem>>
    %dma_wait3A_545 = arith.constant 0 : i32
    %dma_wait3A_546 = arith.constant 0 : i32
    %dma_wait3A_547 = tpu.memref_slice %arg8[%dma_wait3A_545, %dma_wait3A_546] : memref<10240x16xf32, #tpu.memory_space<vmem_shared>> -> memref<10240x16xf32, #tpu.memory_space<vmem_shared>>
    tpu.wait_indirect_dma semaphore(%arg11 : memref<!tpu.dma_semaphore, #tpu.memory_space<semaphore_mem>>) src(%dma_wait3A_541 : memref<128x16xf32, #tpu.memory_space<vmem>>) dst(%dma_wait3A_547 : memref<10240x16xf32, #tpu.memory_space<vmem_shared>>)
    %dma_wait3A_548 = arith.constant 0 : i32
    %dma_wait3A_549 = arith.constant 0 : i32
    %dma_wait3A_550 = arith.constant 1 : i32
    %dma_wait3A_551 = arith.constant 0 : i32
    %dma_wait3A_552 = arith.constant 0 : i32
    %dma_wait3A_553 = tpu.memref_slice %arg6[%dma_wait3A_548, %dma_wait3A_551, %dma_wait3A_552] : memref<10x128x16xf32, #tpu.memory_space<vmem>> -> memref<1x128x16xf32, #tpu.memory_space<vmem>>
    %dma_wait3A_554 = tpu.memref_squeeze %dma_wait3A_553 : memref<1x128x16xf32, #tpu.memory_space<vmem>> -> memref<128x16xf32, #tpu.memory_space<vmem>>
    %dma_wait3A_555 = arith.constant 0 : i32
    %dma_wait3A_556 = tpu.memref_slice %arg5[%dma_wait3A_549, %dma_wait3A_550, %dma_wait3A_555] : memref<12x2x128xi32, #tpu.memory_space<vmem>> -> memref<1x1x128xi32, #tpu.memory_space<vmem>>
    %dma_wait3A_557 = tpu.memref_squeeze %dma_wait3A_556 : memref<1x1x128xi32, #tpu.memory_space<vmem>> -> memref<128xi32, #tpu.memory_space<vmem>>
    %dma_wait3A_558 = arith.constant 0 : i32
    %dma_wait3A_559 = arith.constant 0 : i32
    %dma_wait3A_560 = tpu.memref_slice %arg8[%dma_wait3A_558, %dma_wait3A_559] : memref<10240x16xf32, #tpu.memory_space<vmem_shared>> -> memref<10240x16xf32, #tpu.memory_space<vmem_shared>>
    tpu.wait_indirect_dma semaphore(%arg11 : memref<!tpu.dma_semaphore, #tpu.memory_space<semaphore_mem>>) src(%dma_wait3A_554 : memref<128x16xf32, #tpu.memory_space<vmem>>) dst(%dma_wait3A_560 : memref<10240x16xf32, #tpu.memory_space<vmem_shared>>)
    %dma_wait3A_561 = arith.constant 0 : i32
    %dma_wait3A_562 = arith.constant 0 : i32
    %dma_wait3A_563 = arith.constant 1 : i32
    %dma_wait3A_564 = arith.constant 0 : i32
    %dma_wait3A_565 = arith.constant 0 : i32
    %dma_wait3A_566 = tpu.memref_slice %arg6[%dma_wait3A_561, %dma_wait3A_564, %dma_wait3A_565] : memref<10x128x16xf32, #tpu.memory_space<vmem>> -> memref<1x128x16xf32, #tpu.memory_space<vmem>>
    %dma_wait3A_567 = tpu.memref_squeeze %dma_wait3A_566 : memref<1x128x16xf32, #tpu.memory_space<vmem>> -> memref<128x16xf32, #tpu.memory_space<vmem>>
    %dma_wait3A_568 = arith.constant 0 : i32
    %dma_wait3A_569 = tpu.memref_slice %arg5[%dma_wait3A_562, %dma_wait3A_563, %dma_wait3A_568] : memref<12x2x128xi32, #tpu.memory_space<vmem>> -> memref<1x1x128xi32, #tpu.memory_space<vmem>>
    %dma_wait3A_570 = tpu.memref_squeeze %dma_wait3A_569 : memref<1x1x128xi32, #tpu.memory_space<vmem>> -> memref<128xi32, #tpu.memory_space<vmem>>
    %dma_wait3A_571 = arith.constant 0 : i32
    %dma_wait3A_572 = arith.constant 0 : i32
    %dma_wait3A_573 = tpu.memref_slice %arg8[%dma_wait3A_571, %dma_wait3A_572] : memref<10240x16xf32, #tpu.memory_space<vmem_shared>> -> memref<10240x16xf32, #tpu.memory_space<vmem_shared>>
    tpu.wait_indirect_dma semaphore(%arg11 : memref<!tpu.dma_semaphore, #tpu.memory_space<semaphore_mem>>) src(%dma_wait3A_567 : memref<128x16xf32, #tpu.memory_space<vmem>>) dst(%dma_wait3A_573 : memref<10240x16xf32, #tpu.memory_space<vmem_shared>>)
    %dma_wait3A_574 = arith.constant 0 : i32
    %dma_wait3A_575 = arith.constant 0 : i32
    %dma_wait3A_576 = arith.constant 1 : i32
    %dma_wait3A_577 = arith.constant 0 : i32
    %dma_wait3A_578 = arith.constant 0 : i32
    %dma_wait3A_579 = tpu.memref_slice %arg6[%dma_wait3A_574, %dma_wait3A_577, %dma_wait3A_578] : memref<10x128x16xf32, #tpu.memory_space<vmem>> -> memref<1x128x16xf32, #tpu.memory_space<vmem>>
    %dma_wait3A_580 = tpu.memref_squeeze %dma_wait3A_579 : memref<1x128x16xf32, #tpu.memory_space<vmem>> -> memref<128x16xf32, #tpu.memory_space<vmem>>
    %dma_wait3A_581 = arith.constant 0 : i32
    %dma_wait3A_582 = tpu.memref_slice %arg5[%dma_wait3A_575, %dma_wait3A_576, %dma_wait3A_581] : memref<12x2x128xi32, #tpu.memory_space<vmem>> -> memref<1x1x128xi32, #tpu.memory_space<vmem>>
    %dma_wait3A_583 = tpu.memref_squeeze %dma_wait3A_582 : memref<1x1x128xi32, #tpu.memory_space<vmem>> -> memref<128xi32, #tpu.memory_space<vmem>>
    %dma_wait3A_584 = arith.constant 0 : i32
    %dma_wait3A_585 = arith.constant 0 : i32
    %dma_wait3A_586 = tpu.memref_slice %arg8[%dma_wait3A_584, %dma_wait3A_585] : memref<10240x16xf32, #tpu.memory_space<vmem_shared>> -> memref<10240x16xf32, #tpu.memory_space<vmem_shared>>
    tpu.wait_indirect_dma semaphore(%arg11 : memref<!tpu.dma_semaphore, #tpu.memory_space<semaphore_mem>>) src(%dma_wait3A_580 : memref<128x16xf32, #tpu.memory_space<vmem>>) dst(%dma_wait3A_586 : memref<10240x16xf32, #tpu.memory_space<vmem_shared>>)
    %dma_wait3A_587 = arith.constant 0 : i32
    %dma_wait3A_588 = arith.constant 0 : i32
    %dma_wait3A_589 = arith.constant 1 : i32
    %dma_wait3A_590 = arith.constant 0 : i32
    %dma_wait3A_591 = arith.constant 0 : i32
    %dma_wait3A_592 = tpu.memref_slice %arg6[%dma_wait3A_587, %dma_wait3A_590, %dma_wait3A_591] : memref<10x128x16xf32, #tpu.memory_space<vmem>> -> memref<1x128x16xf32, #tpu.memory_space<vmem>>
    %dma_wait3A_593 = tpu.memref_squeeze %dma_wait3A_592 : memref<1x128x16xf32, #tpu.memory_space<vmem>> -> memref<128x16xf32, #tpu.memory_space<vmem>>
    %dma_wait3A_594 = arith.constant 0 : i32
    %dma_wait3A_595 = tpu.memref_slice %arg5[%dma_wait3A_588, %dma_wait3A_589, %dma_wait3A_594] : memref<12x2x128xi32, #tpu.memory_space<vmem>> -> memref<1x1x128xi32, #tpu.memory_space<vmem>>
    %dma_wait3A_596 = tpu.memref_squeeze %dma_wait3A_595 : memref<1x1x128xi32, #tpu.memory_space<vmem>> -> memref<128xi32, #tpu.memory_space<vmem>>
    %dma_wait3A_597 = arith.constant 0 : i32
    %dma_wait3A_598 = arith.constant 0 : i32
    %dma_wait3A_599 = tpu.memref_slice %arg8[%dma_wait3A_597, %dma_wait3A_598] : memref<10240x16xf32, #tpu.memory_space<vmem_shared>> -> memref<10240x16xf32, #tpu.memory_space<vmem_shared>>
    tpu.wait_indirect_dma semaphore(%arg11 : memref<!tpu.dma_semaphore, #tpu.memory_space<semaphore_mem>>) src(%dma_wait3A_593 : memref<128x16xf32, #tpu.memory_space<vmem>>) dst(%dma_wait3A_599 : memref<10240x16xf32, #tpu.memory_space<vmem_shared>>)
    %dma_wait3A_600 = arith.constant 0 : i32
    %dma_wait3A_601 = arith.constant 0 : i32
    %dma_wait3A_602 = arith.constant 1 : i32
    %dma_wait3A_603 = arith.constant 0 : i32
    %dma_wait3A_604 = arith.constant 0 : i32
    %dma_wait3A_605 = tpu.memref_slice %arg6[%dma_wait3A_600, %dma_wait3A_603, %dma_wait3A_604] : memref<10x128x16xf32, #tpu.memory_space<vmem>> -> memref<1x128x16xf32, #tpu.memory_space<vmem>>
    %dma_wait3A_606 = tpu.memref_squeeze %dma_wait3A_605 : memref<1x128x16xf32, #tpu.memory_space<vmem>> -> memref<128x16xf32, #tpu.memory_space<vmem>>
    %dma_wait3A_607 = arith.constant 0 : i32
    %dma_wait3A_608 = tpu.memref_slice %arg5[%dma_wait3A_601, %dma_wait3A_602, %dma_wait3A_607] : memref<12x2x128xi32, #tpu.memory_space<vmem>> -> memref<1x1x128xi32, #tpu.memory_space<vmem>>
    %dma_wait3A_609 = tpu.memref_squeeze %dma_wait3A_608 : memref<1x1x128xi32, #tpu.memory_space<vmem>> -> memref<128xi32, #tpu.memory_space<vmem>>
    %dma_wait3A_610 = arith.constant 0 : i32
    %dma_wait3A_611 = arith.constant 0 : i32
    %dma_wait3A_612 = tpu.memref_slice %arg8[%dma_wait3A_610, %dma_wait3A_611] : memref<10240x16xf32, #tpu.memory_space<vmem_shared>> -> memref<10240x16xf32, #tpu.memory_space<vmem_shared>>
    tpu.wait_indirect_dma semaphore(%arg11 : memref<!tpu.dma_semaphore, #tpu.memory_space<semaphore_mem>>) src(%dma_wait3A_606 : memref<128x16xf32, #tpu.memory_space<vmem>>) dst(%dma_wait3A_612 : memref<10240x16xf32, #tpu.memory_space<vmem_shared>>)
    %barrier3A_613 = arith.constant 0 : index
    tpu.barrier barrier_id(%barrier3A_613)
    "tpu.region"() ({
      %run_scoped3A = tpu.sem_alloc : memref<!tpu.dma_semaphore, #tpu.memory_space<semaphore_mem>>
      %dma_start3A_614 = arith.constant 0 : i32
      %dma_start3A_615 = tpu.memref_slice %arg4[%arg0, %mul3A_116, %dma_start3A_614] : memref<2x10240x16xf32, #tpu.memory_space<hbm>> -> memref<1x640x16xf32, #tpu.memory_space<hbm>>
      %dma_start3A_616 = tpu.memref_squeeze %dma_start3A_615 : memref<1x640x16xf32, #tpu.memory_space<hbm>> -> memref<640x16xf32, #tpu.memory_space<hbm>>
      %dma_start3A_617 = arith.constant 0 : i32
      %dma_start3A_618 = tpu.memref_slice %arg8[%mul3A_116, %dma_start3A_617] : memref<10240x16xf32, #tpu.memory_space<vmem_shared>> -> memref<640x16xf32, #tpu.memory_space<vmem_shared>>
      tpu.enqueue_dma source(%dma_start3A_618 : memref<640x16xf32, #tpu.memory_space<vmem_shared>>) target(%dma_start3A_616 : memref<640x16xf32, #tpu.memory_space<hbm>>) target_semaphore(%run_scoped3A : memref<!tpu.dma_semaphore, #tpu.memory_space<semaphore_mem>>)
      %dma_wait3A_619 = arith.constant 0 : i32
      %dma_wait3A_620 = tpu.memref_slice %arg4[%arg0, %mul3A_116, %dma_wait3A_619] : memref<2x10240x16xf32, #tpu.memory_space<hbm>> -> memref<1x640x16xf32, #tpu.memory_space<hbm>>
      %dma_wait3A_621 = tpu.memref_squeeze %dma_wait3A_620 : memref<1x640x16xf32, #tpu.memory_space<hbm>> -> memref<640x16xf32, #tpu.memory_space<hbm>>
      %dma_wait3A_622 = arith.constant 0 : i32
      %dma_wait3A_623 = tpu.memref_slice %arg8[%mul3A_116, %dma_wait3A_622] : memref<10240x16xf32, #tpu.memory_space<vmem_shared>> -> memref<640x16xf32, #tpu.memory_space<vmem_shared>>
      tpu.wait_dma2 semaphore(%run_scoped3A : memref<!tpu.dma_semaphore, #tpu.memory_space<semaphore_mem>>) src(%dma_wait3A_623 : memref<640x16xf32, #tpu.memory_space<vmem_shared>>) dst(%dma_wait3A_621 : memref<640x16xf32, #tpu.memory_space<hbm>>)
      tpu.yield
    }) : () -> ()
    return
  }
}

#map = affine_map<(d0, d1) -> (0, 0)>
#map1 = affine_map<(d0, d1) -> (0, 0, 0, 0)>
#map2 = affine_map<(d0, d1) -> (0, 0, 0)>
module attributes {stable_mosaic.version = 14 : i64} {
  func.func @k(%arg0: i32, %arg1: i32, %arg2: memref<10000x128xf32, #tpu.memory_space<hbm>>, %arg3: memref<32x125x2x80xi32, #tpu.memory_space<hbm>>, %arg4: memref<2x10240x128xf32, #tpu.memory_space<hbm>>, %arg5: memref<6x2x80xi32, #tpu.memory_space<vmem>>, %arg6: memref<4x80x128xf32, #tpu.memory_space<vmem>>, %arg7: memref<32x128xf32, #tpu.memory_space<vmem>>, %arg8: memref<10240x128xf32, #tpu.memory_space<vmem_shared>>, %arg9: memref<!tpu.dma_semaphore, #tpu.memory_space<semaphore_mem>>, %arg10: memref<!tpu.dma_semaphore, #tpu.memory_space<semaphore_mem>>, %arg11: memref<!tpu.dma_semaphore, #tpu.memory_space<semaphore_mem>>) attributes {dimension_semantics = [#tpu.dimension_semantics<core_parallel>, #tpu.dimension_semantics<subcore_parallel>], iteration_bounds = array<i64: 2, 16>, scalar_prefetch = 0 : i64, scratch_operands = 7 : i64, tpu.core_type = #tpu.core_type<sc_vector_subcore>, window_params = [{transform_indices = #map}, {transform_indices = #map1}, {transform_indices = #map2}]} {
    %mul3A = arith.constant 2 : i32
    %mul3A_0 = arith.muli %arg1, %mul3A : i32
    %add3A = arith.addi %mul3A_0, %arg0 : i32
    %dma_start3A = arith.constant 0 : i32
    %dma_start3A_1 = arith.constant 0 : i32
    %dma_start3A_2 = arith.constant 0 : i32
    %dma_start3A_3 = arith.constant 0 : i32
    %dma_start3A_4 = tpu.memref_slice %arg5[%dma_start3A_1, %dma_start3A_2, %dma_start3A_3] : memref<6x2x80xi32, #tpu.memory_space<vmem>> -> memref<1x2x80xi32, #tpu.memory_space<vmem>>
    %dma_start3A_5 = tpu.memref_squeeze %dma_start3A_4 : memref<1x2x80xi32, #tpu.memory_space<vmem>> -> memref<2x80xi32, #tpu.memory_space<vmem>>
    %dma_start3A_6 = arith.constant 0 : i32
    %dma_start3A_7 = arith.constant 0 : i32
    %dma_start3A_8 = tpu.memref_slice %arg3[%add3A, %dma_start3A, %dma_start3A_6, %dma_start3A_7] : memref<32x125x2x80xi32, #tpu.memory_space<hbm>> -> memref<1x1x2x80xi32, #tpu.memory_space<hbm>>
    %dma_start3A_9 = tpu.memref_squeeze %dma_start3A_8 : memref<1x1x2x80xi32, #tpu.memory_space<hbm>> -> memref<2x80xi32, #tpu.memory_space<hbm>>
    %dma_start3A_10 = arith.constant 0 : i32
    %dma_start3A_11 = arith.constant 0 : i32
    %dma_start3A_12 = tpu.memref_slice %arg5[%dma_start3A_1, %dma_start3A_10, %dma_start3A_11] : memref<6x2x80xi32, #tpu.memory_space<vmem>> -> memref<1x2x80xi32, #tpu.memory_space<vmem>>
    %dma_start3A_13 = tpu.memref_squeeze %dma_start3A_12 : memref<1x2x80xi32, #tpu.memory_space<vmem>> -> memref<2x80xi32, #tpu.memory_space<vmem>>
    %dma_start3A_14 = arith.constant 0 : i32
    %dma_start3A_15 = arith.constant 0 : i32
    %dma_start3A_16 = tpu.memref_slice %arg3[%add3A, %dma_start3A, %dma_start3A_14, %dma_start3A_15] : memref<32x125x2x80xi32, #tpu.memory_space<hbm>> -> memref<1x1x2x80xi32, #tpu.memory_space<hbm>>
    %dma_start3A_17 = tpu.memref_squeeze %dma_start3A_16 : memref<1x1x2x80xi32, #tpu.memory_space<hbm>> -> memref<2x80xi32, #tpu.memory_space<hbm>>
    tpu.enqueue_dma source(%dma_start3A_17 : memref<2x80xi32, #tpu.memory_space<hbm>>) target(%dma_start3A_13 : memref<2x80xi32, #tpu.memory_space<vmem>>) target_semaphore(%arg9 : memref<!tpu.dma_semaphore, #tpu.memory_space<semaphore_mem>>)
    %dma_start3A_18 = arith.constant 1 : i32
    %dma_start3A_19 = arith.constant 1 : i32
    %dma_start3A_20 = arith.constant 0 : i32
    %dma_start3A_21 = arith.constant 0 : i32
    %dma_start3A_22 = tpu.memref_slice %arg5[%dma_start3A_19, %dma_start3A_20, %dma_start3A_21] : memref<6x2x80xi32, #tpu.memory_space<vmem>> -> memref<1x2x80xi32, #tpu.memory_space<vmem>>
    %dma_start3A_23 = tpu.memref_squeeze %dma_start3A_22 : memref<1x2x80xi32, #tpu.memory_space<vmem>> -> memref<2x80xi32, #tpu.memory_space<vmem>>
    %dma_start3A_24 = arith.constant 0 : i32
    %dma_start3A_25 = arith.constant 0 : i32
    %dma_start3A_26 = tpu.memref_slice %arg3[%add3A, %dma_start3A_18, %dma_start3A_24, %dma_start3A_25] : memref<32x125x2x80xi32, #tpu.memory_space<hbm>> -> memref<1x1x2x80xi32, #tpu.memory_space<hbm>>
    %dma_start3A_27 = tpu.memref_squeeze %dma_start3A_26 : memref<1x1x2x80xi32, #tpu.memory_space<hbm>> -> memref<2x80xi32, #tpu.memory_space<hbm>>
    %dma_start3A_28 = arith.constant 0 : i32
    %dma_start3A_29 = arith.constant 0 : i32
    %dma_start3A_30 = tpu.memref_slice %arg5[%dma_start3A_19, %dma_start3A_28, %dma_start3A_29] : memref<6x2x80xi32, #tpu.memory_space<vmem>> -> memref<1x2x80xi32, #tpu.memory_space<vmem>>
    %dma_start3A_31 = tpu.memref_squeeze %dma_start3A_30 : memref<1x2x80xi32, #tpu.memory_space<vmem>> -> memref<2x80xi32, #tpu.memory_space<vmem>>
    %dma_start3A_32 = arith.constant 0 : i32
    %dma_start3A_33 = arith.constant 0 : i32
    %dma_start3A_34 = tpu.memref_slice %arg3[%add3A, %dma_start3A_18, %dma_start3A_32, %dma_start3A_33] : memref<32x125x2x80xi32, #tpu.memory_space<hbm>> -> memref<1x1x2x80xi32, #tpu.memory_space<hbm>>
    %dma_start3A_35 = tpu.memref_squeeze %dma_start3A_34 : memref<1x1x2x80xi32, #tpu.memory_space<hbm>> -> memref<2x80xi32, #tpu.memory_space<hbm>>
    tpu.enqueue_dma source(%dma_start3A_35 : memref<2x80xi32, #tpu.memory_space<hbm>>) target(%dma_start3A_31 : memref<2x80xi32, #tpu.memory_space<vmem>>) target_semaphore(%arg9 : memref<!tpu.dma_semaphore, #tpu.memory_space<semaphore_mem>>)
    %dma_start3A_36 = arith.constant 2 : i32
    %dma_start3A_37 = arith.constant 2 : i32
    %dma_start3A_38 = arith.constant 0 : i32
    %dma_start3A_39 = arith.constant 0 : i32
    %dma_start3A_40 = tpu.memref_slice %arg5[%dma_start3A_37, %dma_start3A_38, %dma_start3A_39] : memref<6x2x80xi32, #tpu.memory_space<vmem>> -> memref<1x2x80xi32, #tpu.memory_space<vmem>>
    %dma_start3A_41 = tpu.memref_squeeze %dma_start3A_40 : memref<1x2x80xi32, #tpu.memory_space<vmem>> -> memref<2x80xi32, #tpu.memory_space<vmem>>
    %dma_start3A_42 = arith.constant 0 : i32
    %dma_start3A_43 = arith.constant 0 : i32
    %dma_start3A_44 = tpu.memref_slice %arg3[%add3A, %dma_start3A_36, %dma_start3A_42, %dma_start3A_43] : memref<32x125x2x80xi32, #tpu.memory_space<hbm>> -> memref<1x1x2x80xi32, #tpu.memory_space<hbm>>
    %dma_start3A_45 = tpu.memref_squeeze %dma_start3A_44 : memref<1x1x2x80xi32, #tpu.memory_space<hbm>> -> memref<2x80xi32, #tpu.memory_space<hbm>>
    %dma_start3A_46 = arith.constant 0 : i32
    %dma_start3A_47 = arith.constant 0 : i32
    %dma_start3A_48 = tpu.memref_slice %arg5[%dma_start3A_37, %dma_start3A_46, %dma_start3A_47] : memref<6x2x80xi32, #tpu.memory_space<vmem>> -> memref<1x2x80xi32, #tpu.memory_space<vmem>>
    %dma_start3A_49 = tpu.memref_squeeze %dma_start3A_48 : memref<1x2x80xi32, #tpu.memory_space<vmem>> -> memref<2x80xi32, #tpu.memory_space<vmem>>
    %dma_start3A_50 = arith.constant 0 : i32
    %dma_start3A_51 = arith.constant 0 : i32
    %dma_start3A_52 = tpu.memref_slice %arg3[%add3A, %dma_start3A_36, %dma_start3A_50, %dma_start3A_51] : memref<32x125x2x80xi32, #tpu.memory_space<hbm>> -> memref<1x1x2x80xi32, #tpu.memory_space<hbm>>
    %dma_start3A_53 = tpu.memref_squeeze %dma_start3A_52 : memref<1x1x2x80xi32, #tpu.memory_space<hbm>> -> memref<2x80xi32, #tpu.memory_space<hbm>>
    tpu.enqueue_dma source(%dma_start3A_53 : memref<2x80xi32, #tpu.memory_space<hbm>>) target(%dma_start3A_49 : memref<2x80xi32, #tpu.memory_space<vmem>>) target_semaphore(%arg9 : memref<!tpu.dma_semaphore, #tpu.memory_space<semaphore_mem>>)
    %broadcast_in_dim3A = arith.constant 0.000000e+00 : f32
    %broadcast_in_dim3A_54 = vector.broadcast %broadcast_in_dim3A : f32 to vector<16xf32>
    %scan3A = arith.constant 0 : i32
    %scan3A_55 = arith.constant 0 : i32
    %scan3A_56 = arith.constant 256 : i32
    %scan3A_57 = arith.addi %scan3A_55, %scan3A_56 : i32
    %scan3A_58 = arith.constant 1 : i32
    %scan3A_59 = scf.for %scan3A_386 = %scan3A_55 to %scan3A_57 step %scan3A_58 iter_args(%scan3A_387 = %scan3A) -> (i32)  : i32 {
      %jit3A = arith.constant 8 : i32
      %div3A = arith.divsi %scan3A_386, %jit3A : i32
      %sign3A = arith.constant 0 : i32
      %sign3A_388 = arith.cmpi sgt, %scan3A_386, %sign3A : i32
      %sign3A_389 = arith.extui %sign3A_388 : i1 to i32
      %sign3A_390 = arith.constant 0 : i32
      %sign3A_391 = arith.cmpi slt, %scan3A_386, %sign3A_390 : i32
      %sign3A_392 = arith.extui %sign3A_391 : i1 to i32
      %sign3A_393 = arith.subi %sign3A_389, %sign3A_392 : i32
      %sign3A_394 = arith.constant 0 : i32
      %sign3A_395 = arith.cmpi sgt, %jit3A, %sign3A_394 : i32
      %sign3A_396 = arith.extui %sign3A_395 : i1 to i32
      %sign3A_397 = arith.constant 0 : i32
      %sign3A_398 = arith.cmpi slt, %jit3A, %sign3A_397 : i32
      %sign3A_399 = arith.extui %sign3A_398 : i1 to i32
      %sign3A_400 = arith.subi %sign3A_396, %sign3A_399 : i32
      %ne3A = arith.cmpi ne, %sign3A_393, %sign3A_400 : i32
      %rem3A = arith.remsi %scan3A_386, %jit3A : i32
      %ne3A_401 = arith.constant 0 : i32
      %ne3A_402 = arith.cmpi ne, %rem3A, %ne3A_401 : i32
      %and3A = arith.andi %ne3A, %ne3A_402 : i1
      %sub3A = arith.constant 1 : i32
      %sub3A_403 = arith.subi %div3A, %sub3A : i32
      %select_n3A = arith.select %and3A, %sub3A_403, %div3A : i32
      %jit3A_404 = arith.constant 8 : i32
      %eq3A = arith.constant 0 : i32
      %eq3A_405 = arith.cmpi eq, %jit3A_404, %eq3A : i32
      %jit3A_406 = arith.constant 1 : i32
      %select_n3A_407 = arith.select %eq3A_405, %jit3A_406, %jit3A_404 : i32
      %rem3A_408 = arith.remsi %scan3A_386, %select_n3A_407 : i32
      %ne3A_409 = arith.constant 0 : i32
      %ne3A_410 = arith.cmpi ne, %rem3A_408, %ne3A_409 : i32
      %lt3A = arith.constant 0 : i32
      %lt3A_411 = arith.cmpi slt, %rem3A_408, %lt3A : i32
      %lt3A_412 = arith.constant 0 : i32
      %lt3A_413 = arith.cmpi slt, %select_n3A_407, %lt3A_412 : i32
      %ne3A_414 = arith.xori %lt3A_411, %lt3A_413 : i1
      %and3A_415 = arith.andi %ne3A_414, %ne3A_410 : i1
      %add3A_416 = arith.addi %rem3A_408, %select_n3A_407 : i32
      %select_n3A_417 = arith.select %and3A_415, %add3A_416, %rem3A_408 : i32
      %mul3A_418 = arith.constant 16 : i32
      %mul3A_419 = arith.muli %select_n3A_417, %mul3A_418 : i32
      %swap3A = arith.index_cast %select_n3A : i32 to index
      %swap3A_420 = arith.index_cast %mul3A_419 : i32 to index
      %swap3A_421 = tpu.vector_load %arg7[%swap3A, %swap3A_420] {strides = array<i32>} : memref<32x128xf32, #tpu.memory_space<vmem>>, vector<1x16xf32>,
      %swap3A_422 = vector.shape_cast %swap3A_421 : vector<1x16xf32> to vector<16xf32>
      %swap3A_423 = vector.shape_cast %broadcast_in_dim3A_54 : vector<16xf32> to vector<1x16xf32>
      tpu.vector_store %arg7[%swap3A, %swap3A_420], %swap3A_423 {strides = array<i32>} : memref<32x128xf32, #tpu.memory_space<vmem>>, vector<1x16xf32>,
      %scan3A_424 = arith.constant 0 : i32
      scf.yield %scan3A_424 : i32
    }
    %scan3A_60 = arith.constant 256 : i32
    %mul3A_61 = arith.constant 640 : i32
    %mul3A_62 = arith.muli %arg1, %mul3A_61 : i32
    %add3A_63 = arith.constant 0 : i32
    %add3A_64 = arith.addi %mul3A_62, %add3A_63 : i32
    %dma_start3A_65 = arith.constant 0 : i32
    %dma_start3A_66 = tpu.memref_slice %arg8[%add3A_64, %dma_start3A_65] : memref<10240x128xf32, #tpu.memory_space<vmem_shared>> -> memref<32x128xf32, #tpu.memory_space<vmem_shared>>
    %dma_start3A_67 = arith.constant 0 : i32
    %dma_start3A_68 = tpu.memref_slice %arg8[%add3A_64, %dma_start3A_67] : memref<10240x128xf32, #tpu.memory_space<vmem_shared>> -> memref<32x128xf32, #tpu.memory_space<vmem_shared>>
    tpu.enqueue_dma source(%arg7 : memref<32x128xf32, #tpu.memory_space<vmem>>) target(%dma_start3A_68 : memref<32x128xf32, #tpu.memory_space<vmem_shared>>) target_semaphore(%arg11 : memref<!tpu.dma_semaphore, #tpu.memory_space<semaphore_mem>>)
    %add3A_69 = arith.constant 32 : i32
    %add3A_70 = arith.addi %mul3A_62, %add3A_69 : i32
    %dma_start3A_71 = arith.constant 0 : i32
    %dma_start3A_72 = tpu.memref_slice %arg8[%add3A_70, %dma_start3A_71] : memref<10240x128xf32, #tpu.memory_space<vmem_shared>> -> memref<32x128xf32, #tpu.memory_space<vmem_shared>>
    %dma_start3A_73 = arith.constant 0 : i32
    %dma_start3A_74 = tpu.memref_slice %arg8[%add3A_70, %dma_start3A_73] : memref<10240x128xf32, #tpu.memory_space<vmem_shared>> -> memref<32x128xf32, #tpu.memory_space<vmem_shared>>
    tpu.enqueue_dma source(%arg7 : memref<32x128xf32, #tpu.memory_space<vmem>>) target(%dma_start3A_74 : memref<32x128xf32, #tpu.memory_space<vmem_shared>>) target_semaphore(%arg11 : memref<!tpu.dma_semaphore, #tpu.memory_space<semaphore_mem>>)
    %add3A_75 = arith.constant 64 : i32
    %add3A_76 = arith.addi %mul3A_62, %add3A_75 : i32
    %dma_start3A_77 = arith.constant 0 : i32
    %dma_start3A_78 = tpu.memref_slice %arg8[%add3A_76, %dma_start3A_77] : memref<10240x128xf32, #tpu.memory_space<vmem_shared>> -> memref<32x128xf32, #tpu.memory_space<vmem_shared>>
    %dma_start3A_79 = arith.constant 0 : i32
    %dma_start3A_80 = tpu.memref_slice %arg8[%add3A_76, %dma_start3A_79] : memref<10240x128xf32, #tpu.memory_space<vmem_shared>> -> memref<32x128xf32, #tpu.memory_space<vmem_shared>>
    tpu.enqueue_dma source(%arg7 : memref<32x128xf32, #tpu.memory_space<vmem>>) target(%dma_start3A_80 : memref<32x128xf32, #tpu.memory_space<vmem_shared>>) target_semaphore(%arg11 : memref<!tpu.dma_semaphore, #tpu.memory_space<semaphore_mem>>)
    %add3A_81 = arith.constant 96 : i32
    %add3A_82 = arith.addi %mul3A_62, %add3A_81 : i32
    %dma_start3A_83 = arith.constant 0 : i32
    %dma_start3A_84 = tpu.memref_slice %arg8[%add3A_82, %dma_start3A_83] : memref<10240x128xf32, #tpu.memory_space<vmem_shared>> -> memref<32x128xf32, #tpu.memory_space<vmem_shared>>
    %dma_start3A_85 = arith.constant 0 : i32
    %dma_start3A_86 = tpu.memref_slice %arg8[%add3A_82, %dma_start3A_85] : memref<10240x128xf32, #tpu.memory_space<vmem_shared>> -> memref<32x128xf32, #tpu.memory_space<vmem_shared>>
    tpu.enqueue_dma source(%arg7 : memref<32x128xf32, #tpu.memory_space<vmem>>) target(%dma_start3A_86 : memref<32x128xf32, #tpu.memory_space<vmem_shared>>) target_semaphore(%arg11 : memref<!tpu.dma_semaphore, #tpu.memory_space<semaphore_mem>>)
    %add3A_87 = arith.constant 128 : i32
    %add3A_88 = arith.addi %mul3A_62, %add3A_87 : i32
    %dma_start3A_89 = arith.constant 0 : i32
    %dma_start3A_90 = tpu.memref_slice %arg8[%add3A_88, %dma_start3A_89] : memref<10240x128xf32, #tpu.memory_space<vmem_shared>> -> memref<32x128xf32, #tpu.memory_space<vmem_shared>>
    %dma_start3A_91 = arith.constant 0 : i32
    %dma_start3A_92 = tpu.memref_slice %arg8[%add3A_88, %dma_start3A_91] : memref<10240x128xf32, #tpu.memory_space<vmem_shared>> -> memref<32x128xf32, #tpu.memory_space<vmem_shared>>
    tpu.enqueue_dma source(%arg7 : memref<32x128xf32, #tpu.memory_space<vmem>>) target(%dma_start3A_92 : memref<32x128xf32, #tpu.memory_space<vmem_shared>>) target_semaphore(%arg11 : memref<!tpu.dma_semaphore, #tpu.memory_space<semaphore_mem>>)
    %add3A_93 = arith.constant 160 : i32
    %add3A_94 = arith.addi %mul3A_62, %add3A_93 : i32
    %dma_start3A_95 = arith.constant 0 : i32
    %dma_start3A_96 = tpu.memref_slice %arg8[%add3A_94, %dma_start3A_95] : memref<10240x128xf32, #tpu.memory_space<vmem_shared>> -> memref<32x128xf32, #tpu.memory_space<vmem_shared>>
    %dma_start3A_97 = arith.constant 0 : i32
    %dma_start3A_98 = tpu.memref_slice %arg8[%add3A_94, %dma_start3A_97] : memref<10240x128xf32, #tpu.memory_space<vmem_shared>> -> memref<32x128xf32, #tpu.memory_space<vmem_shared>>
    tpu.enqueue_dma source(%arg7 : memref<32x128xf32, #tpu.memory_space<vmem>>) target(%dma_start3A_98 : memref<32x128xf32, #tpu.memory_space<vmem_shared>>) target_semaphore(%arg11 : memref<!tpu.dma_semaphore, #tpu.memory_space<semaphore_mem>>)
    %add3A_99 = arith.constant 192 : i32
    %add3A_100 = arith.addi %mul3A_62, %add3A_99 : i32
    %dma_start3A_101 = arith.constant 0 : i32
    %dma_start3A_102 = tpu.memref_slice %arg8[%add3A_100, %dma_start3A_101] : memref<10240x128xf32, #tpu.memory_space<vmem_shared>> -> memref<32x128xf32, #tpu.memory_space<vmem_shared>>
    %dma_start3A_103 = arith.constant 0 : i32
    %dma_start3A_104 = tpu.memref_slice %arg8[%add3A_100, %dma_start3A_103] : memref<10240x128xf32, #tpu.memory_space<vmem_shared>> -> memref<32x128xf32, #tpu.memory_space<vmem_shared>>
    tpu.enqueue_dma source(%arg7 : memref<32x128xf32, #tpu.memory_space<vmem>>) target(%dma_start3A_104 : memref<32x128xf32, #tpu.memory_space<vmem_shared>>) target_semaphore(%arg11 : memref<!tpu.dma_semaphore, #tpu.memory_space<semaphore_mem>>)
    %add3A_105 = arith.constant 224 : i32
    %add3A_106 = arith.addi %mul3A_62, %add3A_105 : i32
    %dma_start3A_107 = arith.constant 0 : i32
    %dma_start3A_108 = tpu.memref_slice %arg8[%add3A_106, %dma_start3A_107] : memref<10240x128xf32, #tpu.memory_space<vmem_shared>> -> memref<32x128xf32, #tpu.memory_space<vmem_shared>>
    %dma_start3A_109 = arith.constant 0 : i32
    %dma_start3A_110 = tpu.memref_slice %arg8[%add3A_106, %dma_start3A_109] : memref<10240x128xf32, #tpu.memory_space<vmem_shared>> -> memref<32x128xf32, #tpu.memory_space<vmem_shared>>
    tpu.enqueue_dma source(%arg7 : memref<32x128xf32, #tpu.memory_space<vmem>>) target(%dma_start3A_110 : memref<32x128xf32, #tpu.memory_space<vmem_shared>>) target_semaphore(%arg11 : memref<!tpu.dma_semaphore, #tpu.memory_space<semaphore_mem>>)
    %add3A_111 = arith.constant 256 : i32
    %add3A_112 = arith.addi %mul3A_62, %add3A_111 : i32
    %dma_start3A_113 = arith.constant 0 : i32
    %dma_start3A_114 = tpu.memref_slice %arg8[%add3A_112, %dma_start3A_113] : memref<10240x128xf32, #tpu.memory_space<vmem_shared>> -> memref<32x128xf32, #tpu.memory_space<vmem_shared>>
    %dma_start3A_115 = arith.constant 0 : i32
    %dma_start3A_116 = tpu.memref_slice %arg8[%add3A_112, %dma_start3A_115] : memref<10240x128xf32, #tpu.memory_space<vmem_shared>> -> memref<32x128xf32, #tpu.memory_space<vmem_shared>>
    tpu.enqueue_dma source(%arg7 : memref<32x128xf32, #tpu.memory_space<vmem>>) target(%dma_start3A_116 : memref<32x128xf32, #tpu.memory_space<vmem_shared>>) target_semaphore(%arg11 : memref<!tpu.dma_semaphore, #tpu.memory_space<semaphore_mem>>)
    %add3A_117 = arith.constant 288 : i32
    %add3A_118 = arith.addi %mul3A_62, %add3A_117 : i32
    %dma_start3A_119 = arith.constant 0 : i32
    %dma_start3A_120 = tpu.memref_slice %arg8[%add3A_118, %dma_start3A_119] : memref<10240x128xf32, #tpu.memory_space<vmem_shared>> -> memref<32x128xf32, #tpu.memory_space<vmem_shared>>
    %dma_start3A_121 = arith.constant 0 : i32
    %dma_start3A_122 = tpu.memref_slice %arg8[%add3A_118, %dma_start3A_121] : memref<10240x128xf32, #tpu.memory_space<vmem_shared>> -> memref<32x128xf32, #tpu.memory_space<vmem_shared>>
    tpu.enqueue_dma source(%arg7 : memref<32x128xf32, #tpu.memory_space<vmem>>) target(%dma_start3A_122 : memref<32x128xf32, #tpu.memory_space<vmem_shared>>) target_semaphore(%arg11 : memref<!tpu.dma_semaphore, #tpu.memory_space<semaphore_mem>>)
    %add3A_123 = arith.constant 320 : i32
    %add3A_124 = arith.addi %mul3A_62, %add3A_123 : i32
    %dma_start3A_125 = arith.constant 0 : i32
    %dma_start3A_126 = tpu.memref_slice %arg8[%add3A_124, %dma_start3A_125] : memref<10240x128xf32, #tpu.memory_space<vmem_shared>> -> memref<32x128xf32, #tpu.memory_space<vmem_shared>>
    %dma_start3A_127 = arith.constant 0 : i32
    %dma_start3A_128 = tpu.memref_slice %arg8[%add3A_124, %dma_start3A_127] : memref<10240x128xf32, #tpu.memory_space<vmem_shared>> -> memref<32x128xf32, #tpu.memory_space<vmem_shared>>
    tpu.enqueue_dma source(%arg7 : memref<32x128xf32, #tpu.memory_space<vmem>>) target(%dma_start3A_128 : memref<32x128xf32, #tpu.memory_space<vmem_shared>>) target_semaphore(%arg11 : memref<!tpu.dma_semaphore, #tpu.memory_space<semaphore_mem>>)
    %add3A_129 = arith.constant 352 : i32
    %add3A_130 = arith.addi %mul3A_62, %add3A_129 : i32
    %dma_start3A_131 = arith.constant 0 : i32
    %dma_start3A_132 = tpu.memref_slice %arg8[%add3A_130, %dma_start3A_131] : memref<10240x128xf32, #tpu.memory_space<vmem_shared>> -> memref<32x128xf32, #tpu.memory_space<vmem_shared>>
    %dma_start3A_133 = arith.constant 0 : i32
    %dma_start3A_134 = tpu.memref_slice %arg8[%add3A_130, %dma_start3A_133] : memref<10240x128xf32, #tpu.memory_space<vmem_shared>> -> memref<32x128xf32, #tpu.memory_space<vmem_shared>>
    tpu.enqueue_dma source(%arg7 : memref<32x128xf32, #tpu.memory_space<vmem>>) target(%dma_start3A_134 : memref<32x128xf32, #tpu.memory_space<vmem_shared>>) target_semaphore(%arg11 : memref<!tpu.dma_semaphore, #tpu.memory_space<semaphore_mem>>)
    %add3A_135 = arith.constant 384 : i32
    %add3A_136 = arith.addi %mul3A_62, %add3A_135 : i32
    %dma_start3A_137 = arith.constant 0 : i32
    %dma_start3A_138 = tpu.memref_slice %arg8[%add3A_136, %dma_start3A_137] : memref<10240x128xf32, #tpu.memory_space<vmem_shared>> -> memref<32x128xf32, #tpu.memory_space<vmem_shared>>
    %dma_start3A_139 = arith.constant 0 : i32
    %dma_start3A_140 = tpu.memref_slice %arg8[%add3A_136, %dma_start3A_139] : memref<10240x128xf32, #tpu.memory_space<vmem_shared>> -> memref<32x128xf32, #tpu.memory_space<vmem_shared>>
    tpu.enqueue_dma source(%arg7 : memref<32x128xf32, #tpu.memory_space<vmem>>) target(%dma_start3A_140 : memref<32x128xf32, #tpu.memory_space<vmem_shared>>) target_semaphore(%arg11 : memref<!tpu.dma_semaphore, #tpu.memory_space<semaphore_mem>>)
    %add3A_141 = arith.constant 416 : i32
    %add3A_142 = arith.addi %mul3A_62, %add3A_141 : i32
    %dma_start3A_143 = arith.constant 0 : i32
    %dma_start3A_144 = tpu.memref_slice %arg8[%add3A_142, %dma_start3A_143] : memref<10240x128xf32, #tpu.memory_space<vmem_shared>> -> memref<32x128xf32, #tpu.memory_space<vmem_shared>>
    %dma_start3A_145 = arith.constant 0 : i32
    %dma_start3A_146 = tpu.memref_slice %arg8[%add3A_142, %dma_start3A_145] : memref<10240x128xf32, #tpu.memory_space<vmem_shared>> -> memref<32x128xf32, #tpu.memory_space<vmem_shared>>
    tpu.enqueue_dma source(%arg7 : memref<32x128xf32, #tpu.memory_space<vmem>>) target(%dma_start3A_146 : memref<32x128xf32, #tpu.memory_space<vmem_shared>>) target_semaphore(%arg11 : memref<!tpu.dma_semaphore, #tpu.memory_space<semaphore_mem>>)
    %add3A_147 = arith.constant 448 : i32
    %add3A_148 = arith.addi %mul3A_62, %add3A_147 : i32
    %dma_start3A_149 = arith.constant 0 : i32
    %dma_start3A_150 = tpu.memref_slice %arg8[%add3A_148, %dma_start3A_149] : memref<10240x128xf32, #tpu.memory_space<vmem_shared>> -> memref<32x128xf32, #tpu.memory_space<vmem_shared>>
    %dma_start3A_151 = arith.constant 0 : i32
    %dma_start3A_152 = tpu.memref_slice %arg8[%add3A_148, %dma_start3A_151] : memref<10240x128xf32, #tpu.memory_space<vmem_shared>> -> memref<32x128xf32, #tpu.memory_space<vmem_shared>>
    tpu.enqueue_dma source(%arg7 : memref<32x128xf32, #tpu.memory_space<vmem>>) target(%dma_start3A_152 : memref<32x128xf32, #tpu.memory_space<vmem_shared>>) target_semaphore(%arg11 : memref<!tpu.dma_semaphore, #tpu.memory_space<semaphore_mem>>)
    %add3A_153 = arith.constant 480 : i32
    %add3A_154 = arith.addi %mul3A_62, %add3A_153 : i32
    %dma_start3A_155 = arith.constant 0 : i32
    %dma_start3A_156 = tpu.memref_slice %arg8[%add3A_154, %dma_start3A_155] : memref<10240x128xf32, #tpu.memory_space<vmem_shared>> -> memref<32x128xf32, #tpu.memory_space<vmem_shared>>
    %dma_start3A_157 = arith.constant 0 : i32
    %dma_start3A_158 = tpu.memref_slice %arg8[%add3A_154, %dma_start3A_157] : memref<10240x128xf32, #tpu.memory_space<vmem_shared>> -> memref<32x128xf32, #tpu.memory_space<vmem_shared>>
    tpu.enqueue_dma source(%arg7 : memref<32x128xf32, #tpu.memory_space<vmem>>) target(%dma_start3A_158 : memref<32x128xf32, #tpu.memory_space<vmem_shared>>) target_semaphore(%arg11 : memref<!tpu.dma_semaphore, #tpu.memory_space<semaphore_mem>>)
    %add3A_159 = arith.constant 512 : i32
    %add3A_160 = arith.addi %mul3A_62, %add3A_159 : i32
    %dma_start3A_161 = arith.constant 0 : i32
    %dma_start3A_162 = tpu.memref_slice %arg8[%add3A_160, %dma_start3A_161] : memref<10240x128xf32, #tpu.memory_space<vmem_shared>> -> memref<32x128xf32, #tpu.memory_space<vmem_shared>>
    %dma_start3A_163 = arith.constant 0 : i32
    %dma_start3A_164 = tpu.memref_slice %arg8[%add3A_160, %dma_start3A_163] : memref<10240x128xf32, #tpu.memory_space<vmem_shared>> -> memref<32x128xf32, #tpu.memory_space<vmem_shared>>
    tpu.enqueue_dma source(%arg7 : memref<32x128xf32, #tpu.memory_space<vmem>>) target(%dma_start3A_164 : memref<32x128xf32, #tpu.memory_space<vmem_shared>>) target_semaphore(%arg11 : memref<!tpu.dma_semaphore, #tpu.memory_space<semaphore_mem>>)
    %add3A_165 = arith.constant 544 : i32
    %add3A_166 = arith.addi %mul3A_62, %add3A_165 : i32
    %dma_start3A_167 = arith.constant 0 : i32
    %dma_start3A_168 = tpu.memref_slice %arg8[%add3A_166, %dma_start3A_167] : memref<10240x128xf32, #tpu.memory_space<vmem_shared>> -> memref<32x128xf32, #tpu.memory_space<vmem_shared>>
    %dma_start3A_169 = arith.constant 0 : i32
    %dma_start3A_170 = tpu.memref_slice %arg8[%add3A_166, %dma_start3A_169] : memref<10240x128xf32, #tpu.memory_space<vmem_shared>> -> memref<32x128xf32, #tpu.memory_space<vmem_shared>>
    tpu.enqueue_dma source(%arg7 : memref<32x128xf32, #tpu.memory_space<vmem>>) target(%dma_start3A_170 : memref<32x128xf32, #tpu.memory_space<vmem_shared>>) target_semaphore(%arg11 : memref<!tpu.dma_semaphore, #tpu.memory_space<semaphore_mem>>)
    %add3A_171 = arith.constant 576 : i32
    %add3A_172 = arith.addi %mul3A_62, %add3A_171 : i32
    %dma_start3A_173 = arith.constant 0 : i32
    %dma_start3A_174 = tpu.memref_slice %arg8[%add3A_172, %dma_start3A_173] : memref<10240x128xf32, #tpu.memory_space<vmem_shared>> -> memref<32x128xf32, #tpu.memory_space<vmem_shared>>
    %dma_start3A_175 = arith.constant 0 : i32
    %dma_start3A_176 = tpu.memref_slice %arg8[%add3A_172, %dma_start3A_175] : memref<10240x128xf32, #tpu.memory_space<vmem_shared>> -> memref<32x128xf32, #tpu.memory_space<vmem_shared>>
    tpu.enqueue_dma source(%arg7 : memref<32x128xf32, #tpu.memory_space<vmem>>) target(%dma_start3A_176 : memref<32x128xf32, #tpu.memory_space<vmem_shared>>) target_semaphore(%arg11 : memref<!tpu.dma_semaphore, #tpu.memory_space<semaphore_mem>>)
    %add3A_177 = arith.constant 608 : i32
    %add3A_178 = arith.addi %mul3A_62, %add3A_177 : i32
    %dma_start3A_179 = arith.constant 0 : i32
    %dma_start3A_180 = tpu.memref_slice %arg8[%add3A_178, %dma_start3A_179] : memref<10240x128xf32, #tpu.memory_space<vmem_shared>> -> memref<32x128xf32, #tpu.memory_space<vmem_shared>>
    %dma_start3A_181 = arith.constant 0 : i32
    %dma_start3A_182 = tpu.memref_slice %arg8[%add3A_178, %dma_start3A_181] : memref<10240x128xf32, #tpu.memory_space<vmem_shared>> -> memref<32x128xf32, #tpu.memory_space<vmem_shared>>
    tpu.enqueue_dma source(%arg7 : memref<32x128xf32, #tpu.memory_space<vmem>>) target(%dma_start3A_182 : memref<32x128xf32, #tpu.memory_space<vmem_shared>>) target_semaphore(%arg11 : memref<!tpu.dma_semaphore, #tpu.memory_space<semaphore_mem>>)
    %dma_wait3A = arith.constant 0 : i32
    %dma_wait3A_183 = tpu.memref_slice %arg8[%mul3A_62, %dma_wait3A] : memref<10240x128xf32, #tpu.memory_space<vmem_shared>> -> memref<32x128xf32, #tpu.memory_space<vmem_shared>>
    %dma_wait3A_184 = arith.constant 0 : i32
    %dma_wait3A_185 = tpu.memref_slice %arg8[%mul3A_62, %dma_wait3A_184] : memref<10240x128xf32, #tpu.memory_space<vmem_shared>> -> memref<32x128xf32, #tpu.memory_space<vmem_shared>>
    tpu.wait_dma2 semaphore(%arg11 : memref<!tpu.dma_semaphore, #tpu.memory_space<semaphore_mem>>) src(%arg7 : memref<32x128xf32, #tpu.memory_space<vmem>>) dst(%dma_wait3A_185 : memref<32x128xf32, #tpu.memory_space<vmem_shared>>)
    %dma_wait3A_186 = arith.constant 0 : i32
    %dma_wait3A_187 = tpu.memref_slice %arg8[%mul3A_62, %dma_wait3A_186] : memref<10240x128xf32, #tpu.memory_space<vmem_shared>> -> memref<32x128xf32, #tpu.memory_space<vmem_shared>>
    %dma_wait3A_188 = arith.constant 0 : i32
    %dma_wait3A_189 = tpu.memref_slice %arg8[%mul3A_62, %dma_wait3A_188] : memref<10240x128xf32, #tpu.memory_space<vmem_shared>> -> memref<32x128xf32, #tpu.memory_space<vmem_shared>>
    tpu.wait_dma2 semaphore(%arg11 : memref<!tpu.dma_semaphore, #tpu.memory_space<semaphore_mem>>) src(%arg7 : memref<32x128xf32, #tpu.memory_space<vmem>>) dst(%dma_wait3A_189 : memref<32x128xf32, #tpu.memory_space<vmem_shared>>)
    %dma_wait3A_190 = arith.constant 0 : i32
    %dma_wait3A_191 = tpu.memref_slice %arg8[%mul3A_62, %dma_wait3A_190] : memref<10240x128xf32, #tpu.memory_space<vmem_shared>> -> memref<32x128xf32, #tpu.memory_space<vmem_shared>>
    %dma_wait3A_192 = arith.constant 0 : i32
    %dma_wait3A_193 = tpu.memref_slice %arg8[%mul3A_62, %dma_wait3A_192] : memref<10240x128xf32, #tpu.memory_space<vmem_shared>> -> memref<32x128xf32, #tpu.memory_space<vmem_shared>>
    tpu.wait_dma2 semaphore(%arg11 : memref<!tpu.dma_semaphore, #tpu.memory_space<semaphore_mem>>) src(%arg7 : memref<32x128xf32, #tpu.memory_space<vmem>>) dst(%dma_wait3A_193 : memref<32x128xf32, #tpu.memory_space<vmem_shared>>)
    %dma_wait3A_194 = arith.constant 0 : i32
    %dma_wait3A_195 = tpu.memref_slice %arg8[%mul3A_62, %dma_wait3A_194] : memref<10240x128xf32, #tpu.memory_space<vmem_shared>> -> memref<32x128xf32, #tpu.memory_space<vmem_shared>>
    %dma_wait3A_196 = arith.constant 0 : i32
    %dma_wait3A_197 = tpu.memref_slice %arg8[%mul3A_62, %dma_wait3A_196] : memref<10240x128xf32, #tpu.memory_space<vmem_shared>> -> memref<32x128xf32, #tpu.memory_space<vmem_shared>>
    tpu.wait_dma2 semaphore(%arg11 : memref<!tpu.dma_semaphore, #tpu.memory_space<semaphore_mem>>) src(%arg7 : memref<32x128xf32, #tpu.memory_space<vmem>>) dst(%dma_wait3A_197 : memref<32x128xf32, #tpu.memory_space<vmem_shared>>)
    %dma_wait3A_198 = arith.constant 0 : i32
    %dma_wait3A_199 = tpu.memref_slice %arg8[%mul3A_62, %dma_wait3A_198] : memref<10240x128xf32, #tpu.memory_space<vmem_shared>> -> memref<32x128xf32, #tpu.memory_space<vmem_shared>>
    %dma_wait3A_200 = arith.constant 0 : i32
    %dma_wait3A_201 = tpu.memref_slice %arg8[%mul3A_62, %dma_wait3A_200] : memref<10240x128xf32, #tpu.memory_space<vmem_shared>> -> memref<32x128xf32, #tpu.memory_space<vmem_shared>>
    tpu.wait_dma2 semaphore(%arg11 : memref<!tpu.dma_semaphore, #tpu.memory_space<semaphore_mem>>) src(%arg7 : memref<32x128xf32, #tpu.memory_space<vmem>>) dst(%dma_wait3A_201 : memref<32x128xf32, #tpu.memory_space<vmem_shared>>)
    %dma_wait3A_202 = arith.constant 0 : i32
    %dma_wait3A_203 = tpu.memref_slice %arg8[%mul3A_62, %dma_wait3A_202] : memref<10240x128xf32, #tpu.memory_space<vmem_shared>> -> memref<32x128xf32, #tpu.memory_space<vmem_shared>>
    %dma_wait3A_204 = arith.constant 0 : i32
    %dma_wait3A_205 = tpu.memref_slice %arg8[%mul3A_62, %dma_wait3A_204] : memref<10240x128xf32, #tpu.memory_space<vmem_shared>> -> memref<32x128xf32, #tpu.memory_space<vmem_shared>>
    tpu.wait_dma2 semaphore(%arg11 : memref<!tpu.dma_semaphore, #tpu.memory_space<semaphore_mem>>) src(%arg7 : memref<32x128xf32, #tpu.memory_space<vmem>>) dst(%dma_wait3A_205 : memref<32x128xf32, #tpu.memory_space<vmem_shared>>)
    %dma_wait3A_206 = arith.constant 0 : i32
    %dma_wait3A_207 = tpu.memref_slice %arg8[%mul3A_62, %dma_wait3A_206] : memref<10240x128xf32, #tpu.memory_space<vmem_shared>> -> memref<32x128xf32, #tpu.memory_space<vmem_shared>>
    %dma_wait3A_208 = arith.constant 0 : i32
    %dma_wait3A_209 = tpu.memref_slice %arg8[%mul3A_62, %dma_wait3A_208] : memref<10240x128xf32, #tpu.memory_space<vmem_shared>> -> memref<32x128xf32, #tpu.memory_space<vmem_shared>>
    tpu.wait_dma2 semaphore(%arg11 : memref<!tpu.dma_semaphore, #tpu.memory_space<semaphore_mem>>) src(%arg7 : memref<32x128xf32, #tpu.memory_space<vmem>>) dst(%dma_wait3A_209 : memref<32x128xf32, #tpu.memory_space<vmem_shared>>)
    %dma_wait3A_210 = arith.constant 0 : i32
    %dma_wait3A_211 = tpu.memref_slice %arg8[%mul3A_62, %dma_wait3A_210] : memref<10240x128xf32, #tpu.memory_space<vmem_shared>> -> memref<32x128xf32, #tpu.memory_space<vmem_shared>>
    %dma_wait3A_212 = arith.constant 0 : i32
    %dma_wait3A_213 = tpu.memref_slice %arg8[%mul3A_62, %dma_wait3A_212] : memref<10240x128xf32, #tpu.memory_space<vmem_shared>> -> memref<32x128xf32, #tpu.memory_space<vmem_shared>>
    tpu.wait_dma2 semaphore(%arg11 : memref<!tpu.dma_semaphore, #tpu.memory_space<semaphore_mem>>) src(%arg7 : memref<32x128xf32, #tpu.memory_space<vmem>>) dst(%dma_wait3A_213 : memref<32x128xf32, #tpu.memory_space<vmem_shared>>)
    %dma_wait3A_214 = arith.constant 0 : i32
    %dma_wait3A_215 = tpu.memref_slice %arg8[%mul3A_62, %dma_wait3A_214] : memref<10240x128xf32, #tpu.memory_space<vmem_shared>> -> memref<32x128xf32, #tpu.memory_space<vmem_shared>>
    %dma_wait3A_216 = arith.constant 0 : i32
    %dma_wait3A_217 = tpu.memref_slice %arg8[%mul3A_62, %dma_wait3A_216] : memref<10240x128xf32, #tpu.memory_space<vmem_shared>> -> memref<32x128xf32, #tpu.memory_space<vmem_shared>>
    tpu.wait_dma2 semaphore(%arg11 : memref<!tpu.dma_semaphore, #tpu.memory_space<semaphore_mem>>) src(%arg7 : memref<32x128xf32, #tpu.memory_space<vmem>>) dst(%dma_wait3A_217 : memref<32x128xf32, #tpu.memory_space<vmem_shared>>)
    %dma_wait3A_218 = arith.constant 0 : i32
    %dma_wait3A_219 = tpu.memref_slice %arg8[%mul3A_62, %dma_wait3A_218] : memref<10240x128xf32, #tpu.memory_space<vmem_shared>> -> memref<32x128xf32, #tpu.memory_space<vmem_shared>>
    %dma_wait3A_220 = arith.constant 0 : i32
    %dma_wait3A_221 = tpu.memref_slice %arg8[%mul3A_62, %dma_wait3A_220] : memref<10240x128xf32, #tpu.memory_space<vmem_shared>> -> memref<32x128xf32, #tpu.memory_space<vmem_shared>>
    tpu.wait_dma2 semaphore(%arg11 : memref<!tpu.dma_semaphore, #tpu.memory_space<semaphore_mem>>) src(%arg7 : memref<32x128xf32, #tpu.memory_space<vmem>>) dst(%dma_wait3A_221 : memref<32x128xf32, #tpu.memory_space<vmem_shared>>)
    %dma_wait3A_222 = arith.constant 0 : i32
    %dma_wait3A_223 = tpu.memref_slice %arg8[%mul3A_62, %dma_wait3A_222] : memref<10240x128xf32, #tpu.memory_space<vmem_shared>> -> memref<32x128xf32, #tpu.memory_space<vmem_shared>>
    %dma_wait3A_224 = arith.constant 0 : i32
    %dma_wait3A_225 = tpu.memref_slice %arg8[%mul3A_62, %dma_wait3A_224] : memref<10240x128xf32, #tpu.memory_space<vmem_shared>> -> memref<32x128xf32, #tpu.memory_space<vmem_shared>>
    tpu.wait_dma2 semaphore(%arg11 : memref<!tpu.dma_semaphore, #tpu.memory_space<semaphore_mem>>) src(%arg7 : memref<32x128xf32, #tpu.memory_space<vmem>>) dst(%dma_wait3A_225 : memref<32x128xf32, #tpu.memory_space<vmem_shared>>)
    %dma_wait3A_226 = arith.constant 0 : i32
    %dma_wait3A_227 = tpu.memref_slice %arg8[%mul3A_62, %dma_wait3A_226] : memref<10240x128xf32, #tpu.memory_space<vmem_shared>> -> memref<32x128xf32, #tpu.memory_space<vmem_shared>>
    %dma_wait3A_228 = arith.constant 0 : i32
    %dma_wait3A_229 = tpu.memref_slice %arg8[%mul3A_62, %dma_wait3A_228] : memref<10240x128xf32, #tpu.memory_space<vmem_shared>> -> memref<32x128xf32, #tpu.memory_space<vmem_shared>>
    tpu.wait_dma2 semaphore(%arg11 : memref<!tpu.dma_semaphore, #tpu.memory_space<semaphore_mem>>) src(%arg7 : memref<32x128xf32, #tpu.memory_space<vmem>>) dst(%dma_wait3A_229 : memref<32x128xf32, #tpu.memory_space<vmem_shared>>)
    %dma_wait3A_230 = arith.constant 0 : i32
    %dma_wait3A_231 = tpu.memref_slice %arg8[%mul3A_62, %dma_wait3A_230] : memref<10240x128xf32, #tpu.memory_space<vmem_shared>> -> memref<32x128xf32, #tpu.memory_space<vmem_shared>>
    %dma_wait3A_232 = arith.constant 0 : i32
    %dma_wait3A_233 = tpu.memref_slice %arg8[%mul3A_62, %dma_wait3A_232] : memref<10240x128xf32, #tpu.memory_space<vmem_shared>> -> memref<32x128xf32, #tpu.memory_space<vmem_shared>>
    tpu.wait_dma2 semaphore(%arg11 : memref<!tpu.dma_semaphore, #tpu.memory_space<semaphore_mem>>) src(%arg7 : memref<32x128xf32, #tpu.memory_space<vmem>>) dst(%dma_wait3A_233 : memref<32x128xf32, #tpu.memory_space<vmem_shared>>)
    %dma_wait3A_234 = arith.constant 0 : i32
    %dma_wait3A_235 = tpu.memref_slice %arg8[%mul3A_62, %dma_wait3A_234] : memref<10240x128xf32, #tpu.memory_space<vmem_shared>> -> memref<32x128xf32, #tpu.memory_space<vmem_shared>>
    %dma_wait3A_236 = arith.constant 0 : i32
    %dma_wait3A_237 = tpu.memref_slice %arg8[%mul3A_62, %dma_wait3A_236] : memref<10240x128xf32, #tpu.memory_space<vmem_shared>> -> memref<32x128xf32, #tpu.memory_space<vmem_shared>>
    tpu.wait_dma2 semaphore(%arg11 : memref<!tpu.dma_semaphore, #tpu.memory_space<semaphore_mem>>) src(%arg7 : memref<32x128xf32, #tpu.memory_space<vmem>>) dst(%dma_wait3A_237 : memref<32x128xf32, #tpu.memory_space<vmem_shared>>)
    %dma_wait3A_238 = arith.constant 0 : i32
    %dma_wait3A_239 = tpu.memref_slice %arg8[%mul3A_62, %dma_wait3A_238] : memref<10240x128xf32, #tpu.memory_space<vmem_shared>> -> memref<32x128xf32, #tpu.memory_space<vmem_shared>>
    %dma_wait3A_240 = arith.constant 0 : i32
    %dma_wait3A_241 = tpu.memref_slice %arg8[%mul3A_62, %dma_wait3A_240] : memref<10240x128xf32, #tpu.memory_space<vmem_shared>> -> memref<32x128xf32, #tpu.memory_space<vmem_shared>>
    tpu.wait_dma2 semaphore(%arg11 : memref<!tpu.dma_semaphore, #tpu.memory_space<semaphore_mem>>) src(%arg7 : memref<32x128xf32, #tpu.memory_space<vmem>>) dst(%dma_wait3A_241 : memref<32x128xf32, #tpu.memory_space<vmem_shared>>)
    %dma_wait3A_242 = arith.constant 0 : i32
    %dma_wait3A_243 = tpu.memref_slice %arg8[%mul3A_62, %dma_wait3A_242] : memref<10240x128xf32, #tpu.memory_space<vmem_shared>> -> memref<32x128xf32, #tpu.memory_space<vmem_shared>>
    %dma_wait3A_244 = arith.constant 0 : i32
    %dma_wait3A_245 = tpu.memref_slice %arg8[%mul3A_62, %dma_wait3A_244] : memref<10240x128xf32, #tpu.memory_space<vmem_shared>> -> memref<32x128xf32, #tpu.memory_space<vmem_shared>>
    tpu.wait_dma2 semaphore(%arg11 : memref<!tpu.dma_semaphore, #tpu.memory_space<semaphore_mem>>) src(%arg7 : memref<32x128xf32, #tpu.memory_space<vmem>>) dst(%dma_wait3A_245 : memref<32x128xf32, #tpu.memory_space<vmem_shared>>)
    %dma_wait3A_246 = arith.constant 0 : i32
    %dma_wait3A_247 = tpu.memref_slice %arg8[%mul3A_62, %dma_wait3A_246] : memref<10240x128xf32, #tpu.memory_space<vmem_shared>> -> memref<32x128xf32, #tpu.memory_space<vmem_shared>>
    %dma_wait3A_248 = arith.constant 0 : i32
    %dma_wait3A_249 = tpu.memref_slice %arg8[%mul3A_62, %dma_wait3A_248] : memref<10240x128xf32, #tpu.memory_space<vmem_shared>> -> memref<32x128xf32, #tpu.memory_space<vmem_shared>>
    tpu.wait_dma2 semaphore(%arg11 : memref<!tpu.dma_semaphore, #tpu.memory_space<semaphore_mem>>) src(%arg7 : memref<32x128xf32, #tpu.memory_space<vmem>>) dst(%dma_wait3A_249 : memref<32x128xf32, #tpu.memory_space<vmem_shared>>)
    %dma_wait3A_250 = arith.constant 0 : i32
    %dma_wait3A_251 = tpu.memref_slice %arg8[%mul3A_62, %dma_wait3A_250] : memref<10240x128xf32, #tpu.memory_space<vmem_shared>> -> memref<32x128xf32, #tpu.memory_space<vmem_shared>>
    %dma_wait3A_252 = arith.constant 0 : i32
    %dma_wait3A_253 = tpu.memref_slice %arg8[%mul3A_62, %dma_wait3A_252] : memref<10240x128xf32, #tpu.memory_space<vmem_shared>> -> memref<32x128xf32, #tpu.memory_space<vmem_shared>>
    tpu.wait_dma2 semaphore(%arg11 : memref<!tpu.dma_semaphore, #tpu.memory_space<semaphore_mem>>) src(%arg7 : memref<32x128xf32, #tpu.memory_space<vmem>>) dst(%dma_wait3A_253 : memref<32x128xf32, #tpu.memory_space<vmem_shared>>)
    %dma_wait3A_254 = arith.constant 0 : i32
    %dma_wait3A_255 = tpu.memref_slice %arg8[%mul3A_62, %dma_wait3A_254] : memref<10240x128xf32, #tpu.memory_space<vmem_shared>> -> memref<32x128xf32, #tpu.memory_space<vmem_shared>>
    %dma_wait3A_256 = arith.constant 0 : i32
    %dma_wait3A_257 = tpu.memref_slice %arg8[%mul3A_62, %dma_wait3A_256] : memref<10240x128xf32, #tpu.memory_space<vmem_shared>> -> memref<32x128xf32, #tpu.memory_space<vmem_shared>>
    tpu.wait_dma2 semaphore(%arg11 : memref<!tpu.dma_semaphore, #tpu.memory_space<semaphore_mem>>) src(%arg7 : memref<32x128xf32, #tpu.memory_space<vmem>>) dst(%dma_wait3A_257 : memref<32x128xf32, #tpu.memory_space<vmem_shared>>)
    %dma_wait3A_258 = arith.constant 0 : i32
    %dma_wait3A_259 = tpu.memref_slice %arg8[%mul3A_62, %dma_wait3A_258] : memref<10240x128xf32, #tpu.memory_space<vmem_shared>> -> memref<32x128xf32, #tpu.memory_space<vmem_shared>>
    %dma_wait3A_260 = arith.constant 0 : i32
    %dma_wait3A_261 = tpu.memref_slice %arg8[%mul3A_62, %dma_wait3A_260] : memref<10240x128xf32, #tpu.memory_space<vmem_shared>> -> memref<32x128xf32, #tpu.memory_space<vmem_shared>>
    tpu.wait_dma2 semaphore(%arg11 : memref<!tpu.dma_semaphore, #tpu.memory_space<semaphore_mem>>) src(%arg7 : memref<32x128xf32, #tpu.memory_space<vmem>>) dst(%dma_wait3A_261 : memref<32x128xf32, #tpu.memory_space<vmem_shared>>)
    %barrier3A = arith.constant 0 : index
    tpu.barrier barrier_id(%barrier3A)
    %dma_wait3A_262 = arith.constant 0 : i32
    %dma_wait3A_263 = arith.constant 0 : i32
    %dma_wait3A_264 = arith.constant 0 : i32
    %dma_wait3A_265 = arith.constant 0 : i32
    %dma_wait3A_266 = arith.constant 0 : i32
    %dma_wait3A_267 = tpu.memref_slice %arg5[%dma_wait3A_264, %dma_wait3A_265, %dma_wait3A_266] : memref<6x2x80xi32, #tpu.memory_space<vmem>> -> memref<1x2x80xi32, #tpu.memory_space<vmem>>
    %dma_wait3A_268 = tpu.memref_squeeze %dma_wait3A_267 : memref<1x2x80xi32, #tpu.memory_space<vmem>> -> memref<2x80xi32, #tpu.memory_space<vmem>>
    %dma_wait3A_269 = arith.constant 0 : i32
    %dma_wait3A_270 = arith.constant 0 : i32
    %dma_wait3A_271 = tpu.memref_slice %arg3[%dma_wait3A_262, %dma_wait3A_263, %dma_wait3A_269, %dma_wait3A_270] : memref<32x125x2x80xi32, #tpu.memory_space<hbm>> -> memref<1x1x2x80xi32, #tpu.memory_space<hbm>>
    %dma_wait3A_272 = tpu.memref_squeeze %dma_wait3A_271 : memref<1x1x2x80xi32, #tpu.memory_space<hbm>> -> memref<2x80xi32, #tpu.memory_space<hbm>>
    %dma_wait3A_273 = arith.constant 0 : i32
    %dma_wait3A_274 = arith.constant 0 : i32
    %dma_wait3A_275 = tpu.memref_slice %arg5[%dma_wait3A_264, %dma_wait3A_273, %dma_wait3A_274] : memref<6x2x80xi32, #tpu.memory_space<vmem>> -> memref<1x2x80xi32, #tpu.memory_space<vmem>>
    %dma_wait3A_276 = tpu.memref_squeeze %dma_wait3A_275 : memref<1x2x80xi32, #tpu.memory_space<vmem>> -> memref<2x80xi32, #tpu.memory_space<vmem>>
    %dma_wait3A_277 = arith.constant 0 : i32
    %dma_wait3A_278 = arith.constant 0 : i32
    %dma_wait3A_279 = tpu.memref_slice %arg3[%dma_wait3A_262, %dma_wait3A_263, %dma_wait3A_277, %dma_wait3A_278] : memref<32x125x2x80xi32, #tpu.memory_space<hbm>> -> memref<1x1x2x80xi32, #tpu.memory_space<hbm>>
    %dma_wait3A_280 = tpu.memref_squeeze %dma_wait3A_279 : memref<1x1x2x80xi32, #tpu.memory_space<hbm>> -> memref<2x80xi32, #tpu.memory_space<hbm>>
    tpu.wait_dma2 semaphore(%arg9 : memref<!tpu.dma_semaphore, #tpu.memory_space<semaphore_mem>>) src(%dma_wait3A_280 : memref<2x80xi32, #tpu.memory_space<hbm>>) dst(%dma_wait3A_276 : memref<2x80xi32, #tpu.memory_space<vmem>>)
    %dma_start3A_281 = arith.constant 0 : i32
    %dma_start3A_282 = arith.constant 0 : i32
    %dma_start3A_283 = arith.constant 0 : i32
    %dma_start3A_284 = arith.constant 0 : i32
    %dma_start3A_285 = arith.constant 0 : i32
    %dma_start3A_286 = tpu.memref_slice %arg6[%dma_start3A_283, %dma_start3A_284, %dma_start3A_285] : memref<4x80x128xf32, #tpu.memory_space<vmem>> -> memref<1x80x128xf32, #tpu.memory_space<vmem>>
    %dma_start3A_287 = tpu.memref_squeeze %dma_start3A_286 : memref<1x80x128xf32, #tpu.memory_space<vmem>> -> memref<80x128xf32, #tpu.memory_space<vmem>>
    %dma_start3A_288 = arith.constant 0 : i32
    %dma_start3A_289 = tpu.memref_slice %arg5[%dma_start3A_281, %dma_start3A_282, %dma_start3A_288] : memref<6x2x80xi32, #tpu.memory_space<vmem>> -> memref<1x1x80xi32, #tpu.memory_space<vmem>>
    %dma_start3A_290 = tpu.memref_squeeze %dma_start3A_289 : memref<1x1x80xi32, #tpu.memory_space<vmem>> -> memref<80xi32, #tpu.memory_space<vmem>>
    %dma_start3A_291 = arith.constant 0 : i32
    %dma_start3A_292 = arith.constant 0 : i32
    %dma_start3A_293 = tpu.memref_slice %arg2[%dma_start3A_291, %dma_start3A_292] : memref<10000x128xf32, #tpu.memory_space<hbm>> -> memref<10000x128xf32, #tpu.memory_space<hbm>>
    tpu.enqueue_indirect_dma source(%dma_start3A_293 : memref<10000x128xf32, #tpu.memory_space<hbm>>) target(%dma_start3A_287 : memref<80x128xf32, #tpu.memory_space<vmem>>) offsets(%dma_start3A_290 : memref<80xi32, #tpu.memory_space<vmem>>) semaphore(%arg10 : memref<!tpu.dma_semaphore, #tpu.memory_space<semaphore_mem>>)
    %dma_wait3A_294 = arith.constant 0 : i32
    %dma_wait3A_295 = arith.constant 0 : i32
    %dma_wait3A_296 = arith.constant 0 : i32
    %dma_wait3A_297 = arith.constant 0 : i32
    %dma_wait3A_298 = arith.constant 0 : i32
    %dma_wait3A_299 = tpu.memref_slice %arg5[%dma_wait3A_296, %dma_wait3A_297, %dma_wait3A_298] : memref<6x2x80xi32, #tpu.memory_space<vmem>> -> memref<1x2x80xi32, #tpu.memory_space<vmem>>
    %dma_wait3A_300 = tpu.memref_squeeze %dma_wait3A_299 : memref<1x2x80xi32, #tpu.memory_space<vmem>> -> memref<2x80xi32, #tpu.memory_space<vmem>>
    %dma_wait3A_301 = arith.constant 0 : i32
    %dma_wait3A_302 = arith.constant 0 : i32
    %dma_wait3A_303 = tpu.memref_slice %arg3[%dma_wait3A_294, %dma_wait3A_295, %dma_wait3A_301, %dma_wait3A_302] : memref<32x125x2x80xi32, #tpu.memory_space<hbm>> -> memref<1x1x2x80xi32, #tpu.memory_space<hbm>>
    %dma_wait3A_304 = tpu.memref_squeeze %dma_wait3A_303 : memref<1x1x2x80xi32, #tpu.memory_space<hbm>> -> memref<2x80xi32, #tpu.memory_space<hbm>>
    %dma_wait3A_305 = arith.constant 0 : i32
    %dma_wait3A_306 = arith.constant 0 : i32
    %dma_wait3A_307 = tpu.memref_slice %arg5[%dma_wait3A_296, %dma_wait3A_305, %dma_wait3A_306] : memref<6x2x80xi32, #tpu.memory_space<vmem>> -> memref<1x2x80xi32, #tpu.memory_space<vmem>>
    %dma_wait3A_308 = tpu.memref_squeeze %dma_wait3A_307 : memref<1x2x80xi32, #tpu.memory_space<vmem>> -> memref<2x80xi32, #tpu.memory_space<vmem>>
    %dma_wait3A_309 = arith.constant 0 : i32
    %dma_wait3A_310 = arith.constant 0 : i32
    %dma_wait3A_311 = tpu.memref_slice %arg3[%dma_wait3A_294, %dma_wait3A_295, %dma_wait3A_309, %dma_wait3A_310] : memref<32x125x2x80xi32, #tpu.memory_space<hbm>> -> memref<1x1x2x80xi32, #tpu.memory_space<hbm>>
    %dma_wait3A_312 = tpu.memref_squeeze %dma_wait3A_311 : memref<1x1x2x80xi32, #tpu.memory_space<hbm>> -> memref<2x80xi32, #tpu.memory_space<hbm>>
    tpu.wait_dma2 semaphore(%arg9 : memref<!tpu.dma_semaphore, #tpu.memory_space<semaphore_mem>>) src(%dma_wait3A_312 : memref<2x80xi32, #tpu.memory_space<hbm>>) dst(%dma_wait3A_308 : memref<2x80xi32, #tpu.memory_space<vmem>>)
    %dma_start3A_313 = arith.constant 1 : i32
    %dma_start3A_314 = arith.constant 0 : i32
    %dma_start3A_315 = arith.constant 1 : i32
    %dma_start3A_316 = arith.constant 0 : i32
    %dma_start3A_317 = arith.constant 0 : i32
    %dma_start3A_318 = tpu.memref_slice %arg6[%dma_start3A_315, %dma_start3A_316, %dma_start3A_317] : memref<4x80x128xf32, #tpu.memory_space<vmem>> -> memref<1x80x128xf32, #tpu.memory_space<vmem>>
    %dma_start3A_319 = tpu.memref_squeeze %dma_start3A_318 : memref<1x80x128xf32, #tpu.memory_space<vmem>> -> memref<80x128xf32, #tpu.memory_space<vmem>>
    %dma_start3A_320 = arith.constant 0 : i32
    %dma_start3A_321 = tpu.memref_slice %arg5[%dma_start3A_313, %dma_start3A_314, %dma_start3A_320] : memref<6x2x80xi32, #tpu.memory_space<vmem>> -> memref<1x1x80xi32, #tpu.memory_space<vmem>>
    %dma_start3A_322 = tpu.memref_squeeze %dma_start3A_321 : memref<1x1x80xi32, #tpu.memory_space<vmem>> -> memref<80xi32, #tpu.memory_space<vmem>>
    %dma_start3A_323 = arith.constant 0 : i32
    %dma_start3A_324 = arith.constant 0 : i32
    %dma_start3A_325 = tpu.memref_slice %arg2[%dma_start3A_323, %dma_start3A_324] : memref<10000x128xf32, #tpu.memory_space<hbm>> -> memref<10000x128xf32, #tpu.memory_space<hbm>>
    tpu.enqueue_indirect_dma source(%dma_start3A_325 : memref<10000x128xf32, #tpu.memory_space<hbm>>) target(%dma_start3A_319 : memref<80x128xf32, #tpu.memory_space<vmem>>) offsets(%dma_start3A_322 : memref<80xi32, #tpu.memory_space<vmem>>) semaphore(%arg10 : memref<!tpu.dma_semaphore, #tpu.memory_space<semaphore_mem>>)
    %scan3A_326 = arith.constant 0 : i32
    %scan3A_327 = arith.constant 0 : i32
    %scan3A_328 = arith.constant 125 : i32
    %scan3A_329 = arith.addi %scan3A_327, %scan3A_328 : i32
    %scan3A_330 = arith.constant 1 : i32
    %scan3A_331 = scf.for %scan3A_386 = %scan3A_327 to %scan3A_329 step %scan3A_330 iter_args(%scan3A_387 = %scan3A_326) -> (i32)  : i32 {
      %dma_wait3A_388 = arith.constant 0 : i32
      %dma_wait3A_389 = arith.constant 0 : i32
      %dma_wait3A_390 = arith.constant 0 : i32
      %dma_wait3A_391 = arith.constant 0 : i32
      %dma_wait3A_392 = arith.constant 0 : i32
      %dma_wait3A_393 = tpu.memref_slice %arg6[%dma_wait3A_390, %dma_wait3A_391, %dma_wait3A_392] : memref<4x80x128xf32, #tpu.memory_space<vmem>> -> memref<1x80x128xf32, #tpu.memory_space<vmem>>
      %dma_wait3A_394 = tpu.memref_squeeze %dma_wait3A_393 : memref<1x80x128xf32, #tpu.memory_space<vmem>> -> memref<80x128xf32, #tpu.memory_space<vmem>>
      %dma_wait3A_395 = arith.constant 0 : i32
      %dma_wait3A_396 = tpu.memref_slice %arg5[%dma_wait3A_388, %dma_wait3A_389, %dma_wait3A_395] : memref<6x2x80xi32, #tpu.memory_space<vmem>> -> memref<1x1x80xi32, #tpu.memory_space<vmem>>
      %dma_wait3A_397 = tpu.memref_squeeze %dma_wait3A_396 : memref<1x1x80xi32, #tpu.memory_space<vmem>> -> memref<80xi32, #tpu.memory_space<vmem>>
      %dma_wait3A_398 = arith.constant 0 : i32
      %dma_wait3A_399 = arith.constant 0 : i32
      %dma_wait3A_400 = tpu.memref_slice %arg2[%dma_wait3A_398, %dma_wait3A_399] : memref<10000x128xf32, #tpu.memory_space<hbm>> -> memref<10000x128xf32, #tpu.memory_space<hbm>>
      tpu.wait_indirect_dma semaphore(%arg10 : memref<!tpu.dma_semaphore, #tpu.memory_space<semaphore_mem>>) src(%dma_wait3A_400 : memref<10000x128xf32, #tpu.memory_space<hbm>>) dst(%dma_wait3A_394 : memref<80x128xf32, #tpu.memory_space<vmem>>)
      %jit3A = arith.constant 4 : i32
      %eq3A = arith.constant 0 : i32
      %eq3A_401 = arith.cmpi eq, %jit3A, %eq3A : i32
      %jit3A_402 = arith.constant 1 : i32
      %select_n3A = arith.select %eq3A_401, %jit3A_402, %jit3A : i32
      %rem3A = arith.remsi %scan3A_386, %select_n3A : i32
      %ne3A = arith.constant 0 : i32
      %ne3A_403 = arith.cmpi ne, %rem3A, %ne3A : i32
      %lt3A = arith.constant 0 : i32
      %lt3A_404 = arith.cmpi slt, %rem3A, %lt3A : i32
      %lt3A_405 = arith.constant 0 : i32
      %lt3A_406 = arith.cmpi slt, %select_n3A, %lt3A_405 : i32
      %ne3A_407 = arith.xori %lt3A_404, %lt3A_406 : i1
      %and3A = arith.andi %ne3A_407, %ne3A_403 : i1
      %add3A_408 = arith.addi %rem3A, %select_n3A : i32
      %select_n3A_409 = arith.select %and3A, %add3A_408, %rem3A : i32
      %jit3A_410 = arith.constant 6 : i32
      %eq3A_411 = arith.constant 0 : i32
      %eq3A_412 = arith.cmpi eq, %jit3A_410, %eq3A_411 : i32
      %jit3A_413 = arith.constant 1 : i32
      %select_n3A_414 = arith.select %eq3A_412, %jit3A_413, %jit3A_410 : i32
      %rem3A_415 = arith.remsi %scan3A_386, %select_n3A_414 : i32
      %ne3A_416 = arith.constant 0 : i32
      %ne3A_417 = arith.cmpi ne, %rem3A_415, %ne3A_416 : i32
      %lt3A_418 = arith.constant 0 : i32
      %lt3A_419 = arith.cmpi slt, %rem3A_415, %lt3A_418 : i32
      %lt3A_420 = arith.constant 0 : i32
      %lt3A_421 = arith.cmpi slt, %select_n3A_414, %lt3A_420 : i32
      %ne3A_422 = arith.xori %lt3A_419, %lt3A_421 : i1
      %and3A_423 = arith.andi %ne3A_422, %ne3A_417 : i1
      %add3A_424 = arith.addi %rem3A_415, %select_n3A_414 : i32
      %select_n3A_425 = arith.select %and3A_423, %add3A_424, %rem3A_415 : i32
      %dma_start3A_426 = arith.constant 1 : i32
      %dma_start3A_427 = arith.constant 0 : i32
      %dma_start3A_428 = arith.constant 0 : i32
      %dma_start3A_429 = tpu.memref_slice %arg6[%select_n3A_409, %dma_start3A_427, %dma_start3A_428] : memref<4x80x128xf32, #tpu.memory_space<vmem>> -> memref<1x80x128xf32, #tpu.memory_space<vmem>>
      %dma_start3A_430 = tpu.memref_squeeze %dma_start3A_429 : memref<1x80x128xf32, #tpu.memory_space<vmem>> -> memref<80x128xf32, #tpu.memory_space<vmem>>
      %dma_start3A_431 = arith.constant 0 : i32
      %dma_start3A_432 = tpu.memref_slice %arg5[%select_n3A_425, %dma_start3A_426, %dma_start3A_431] : memref<6x2x80xi32, #tpu.memory_space<vmem>> -> memref<1x1x80xi32, #tpu.memory_space<vmem>>
      %dma_start3A_433 = tpu.memref_squeeze %dma_start3A_432 : memref<1x1x80xi32, #tpu.memory_space<vmem>> -> memref<80xi32, #tpu.memory_space<vmem>>
      %dma_start3A_434 = arith.constant 0 : i32
      %dma_start3A_435 = arith.constant 0 : i32
      %dma_start3A_436 = tpu.memref_slice %arg8[%dma_start3A_434, %dma_start3A_435] : memref<10240x128xf32, #tpu.memory_space<vmem_shared>> -> memref<10240x128xf32, #tpu.memory_space<vmem_shared>>
      tpu.enqueue_indirect_dma source(%dma_start3A_430 : memref<80x128xf32, #tpu.memory_space<vmem>>) target(%dma_start3A_436 : memref<10240x128xf32, #tpu.memory_space<vmem_shared>>) offsets(%dma_start3A_433 : memref<80xi32, #tpu.memory_space<vmem>>) semaphore(%arg11 : memref<!tpu.dma_semaphore, #tpu.memory_space<semaphore_mem>>) {add = true}
      %add3A_437 = arith.constant 2 : i32
      %add3A_438 = arith.addi %scan3A_386, %add3A_437 : i32
      %lt3A_439 = arith.constant 125 : i32
      %lt3A_440 = arith.cmpi slt, %add3A_438, %lt3A_439 : i32
      %convert_element_type3A = arith.extui %lt3A_440 : i1 to i32
      %cond3A = arith.constant 0 : i32
      %cond3A_441 = arith.cmpi ne, %convert_element_type3A, %cond3A : i32
      scf.if %cond3A_441 {
        %dma_wait3A_443 = arith.constant 0 : i32
        %dma_wait3A_444 = arith.constant 0 : i32
        %dma_wait3A_445 = arith.constant 0 : i32
        %dma_wait3A_446 = arith.constant 0 : i32
        %dma_wait3A_447 = arith.constant 0 : i32
        %dma_wait3A_448 = tpu.memref_slice %arg5[%dma_wait3A_445, %dma_wait3A_446, %dma_wait3A_447] : memref<6x2x80xi32, #tpu.memory_space<vmem>> -> memref<1x2x80xi32, #tpu.memory_space<vmem>>
        %dma_wait3A_449 = tpu.memref_squeeze %dma_wait3A_448 : memref<1x2x80xi32, #tpu.memory_space<vmem>> -> memref<2x80xi32, #tpu.memory_space<vmem>>
        %dma_wait3A_450 = arith.constant 0 : i32
        %dma_wait3A_451 = arith.constant 0 : i32
        %dma_wait3A_452 = tpu.memref_slice %arg3[%dma_wait3A_443, %dma_wait3A_444, %dma_wait3A_450, %dma_wait3A_451] : memref<32x125x2x80xi32, #tpu.memory_space<hbm>> -> memref<1x1x2x80xi32, #tpu.memory_space<hbm>>
        %dma_wait3A_453 = tpu.memref_squeeze %dma_wait3A_452 : memref<1x1x2x80xi32, #tpu.memory_space<hbm>> -> memref<2x80xi32, #tpu.memory_space<hbm>>
        %dma_wait3A_454 = arith.constant 0 : i32
        %dma_wait3A_455 = arith.constant 0 : i32
        %dma_wait3A_456 = tpu.memref_slice %arg5[%dma_wait3A_445, %dma_wait3A_454, %dma_wait3A_455] : memref<6x2x80xi32, #tpu.memory_space<vmem>> -> memref<1x2x80xi32, #tpu.memory_space<vmem>>
        %dma_wait3A_457 = tpu.memref_squeeze %dma_wait3A_456 : memref<1x2x80xi32, #tpu.memory_space<vmem>> -> memref<2x80xi32, #tpu.memory_space<vmem>>
        %dma_wait3A_458 = arith.constant 0 : i32
        %dma_wait3A_459 = arith.constant 0 : i32
        %dma_wait3A_460 = tpu.memref_slice %arg3[%dma_wait3A_443, %dma_wait3A_444, %dma_wait3A_458, %dma_wait3A_459] : memref<32x125x2x80xi32, #tpu.memory_space<hbm>> -> memref<1x1x2x80xi32, #tpu.memory_space<hbm>>
        %dma_wait3A_461 = tpu.memref_squeeze %dma_wait3A_460 : memref<1x1x2x80xi32, #tpu.memory_space<hbm>> -> memref<2x80xi32, #tpu.memory_space<hbm>>
        tpu.wait_dma2 semaphore(%arg9 : memref<!tpu.dma_semaphore, #tpu.memory_space<semaphore_mem>>) src(%dma_wait3A_461 : memref<2x80xi32, #tpu.memory_space<hbm>>) dst(%dma_wait3A_457 : memref<2x80xi32, #tpu.memory_space<vmem>>)
        %ge3A = arith.constant 2 : i32
        %ge3A_462 = arith.cmpi sge, %scan3A_386, %ge3A : i32
        %convert_element_type3A_463 = arith.extui %ge3A_462 : i1 to i32
        %cond3A_464 = arith.constant 0 : i32
        %cond3A_465 = arith.cmpi ne, %convert_element_type3A_463, %cond3A_464 : i32
        scf.if %cond3A_465 {
          %dma_wait3A_520 = arith.constant 0 : i32
          %dma_wait3A_521 = arith.constant 0 : i32
          %dma_wait3A_522 = arith.constant 1 : i32
          %dma_wait3A_523 = arith.constant 0 : i32
          %dma_wait3A_524 = arith.constant 0 : i32
          %dma_wait3A_525 = tpu.memref_slice %arg6[%dma_wait3A_520, %dma_wait3A_523, %dma_wait3A_524] : memref<4x80x128xf32, #tpu.memory_space<vmem>> -> memref<1x80x128xf32, #tpu.memory_space<vmem>>
          %dma_wait3A_526 = tpu.memref_squeeze %dma_wait3A_525 : memref<1x80x128xf32, #tpu.memory_space<vmem>> -> memref<80x128xf32, #tpu.memory_space<vmem>>
          %dma_wait3A_527 = arith.constant 0 : i32
          %dma_wait3A_528 = tpu.memref_slice %arg5[%dma_wait3A_521, %dma_wait3A_522, %dma_wait3A_527] : memref<6x2x80xi32, #tpu.memory_space<vmem>> -> memref<1x1x80xi32, #tpu.memory_space<vmem>>
          %dma_wait3A_529 = tpu.memref_squeeze %dma_wait3A_528 : memref<1x1x80xi32, #tpu.memory_space<vmem>> -> memref<80xi32, #tpu.memory_space<vmem>>
          %dma_wait3A_530 = arith.constant 0 : i32
          %dma_wait3A_531 = arith.constant 0 : i32
          %dma_wait3A_532 = tpu.memref_slice %arg8[%dma_wait3A_530, %dma_wait3A_531] : memref<10240x128xf32, #tpu.memory_space<vmem_shared>> -> memref<10240x128xf32, #tpu.memory_space<vmem_shared>>
          tpu.wait_indirect_dma semaphore(%arg11 : memref<!tpu.dma_semaphore, #tpu.memory_space<semaphore_mem>>) src(%dma_wait3A_526 : memref<80x128xf32, #tpu.memory_space<vmem>>) dst(%dma_wait3A_532 : memref<10240x128xf32, #tpu.memory_space<vmem_shared>>)
        } else {
        }
        %add3A_466 = arith.constant 2 : i32
        %add3A_467 = arith.addi %scan3A_386, %add3A_466 : i32
        %jit3A_468 = arith.constant 6 : i32
        %eq3A_469 = arith.constant 0 : i32
        %eq3A_470 = arith.cmpi eq, %jit3A_468, %eq3A_469 : i32
        %jit3A_471 = arith.constant 1 : i32
        %select_n3A_472 = arith.select %eq3A_470, %jit3A_471, %jit3A_468 : i32
        %rem3A_473 = arith.remsi %add3A_467, %select_n3A_472 : i32
        %ne3A_474 = arith.constant 0 : i32
        %ne3A_475 = arith.cmpi ne, %rem3A_473, %ne3A_474 : i32
        %lt3A_476 = arith.constant 0 : i32
        %lt3A_477 = arith.cmpi slt, %rem3A_473, %lt3A_476 : i32
        %lt3A_478 = arith.constant 0 : i32
        %lt3A_479 = arith.cmpi slt, %select_n3A_472, %lt3A_478 : i32
        %ne3A_480 = arith.xori %lt3A_477, %lt3A_479 : i1
        %and3A_481 = arith.andi %ne3A_480, %ne3A_475 : i1
        %add3A_482 = arith.addi %rem3A_473, %select_n3A_472 : i32
        %select_n3A_483 = arith.select %and3A_481, %add3A_482, %rem3A_473 : i32
        %jit3A_484 = arith.constant 4 : i32
        %eq3A_485 = arith.constant 0 : i32
        %eq3A_486 = arith.cmpi eq, %jit3A_484, %eq3A_485 : i32
        %jit3A_487 = arith.constant 1 : i32
        %select_n3A_488 = arith.select %eq3A_486, %jit3A_487, %jit3A_484 : i32
        %rem3A_489 = arith.remsi %add3A_467, %select_n3A_488 : i32
        %ne3A_490 = arith.constant 0 : i32
        %ne3A_491 = arith.cmpi ne, %rem3A_489, %ne3A_490 : i32
        %lt3A_492 = arith.constant 0 : i32
        %lt3A_493 = arith.cmpi slt, %rem3A_489, %lt3A_492 : i32
        %lt3A_494 = arith.constant 0 : i32
        %lt3A_495 = arith.cmpi slt, %select_n3A_488, %lt3A_494 : i32
        %ne3A_496 = arith.xori %lt3A_493, %lt3A_495 : i1
        %and3A_497 = arith.andi %ne3A_496, %ne3A_491 : i1
        %add3A_498 = arith.addi %rem3A_489, %select_n3A_488 : i32
        %select_n3A_499 = arith.select %and3A_497, %add3A_498, %rem3A_489 : i32
        %dma_start3A_500 = arith.constant 0 : i32
        %dma_start3A_501 = arith.constant 0 : i32
        %dma_start3A_502 = arith.constant 0 : i32
        %dma_start3A_503 = tpu.memref_slice %arg6[%select_n3A_499, %dma_start3A_501, %dma_start3A_502] : memref<4x80x128xf32, #tpu.memory_space<vmem>> -> memref<1x80x128xf32, #tpu.memory_space<vmem>>
        %dma_start3A_504 = tpu.memref_squeeze %dma_start3A_503 : memref<1x80x128xf32, #tpu.memory_space<vmem>> -> memref<80x128xf32, #tpu.memory_space<vmem>>
        %dma_start3A_505 = arith.constant 0 : i32
        %dma_start3A_506 = tpu.memref_slice %arg5[%select_n3A_483, %dma_start3A_500, %dma_start3A_505] : memref<6x2x80xi32, #tpu.memory_space<vmem>> -> memref<1x1x80xi32, #tpu.memory_space<vmem>>
        %dma_start3A_507 = tpu.memref_squeeze %dma_start3A_506 : memref<1x1x80xi32, #tpu.memory_space<vmem>> -> memref<80xi32, #tpu.memory_space<vmem>>
        %dma_start3A_508 = arith.constant 0 : i32
        %dma_start3A_509 = arith.constant 0 : i32
        %dma_start3A_510 = tpu.memref_slice %arg2[%dma_start3A_508, %dma_start3A_509] : memref<10000x128xf32, #tpu.memory_space<hbm>> -> memref<10000x128xf32, #tpu.memory_space<hbm>>
        tpu.enqueue_indirect_dma source(%dma_start3A_510 : memref<10000x128xf32, #tpu.memory_space<hbm>>) target(%dma_start3A_504 : memref<80x128xf32, #tpu.memory_space<vmem>>) offsets(%dma_start3A_507 : memref<80xi32, #tpu.memory_space<vmem>>) semaphore(%arg10 : memref<!tpu.dma_semaphore, #tpu.memory_space<semaphore_mem>>)
        %add3A_511 = arith.constant 2 : i32
        %add3A_512 = arith.addi %scan3A_386, %add3A_511 : i32
        %add3A_513 = arith.constant 1 : i32
        %add3A_514 = arith.addi %add3A_512, %add3A_513 : i32
        %lt3A_515 = arith.constant 125 : i32
        %lt3A_516 = arith.cmpi slt, %add3A_514, %lt3A_515 : i32
        %convert_element_type3A_517 = arith.extui %lt3A_516 : i1 to i32
        %cond3A_518 = arith.constant 0 : i32
        %cond3A_519 = arith.cmpi ne, %convert_element_type3A_517, %cond3A_518 : i32
        scf.if %cond3A_519 {
          %add3A_520 = arith.constant 2 : i32
          %add3A_521 = arith.addi %scan3A_386, %add3A_520 : i32
          %add3A_522 = arith.constant 1 : i32
          %add3A_523 = arith.addi %add3A_521, %add3A_522 : i32
          %jit3A_524 = arith.constant 6 : i32
          %eq3A_525 = arith.constant 0 : i32
          %eq3A_526 = arith.cmpi eq, %jit3A_524, %eq3A_525 : i32
          %jit3A_527 = arith.constant 1 : i32
          %select_n3A_528 = arith.select %eq3A_526, %jit3A_527, %jit3A_524 : i32
          %rem3A_529 = arith.remsi %add3A_523, %select_n3A_528 : i32
          %ne3A_530 = arith.constant 0 : i32
          %ne3A_531 = arith.cmpi ne, %rem3A_529, %ne3A_530 : i32
          %lt3A_532 = arith.constant 0 : i32
          %lt3A_533 = arith.cmpi slt, %rem3A_529, %lt3A_532 : i32
          %lt3A_534 = arith.constant 0 : i32
          %lt3A_535 = arith.cmpi slt, %select_n3A_528, %lt3A_534 : i32
          %ne3A_536 = arith.xori %lt3A_533, %lt3A_535 : i1
          %and3A_537 = arith.andi %ne3A_536, %ne3A_531 : i1
          %add3A_538 = arith.addi %rem3A_529, %select_n3A_528 : i32
          %select_n3A_539 = arith.select %and3A_537, %add3A_538, %rem3A_529 : i32
          %dma_start3A_540 = arith.constant 0 : i32
          %dma_start3A_541 = arith.constant 0 : i32
          %dma_start3A_542 = tpu.memref_slice %arg5[%select_n3A_539, %dma_start3A_540, %dma_start3A_541] : memref<6x2x80xi32, #tpu.memory_space<vmem>> -> memref<1x2x80xi32, #tpu.memory_space<vmem>>
          %dma_start3A_543 = tpu.memref_squeeze %dma_start3A_542 : memref<1x2x80xi32, #tpu.memory_space<vmem>> -> memref<2x80xi32, #tpu.memory_space<vmem>>
          %dma_start3A_544 = arith.constant 0 : i32
          %dma_start3A_545 = arith.constant 0 : i32
          %dma_start3A_546 = tpu.memref_slice %arg3[%add3A, %add3A_523, %dma_start3A_544, %dma_start3A_545] : memref<32x125x2x80xi32, #tpu.memory_space<hbm>> -> memref<1x1x2x80xi32, #tpu.memory_space<hbm>>
          %dma_start3A_547 = tpu.memref_squeeze %dma_start3A_546 : memref<1x1x2x80xi32, #tpu.memory_space<hbm>> -> memref<2x80xi32, #tpu.memory_space<hbm>>
          %dma_start3A_548 = arith.constant 0 : i32
          %dma_start3A_549 = arith.constant 0 : i32
          %dma_start3A_550 = tpu.memref_slice %arg5[%select_n3A_539, %dma_start3A_548, %dma_start3A_549] : memref<6x2x80xi32, #tpu.memory_space<vmem>> -> memref<1x2x80xi32, #tpu.memory_space<vmem>>
          %dma_start3A_551 = tpu.memref_squeeze %dma_start3A_550 : memref<1x2x80xi32, #tpu.memory_space<vmem>> -> memref<2x80xi32, #tpu.memory_space<vmem>>
          %dma_start3A_552 = arith.constant 0 : i32
          %dma_start3A_553 = arith.constant 0 : i32
          %dma_start3A_554 = tpu.memref_slice %arg3[%add3A, %add3A_523, %dma_start3A_552, %dma_start3A_553] : memref<32x125x2x80xi32, #tpu.memory_space<hbm>> -> memref<1x1x2x80xi32, #tpu.memory_space<hbm>>
          %dma_start3A_555 = tpu.memref_squeeze %dma_start3A_554 : memref<1x1x2x80xi32, #tpu.memory_space<hbm>> -> memref<2x80xi32, #tpu.memory_space<hbm>>
          tpu.enqueue_dma source(%dma_start3A_555 : memref<2x80xi32, #tpu.memory_space<hbm>>) target(%dma_start3A_551 : memref<2x80xi32, #tpu.memory_space<vmem>>) target_semaphore(%arg9 : memref<!tpu.dma_semaphore, #tpu.memory_space<semaphore_mem>>)
        } else {
        }
      } else {
      }
      %scan3A_442 = arith.constant 0 : i32
      scf.yield %scan3A_442 : i32
    }
    %scan3A_332 = arith.constant 125 : i32
    %dma_wait3A_333 = arith.constant 0 : i32
    %dma_wait3A_334 = arith.constant 0 : i32
    %dma_wait3A_335 = arith.constant 1 : i32
    %dma_wait3A_336 = arith.constant 0 : i32
    %dma_wait3A_337 = arith.constant 0 : i32
    %dma_wait3A_338 = tpu.memref_slice %arg6[%dma_wait3A_333, %dma_wait3A_336, %dma_wait3A_337] : memref<4x80x128xf32, #tpu.memory_space<vmem>> -> memref<1x80x128xf32, #tpu.memory_space<vmem>>
    %dma_wait3A_339 = tpu.memref_squeeze %dma_wait3A_338 : memref<1x80x128xf32, #tpu.memory_space<vmem>> -> memref<80x128xf32, #tpu.memory_space<vmem>>
    %dma_wait3A_340 = arith.constant 0 : i32
    %dma_wait3A_341 = tpu.memref_slice %arg5[%dma_wait3A_334, %dma_wait3A_335, %dma_wait3A_340] : memref<6x2x80xi32, #tpu.memory_space<vmem>> -> memref<1x1x80xi32, #tpu.memory_space<vmem>>
    %dma_wait3A_342 = tpu.memref_squeeze %dma_wait3A_341 : memref<1x1x80xi32, #tpu.memory_space<vmem>> -> memref<80xi32, #tpu.memory_space<vmem>>
    %dma_wait3A_343 = arith.constant 0 : i32
    %dma_wait3A_344 = arith.constant 0 : i32
    %dma_wait3A_345 = tpu.memref_slice %arg8[%dma_wait3A_343, %dma_wait3A_344] : memref<10240x128xf32, #tpu.memory_space<vmem_shared>> -> memref<10240x128xf32, #tpu.memory_space<vmem_shared>>
    tpu.wait_indirect_dma semaphore(%arg11 : memref<!tpu.dma_semaphore, #tpu.memory_space<semaphore_mem>>) src(%dma_wait3A_339 : memref<80x128xf32, #tpu.memory_space<vmem>>) dst(%dma_wait3A_345 : memref<10240x128xf32, #tpu.memory_space<vmem_shared>>)
    %dma_wait3A_346 = arith.constant 0 : i32
    %dma_wait3A_347 = arith.constant 0 : i32
    %dma_wait3A_348 = arith.constant 1 : i32
    %dma_wait3A_349 = arith.constant 0 : i32
    %dma_wait3A_350 = arith.constant 0 : i32
    %dma_wait3A_351 = tpu.memref_slice %arg6[%dma_wait3A_346, %dma_wait3A_349, %dma_wait3A_350] : memref<4x80x128xf32, #tpu.memory_space<vmem>> -> memref<1x80x128xf32, #tpu.memory_space<vmem>>
    %dma_wait3A_352 = tpu.memref_squeeze %dma_wait3A_351 : memref<1x80x128xf32, #tpu.memory_space<vmem>> -> memref<80x128xf32, #tpu.memory_space<vmem>>
    %dma_wait3A_353 = arith.constant 0 : i32
    %dma_wait3A_354 = tpu.memref_slice %arg5[%dma_wait3A_347, %dma_wait3A_348, %dma_wait3A_353] : memref<6x2x80xi32, #tpu.memory_space<vmem>> -> memref<1x1x80xi32, #tpu.memory_space<vmem>>
    %dma_wait3A_355 = tpu.memref_squeeze %dma_wait3A_354 : memref<1x1x80xi32, #tpu.memory_space<vmem>> -> memref<80xi32, #tpu.memory_space<vmem>>
    %dma_wait3A_356 = arith.constant 0 : i32
    %dma_wait3A_357 = arith.constant 0 : i32
    %dma_wait3A_358 = tpu.memref_slice %arg8[%dma_wait3A_356, %dma_wait3A_357] : memref<10240x128xf32, #tpu.memory_space<vmem_shared>> -> memref<10240x128xf32, #tpu.memory_space<vmem_shared>>
    tpu.wait_indirect_dma semaphore(%arg11 : memref<!tpu.dma_semaphore, #tpu.memory_space<semaphore_mem>>) src(%dma_wait3A_352 : memref<80x128xf32, #tpu.memory_space<vmem>>) dst(%dma_wait3A_358 : memref<10240x128xf32, #tpu.memory_space<vmem_shared>>)
    %dma_wait3A_359 = arith.constant 0 : i32
    %dma_wait3A_360 = arith.constant 0 : i32
    %dma_wait3A_361 = arith.constant 1 : i32
    %dma_wait3A_362 = arith.constant 0 : i32
    %dma_wait3A_363 = arith.constant 0 : i32
    %dma_wait3A_364 = tpu.memref_slice %arg6[%dma_wait3A_359, %dma_wait3A_362, %dma_wait3A_363] : memref<4x80x128xf32, #tpu.memory_space<vmem>> -> memref<1x80x128xf32, #tpu.memory_space<vmem>>
    %dma_wait3A_365 = tpu.memref_squeeze %dma_wait3A_364 : memref<1x80x128xf32, #tpu.memory_space<vmem>> -> memref<80x128xf32, #tpu.memory_space<vmem>>
    %dma_wait3A_366 = arith.constant 0 : i32
    %dma_wait3A_367 = tpu.memref_slice %arg5[%dma_wait3A_360, %dma_wait3A_361, %dma_wait3A_366] : memref<6x2x80xi32, #tpu.memory_space<vmem>> -> memref<1x1x80xi32, #tpu.memory_space<vmem>>
    %dma_wait3A_368 = tpu.memref_squeeze %dma_wait3A_367 : memref<1x1x80xi32, #tpu.memory_space<vmem>> -> memref<80xi32, #tpu.memory_space<vmem>>
    %dma_wait3A_369 = arith.constant 0 : i32
    %dma_wait3A_370 = arith.constant 0 : i32
    %dma_wait3A_371 = tpu.memref_slice %arg8[%dma_wait3A_369, %dma_wait3A_370] : memref<10240x128xf32, #tpu.memory_space<vmem_shared>> -> memref<10240x128xf32, #tpu.memory_space<vmem_shared>>
    tpu.wait_indirect_dma semaphore(%arg11 : memref<!tpu.dma_semaphore, #tpu.memory_space<semaphore_mem>>) src(%dma_wait3A_365 : memref<80x128xf32, #tpu.memory_space<vmem>>) dst(%dma_wait3A_371 : memref<10240x128xf32, #tpu.memory_space<vmem_shared>>)
    %dma_wait3A_372 = arith.constant 0 : i32
    %dma_wait3A_373 = arith.constant 0 : i32
    %dma_wait3A_374 = arith.constant 1 : i32
    %dma_wait3A_375 = arith.constant 0 : i32
    %dma_wait3A_376 = arith.constant 0 : i32
    %dma_wait3A_377 = tpu.memref_slice %arg6[%dma_wait3A_372, %dma_wait3A_375, %dma_wait3A_376] : memref<4x80x128xf32, #tpu.memory_space<vmem>> -> memref<1x80x128xf32, #tpu.memory_space<vmem>>
    %dma_wait3A_378 = tpu.memref_squeeze %dma_wait3A_377 : memref<1x80x128xf32, #tpu.memory_space<vmem>> -> memref<80x128xf32, #tpu.memory_space<vmem>>
    %dma_wait3A_379 = arith.constant 0 : i32
    %dma_wait3A_380 = tpu.memref_slice %arg5[%dma_wait3A_373, %dma_wait3A_374, %dma_wait3A_379] : memref<6x2x80xi32, #tpu.memory_space<vmem>> -> memref<1x1x80xi32, #tpu.memory_space<vmem>>
    %dma_wait3A_381 = tpu.memref_squeeze %dma_wait3A_380 : memref<1x1x80xi32, #tpu.memory_space<vmem>> -> memref<80xi32, #tpu.memory_space<vmem>>
    %dma_wait3A_382 = arith.constant 0 : i32
    %dma_wait3A_383 = arith.constant 0 : i32
    %dma_wait3A_384 = tpu.memref_slice %arg8[%dma_wait3A_382, %dma_wait3A_383] : memref<10240x128xf32, #tpu.memory_space<vmem_shared>> -> memref<10240x128xf32, #tpu.memory_space<vmem_shared>>
    tpu.wait_indirect_dma semaphore(%arg11 : memref<!tpu.dma_semaphore, #tpu.memory_space<semaphore_mem>>) src(%dma_wait3A_378 : memref<80x128xf32, #tpu.memory_space<vmem>>) dst(%dma_wait3A_384 : memref<10240x128xf32, #tpu.memory_space<vmem_shared>>)
    %barrier3A_385 = arith.constant 0 : index
    tpu.barrier barrier_id(%barrier3A_385)
    "tpu.region"() ({
      %run_scoped3A = tpu.sem_alloc : memref<!tpu.dma_semaphore, #tpu.memory_space<semaphore_mem>>
      %dma_start3A_386 = arith.constant 0 : i32
      %dma_start3A_387 = tpu.memref_slice %arg4[%arg0, %mul3A_62, %dma_start3A_386] : memref<2x10240x128xf32, #tpu.memory_space<hbm>> -> memref<1x640x128xf32, #tpu.memory_space<hbm>>
      %dma_start3A_388 = tpu.memref_squeeze %dma_start3A_387 : memref<1x640x128xf32, #tpu.memory_space<hbm>> -> memref<640x128xf32, #tpu.memory_space<hbm>>
      %dma_start3A_389 = arith.constant 0 : i32
      %dma_start3A_390 = tpu.memref_slice %arg8[%mul3A_62, %dma_start3A_389] : memref<10240x128xf32, #tpu.memory_space<vmem_shared>> -> memref<640x128xf32, #tpu.memory_space<vmem_shared>>
      tpu.enqueue_dma source(%dma_start3A_390 : memref<640x128xf32, #tpu.memory_space<vmem_shared>>) target(%dma_start3A_388 : memref<640x128xf32, #tpu.memory_space<hbm>>) target_semaphore(%run_scoped3A : memref<!tpu.dma_semaphore, #tpu.memory_space<semaphore_mem>>)
      %dma_wait3A_391 = arith.constant 0 : i32
      %dma_wait3A_392 = tpu.memref_slice %arg4[%arg0, %mul3A_62, %dma_wait3A_391] : memref<2x10240x128xf32, #tpu.memory_space<hbm>> -> memref<1x640x128xf32, #tpu.memory_space<hbm>>
      %dma_wait3A_393 = tpu.memref_squeeze %dma_wait3A_392 : memref<1x640x128xf32, #tpu.memory_space<hbm>> -> memref<640x128xf32, #tpu.memory_space<hbm>>
      %dma_wait3A_394 = arith.constant 0 : i32
      %dma_wait3A_395 = tpu.memref_slice %arg8[%mul3A_62, %dma_wait3A_394] : memref<10240x128xf32, #tpu.memory_space<vmem_shared>> -> memref<640x128xf32, #tpu.memory_space<vmem_shared>>
      tpu.wait_dma2 semaphore(%run_scoped3A : memref<!tpu.dma_semaphore, #tpu.memory_space<semaphore_mem>>) src(%dma_wait3A_395 : memref<640x128xf32, #tpu.memory_space<vmem_shared>>) dst(%dma_wait3A_393 : memref<640x128xf32, #tpu.memory_space<hbm>>)
      tpu.yield
    }) : () -> ()
    return
  }
}

module attributes {stable_mosaic.version = 14 : i64} {
  func.func @body(%arg0: memref<10000xf32, #tpu.memory_space<vmem>>, %arg1: memref<10000xf32, #tpu.memory_space<vmem>>, %arg2: memref<10000xf32, #tpu.memory_space<vmem>>, %arg3: memref<10000xf32, #tpu.memory_space<vmem>>, %arg4: memref<2x10000xf32, #tpu.memory_space<vmem>>) attributes {dimension_semantics = [], scalar_prefetch = 0 : i64, scratch_operands = 0 : i64, tpu.core_type = #tpu.core_type<tc>} {
    %get3A = arith.constant 0 : index
    %get3A_0 = vector.load %arg0[%get3A] : memref<10000xf32, #tpu.memory_space<vmem>>, vector<10000xf32>
    %get3A_1 = arith.constant 0 : index
    %get3A_2 = vector.load %arg1[%get3A_1] : memref<10000xf32, #tpu.memory_space<vmem>>, vector<10000xf32>
    %add3A = arith.addf %get3A_0, %get3A_2 : vector<10000xf32>
    %max3A = arith.constant 1.000000e+00 : f32
    %max3A_3 = vector.broadcast %max3A : f32 to vector<10000xf32>
    %max3A_4 = arith.maximumf %add3A, %max3A_3 : vector<10000xf32>
    %rsqrt3A = math.rsqrt %max3A_4 : vector<10000xf32>
    %swap3A = arith.constant 0 : index
    %swap3A_5 = arith.constant 0 : index
    %swap3A_6 = vector.load %arg4[%swap3A, %swap3A_5] : memref<2x10000xf32, #tpu.memory_space<vmem>>, vector<1x10000xf32>
    %swap3A_7 = vector.shape_cast %swap3A_6 : vector<1x10000xf32> to vector<10000xf32>
    %swap3A_8 = vector.shape_cast %rsqrt3A : vector<10000xf32> to vector<1x10000xf32>
    tpu.vector_store %arg4[%swap3A, %swap3A_5], %swap3A_8 {strides = array<i32>} : memref<2x10000xf32, #tpu.memory_space<vmem>>, vector<1x10000xf32>,
    %get3A_9 = arith.constant 0 : index
    %get3A_10 = vector.load %arg2[%get3A_9] : memref<10000xf32, #tpu.memory_space<vmem>>, vector<10000xf32>
    %get3A_11 = arith.constant 0 : index
    %get3A_12 = vector.load %arg3[%get3A_11] : memref<10000xf32, #tpu.memory_space<vmem>>, vector<10000xf32>
    %add3A_13 = arith.addf %get3A_10, %get3A_12 : vector<10000xf32>
    %max3A_14 = arith.constant 1.000000e+00 : f32
    %max3A_15 = vector.broadcast %max3A_14 : f32 to vector<10000xf32>
    %max3A_16 = arith.maximumf %add3A_13, %max3A_15 : vector<10000xf32>
    %rsqrt3A_17 = math.rsqrt %max3A_16 : vector<10000xf32>
    %swap3A_18 = arith.constant 1 : index
    %swap3A_19 = arith.constant 0 : index
    %swap3A_20 = vector.load %arg4[%swap3A_18, %swap3A_19] : memref<2x10000xf32, #tpu.memory_space<vmem>>, vector<1x10000xf32>
    %swap3A_21 = vector.shape_cast %swap3A_20 : vector<1x10000xf32> to vector<10000xf32>
    %swap3A_22 = vector.shape_cast %rsqrt3A_17 : vector<10000xf32> to vector<1x10000xf32>
    tpu.vector_store %arg4[%swap3A_18, %swap3A_19], %swap3A_22 {strides = array<i32>} : memref<2x10000xf32, #tpu.memory_space<vmem>>, vector<1x10000xf32>,
    return
  }
}

module attributes {stable_mosaic.version = 14 : i64} {
  func.func @body(%arg0: i32, %arg1: memref<2000x128xf32, #tpu.memory_space<vmem>>, %arg2: memref<2000x1xf32, #tpu.memory_space<vmem>>, %arg3: memref<128x128xf32, #tpu.memory_space<vmem>>, %arg4: memref<2000x128xf32, #tpu.memory_space<vmem>>) attributes {dimension_semantics = [#tpu.dimension_semantics<arbitrary>], iteration_bounds = array<i64: 5>, scalar_prefetch = 0 : i64, scratch_operands = 0 : i64, tpu.core_type = #tpu.core_type<tc>, window_params = [{transform_indices = @transform_0, window_bounds = array<i64: 2000, 128>}, {transform_indices = @transform_1, window_bounds = array<i64: 2000, 1>}, {pipeline_mode = #tpu.pipeline_mode<synchronous>, transform_indices = @transform_2, window_bounds = array<i64: 128, 128>}, {transform_indices = @transform_3, window_bounds = array<i64: 2000, 128>}]} {
    %get3A = arith.constant 0 : index
    %get3A_0 = arith.constant 0 : index
    %get3A_1 = vector.load %arg1[%get3A, %get3A_0] : memref<2000x128xf32, #tpu.memory_space<vmem>>, vector<2000x128xf32>
    %get3A_2 = arith.constant 0 : index
    %get3A_3 = arith.constant 0 : index
    %get3A_4 = vector.load %arg2[%get3A_2, %get3A_3] : memref<2000x1xf32, #tpu.memory_space<vmem>>, vector<2000x1xf32>
    %mul3A = vector.broadcast %get3A_4 : vector<2000x1xf32> to vector<2000x128xf32>
    %mul3A_5 = arith.mulf %get3A_1, %mul3A : vector<2000x128xf32>
    %get3A_6 = arith.constant 0 : index
    %get3A_7 = arith.constant 0 : index
    %get3A_8 = vector.load %arg3[%get3A_6, %get3A_7] : memref<128x128xf32, #tpu.memory_space<vmem>>, vector<128x128xf32>
    %dot_general3A = arith.constant dense<0.000000e+00> : vector<2000x128xf32>
    %dot_general3A_9 = tpu.matmul %mul3A_5, %get3A_8, %dot_general3A {dimension_numbers = #tpu.dot_dimension_numbers<[1], [0], [0], [1], [0, 0, 1, 1], [], []>, transpose_lhs_hint = false} : vector<2000x128xf32>, vector<128x128xf32>, vector<2000x128xf32> -> vector<2000x128xf32>
    %swap3A = arith.constant 0 : index
    %swap3A_10 = arith.constant 0 : index
    %swap3A_11 = vector.load %arg4[%swap3A, %swap3A_10] : memref<2000x128xf32, #tpu.memory_space<vmem>>, vector<2000x128xf32>
    tpu.vector_store %arg4[%swap3A, %swap3A_10], %dot_general3A_9 {strides = array<i32>} : memref<2000x128xf32, #tpu.memory_space<vmem>>, vector<2000x128xf32>,
    return
  }
  func.func @transform_0(%arg0: i32) -> (i32, i32) {
    %c0_i32 = arith.constant 0 : i32
    %c0_i32_0 = arith.constant 0 : i32
    return %arg0, %c0_i32 : i32, i32
  }
  func.func @transform_1(%arg0: i32) -> (i32, i32) {
    %c0_i32 = arith.constant 0 : i32
    %c0_i32_0 = arith.constant 0 : i32
    return %arg0, %c0_i32 : i32, i32
  }
  func.func @transform_2(%arg0: i32) -> (i32, i32) {
    %c0_i32 = arith.constant 0 : i32
    %c0_i32_0 = arith.constant 0 : i32
    %c0_i32_1 = arith.constant 0 : i32
    return %c0_i32, %c0_i32_0 : i32, i32
  }
  func.func @transform_3(%arg0: i32) -> (i32, i32) {
    %c0_i32 = arith.constant 0 : i32
    %c0_i32_0 = arith.constant 0 : i32
    return %arg0, %c0_i32 : i32, i32
  }
}

module attributes {stable_mosaic.version = 14 : i64} {
  func.func @body(%arg0: i32, %arg1: memref<2x2000x128xf32, #tpu.memory_space<vmem>>, %arg2: memref<2000x1xf32, #tpu.memory_space<vmem>>, %arg3: memref<1x128xf32, #tpu.memory_space<vmem>>, %arg4: memref<2000x1xf32, #tpu.memory_space<vmem>>, %arg5: memref<128x128xf32, #tpu.memory_space<vmem>>, %arg6: memref<2000x128xf32, #tpu.memory_space<vmem>>) attributes {dimension_semantics = [#tpu.dimension_semantics<arbitrary>], iteration_bounds = array<i64: 5>, scalar_prefetch = 0 : i64, scratch_operands = 0 : i64, tpu.core_type = #tpu.core_type<tc>, window_params = [{transform_indices = @transform_0, window_bounds = array<i64: 2, 2000, 128>}, {transform_indices = @transform_1, window_bounds = array<i64: 2000, 1>}, {pipeline_mode = #tpu.pipeline_mode<synchronous>, transform_indices = @transform_2, window_bounds = array<i64: 1, 128>}, {transform_indices = @transform_3, window_bounds = array<i64: 2000, 1>}, {pipeline_mode = #tpu.pipeline_mode<synchronous>, transform_indices = @transform_4, window_bounds = array<i64: 128, 128>}, {transform_indices = @transform_5, window_bounds = array<i64: 2000, 128>}]} {
    %get3A = arith.constant 0 : index
    %get3A_0 = arith.constant 0 : index
    %get3A_1 = arith.constant 0 : index
    %get3A_2 = vector.load %arg1[%get3A, %get3A_0, %get3A_1] : memref<2x2000x128xf32, #tpu.memory_space<vmem>>, vector<1x2000x128xf32>
    %get3A_3 = vector.shape_cast %get3A_2 : vector<1x2000x128xf32> to vector<2000x128xf32>
    %get3A_4 = arith.constant 1 : index
    %get3A_5 = arith.constant 0 : index
    %get3A_6 = arith.constant 0 : index
    %get3A_7 = vector.load %arg1[%get3A_4, %get3A_5, %get3A_6] : memref<2x2000x128xf32, #tpu.memory_space<vmem>>, vector<1x2000x128xf32>
    %get3A_8 = vector.shape_cast %get3A_7 : vector<1x2000x128xf32> to vector<2000x128xf32>
    %add3A = arith.addf %get3A_3, %get3A_8 : vector<2000x128xf32>
    %get3A_9 = arith.constant 0 : index
    %get3A_10 = arith.constant 0 : index
    %get3A_11 = vector.load %arg2[%get3A_9, %get3A_10] : memref<2000x1xf32, #tpu.memory_space<vmem>>, vector<2000x1xf32>
    %mul3A = vector.broadcast %get3A_11 : vector<2000x1xf32> to vector<2000x128xf32>
    %mul3A_12 = arith.mulf %add3A, %mul3A : vector<2000x128xf32>
    %get3A_13 = arith.constant 0 : index
    %get3A_14 = arith.constant 0 : index
    %get3A_15 = vector.load %arg3[%get3A_13, %get3A_14] : memref<1x128xf32, #tpu.memory_space<vmem>>, vector<1x128xf32>
    %add3A_16 = vector.broadcast %get3A_15 : vector<1x128xf32> to vector<2000x128xf32>
    %add3A_17 = arith.addf %mul3A_12, %add3A_16 : vector<2000x128xf32>
    %max3A = arith.constant 0.000000e+00 : f32
    %max3A_18 = vector.broadcast %max3A : f32 to vector<2000x128xf32>
    %max3A_19 = arith.maximumf %add3A_17, %max3A_18 : vector<2000x128xf32>
    %get3A_20 = arith.constant 0 : index
    %get3A_21 = arith.constant 0 : index
    %get3A_22 = vector.load %arg4[%get3A_20, %get3A_21] : memref<2000x1xf32, #tpu.memory_space<vmem>>, vector<2000x1xf32>
    %mul3A_23 = vector.broadcast %get3A_22 : vector<2000x1xf32> to vector<2000x128xf32>
    %mul3A_24 = arith.mulf %max3A_19, %mul3A_23 : vector<2000x128xf32>
    %get3A_25 = arith.constant 0 : index
    %get3A_26 = arith.constant 0 : index
    %get3A_27 = vector.load %arg5[%get3A_25, %get3A_26] : memref<128x128xf32, #tpu.memory_space<vmem>>, vector<128x128xf32>
    %dot_general3A = arith.constant dense<0.000000e+00> : vector<2000x128xf32>
    %dot_general3A_28 = tpu.matmul %mul3A_24, %get3A_27, %dot_general3A {dimension_numbers = #tpu.dot_dimension_numbers<[1], [0], [0], [1], [0, 0, 1, 1], [], []>, transpose_lhs_hint = false} : vector<2000x128xf32>, vector<128x128xf32>, vector<2000x128xf32> -> vector<2000x128xf32>
    %swap3A = arith.constant 0 : index
    %swap3A_29 = arith.constant 0 : index
    %swap3A_30 = vector.load %arg6[%swap3A, %swap3A_29] : memref<2000x128xf32, #tpu.memory_space<vmem>>, vector<2000x128xf32>
    tpu.vector_store %arg6[%swap3A, %swap3A_29], %dot_general3A_28 {strides = array<i32>} : memref<2000x128xf32, #tpu.memory_space<vmem>>, vector<2000x128xf32>,
    return
  }
  func.func @transform_0(%arg0: i32) -> (i32, i32, i32) {
    %c0_i32 = arith.constant 0 : i32
    %c0_i32_0 = arith.constant 0 : i32
    %c0_i32_1 = arith.constant 0 : i32
    return %c0_i32, %arg0, %c0_i32_0 : i32, i32, i32
  }
  func.func @transform_1(%arg0: i32) -> (i32, i32) {
    %c0_i32 = arith.constant 0 : i32
    %c0_i32_0 = arith.constant 0 : i32
    return %arg0, %c0_i32 : i32, i32
  }
  func.func @transform_2(%arg0: i32) -> (i32, i32) {
    %c0_i32 = arith.constant 0 : i32
    %c0_i32_0 = arith.constant 0 : i32
    %c0_i32_1 = arith.constant 0 : i32
    return %c0_i32, %c0_i32_0 : i32, i32
  }
  func.func @transform_3(%arg0: i32) -> (i32, i32) {
    %c0_i32 = arith.constant 0 : i32
    %c0_i32_0 = arith.constant 0 : i32
    return %arg0, %c0_i32 : i32, i32
  }
  func.func @transform_4(%arg0: i32) -> (i32, i32) {
    %c0_i32 = arith.constant 0 : i32
    %c0_i32_0 = arith.constant 0 : i32
    %c0_i32_1 = arith.constant 0 : i32
    return %c0_i32, %c0_i32_0 : i32, i32
  }
  func.func @transform_5(%arg0: i32) -> (i32, i32) {
    %c0_i32 = arith.constant 0 : i32
    %c0_i32_0 = arith.constant 0 : i32
    return %arg0, %c0_i32 : i32, i32
  }
}

module attributes {stable_mosaic.version = 14 : i64} {
  func.func @body(%arg0: i32, %arg1: memref<2x2000x128xf32, #tpu.memory_space<vmem>>, %arg2: memref<2000x1xf32, #tpu.memory_space<vmem>>, %arg3: memref<1x128xf32, #tpu.memory_space<vmem>>, %arg4: memref<2000x1xf32, #tpu.memory_space<vmem>>, %arg5: memref<128x16xf32, #tpu.memory_space<vmem>>, %arg6: memref<2000x16xf32, #tpu.memory_space<vmem>>) attributes {dimension_semantics = [#tpu.dimension_semantics<arbitrary>], iteration_bounds = array<i64: 5>, scalar_prefetch = 0 : i64, scratch_operands = 0 : i64, tpu.core_type = #tpu.core_type<tc>, window_params = [{transform_indices = @transform_0, window_bounds = array<i64: 2, 2000, 128>}, {transform_indices = @transform_1, window_bounds = array<i64: 2000, 1>}, {pipeline_mode = #tpu.pipeline_mode<synchronous>, transform_indices = @transform_2, window_bounds = array<i64: 1, 128>}, {transform_indices = @transform_3, window_bounds = array<i64: 2000, 1>}, {pipeline_mode = #tpu.pipeline_mode<synchronous>, transform_indices = @transform_4, window_bounds = array<i64: 128, 16>}, {transform_indices = @transform_5, window_bounds = array<i64: 2000, 16>}]} {
    %get3A = arith.constant 0 : index
    %get3A_0 = arith.constant 0 : index
    %get3A_1 = arith.constant 0 : index
    %get3A_2 = vector.load %arg1[%get3A, %get3A_0, %get3A_1] : memref<2x2000x128xf32, #tpu.memory_space<vmem>>, vector<1x2000x128xf32>
    %get3A_3 = vector.shape_cast %get3A_2 : vector<1x2000x128xf32> to vector<2000x128xf32>
    %get3A_4 = arith.constant 1 : index
    %get3A_5 = arith.constant 0 : index
    %get3A_6 = arith.constant 0 : index
    %get3A_7 = vector.load %arg1[%get3A_4, %get3A_5, %get3A_6] : memref<2x2000x128xf32, #tpu.memory_space<vmem>>, vector<1x2000x128xf32>
    %get3A_8 = vector.shape_cast %get3A_7 : vector<1x2000x128xf32> to vector<2000x128xf32>
    %add3A = arith.addf %get3A_3, %get3A_8 : vector<2000x128xf32>
    %get3A_9 = arith.constant 0 : index
    %get3A_10 = arith.constant 0 : index
    %get3A_11 = vector.load %arg2[%get3A_9, %get3A_10] : memref<2000x1xf32, #tpu.memory_space<vmem>>, vector<2000x1xf32>
    %mul3A = vector.broadcast %get3A_11 : vector<2000x1xf32> to vector<2000x128xf32>
    %mul3A_12 = arith.mulf %add3A, %mul3A : vector<2000x128xf32>
    %get3A_13 = arith.constant 0 : index
    %get3A_14 = arith.constant 0 : index
    %get3A_15 = vector.load %arg3[%get3A_13, %get3A_14] : memref<1x128xf32, #tpu.memory_space<vmem>>, vector<1x128xf32>
    %add3A_16 = vector.broadcast %get3A_15 : vector<1x128xf32> to vector<2000x128xf32>
    %add3A_17 = arith.addf %mul3A_12, %add3A_16 : vector<2000x128xf32>
    %max3A = arith.constant 0.000000e+00 : f32
    %max3A_18 = vector.broadcast %max3A : f32 to vector<2000x128xf32>
    %max3A_19 = arith.maximumf %add3A_17, %max3A_18 : vector<2000x128xf32>
    %get3A_20 = arith.constant 0 : index
    %get3A_21 = arith.constant 0 : index
    %get3A_22 = vector.load %arg4[%get3A_20, %get3A_21] : memref<2000x1xf32, #tpu.memory_space<vmem>>, vector<2000x1xf32>
    %mul3A_23 = vector.broadcast %get3A_22 : vector<2000x1xf32> to vector<2000x128xf32>
    %mul3A_24 = arith.mulf %max3A_19, %mul3A_23 : vector<2000x128xf32>
    %get3A_25 = arith.constant 0 : index
    %get3A_26 = arith.constant 0 : index
    %get3A_27 = vector.load %arg5[%get3A_25, %get3A_26] : memref<128x16xf32, #tpu.memory_space<vmem>>, vector<128x16xf32>
    %dot_general3A = arith.constant dense<0.000000e+00> : vector<2000x16xf32>
    %dot_general3A_28 = tpu.matmul %mul3A_24, %get3A_27, %dot_general3A {dimension_numbers = #tpu.dot_dimension_numbers<[1], [0], [0], [1], [0, 0, 1, 1], [], []>, transpose_lhs_hint = false} : vector<2000x128xf32>, vector<128x16xf32>, vector<2000x16xf32> -> vector<2000x16xf32>
    %swap3A = arith.constant 0 : index
    %swap3A_29 = arith.constant 0 : index
    %swap3A_30 = vector.load %arg6[%swap3A, %swap3A_29] : memref<2000x16xf32, #tpu.memory_space<vmem>>, vector<2000x16xf32>
    tpu.vector_store %arg6[%swap3A, %swap3A_29], %dot_general3A_28 {strides = array<i32>} : memref<2000x16xf32, #tpu.memory_space<vmem>>, vector<2000x16xf32>,
    return
  }
  func.func @transform_0(%arg0: i32) -> (i32, i32, i32) {
    %c0_i32 = arith.constant 0 : i32
    %c0_i32_0 = arith.constant 0 : i32
    %c0_i32_1 = arith.constant 0 : i32
    return %c0_i32, %arg0, %c0_i32_0 : i32, i32, i32
  }
  func.func @transform_1(%arg0: i32) -> (i32, i32) {
    %c0_i32 = arith.constant 0 : i32
    %c0_i32_0 = arith.constant 0 : i32
    return %arg0, %c0_i32 : i32, i32
  }
  func.func @transform_2(%arg0: i32) -> (i32, i32) {
    %c0_i32 = arith.constant 0 : i32
    %c0_i32_0 = arith.constant 0 : i32
    %c0_i32_1 = arith.constant 0 : i32
    return %c0_i32, %c0_i32_0 : i32, i32
  }
  func.func @transform_3(%arg0: i32) -> (i32, i32) {
    %c0_i32 = arith.constant 0 : i32
    %c0_i32_0 = arith.constant 0 : i32
    return %arg0, %c0_i32 : i32, i32
  }
  func.func @transform_4(%arg0: i32) -> (i32, i32) {
    %c0_i32 = arith.constant 0 : i32
    %c0_i32_0 = arith.constant 0 : i32
    %c0_i32_1 = arith.constant 0 : i32
    return %c0_i32, %c0_i32_0 : i32, i32
  }
  func.func @transform_5(%arg0: i32) -> (i32, i32) {
    %c0_i32 = arith.constant 0 : i32
    %c0_i32_0 = arith.constant 0 : i32
    return %arg0, %c0_i32 : i32, i32
  }
}

module attributes {stable_mosaic.version = 14 : i64} {
  func.func @body(%arg0: i32, %arg1: memref<2x2000x16xf32, #tpu.memory_space<vmem>>, %arg2: memref<2000x1xf32, #tpu.memory_space<vmem>>, %arg3: memref<1x16xf32, #tpu.memory_space<vmem>>, %arg4: memref<2000x16xf32, #tpu.memory_space<vmem>>) attributes {dimension_semantics = [#tpu.dimension_semantics<arbitrary>], iteration_bounds = array<i64: 5>, scalar_prefetch = 0 : i64, scratch_operands = 0 : i64, tpu.core_type = #tpu.core_type<tc>, window_params = [{transform_indices = @transform_0, window_bounds = array<i64: 2, 2000, 16>}, {transform_indices = @transform_1, window_bounds = array<i64: 2000, 1>}, {pipeline_mode = #tpu.pipeline_mode<synchronous>, transform_indices = @transform_2, window_bounds = array<i64: 1, 16>}, {transform_indices = @transform_3, window_bounds = array<i64: 2000, 16>}]} {
    %get3A = arith.constant 0 : index
    %get3A_0 = arith.constant 0 : index
    %get3A_1 = arith.constant 0 : index
    %get3A_2 = vector.load %arg1[%get3A, %get3A_0, %get3A_1] : memref<2x2000x16xf32, #tpu.memory_space<vmem>>, vector<1x2000x16xf32>
    %get3A_3 = vector.shape_cast %get3A_2 : vector<1x2000x16xf32> to vector<2000x16xf32>
    %get3A_4 = arith.constant 1 : index
    %get3A_5 = arith.constant 0 : index
    %get3A_6 = arith.constant 0 : index
    %get3A_7 = vector.load %arg1[%get3A_4, %get3A_5, %get3A_6] : memref<2x2000x16xf32, #tpu.memory_space<vmem>>, vector<1x2000x16xf32>
    %get3A_8 = vector.shape_cast %get3A_7 : vector<1x2000x16xf32> to vector<2000x16xf32>
    %add3A = arith.addf %get3A_3, %get3A_8 : vector<2000x16xf32>
    %get3A_9 = arith.constant 0 : index
    %get3A_10 = arith.constant 0 : index
    %get3A_11 = vector.load %arg2[%get3A_9, %get3A_10] : memref<2000x1xf32, #tpu.memory_space<vmem>>, vector<2000x1xf32>
    %mul3A = vector.broadcast %get3A_11 : vector<2000x1xf32> to vector<2000x16xf32>
    %mul3A_12 = arith.mulf %add3A, %mul3A : vector<2000x16xf32>
    %get3A_13 = arith.constant 0 : index
    %get3A_14 = arith.constant 0 : index
    %get3A_15 = vector.load %arg3[%get3A_13, %get3A_14] : memref<1x16xf32, #tpu.memory_space<vmem>>, vector<1x16xf32>
    %add3A_16 = vector.broadcast %get3A_15 : vector<1x16xf32> to vector<2000x16xf32>
    %add3A_17 = arith.addf %mul3A_12, %add3A_16 : vector<2000x16xf32>
    %swap3A = arith.constant 0 : index
    %swap3A_18 = arith.constant 0 : index
    %swap3A_19 = vector.load %arg4[%swap3A, %swap3A_18] : memref<2000x16xf32, #tpu.memory_space<vmem>>, vector<2000x16xf32>
    tpu.vector_store %arg4[%swap3A, %swap3A_18], %add3A_17 {strides = array<i32>} : memref<2000x16xf32, #tpu.memory_space<vmem>>, vector<2000x16xf32>,
    return
  }
  func.func @transform_0(%arg0: i32) -> (i32, i32, i32) {
    %c0_i32 = arith.constant 0 : i32
    %c0_i32_0 = arith.constant 0 : i32
    %c0_i32_1 = arith.constant 0 : i32
    return %c0_i32, %arg0, %c0_i32_0 : i32, i32, i32
  }
  func.func @transform_1(%arg0: i32) -> (i32, i32) {
    %c0_i32 = arith.constant 0 : i32
    %c0_i32_0 = arith.constant 0 : i32
    return %arg0, %c0_i32 : i32, i32
  }
  func.func @transform_2(%arg0: i32) -> (i32, i32) {
    %c0_i32 = arith.constant 0 : i32
    %c0_i32_0 = arith.constant 0 : i32
    %c0_i32_1 = arith.constant 0 : i32
    return %c0_i32, %c0_i32_0 : i32, i32
  }
  func.func @transform_3(%arg0: i32) -> (i32, i32) {
    %c0_i32 = arith.constant 0 : i32
    %c0_i32_0 = arith.constant 0 : i32
    return %arg0, %c0_i32 : i32, i32
  }
}

</mosaic_0001>

<sc_bundles>
// kernel: kernel.11.cloned.1.call-start
scs
__scs_entry_jumppad:
0x0: {  	(pc) =	sbr.rel $0x88, $3  }
0x1: {  	(tag) =	ssettag $0x0;
	lr =	simm.s32 $0x1  }
0x2: {  	[smem:$0x3F99] =	sst lr;
	_ =	strace $0xD0000000  }
0x3: {  	_ = 	snop  }
0x4: {  	_ = 	snop  }
0x5: {  	_ = 	snop  }
0x6: {  	_ = 	snop  }
0x7: {  	_ = 	snop  }
__scs_overlays_trampoline_lowered:
0x8: {  	[smem:$0x3FA8] =	sst s0  }
0x9: {  	[smem:$0x3FA9] =	sst s1  }
0xa: {  	[smem:$0x3FAA] =	sst s2  }
0xb: {  	[smem:$0x3FAB] =	sst s3  }
0xc: {  	[smem:$0x3FAC] =	sst s4  }
0xd: {  	[smem:$0x3FAD] =	sst s5  }
0xe: {  	[smem:$0x3FAE] =	sst s6  }
0xf: {  	[smem:$0x3FAF] =	sst s7  }
0x10: {  	[smem:$0x3FB0] =	sst s8  }
0x11: {  	[smem:$0x3FB1] =	sst s9;
	s0 =	simm.s32 @!p0 $0x0  }
0x12: {  	s1 =	sld [smem:$0x3F97];
	s0 =	simm.s32 @p0 $0x1  }
0x13: {  	[smem:$0x3FB2] =	sst s0;
	s0 =	simm.s32 @!p1 $0x0  }
0x14: {  	s2 =	sld [smem:$0x3F96];
	s0 =	simm.s32 @p1 $0x1  }
0x15: {  	[smem:$0x3FB3] =	sst s0;
	s0 =	simm.s32 @!p2 $0x0  }
0x16: {  	s3 =	sld [smem:$0x3FDB];
	s0 =	simm.s32 @p2 $0x1  }
0x17: {  	s4 =	simm.s32 $0x1BF5;
	[smem:$0x3FB5] =	sst s0  }
0x18: {  	s0 =	sld [smem:$0x3F98];
	_ =	swait.ge [sflag:s4], $0x0  }
0x19: {  	s7 =	sld [smem:$0x3F99]  }
0x1a: {  	s8 =	sadd.s32 $0xFFFFE003, lr  }
0x1b: {  	s9 =	sadd.s32 $0xFFFFFEF7, lr;
	s5 =	simm.s32 $0xFFFFFFFF;
	p2 =	slt.u32 s8, $0xFFFFF086  }
0x1c: {  	p1 =	slt.u32 s9, $0xF7A;
	s5 =	simm.s32 @!p2 $0x0  }
0x1d: {  	s5 =	simm.s32 @p1 $0x1;
	p0 =	seq.s32 s7, s2  }
0x1e: {  	s7 =	smul.u32 @!p0 $0xF7A, s2;
	p2 =	seq.s32 @!p0 s5, $0x0  }
0x1f: {  	s9 =	smul.u32 $0xF7A, s1;
	s8 =	simm.s32 @!p0 $0x1BF5;
	p2 =	por !p2, p0  }
0x20: {  	[sflag:s8] =	ssyncset.s32 @!p0 $0xFFFFF086;
	s6 =	sadd.s32 @!p0 s3, s7;
	s7 =	simm.s32 @!p0 $0x108  }
0x21: {  	s3 =	sadd.s32 s3, s9;
	s6 =	sadd.s32 @!p0 $0x88, s6;
	s7 =	simm.s32 @p2 $0x1082  }
0x22: {  	[simem:s7], [sflag:s8] =	dma.local @!p0 [hbm:s6], $0xF7A  }
0x23: {  	s9 =	sor.u32 $0xD0000000, s2;
	s6 =	simm.s32 $0x108;
	_ =	swait.ge @!p0 [sflag:s8], $0x0  }
0x24: {  	s3 =	sadd.s32 $0x88, s3;
	s6 =	simm.s32 @!p1 $0x1082;
	[sflag:s4] =	ssyncset.s32 $0xFFFFF086  }
0x25: {  	[simem:s6], [sflag:s4] =	dma.local [hbm:s3], $0xF7A  }
0x26: {  	[smem:$0x3F99] =	sst s1;
	(tag) =	ssettag s2;
	_ =	strace s9  }
0x27: {  	s1 =	sld [smem:$0x3FA9]  }
0x28: {  	s2 =	sld [smem:$0x3FAA]  }
0x29: {  	s4 =	sld [smem:$0x3FAC]  }
0x2a: {  	p0 =	seq.s32 s5, $0x0;
	s5 =	sld [smem:$0x3FAD]  }
0x2b: {  	s6 =	sld [smem:$0x3FAE]  }
0x2c: {  	s7 =	sld [smem:$0x3FAF]  }
0x2d: {  	s3 =	simm.s32 $0x108;
	s8 =	sld [smem:$0x3FB0]  }
0x2e: {  	s3 =	simm.s32 @!p0 $0x1082;
	s9 =	sld [smem:$0x3FB1]  }
0x2f: {  	lr =	sadd.s32 s0, s3;
	s0 =	sld [smem:$0x3FA8]  }
0x30: {  	s3 =	sld [smem:$0x3FAB]  }
0x31: {  	[smem:$0x3FB4] =	sst s10  }
0x32: {  	s10 =	sld [smem:$0x3FB2];
	_ =	sdelay $0x3  }
0x33: {  	p0 =	seq.s32 s10, $0x1;
	s10 =	sld [smem:$0x3FB4];
	_ =	sdelay $0x3  }
0x34: {  	[smem:$0x3FB4] =	sst s10  }
0x35: {  	s10 =	sld [smem:$0x3FB3];
	_ =	sdelay $0x3  }
0x36: {  	p1 =	seq.s32 s10, $0x1;
	s10 =	sld [smem:$0x3FB4];
	_ =	sdelay $0x3  }
0x37: {  	[smem:$0x3FB4] =	sst s10  }
0x38: {  	s10 =	sld [smem:$0x3FB5]  }
0x39: {  	_ = 	snop;
	(pc) =	sbr.ind lr, $3  }
0x3a: {  	_ = 	snop  }
0x3b: {  	_ = 	snop  }
0x3c: {  	p2 =	seq.s32 s10, $0x1;
	s10 =	sld [smem:$0x3FB4]  }
0x3d: {  	_ =	shalt  }
0x3e: {  	_ =	shalt  }
0x3f: {  	_ =	shalt  }
0x40: {  	_ =	shalt  }
0x41: {  	_ =	shalt  }
0x42: {  	_ =	shalt  }
0x43: {  	_ =	shalt  }
0x44: {  	_ =	shalt  }
0x45: {  	_ =	shalt  }
0x46: {  	_ =	shalt  }
0x47: {  	_ =	shalt  }
0x48: {  	_ =	shalt  }
0x49: {  	_ =	shalt  }
0x4a: {  	_ =	shalt  }
0x4b: {  	_ =	shalt  }
0x4c: {  	_ =	shalt  }
0x4d: {  	_ =	shalt  }
0x4e: {  	_ =	shalt  }
0x4f: {  	_ =	shalt  }
0x50: {  	_ =	shalt  }
0x51: {  	_ =	shalt  }
0x52: {  	_ =	shalt  }
0x53: {  	_ =	shalt  }
0x54: {  	_ =	shalt  }
0x55: {  	_ =	shalt  }
0x56: {  	_ =	shalt  }
0x57: {  	_ =	shalt  }
0x58: {  	_ =	shalt  }
0x59: {  	_ =	shalt  }
0x5a: {  	_ =	shalt  }
0x5b: {  	_ =	shalt  }
0x5c: {  	_ =	shalt  }
0x5d: {  	_ =	shalt  }
0x5e: {  	_ =	shalt  }
0x5f: {  	_ =	shalt  }
0x60: {  	_ =	shalt  }
0x61: {  	_ =	shalt  }
0x62: {  	_ =	shalt  }
0x63: {  	_ =	shalt  }
0x64: {  	_ =	shalt  }
0x65: {  	_ =	shalt  }
0x66: {  	_ =	shalt  }
0x67: {  	_ =	shalt  }
0x68: {  	_ =	shalt  }
0x69: {  	_ =	shalt  }
0x6a: {  	_ =	shalt  }
0x6b: {  	_ =	shalt  }
0x6c: {  	_ =	shalt  }
0x6d: {  	_ =	shalt  }
0x6e: {  	_ =	shalt  }
0x6f: {  	_ =	shalt  }
0x70: {  	_ =	shalt  }
0x71: {  	_ =	shalt  }
0x72: {  	_ =	shalt  }
0x73: {  	_ =	shalt  }
0x74: {  	_ =	shalt  }
0x75: {  	_ =	shalt  }
0x76: {  	_ =	shalt  }
0x77: {  	_ =	shalt  }
0x78: {  	_ =	shalt  }
0x79: {  	_ =	shalt  }
0x7a: {  	_ =	shalt  }
0x7b: {  	_ =	shalt  }
0x7c: {  	_ =	shalt  }
0x7d: {  	_ =	shalt  }
0x7e: {  	_ =	shalt  }
0x7f: {  	_ =	shalt  }
0x80: {  	_ =	shalt  }
0x81: {  	_ =	shalt  }
0x82: {  	_ =	shalt  }
0x83: {  	_ =	shalt  }
0x84: {  	_ =	shalt  }
0x85: {  	_ =	shalt  }
0x86: {  	_ =	shalt  }
0x87: {  	_ =	shalt  }
.Lfunc_end0:
.L_simem_size_0:
called_computation_lowered:
.L_overlay_start_0:
0x88: {  	s2 =	sld [smem:$0x3FD9]  }
0x89: {  	s3 =	sld [smem:$0x3FFE];
	_ =	sdelay $0x1  }
0x8a: {  	s1 =	srdreg.scid  }
0x8b: {  	s0 =	sand.u32 $0x1, s1  }
0x8c: {  	s17 =	sshll.u32 s0, $0xA;
	s2 =	sadd.s32 s3, s2  }
0x8d: {  	s2 =	sadd.s32 s2, s17  }
0x8e: {  	[smem:$0x3FC0] =	sst s2  }
0x8f: {  	_ = 	snop  }
0x90: {  	s2 =	sld [smem:$0x3FD0];
	(tm) =	ssettm $0x1  }
0x91: {  	s18 =	sld [smem:$0x3FFB];
	_ =	sdelay $0x3  }
0x92: {  	_ =	strace s18  }
0x93: {  	s3 =	sld [smem:$0x3FFC];
	_ =	sdelay $0x3  }
0x94: {  	_ =	strace s3  }
0x95: {  	s3 =	sld [smem:$0x3FFD];
	_ =	sdelay $0x3  }
0x96: {  	_ =	strace s3  }
0x97: {  	_ =	strace $0x8FFFFFFF  }
0x98: {  	s19 =	sld [smem:$0x3FDB];
	_ =	sdelay $0x1  }
0x99: {  	s4 =	simm.s32 $_scs_section_size  }
0x9a: {  	s5 =	simm.s32 $_size__tile_overlayer_lowered;
	s6 =	simm.s32 $_tile_overlayer_lowered  }
0x9b: {  	s22 =	simm.s32 $0x1BFF;
	s21 =	sshll.u32 s6, $0x1;
	s3 =	sadd.s32 s4, s19  }
0x9c: {  	s7 =	simm.s32 $0x0;
	s20 =	sshll.u32 s5, $0x1;
	s5 =	sadd.s32 s21, s3  }
0x9d: {  	[timem:s7], [sflag:s22] =	dma.local [hbm:s5], s20  }
0x9e: {  	_ =	swait.ge [sflag:s22], s20  }
0x9f: {  	s4 =	ssub.s32 $0x0, s20;
	[sflag:s22] =	ssyncset.done $0x0  }
0xa0: {  	[sflag:s22] =	ssyncadd.s32 s4;
	_ =	sdelay $0x1  }
0xa1: {  	s23 =	simm.s32 $0x1B8B  }
0xa2: {  	_ =	swait.ge [sflag:s23], $0x1  }
0xa3: {  	[sflag:s23] =	ssyncset.done $0x0  }
0xa4: {  	s25 =	simm.s32 $0x1B8E;
	s24 =	sld [smem:$0x3FFE];
	[sflag:s23] =	ssyncadd.s32 $0xFFFFFFFF  }
0xa5: {  	s26 =	simm.s32 $execute0_lowered;
	[smem:$0x3FD2] =	sst s25  }
0xa6: {  	s5 =	sshll.u32 s26, $0x1;
	_ =	strace $0x80000046;
	[dreg:$0x1] =	wrdreg $0xFFFFFFFF  }
0xa7: {  	s28 =	simm.s32 $_size_execute0_lowered;
	s3 =	sadd.s32 s3, s5;
	[dreg:$0x0] =	wrdreg $0x0  }
0xa8: {  	s5 =	sshll.u32 s28, $0x1;
	[dreg:$0x2] =	wrdreg s3  }
0xa9: {  	[dreg:$0x3] =	wrdreg s5  }
0xaa: {  	[dreg:$0x4] =	wrdreg $0xC0  }
0xab: {  	_ =	task [dreg:s7], $0x5FFFF  }
0xac: {  	[dreg:$0x1] =	wrdreg $0xFFFFFFFF  }
0xad: {  	[dreg:$0x0] =	wrdreg $0x60  }
0xae: {  	[dreg:$0x2] =	wrdreg s24  }
0xaf: {  	[dreg:$0x3] =	wrdreg s2  }
0xb0: {  	[dreg:$0x4] =	wrdreg $0x32800  }
0xb1: {  	[dreg:$0x5] =	wrdreg $0x35000  }
0xb2: {  	[dreg:$0x6] =	wrdreg $0x9  }
0xb3: {  	_ =	task.clear_ibuf [dreg:s7], $0x7FFFF;
	_ =	strace $0x90000046  }
0xb4: {  	s29 =	simm.s32 $0x9;
	_ =	strace $0x80000048  }
0xb5: {  	_ =	swait.ge [sflag:s29], $0x1  }
0xb6: {  	[sflag:s29] =	ssyncadd.s32 $0xFFFFFFFF  }
0xb7: {  	_ =	strace $0x90000048  }
0xb8: {  	_ =	sfence  }
0xb9: {  	s30 =	sld [smem:$0x0];
	_ =	sdelay $0x2  }
0xba: {  	s31 =	sshll.u32 s1, $0xD;
	s1 =	sshrl.u32 s1, $0x2  }
0xbb: {  	s3 =	sand.u32 $0x4000, s31;
	s1 =	sadd.s32 s1, s30  }
0xbc: {  	s0 =	sor.u32 s3, s0;
	s1 =	sshll.u32 s1, $0x11  }
0xbd: {  	s0 =	sor.u32 s1, s0  }
0xbe: {  	s0 =	sadd.s32 $0x8F2B, s0  }
0xbf: {  	[sflag:s0] =	ssyncadd.remote.s32 $0x1  }
0xc0: {  	_ =	sfence.sel $0xFFFF  }
0xc1: {  	[dreg:$0x0] =	wrdreg $0xFFFFFFFF;
	(pc) =	sbr.abs _section_cstart, $3  }
0xc2: {  	[dreg:$0x1] =	wrdreg $0xFFFFFFFF  }
0xc3: {  	_ =	task.clear_ibuf [dreg:s7], $0x2FFFF;
	_ =	strace $0x9FFFFFFF  }
0xc4: {  	(tm) =	ssettm $0x7FFFFFFF  }
0xc5: {  	_ =	shalt  }
tec
execute0_lowered:
.L_overlay_start_1:
0x0: {  	(tag) =	ssettag $0x1  }
0x1: {  	s9 =	rddreg [dreg:$0x0]  }
0x2: {  	s1 =	rddreg [dreg:$0x1]  }
0x3: {  	s2 =	rddreg [dreg:$0x2]  }
0x4: {  	s3 =	rddreg [dreg:$0x3]  }
0x5: {  	s0 =	rddreg [dreg:$0x4]  }
0x6: {  	s6 =	srdreg.scid;
	s4 =	stileid.u32;
	s5 =	simm.s32 $0x0  }
0x7: {  	s18 =	simm.s32 $0x2B80;
	s19 =	simm.s32 $0x3;
	s20 =	simm.s32 $0x1  }
0x8: {  	s21 =	simm.s32 $0x80;
	s22 =	simm.s32 $0x2800;
	s24 =	simm.s32 $0x0  }
0x9: {  	s13 =	sand.u32 $0x1, s6;
	s31 =	sshll.u32 s4, $0x1;
	[smem:$0x7FF] =	sst s5  }
0xa: {  	s14 =	sadd.s32 $0x3800, s9;
	s7 =	sadd.s32 $0x17A00, s9;
	s15 =	smul.u32 $0x9E00, s4  }
0xb: {  	p0 =	seq.s32 s4, $0x0;
	s6 =	sor.u32 s13, s31;
	_ =	strace $0x80000047  }
0xc: {  	s10 =	ssub.s32 $0x2, s13;
	s16 =	smul.u32 $0x4F00, s13;
	p1 =	seq.s32 s13, $0x1  }
0xd: {  	s23 =	sor.u32 s13, s4;
	s8 =	smul.u32 $0x4F00, s6;
	s6 =	sadd.s32 $0x17400, s9  }
0xe: {  	s11 =	sshrl.u32 s10, $0x1;
	s9 =	sadd.s32 $0x18000, s9;
	p0 =	por !p0, !p1  }
0xf: {  	p2 =	sne.s32 s23, $0x0;
	s23 =	simm.s32 $0x2;
	s17 =	ssub.s32 s10, s11  }
0x10: {  	s15 =	sadd.s32 s16, s15;
	p1 =	por !p0, !p0;
	p0 =	sne.s32 s4, $0x0  }
0x11: {  	s16 =	simm.s32 $0x2980;
	s8 =	sshrl.u32 s8, $0x3;
	s15 =	sadd.s32 $0x400, s15  }
0x12: {  	s13 =	smax.u32 s17, $0x1;
	s17 =	simm.s32 $0x2A80;
	s8 =	sadd.s32 s14, s8  }
0x13: {  	s15 =	sshrl.u32 s15, $0x3;
	s10 =	sadd.s32 $0x20, s8;
	s11 =	sadd.s32 $0x40, s8  }
0x14: {  	v0 =	vimm.f32 $1.000000000e+00;
	v1 =	vimm.f32 $0.0e+00;
	s12 =	sadd.s32 $0x60, s8;
	s14 =	sadd.s32 s15, s14;
	s15 =	simm.s32 $0x2880  }
.LBB2_1:
0x15: {  	[tilespmem:s15], [sflag:$0x1] =	stream.linear.gather [hbm4b:s8+s5], $0x100, $0x38;
	[tilespmem:$0x3780] =	vst v63  }
0x16: {  	_ = 	snop  }
0x17: {  	[tilespmem:s16], [sflag:$0x1] =	stream.linear.gather [hbm4b:s10+s5], $0x100, $0x38;
	[tilespmem:$0x3780] =	vst v63  }
0x18: {  	_ = 	snop  }
0x19: {  	[tilespmem:s17], [sflag:$0x1] =	stream.linear.gather [hbm4b:s11+s5], $0x100, $0x38;
	[tilespmem:$0x3780] =	vst v63  }
0x1a: {  	_ = 	snop  }
0x1b: {  	[tilespmem:s18], [sflag:$0x1] =	stream.linear.gather [hbm4b:s12+s5], $0x100, $0x38;
	[tilespmem:$0x3780] =	vst v63  }
0x1c: {  	[tilespmem:$0x2800] =	vst v0  }
0x1d: {  	[tilespmem:$0x2810] =	vst v0  }
0x1e: {  	[tilespmem:$0x2820] =	vst v0  }
.Ltmp0:
0x1f: {  	[tilespmem:$0x2830] =	vst v0;
	(pc) =	sbr.rel @p0 .LBB2_5-.Ltmp0, $4  }
0x20: {  	[tilespmem:$0x2840] =	vst v0  }
0x21: {  	[tilespmem:$0x2850] =	vst v0  }
0x22: {  	[tilespmem:$0x2860] =	vst v0  }
0x23: {  	[tilespmem:$0x2870] =	vst v0  }
0x24: {  	s25 =	simm.s32 $0x40;
	s26 =	simm.s32 $0x0  }
.LBB2_3:
0x25: {  	p3 =	sne.s32 s25, $0x9FC0;
	[tilespmem:s26+$0x0] =	vst v1;
	s26 =	smov.u32 s25;
	s25 =	sadd.s32 $0x40, s25  }
.Ltmp1:
0x26: {  	(pc) =	sbr.rel @p3 .LBB2_3-.Ltmp1, $2  }
0x27: {  	_ =	sdelay $0x2  }
0x28: {  	s26 =	sshra.s32 s26, $0x2  }
0x29: {  	[tilespmem:s26+$0x0] =	vst v1  }
0x2a: {  	[spmem:s2] =	stream.linear.scatter [tilespmem:s5], [sflag:$0x3], $0x2800, $0x38;
	[tilespmem:$0x3780] =	vst v63  }
0x2b: {  	_ =	swait.ge [sflag:s19], $0x2800  }
0x2c: {  	[sflag:s19] =	ssyncset.done $0x0  }
0x2d: {  	[sflag:s19] =	ssyncadd.s32 $0xFFFFD800  }
0x2e: {  	[spmem:s3] =	stream.linear.scatter [tilespmem:s5], [sflag:$0x3], $0x2800, $0x38;
	[tilespmem:$0x3780] =	vst v63  }
0x2f: {  	_ =	swait.ge [sflag:s19], $0x2800  }
0x30: {  	[sflag:s19] =	ssyncset.done $0x0  }
0x31: {  	[sflag:s19] =	ssyncadd.s32 $0xFFFFD800  }
.LBB2_5:
0x32: {  	[bflag:$0x0] =	sbarrier.arrive $0xFFFF;
	s25 =	simm.s32 $0x0;
	s26 =	smov.u32 s14  }
.LBB2_6:
0x33: {  	s28 =	smul.u32 $0xCD, s25;
	_ =	sdelay $0x1  }
0x34: {  	s28 =	sshrl.u32 s28, $0xB  }
0x35: {  	s28 =	sand.u32 $0x1F, s28  }
0x36: {  	s28 =	smul.u32 $0xA, s28;
	_ =	sdelay $0x1  }
0x37: {  	s28 =	ssub.s32 s25, s28  }
0x38: {  	_ =	swait.ge [sflag:s20], $0x100;
	s28 =	sand.u32 $0xFF, s28  }
0x39: {  	[sflag:s20] =	ssyncset.done $0x0;
	s28 =	sshll.u32 s28, $0x8  }
0x3a: {  	[sflag:s20] =	ssyncadd.s32 $0xFFFFFF00;
	s29 =	sadd.s32 $0x2880, s28  }
0x3b: {  	[spmem:s2] =	stream.indirect.scatter.add.f32 [tilespmem:s22], [sflag:$0x2], $0x1, s29, s21, $0xb8;
	[tilespmem:$0x3780] =	vst v63  }
0x3c: {  	p3 =	slt.u32 s25, $0x4;
	s28 =	sadd.s32 $0x2900, s28  }
0x3d: {  	[spmem:s3] =	stream.indirect.scatter.add.f32 [tilespmem:s22], [sflag:$0x2], $0x1, s28, s21, $0xb8;
	[tilespmem:$0x3780] =	vst v63  }
0x3e: {  	s28 =	simm.s32 @!p3 $0x2  }
0x3f: {  	_ =	swait.ge @!p3 [sflag:s28], $0x80  }
0x40: {  	[sflag:s28] =	ssyncset.done @!p3 $0x0  }
0x41: {  	[sflag:s28] =	ssyncadd.s32 @!p3 $0xFFFFFF80  }
0x42: {  	p4 =	sgt.u32 @!p3 s25, $0x4A;
	_ =	swait.ge @!p3 [sflag:s28], $0x80  }
0x43: {  	p4 =	por p3, !p4;
	[sflag:s28] =	ssyncset.done @!p3 $0x0  }
0x44: {  	[sflag:s28] =	ssyncadd.s32 @!p3 $0xFFFFFF80;
	s28 =	sadd.s32 @p4 $0x4, s25  }
0x45: {  	s29 =	smul.u32 @p4 $0xCD, s28;
	_ =	sdelay $0x1  }
0x46: {  	s29 =	sshrl.u32 @p4 s29, $0xB  }
0x47: {  	s29 =	sand.u32 @p4 $0x1F, s29  }
0x48: {  	s29 =	smul.u32 @p4 $0xA, s29  }
0x49: {  	s25 =	sadd.s32 $0x1, s25  }
0x4a: {  	p3 =	sne.s32 s25, $0x4F;
	s28 =	ssub.s32 @p4 s28, s29  }
.Ltmp2:
0x4b: {  	s28 =	sand.u32 @p4 $0xFF, s28;
	(pc) =	sbr.rel @p3 .LBB2_6-.Ltmp2, $4  }
0x4c: {  	s28 =	sshll.u32 @p4 s28, $0x8  }
0x4d: {  	s28 =	sadd.s32 @p4 $0x2880, s28  }
0x4e: {  	[tilespmem:s28], [sflag:$0x1] =	stream.linear.gather @p4 [hbm4b:s26+s5], $0x100, $0x38;
	[tilespmem:$0x3780] =	vst v63  }
0x4f: {  	s26 =	sadd.s32 $0x20, s26  }
0x50: {  	_ =	swait.ge [sflag:s23], $0x80  }
0x51: {  	[sflag:s23] =	ssyncset.done $0x0  }
0x52: {  	[sflag:s23] =	ssyncadd.s32 $0xFFFFFF80  }
0x53: {  	_ =	swait.ge [sflag:s23], $0x80  }
0x54: {  	[sflag:s23] =	ssyncset.done $0x0  }
0x55: {  	[sflag:s23] =	ssyncadd.s32 $0xFFFFFF80  }
0x56: {  	_ =	swait.ge [sflag:s23], $0x80  }
0x57: {  	[sflag:s23] =	ssyncset.done $0x0  }
0x58: {  	[sflag:s23] =	ssyncadd.s32 $0xFFFFFF80  }
0x59: {  	_ =	swait.ge [sflag:s23], $0x80  }
0x5a: {  	[sflag:s23] =	ssyncset.done $0x0  }
0x5b: {  	[sflag:s23] =	ssyncadd.s32 $0xFFFFFF80  }
0x5c: {  	_ =	swait.ge [sflag:s23], $0x80  }
0x5d: {  	[sflag:s23] =	ssyncset.done $0x0  }
0x5e: {  	[sflag:s23] =	ssyncadd.s32 $0xFFFFFF80  }
0x5f: {  	_ =	swait.ge [sflag:s23], $0x80  }
0x60: {  	[sflag:s23] =	ssyncset.done $0x0  }
0x61: {  	[sflag:s23] =	ssyncadd.s32 $0xFFFFFF80  }
0x62: {  	_ =	swait.ge [sflag:s23], $0x80  }
0x63: {  	[sflag:s23] =	ssyncset.done $0x0  }
0x64: {  	[sflag:s23] =	ssyncadd.s32 $0xFFFFFF80  }
0x65: {  	_ =	swait.ge [sflag:s23], $0x80  }
0x66: {  	[sflag:s23] =	ssyncset.done $0x0  }
0x67: {  	s25 =	sshll.u32 @!p2 s4, $0x6;
	[sflag:s23] =	ssyncadd.s32 $0xFFFFFF80  }
0x68: {  	s26 =	sshrl.u32 @!p2 s2, $0x3;
	s25 =	sor.u32 @!p2 $0x1C03, s25;
	[bflag:$0x0] =	sbarrier.arrive $0xFFFF  }
0x69: {  	[hbm:s1], [sflag:s25] =	dma.local @!p2 [spmem:s26], $0x500  }
0x6a: {  	s26 =	simm.s32 @!p2 $0x3  }
0x6b: {  	_ =	swait.ge @!p2 [sflag:s26], $0x500  }
0x6c: {  	[sflag:s26] =	ssyncset.done @!p2 $0x0  }
0x6d: {  	s28 =	sshrl.u32 @!p2 s3, $0x3;
	[sflag:s26] =	ssyncadd.s32 @!p2 $0xFFFFFB00  }
0x6e: {  	[hbm:s7], [sflag:s25] =	dma.local @!p2 [spmem:s28], $0x500  }
0x6f: {  	_ =	swait.ge @!p2 [sflag:s26], $0x500  }
0x70: {  	[sflag:s26] =	ssyncset.done @!p2 $0x0  }
0x71: {  	s25 =	sshrl.u32 @p1 s2, $0x3;
	[sflag:s26] =	ssyncadd.s32 @!p2 $0xFFFFFB00;
	s26 =	simm.s32 @p1 $0x1C03  }
0x72: {  	[hbm:s6], [sflag:s26] =	dma.local @p1 [spmem:s25], $0x500  }
0x73: {  	s25 =	simm.s32 @p1 $0x3  }
0x74: {  	s24 =	sadd.s32 $0x1, s24;
	_ =	swait.ge @p1 [sflag:s25], $0x500  }
0x75: {  	p3 =	sne.s32 s24, s13;
	[sflag:s25] =	ssyncset.done @p1 $0x0  }
.Ltmp3:
0x76: {  	s28 =	sshrl.u32 @p1 s3, $0x3;
	[sflag:s25] =	ssyncadd.s32 @p1 $0xFFFFFB00;
	(pc) =	sbr.rel @p3 .LBB2_1-.Ltmp3, $4  }
0x77: {  	[hbm:s9], [sflag:s26] =	dma.local @p1 [spmem:s28], $0x500  }
0x78: {  	_ =	swait.ge @p1 [sflag:s25], $0x500  }
0x79: {  	[sflag:s25] =	ssyncset.done @p1 $0x0  }
0x7a: {  	[sflag:s25] =	ssyncadd.s32 @p1 $0xFFFFFB00  }
0x7b: {  	_ =	sfence.sel $0x180000  }
0x7c: {  	[bflag:$0x0] =	sbarrier.arrive $0xFFFF  }
0x7d: {  	_ =	strace $0x90000047  }
0x7e: {  	s0 =	sadd.s32 @!p0 $0x100000, s0;
	[bflag:$0x2] =	sbarrier.arrive $0xFFFF  }
0x7f: {  	[sflag:s0] =	ssyncadd.tile.s32 @!p0 $0x1;
	_ =	shalt  }
.Lfunc_end2:
_tile_overlayer_lowered:
.L_overlay_start_2:
0x80: {  	(tag) =	ssettag $0x2  }
0x81: {  	s0 =	rddreg [dreg:$0x0];
	s2 =	stileid.u32  }
0x82: {  	s1 =	rddreg [dreg:$0x1];
	p0 =	sne.s32 s2, $0x0  }
0x83: {  	s3 =	rddreg [dreg:$0x2];
	[bflag:$0x3] =	sbarrier.arrive $0xFFFF;
	s2 =	simm.s32 @!p0 $0x1C03  }
0x84: {  	[timem:s3], [sflag:s2] =	dma.local @!p0 [hbm:s0], s1  }
0x85: {  	s0 =	simm.s32 @!p0 $0x3  }
0x86: {  	_ =	swait.ge @!p0 [sflag:s0], s1  }
0x87: {  	s1 =	ssub.s32 @!p0 $0x0, s1;
	[sflag:s0] =	ssyncset.done @!p0 $0x0  }
0x88: {  	[sflag:s0] =	ssyncadd.s32 @!p0 s1  }
0x89: {  	[bflag:$0x3] =	sbarrier.arrive $0xFFFF  }
0x8a: {  	_ =	shalt  }

// kernel: kernel.14.cloned.1.call-start
scs
__scs_entry_jumppad:
0x0: {  	(pc) =	sbr.rel $0x88, $3  }
0x1: {  	(tag) =	ssettag $0x0;
	lr =	simm.s32 $0x1  }
0x2: {  	[smem:$0x3F99] =	sst lr;
	_ =	strace $0xD0000000  }
0x3: {  	_ = 	snop  }
0x4: {  	_ = 	snop  }
0x5: {  	_ = 	snop  }
0x6: {  	_ = 	snop  }
0x7: {  	_ = 	snop  }
__scs_overlays_trampoline_lowered:
0x8: {  	[smem:$0x3FA8] =	sst s0  }
0x9: {  	[smem:$0x3FA9] =	sst s1  }
0xa: {  	[smem:$0x3FAA] =	sst s2  }
0xb: {  	[smem:$0x3FAB] =	sst s3  }
0xc: {  	[smem:$0x3FAC] =	sst s4  }
0xd: {  	[smem:$0x3FAD] =	sst s5  }
0xe: {  	[smem:$0x3FAE] =	sst s6  }
0xf: {  	[smem:$0x3FAF] =	sst s7  }
0x10: {  	[smem:$0x3FB0] =	sst s8  }
0x11: {  	[smem:$0x3FB1] =	sst s9;
	s0 =	simm.s32 @!p0 $0x0  }
0x12: {  	s1 =	sld [smem:$0x3F97];
	s0 =	simm.s32 @p0 $0x1  }
0x13: {  	[smem:$0x3FB2] =	sst s0;
	s0 =	simm.s32 @!p1 $0x0  }
0x14: {  	s2 =	sld [smem:$0x3F96];
	s0 =	simm.s32 @p1 $0x1  }
0x15: {  	[smem:$0x3FB3] =	sst s0;
	s0 =	simm.s32 @!p2 $0x0  }
0x16: {  	s3 =	sld [smem:$0x3FDB];
	s0 =	simm.s32 @p2 $0x1  }
0x17: {  	s4 =	simm.s32 $0x1BF5;
	[smem:$0x3FB5] =	sst s0  }
0x18: {  	s0 =	sld [smem:$0x3F98];
	_ =	swait.ge [sflag:s4], $0x0  }
0x19: {  	s7 =	sld [smem:$0x3F99]  }
0x1a: {  	s8 =	sadd.s32 $0xFFFFE003, lr  }
0x1b: {  	s9 =	sadd.s32 $0xFFFFFEF7, lr;
	s5 =	simm.s32 $0xFFFFFFFF;
	p2 =	slt.u32 s8, $0xFFFFF086  }
0x1c: {  	p1 =	slt.u32 s9, $0xF7A;
	s5 =	simm.s32 @!p2 $0x0  }
0x1d: {  	s5 =	simm.s32 @p1 $0x1;
	p0 =	seq.s32 s7, s2  }
0x1e: {  	s7 =	smul.u32 @!p0 $0xF7A, s2;
	p2 =	seq.s32 @!p0 s5, $0x0  }
0x1f: {  	s9 =	smul.u32 $0xF7A, s1;
	s8 =	simm.s32 @!p0 $0x1BF5;
	p2 =	por !p2, p0  }
0x20: {  	[sflag:s8] =	ssyncset.s32 @!p0 $0xFFFFF086;
	s6 =	sadd.s32 @!p0 s3, s7;
	s7 =	simm.s32 @!p0 $0x108  }
0x21: {  	s3 =	sadd.s32 s3, s9;
	s6 =	sadd.s32 @!p0 $0x88, s6;
	s7 =	simm.s32 @p2 $0x1082  }
0x22: {  	[simem:s7], [sflag:s8] =	dma.local @!p0 [hbm:s6], $0xF7A  }
0x23: {  	s9 =	sor.u32 $0xD0000000, s2;
	s6 =	simm.s32 $0x108;
	_ =	swait.ge @!p0 [sflag:s8], $0x0  }
0x24: {  	s3 =	sadd.s32 $0x88, s3;
	s6 =	simm.s32 @!p1 $0x1082;
	[sflag:s4] =	ssyncset.s32 $0xFFFFF086  }
0x25: {  	[simem:s6], [sflag:s4] =	dma.local [hbm:s3], $0xF7A  }
0x26: {  	[smem:$0x3F99] =	sst s1;
	(tag) =	ssettag s2;
	_ =	strace s9  }
0x27: {  	s1 =	sld [smem:$0x3FA9]  }
0x28: {  	s2 =	sld [smem:$0x3FAA]  }
0x29: {  	s4 =	sld [smem:$0x3FAC]  }
0x2a: {  	p0 =	seq.s32 s5, $0x0;
	s5 =	sld [smem:$0x3FAD]  }
0x2b: {  	s6 =	sld [smem:$0x3FAE]  }
0x2c: {  	s7 =	sld [smem:$0x3FAF]  }
0x2d: {  	s3 =	simm.s32 $0x108;
	s8 =	sld [smem:$0x3FB0]  }
0x2e: {  	s3 =	simm.s32 @!p0 $0x1082;
	s9 =	sld [smem:$0x3FB1]  }
0x2f: {  	lr =	sadd.s32 s0, s3;
	s0 =	sld [smem:$0x3FA8]  }
0x30: {  	s3 =	sld [smem:$0x3FAB]  }
0x31: {  	[smem:$0x3FB4] =	sst s10  }
0x32: {  	s10 =	sld [smem:$0x3FB2];
	_ =	sdelay $0x3  }
0x33: {  	p0 =	seq.s32 s10, $0x1;
	s10 =	sld [smem:$0x3FB4];
	_ =	sdelay $0x3  }
0x34: {  	[smem:$0x3FB4] =	sst s10  }
0x35: {  	s10 =	sld [smem:$0x3FB3];
	_ =	sdelay $0x3  }
0x36: {  	p1 =	seq.s32 s10, $0x1;
	s10 =	sld [smem:$0x3FB4];
	_ =	sdelay $0x3  }
0x37: {  	[smem:$0x3FB4] =	sst s10  }
0x38: {  	s10 =	sld [smem:$0x3FB5]  }
0x39: {  	_ = 	snop;
	(pc) =	sbr.ind lr, $3  }
0x3a: {  	_ = 	snop  }
0x3b: {  	_ = 	snop  }
0x3c: {  	p2 =	seq.s32 s10, $0x1;
	s10 =	sld [smem:$0x3FB4]  }
0x3d: {  	_ =	shalt  }
0x3e: {  	_ =	shalt  }
0x3f: {  	_ =	shalt  }
0x40: {  	_ =	shalt  }
0x41: {  	_ =	shalt  }
0x42: {  	_ =	shalt  }
0x43: {  	_ =	shalt  }
0x44: {  	_ =	shalt  }
0x45: {  	_ =	shalt  }
0x46: {  	_ =	shalt  }
0x47: {  	_ =	shalt  }
0x48: {  	_ =	shalt  }
0x49: {  	_ =	shalt  }
0x4a: {  	_ =	shalt  }
0x4b: {  	_ =	shalt  }
0x4c: {  	_ =	shalt  }
0x4d: {  	_ =	shalt  }
0x4e: {  	_ =	shalt  }
0x4f: {  	_ =	shalt  }
0x50: {  	_ =	shalt  }
0x51: {  	_ =	shalt  }
0x52: {  	_ =	shalt  }
0x53: {  	_ =	shalt  }
0x54: {  	_ =	shalt  }
0x55: {  	_ =	shalt  }
0x56: {  	_ =	shalt  }
0x57: {  	_ =	shalt  }
0x58: {  	_ =	shalt  }
0x59: {  	_ =	shalt  }
0x5a: {  	_ =	shalt  }
0x5b: {  	_ =	shalt  }
0x5c: {  	_ =	shalt  }
0x5d: {  	_ =	shalt  }
0x5e: {  	_ =	shalt  }
0x5f: {  	_ =	shalt  }
0x60: {  	_ =	shalt  }
0x61: {  	_ =	shalt  }
0x62: {  	_ =	shalt  }
0x63: {  	_ =	shalt  }
0x64: {  	_ =	shalt  }
0x65: {  	_ =	shalt  }
0x66: {  	_ =	shalt  }
0x67: {  	_ =	shalt  }
0x68: {  	_ =	shalt  }
0x69: {  	_ =	shalt  }
0x6a: {  	_ =	shalt  }
0x6b: {  	_ =	shalt  }
0x6c: {  	_ =	shalt  }
0x6d: {  	_ =	shalt  }
0x6e: {  	_ =	shalt  }
0x6f: {  	_ =	shalt  }
0x70: {  	_ =	shalt  }
0x71: {  	_ =	shalt  }
0x72: {  	_ =	shalt  }
0x73: {  	_ =	shalt  }
0x74: {  	_ =	shalt  }
0x75: {  	_ =	shalt  }
0x76: {  	_ =	shalt  }
0x77: {  	_ =	shalt  }
0x78: {  	_ =	shalt  }
0x79: {  	_ =	shalt  }
0x7a: {  	_ =	shalt  }
0x7b: {  	_ =	shalt  }
0x7c: {  	_ =	shalt  }
0x7d: {  	_ =	shalt  }
0x7e: {  	_ =	shalt  }
0x7f: {  	_ =	shalt  }
0x80: {  	_ =	shalt  }
0x81: {  	_ =	shalt  }
0x82: {  	_ =	shalt  }
0x83: {  	_ =	shalt  }
0x84: {  	_ =	shalt  }
0x85: {  	_ =	shalt  }
0x86: {  	_ =	shalt  }
0x87: {  	_ =	shalt  }
.Lfunc_end0:
.L_simem_size_0:
called_computation.1_lowered:
.L_overlay_start_0:
0x88: {  	s2 =	sld [smem:$0x3FD9]  }
0x89: {  	s3 =	sld [smem:$0x3FFE];
	_ =	sdelay $0x1  }
0x8a: {  	s1 =	srdreg.scid  }
0x8b: {  	s0 =	sand.u32 $0x1, s1  }
0x8c: {  	s16 =	sshll.u32 s0, $0xA;
	s2 =	sadd.s32 s3, s2  }
0x8d: {  	s2 =	sadd.s32 s2, s16  }
0x8e: {  	[smem:$0x3FC0] =	sst s2  }
0x8f: {  	_ = 	snop  }
0x90: {  	(tm) =	ssettm $0x1  }
0x91: {  	s17 =	sld [smem:$0x3FFB];
	_ =	sdelay $0x3  }
0x92: {  	_ =	strace s17  }
0x93: {  	s2 =	sld [smem:$0x3FFC];
	_ =	sdelay $0x3  }
0x94: {  	_ =	strace s2  }
0x95: {  	s2 =	sld [smem:$0x3FFD];
	_ =	sdelay $0x3  }
0x96: {  	_ =	strace s2  }
0x97: {  	_ =	strace $0x8FFFFFFF  }
0x98: {  	s18 =	sld [smem:$0x3FDB];
	_ =	sdelay $0x1  }
0x99: {  	s19 =	simm.s32 $_scs_section_size  }
0x9a: {  	s4 =	simm.s32 $_size__tile_overlayer_lowered;
	s5 =	simm.s32 $_tile_overlayer_lowered  }
0x9b: {  	s22 =	simm.s32 $0x1BFF;
	s21 =	sshll.u32 s5, $0x1;
	s2 =	sadd.s32 s19, s18  }
0x9c: {  	s6 =	simm.s32 $0x0;
	s20 =	sshll.u32 s4, $0x1;
	s4 =	sadd.s32 s21, s2  }
0x9d: {  	[timem:s6], [sflag:s22] =	dma.local [hbm:s4], s20  }
0x9e: {  	_ =	swait.ge [sflag:s22], s20  }
0x9f: {  	s3 =	ssub.s32 $0x0, s20;
	[sflag:s22] =	ssyncset.done $0x0  }
0xa0: {  	[sflag:s22] =	ssyncadd.s32 s3;
	_ =	sdelay $0x1  }
0xa1: {  	s23 =	simm.s32 $0x1B8B  }
0xa2: {  	_ =	swait.ge [sflag:s23], $0x1  }
0xa3: {  	[sflag:s23] =	ssyncset.done $0x0  }
0xa4: {  	s25 =	simm.s32 $0x1B8E;
	s24 =	sld [smem:$0x3FFE];
	[sflag:s23] =	ssyncadd.s32 $0xFFFFFFFF  }
0xa5: {  	s26 =	simm.s32 $execute0_lowered;
	[smem:$0x3FD2] =	sst s25  }
0xa6: {  	s4 =	sshll.u32 s26, $0x1;
	_ =	strace $0x80000049;
	[dreg:$0x1] =	wrdreg $0xFFFFFFFF  }
0xa7: {  	s28 =	simm.s32 $_size_execute0_lowered;
	s2 =	sadd.s32 s2, s4;
	[dreg:$0x0] =	wrdreg $0x0  }
0xa8: {  	s4 =	sshll.u32 s28, $0x1;
	[dreg:$0x2] =	wrdreg s2  }
0xa9: {  	[dreg:$0x3] =	wrdreg s4  }
0xaa: {  	[dreg:$0x4] =	wrdreg $0xC0  }
0xab: {  	_ =	task [dreg:s6], $0x5FFFF  }
0xac: {  	[dreg:$0x1] =	wrdreg $0xFFFFFFFF  }
0xad: {  	[dreg:$0x0] =	wrdreg $0x60  }
0xae: {  	[dreg:$0x2] =	wrdreg s24  }
0xaf: {  	[dreg:$0x3] =	wrdreg $0xB6000  }
0xb0: {  	[dreg:$0x4] =	wrdreg $0x9  }
0xb1: {  	_ =	task.clear_ibuf [dreg:s6], $0x5FFFF;
	_ =	strace $0x90000049  }
0xb2: {  	s29 =	simm.s32 $0x9;
	_ =	strace $0x8000004B  }
0xb3: {  	_ =	swait.ge [sflag:s29], $0x1  }
0xb4: {  	[sflag:s29] =	ssyncadd.s32 $0xFFFFFFFF  }
0xb5: {  	_ =	strace $0x9000004B  }
0xb6: {  	_ =	sfence  }
0xb7: {  	s30 =	sld [smem:$0x0];
	_ =	sdelay $0x2  }
0xb8: {  	s31 =	sshll.u32 s1, $0xD;
	s1 =	sshrl.u32 s1, $0x2  }
0xb9: {  	s3 =	sand.u32 $0x4000, s31;
	s1 =	sadd.s32 s1, s30  }
0xba: {  	s0 =	sor.u32 s3, s0;
	s1 =	sshll.u32 s1, $0x11  }
0xbb: {  	s0 =	sor.u32 s1, s0  }
0xbc: {  	s0 =	sadd.s32 $0x8F2B, s0  }
0xbd: {  	[sflag:s0] =	ssyncadd.remote.s32 $0x1  }
0xbe: {  	_ =	sfence.sel $0xFFFF  }
0xbf: {  	[dreg:$0x0] =	wrdreg $0xFFFFFFFF;
	(pc) =	sbr.abs _section_cstart, $3  }
0xc0: {  	[dreg:$0x1] =	wrdreg $0xFFFFFFFF  }
0xc1: {  	_ =	task.clear_ibuf [dreg:s6], $0x2FFFF;
	_ =	strace $0x9FFFFFFF  }
0xc2: {  	(tm) =	ssettm $0x7FFFFFFF  }
0xc3: {  	_ =	shalt  }
tec
execute0_lowered:
.L_overlay_start_1:
0x0: {  	(tag) =	ssettag $0x1  }
0x1: {  	s0 =	rddreg [dreg:$0x0]  }
0x2: {  	s1 =	rddreg [dreg:$0x1]  }
0x3: {  	s2 =	srdreg.scid;
	s10 =	stileid.u32  }
0x4: {  	s3 =	simm.s32 $0x0;
	s2 =	sand.u32 $0x1, s2;
	s6 =	smul.u32 $0x14000, s10  }
0x5: {  	[smem:$0x7FF] =	sst s3;
	s4 =	sshll.u32 s10, $0x1;
	s23 =	smul.u32 $0x50000, s10  }
0x6: {  	s8 =	sadd.s32 $0x18600, s0;
	s12 =	smul.u32 $0xFA00, s10;
	s10 =	simm.s32 $0x3  }
0x7: {  	s5 =	smul.u32 $0x140000, s2;
	_ =	strace $0x8000004A;
	s7 =	sor.u32 s2, s4  }
0x8: {  	s4 =	sadd.s32 $0x37A00, s0;
	s22 =	smul.u32 $0x7D00, s7;
	s7 =	sshrl.u32 s23, $0x2  }
0x9: {  	s9 =	ssub.s32 $0x2, s2;
	s2 =	smul.u32 $0x7D00, s2;
	s7 =	sadd.s32 s7, s1  }
0xa: {  	s25 =	sshrl.u32 s9, $0x1;
	s5 =	sadd.s32 s6, s5;
	s11 =	sadd.s32 $0x1000, s7  }
0xb: {  	s6 =	ssub.s32 s9, s25;
	s13 =	sadd.s32 $0x2000, s7;
	[dreg:$0x6] =	wrdreg s11  }
0xc: {  	s2 =	sadd.s32 s2, s12;
	s14 =	sadd.s32 $0x3000, s7;
	[dreg:$0x7] =	wrdreg s13  }
0xd: {  	s9 =	simm.s32 $0x2;
	s15 =	sadd.s32 $0x4000, s7;
	[dreg:$0x8] =	wrdreg s14  }
0xe: {  	s12 =	simm.s32 $0x0;
	s16 =	sadd.s32 $0x5000, s7;
	[dreg:$0x9] =	wrdreg s15  }
0xf: {  	s5 =	sshrl.u32 s5, $0x3;
	s17 =	sadd.s32 $0x6000, s7;
	[dreg:$0xa] =	wrdreg s16  }
0x10: {  	s24 =	sshrl.u32 s22, $0x3;
	s18 =	sadd.s32 $0x7000, s7;
	[dreg:$0xb] =	wrdreg s17  }
0x11: {  	s19 =	sadd.s32 $0x8000, s7;
	s20 =	sadd.s32 $0x9000, s7;
	[dreg:$0xc] =	wrdreg s18  }
0x12: {  	s21 =	sadd.s32 $0xA000, s7;
	s2 =	sadd.s32 $0x300, s2;
	[dreg:$0xd] =	wrdreg s19  }
0x13: {  	s22 =	sadd.s32 $0xB000, s7;
	s23 =	sadd.s32 $0xC000, s7;
	[dreg:$0xe] =	wrdreg s20  }
0x14: {  	s25 =	sadd.s32 $0xE000, s7;
	s28 =	sadd.s32 $0x10000, s7;
	[dreg:$0xf] =	wrdreg s21  }
0x15: {  	s29 =	sadd.s32 $0x11000, s7;
	s30 =	sadd.s32 $0x12000, s7;
	[dreg:$0x10] =	wrdreg s22  }
0x16: {  	s31 =	sadd.s32 $0x13000, s7;
	s0 =	sadd.s32 s5, s0;
	[dreg:$0x11] =	wrdreg s23  }
0x17: {  	s5 =	sadd.s32 s8, s24;
	s2 =	sshrl.u32 s2, $0x3;
	[dreg:$0x13] =	wrdreg s25  }
0x18: {  	s24 =	sadd.s32 $0xD000, s7;
	s11 =	simm.s32 $0x4;
	[dreg:$0x3] =	wrdreg s5  }
0x19: {  	s26 =	sadd.s32 $0x20, s5;
	s5 =	sadd.s32 $0x40, s5;
	[dreg:$0x12] =	wrdreg s24  }
0x1a: {  	s15 =	sadd.s32 s2, s8;
	s0 =	sadd.s32 $0x5EC00, s0;
	[dreg:$0x4] =	wrdreg s26  }
0x1b: {  	s2 =	simm.s32 $0xA600;
	s8 =	simm.s32 $0x50;
	[dreg:$0x5] =	wrdreg s5  }
0x1c: {  	[dreg:$0x14] =	wrdreg s0;
	s26 =	smax.u32 s6, $0x1;
	s0 =	simm.s32 $0x100  }
0x1d: {  	v0 =	vimm.f32 $0.0e+00;
	s6 =	simm.s32 $0x1;
	[dreg:$0x15] =	wrdreg s26;
	s26 =	sadd.s32 $0xF000, s7  }
.LBB2_1:
0x1e: {  	s5 =	rddreg [dreg:$0x3]  }
0x1f: {  	s23 =	rddreg [dreg:$0x4]  }
0x20: {  	[tilespmem:s3], [sflag:$0x1] =	stream.linear.gather [hbm4b:s5+s3], $0x100, $0x38;
	[tilespmem:$0x1F600] =	vst v63  }
0x21: {  	s24 =	rddreg [dreg:$0x5];
	s25 =	sand.u32 $0x3E00, s3  }
0x22: {  	[tilespmem:s0], [sflag:$0x1] =	stream.linear.gather [hbm4b:s23+s3], $0x100, $0x38;
	[tilespmem:$0x1F600] =	vst v63  }
0x23: {  	s13 =	simm.s32 $0x200;
	s14 =	sand.u32 $0x70, s3;
	s16 =	sshrl.u32 s25, $0x2  }
0x24: {  	[tilespmem:s13], [sflag:$0x1] =	stream.linear.gather [hbm4b:s24+s3], $0x100, $0x38;
	[tilespmem:$0x1F600] =	vst v63  }
0x25: {  	s16 =	sor.u32 s14, s16;
	s14 =	simm.s32 $0x0;
	s13 =	simm.s32 $0x40  }
.LBB2_2:
0x26: {  	p0 =	sne.s32 s13, $0x3FC0  }
0x27: {  	[tilespmem:s16+$0xA600] =	vst v0;
	s14 =	sadd.s32 $0x10, s14;
	s16 =	smov.u32 s13;
	s13 =	sadd.s32 $0x40, s13  }
.Ltmp0:
0x28: {  	(pc) =	sbr.rel @p0 .LBB2_2-.Ltmp0, $4  }
0x29: {  	_ = 	snop  }
0x2a: {  	s16 =	sand.u32 $0x3E00, s16  }
0x2b: {  	s17 =	sand.u32 $0x70, s14;
	s16 =	sshrl.u32 s16, $0x2  }
0x2c: {  	s16 =	sor.u32 s17, s16  }
0x2d: {  	[tilespmem:s16+$0xA600] =	vst v0  }
0x2e: {  	[spmem:s7] =	stream.linear.scatter [tilespmem:s2], [sflag:$0x3], $0x1000, $0x38;
	[tilespmem:$0x1F600] =	vst v63  }
0x2f: {  	s5 =	rddreg [dreg:$0x6]  }
0x30: {  	[spmem:s5] =	stream.linear.scatter [tilespmem:s2], [sflag:$0x3], $0x1000, $0x38;
	[tilespmem:$0x1F600] =	vst v63  }
0x31: {  	s21 =	rddreg [dreg:$0x7]  }
0x32: {  	[spmem:s21] =	stream.linear.scatter [tilespmem:s2], [sflag:$0x3], $0x1000, $0x38;
	[tilespmem:$0x1F600] =	vst v63  }
0x33: {  	s22 =	rddreg [dreg:$0x8]  }
0x34: {  	[spmem:s22] =	stream.linear.scatter [tilespmem:s2], [sflag:$0x3], $0x1000, $0x38;
	[tilespmem:$0x1F600] =	vst v63  }
0x35: {  	s23 =	rddreg [dreg:$0x9]  }
0x36: {  	[spmem:s23] =	stream.linear.scatter [tilespmem:s2], [sflag:$0x3], $0x1000, $0x38;
	[tilespmem:$0x1F600] =	vst v63  }
0x37: {  	s24 =	rddreg [dreg:$0xa]  }
0x38: {  	[spmem:s24] =	stream.linear.scatter [tilespmem:s2], [sflag:$0x3], $0x1000, $0x38;
	[tilespmem:$0x1F600] =	vst v63  }
0x39: {  	s25 =	rddreg [dreg:$0xb]  }
0x3a: {  	[spmem:s25] =	stream.linear.scatter [tilespmem:s2], [sflag:$0x3], $0x1000, $0x38;
	[tilespmem:$0x1F600] =	vst v63  }
0x3b: {  	s13 =	rddreg [dreg:$0xc]  }
0x3c: {  	[spmem:s13] =	stream.linear.scatter [tilespmem:s2], [sflag:$0x3], $0x1000, $0x38;
	[tilespmem:$0x1F600] =	vst v63  }
0x3d: {  	s14 =	rddreg [dreg:$0xd]  }
0x3e: {  	[spmem:s14] =	stream.linear.scatter [tilespmem:s2], [sflag:$0x3], $0x1000, $0x38;
	[tilespmem:$0x1F600] =	vst v63  }
0x3f: {  	s16 =	rddreg [dreg:$0xe]  }
0x40: {  	[spmem:s16] =	stream.linear.scatter [tilespmem:s2], [sflag:$0x3], $0x1000, $0x38;
	[tilespmem:$0x1F600] =	vst v63  }
0x41: {  	s17 =	rddreg [dreg:$0xf]  }
0x42: {  	[spmem:s17] =	stream.linear.scatter [tilespmem:s2], [sflag:$0x3], $0x1000, $0x38;
	[tilespmem:$0x1F600] =	vst v63  }
0x43: {  	s18 =	rddreg [dreg:$0x10]  }
0x44: {  	[spmem:s18] =	stream.linear.scatter [tilespmem:s2], [sflag:$0x3], $0x1000, $0x38;
	[tilespmem:$0x1F600] =	vst v63  }
0x45: {  	s19 =	rddreg [dreg:$0x11]  }
0x46: {  	[spmem:s19] =	stream.linear.scatter [tilespmem:s2], [sflag:$0x3], $0x1000, $0x38;
	[tilespmem:$0x1F600] =	vst v63  }
0x47: {  	s20 =	rddreg [dreg:$0x12]  }
0x48: {  	[spmem:s20] =	stream.linear.scatter [tilespmem:s2], [sflag:$0x3], $0x1000, $0x38;
	[tilespmem:$0x1F600] =	vst v63  }
0x49: {  	s21 =	rddreg [dreg:$0x13]  }
0x4a: {  	[spmem:s21] =	stream.linear.scatter [tilespmem:s2], [sflag:$0x3], $0x1000, $0x38;
	[tilespmem:$0x1F600] =	vst v63  }
0x4b: {  	_ = 	snop  }
0x4c: {  	[spmem:s26] =	stream.linear.scatter [tilespmem:s2], [sflag:$0x3], $0x1000, $0x38;
	[tilespmem:$0x1F600] =	vst v63  }
0x4d: {  	_ = 	snop  }
0x4e: {  	[spmem:s28] =	stream.linear.scatter [tilespmem:s2], [sflag:$0x3], $0x1000, $0x38;
	[tilespmem:$0x1F600] =	vst v63  }
0x4f: {  	_ = 	snop  }
0x50: {  	[spmem:s29] =	stream.linear.scatter [tilespmem:s2], [sflag:$0x3], $0x1000, $0x38;
	[tilespmem:$0x1F600] =	vst v63  }
0x51: {  	_ = 	snop  }
0x52: {  	[spmem:s30] =	stream.linear.scatter [tilespmem:s2], [sflag:$0x3], $0x1000, $0x38;
	[tilespmem:$0x1F600] =	vst v63  }
0x53: {  	s13 =	simm.s32 $0x3  }
0x54: {  	[spmem:s31] =	stream.linear.scatter [tilespmem:s2], [sflag:$0x3], $0x1000, $0x38;
	[tilespmem:$0x1F600] =	vst v63  }
0x55: {  	_ =	swait.ge [sflag:s13], $0x1000  }
0x56: {  	[sflag:s13] =	ssyncset.done $0x0  }
0x57: {  	[sflag:s13] =	ssyncadd.s32 $0xFFFFF000  }
0x58: {  	_ =	swait.ge [sflag:s13], $0x1000  }
0x59: {  	[sflag:s13] =	ssyncset.done $0x0  }
0x5a: {  	[sflag:s13] =	ssyncadd.s32 $0xFFFFF000  }
0x5b: {  	_ =	swait.ge [sflag:s13], $0x1000  }
0x5c: {  	[sflag:s13] =	ssyncset.done $0x0  }
0x5d: {  	[sflag:s13] =	ssyncadd.s32 $0xFFFFF000  }
0x5e: {  	_ =	swait.ge [sflag:s13], $0x1000  }
0x5f: {  	[sflag:s13] =	ssyncset.done $0x0  }
0x60: {  	[sflag:s13] =	ssyncadd.s32 $0xFFFFF000  }
0x61: {  	_ =	swait.ge [sflag:s13], $0x1000  }
0x62: {  	[sflag:s13] =	ssyncset.done $0x0  }
0x63: {  	[sflag:s13] =	ssyncadd.s32 $0xFFFFF000  }
0x64: {  	_ =	swait.ge [sflag:s13], $0x1000  }
0x65: {  	[sflag:s13] =	ssyncset.done $0x0  }
0x66: {  	[sflag:s13] =	ssyncadd.s32 $0xFFFFF000  }
0x67: {  	_ =	swait.ge [sflag:s13], $0x1000  }
0x68: {  	[sflag:s13] =	ssyncset.done $0x0  }
0x69: {  	[sflag:s13] =	ssyncadd.s32 $0xFFFFF000  }
0x6a: {  	_ =	swait.ge [sflag:s13], $0x1000  }
0x6b: {  	[sflag:s13] =	ssyncset.done $0x0  }
0x6c: {  	[sflag:s13] =	ssyncadd.s32 $0xFFFFF000  }
0x6d: {  	_ =	swait.ge [sflag:s13], $0x1000  }
0x6e: {  	[sflag:s13] =	ssyncset.done $0x0  }
0x6f: {  	[sflag:s13] =	ssyncadd.s32 $0xFFFFF000  }
0x70: {  	_ =	swait.ge [sflag:s13], $0x1000  }
0x71: {  	[sflag:s13] =	ssyncset.done $0x0  }
0x72: {  	[sflag:s13] =	ssyncadd.s32 $0xFFFFF000  }
0x73: {  	_ =	swait.ge [sflag:s13], $0x1000  }
0x74: {  	[sflag:s13] =	ssyncset.done $0x0  }
0x75: {  	[sflag:s13] =	ssyncadd.s32 $0xFFFFF000  }
0x76: {  	_ =	swait.ge [sflag:s13], $0x1000  }
0x77: {  	[sflag:s13] =	ssyncset.done $0x0  }
0x78: {  	[sflag:s13] =	ssyncadd.s32 $0xFFFFF000  }
0x79: {  	_ =	swait.ge [sflag:s13], $0x1000  }
0x7a: {  	[sflag:s13] =	ssyncset.done $0x0  }
0x7b: {  	[sflag:s13] =	ssyncadd.s32 $0xFFFFF000  }
0x7c: {  	_ =	swait.ge [sflag:s13], $0x1000  }
0x7d: {  	[sflag:s13] =	ssyncset.done $0x0  }
0x7e: {  	[sflag:s13] =	ssyncadd.s32 $0xFFFFF000  }
0x7f: {  	_ =	swait.ge [sflag:s13], $0x1000  }
0x80: {  	[sflag:s13] =	ssyncset.done $0x0  }
0x81: {  	[sflag:s13] =	ssyncadd.s32 $0xFFFFF000  }
0x82: {  	_ =	swait.ge [sflag:s13], $0x1000  }
0x83: {  	[sflag:s13] =	ssyncset.done $0x0  }
0x84: {  	[sflag:s13] =	ssyncadd.s32 $0xFFFFF000  }
0x85: {  	_ =	swait.ge [sflag:s13], $0x1000  }
0x86: {  	[sflag:s13] =	ssyncset.done $0x0  }
0x87: {  	[sflag:s13] =	ssyncadd.s32 $0xFFFFF000  }
0x88: {  	_ =	swait.ge [sflag:s13], $0x1000  }
0x89: {  	[sflag:s13] =	ssyncset.done $0x0  }
0x8a: {  	[sflag:s13] =	ssyncadd.s32 $0xFFFFF000  }
0x8b: {  	p1 =	por $0x0, $0x0;
	_ =	swait.ge [sflag:s13], $0x1000  }
0x8c: {  	p0 =	por @!p1 $0x0, $0x0;
	[sflag:s13] =	ssyncset.done $0x0  }
0x8d: {  	p2 =	por @!p1 $0x1, $0x1;
	p0 =	por p0, p1;
	[sflag:s13] =	ssyncadd.s32 $0xFFFFF000  }
0x8e: {  	p2 =	por p2, p1;
	s14 =	simm.s32 $0x0;
	_ =	swait.ge [sflag:s13], $0x1000  }
0x8f: {  	s22 =	simm.s32 $0x600;
	s23 =	smul.u32 $0xAB, s14;
	[sflag:s13] =	ssyncset.done $0x0  }
0x90: {  	s24 =	simm.s32 $0x2E00;
	s14 =	sand.u32 $0x3, s14;
	[sflag:s13] =	ssyncadd.s32 $0xFFFFF000  }
0x91: {  	s16 =	sshrl.u32 s23, $0xA;
	s17 =	smul.u32 $0xA000, s14;
	[bflag:$0x0] =	sbarrier.arrive $0xFFFF  }
0x92: {  	s25 =	sand.u32 $0x3F, s16;
	s16 =	simm.s32 $0x2;
	_ =	swait.ge [sflag:s6], $0x100  }
0x93: {  	s14 =	simm.s32 $0x4;
	s17 =	sshrl.u32 s17, $0x2;
	[sflag:s6] =	ssyncset.done $0x0  }
0x94: {  	s18 =	smul.u32 $0x6, s25;
	s17 =	sor.u32 $0x600, s17;
	[sflag:s6] =	ssyncadd.s32 $0xFFFFFF00  }
0x95: {  	[tilespmem:s22], [sflag:$0x2] =	stream.indirect.gather [hbm4b:s4+s8], $0x80, s3, s8, $0xb8;
	[tilespmem:$0x1F600] =	vst v63  }
0x96: {  	s19 =	smul.u32 @!p1 $0xAB, s16;
	s16 =	sand.u32 @!p1 $0x3, s16;
	_ =	swait.ge [sflag:s6], $0x100  }
0x97: {  	s18 =	ssub.s32 $0x0, s18;
	s16 =	smul.u32 @!p1 $0xA000, s16;
	[sflag:s6] =	ssyncset.done $0x0  }
0x98: {  	s18 =	sand.u32 $0xFF, s18;
	s19 =	sshrl.u32 @!p1 s19, $0xA;
	[sflag:s6] =	ssyncadd.s32 $0xFFFFFF00  }
0x99: {  	[tilespmem:s24], [sflag:$0x2] =	stream.indirect.gather [hbm4b:s4+s8], $0x80, s0, s8, $0xb8;
	[tilespmem:$0x1F600] =	vst v63  }
0x9a: {  	s18 =	sshll.u32 s18, $0x8;
	s22 =	smul.u32 @!p0 $0xAB, s13;
	_ =	swait.ge [sflag:s9], $0x2800  }
0x9b: {  	s19 =	sand.u32 @!p1 $0x3F, s19;
	s18 =	sor.u32 $0x80, s18;
	[sflag:s9] =	ssyncset.done $0x0  }
0x9c: {  	s19 =	smul.u32 @!p1 $0x6, s19;
	s22 =	sshrl.u32 @!p0 s22, $0xA;
	[sflag:s9] =	ssyncadd.s32 $0xFFFFD800  }
0x9d: {  	[spmem:s1] =	stream.indirect.scatter.add.f32 [tilespmem:s17], [sflag:$0x3], $0x80, s18, s8, $0xb8;
	[tilespmem:$0x1F600] =	vst v63  }
0x9e: {  	s22 =	sand.u32 @!p0 $0x3F, s22;
	s18 =	simm.s32 @!p1 $0x1;
	s17 =	ssub.s32 @!p1 $0x2, s19  }
0x9f: {  	s19 =	smul.u32 @!p0 $0x6, s22;
	s22 =	smov.u32 s15;
	_ =	swait.ge @!p1 [sflag:s18], $0x100  }
.LBB2_4:
0xa0: {  	s16 =	sshrl.u32 @!p1 s16, $0x2;
	s5 =	smov.u32 s14;
	s14 =	sadd.s32 $0x1, s14  }
0xa1: {  	s20 =	smov.u32 s22;
	s22 =	sadd.s32 $0x20, s22;
	p4 =	por p1, p1  }
0xa2: {  	s21 =	sadd.s32 $0xFFFFFFFD, s5;
	p3 =	sne.s32 s14, $0x80;
	s16 =	sor.u32 @!p4 $0x600, s16  }
0xa3: {  	s13 =	ssub.s32 @!p0 s13, s19  }
0xa4: {  	s25 =	simm.s32 @!p4 $0x50;
	s23 =	sand.u32 $0x3, s21;
	s24 =	smul.u32 $0xAB, s21  }
0xa5: {  	s13 =	sand.u32 @!p0 $0xFF, s13;
	s19 =	smul.u32 $0xA000, s23;
	[sflag:s18] =	ssyncset.done @!p4 $0x0  }
0xa6: {  	s23 =	sshll.u32 @!p0 s13, $0x8;
	[sflag:s18] =	ssyncadd.s32 @!p4 $0xFFFFFF00;
	s18 =	simm.s32 @!p2 $0x3  }
0xa7: {  	s17 =	sand.u32 @!p4 $0xFF, s17;
	s13 =	smov.u32 s5;
	_ =	swait.ge @!p2 [sflag:s18], $0x2800  }
0xa8: {  	p1 =	sgt.u32 s21, $0x7A;
	s5 =	sshrl.u32 s24, $0xA;
	[sflag:s18] =	ssyncset.done @!p2 $0x0  }
0xa9: {  	s24 =	sadd.s32 $0xFFFFFFFF, s13;
	s5 =	sand.u32 $0x3F, s5;
	[sflag:s18] =	ssyncadd.s32 @!p2 $0xFFFFD800  }
0xaa: {  	s17 =	sshll.u32 @!p4 s17, $0x8;
	s19 =	sshrl.u32 s19, $0x2;
	s5 =	smul.u32 $0x6, s5  }
0xab: {  	[tilespmem:s16], [sflag:$0x2] =	stream.indirect.gather @!p4 [hbm4b:s4+s25], $0x80, s17, s25, $0xb8;
	[tilespmem:$0x1F600] =	vst v63  }
0xac: {  	p2 =	slt.u32 @!p1 s21, $0x2;
	s17 =	smul.u32 @!p1 $0xAB, s24;
	s16 =	sand.u32 @!p1 $0x3, s24  }
0xad: {  	s5 =	ssub.s32 s21, s5;
	s18 =	simm.s32 @!p0 $0x0;
	s16 =	smul.u32 @!p1 $0xA000, s16  }
0xae: {  	[tilespmem:s23], [sflag:$0x1] =	stream.linear.gather @!p0 [hbm4b:s20+s18], $0x100, $0x38;
	[tilespmem:$0x1F600] =	vst v63  }
0xaf: {  	s5 =	sand.u32 $0xFF, s5;
	p2 =	por p2, p1;
	p0 =	seq.s32 @!p1 s13, $0x7D  }
0xb0: {  	s17 =	sshrl.u32 @!p1 s17, $0xA;
	p0 =	por p0, p1;
	_ =	swait.ge [sflag:s9], $0x2800  }
0xb1: {  	s5 =	sshll.u32 s5, $0x8;
	s20 =	smul.u32 @!p0 $0xAB, s13;
	[sflag:s9] =	ssyncset.done $0x0  }
.Ltmp1:
0xb2: {  	s17 =	sand.u32 @!p1 $0x3F, s17;
	[sflag:s9] =	ssyncadd.s32 $0xFFFFD800;
	(pc) =	sbr.rel @p3 .LBB2_4-.Ltmp1, $4  }
0xb3: {  	s18 =	simm.s32 @!p1 $0x1;
	s17 =	smul.u32 @!p1 $0x6, s17;
	s20 =	sshrl.u32 @!p0 s20, $0xA  }
0xb4: {  	s19 =	sor.u32 $0x600, s19;
	s5 =	sor.u32 $0x80, s5;
	s20 =	sand.u32 @!p0 $0x3F, s20  }
0xb5: {  	[spmem:s1] =	stream.indirect.scatter.add.f32 [tilespmem:s19], [sflag:$0x3], $0x80, s5, s8, $0xb8;
	[tilespmem:$0x1F600] =	vst v63  }
0xb6: {  	s17 =	ssub.s32 @!p1 s24, s17;
	s19 =	smul.u32 @!p0 $0x6, s20;
	_ =	swait.ge @!p1 [sflag:s18], $0x100  }
0xb7: {  	p3 =	por p1, p1  }
0xb8: {  	[sflag:s18] =	ssyncset.done @!p3 $0x0  }
0xb9: {  	s5 =	sshrl.u32 @!p1 s16, $0x2;
	s14 =	simm.s32 @!p2 $0x3;
	[sflag:s18] =	ssyncadd.s32 @!p3 $0xFFFFFF00  }
0xba: {  	s5 =	sor.u32 @!p3 $0x600, s5;
	s13 =	ssub.s32 @!p0 s13, s19;
	_ =	swait.ge @!p2 [sflag:s14], $0x2800  }
0xbb: {  	s16 =	sand.u32 @!p3 $0xFF, s17;
	s17 =	simm.s32 @!p3 $0x50;
	[sflag:s14] =	ssyncset.done @!p2 $0x0  }
0xbc: {  	s13 =	sand.u32 @!p0 $0xFF, s13;
	[sflag:s14] =	ssyncadd.s32 @!p2 $0xFFFFD800;
	s14 =	sshll.u32 @!p3 s16, $0x8  }
0xbd: {  	[tilespmem:s5], [sflag:$0x2] =	stream.indirect.gather @!p3 [hbm4b:s4+s17], $0x80, s14, s17, $0xb8;
	[tilespmem:$0x1F600] =	vst v63  }
0xbe: {  	s5 =	sshll.u32 @!p0 s13, $0x8;
	s13 =	simm.s32 @!p0 $0x0  }
0xbf: {  	[tilespmem:s5], [sflag:$0x1] =	stream.linear.gather @!p0 [hbm4b:s22+s13], $0x100, $0x38;
	[tilespmem:$0x1F600] =	vst v63  }
0xc0: {  	_ =	swait.ge [sflag:s10], $0x2800  }
0xc1: {  	[sflag:s10] =	ssyncset.done $0x0  }
0xc2: {  	[sflag:s10] =	ssyncadd.s32 $0xFFFFD800  }
0xc3: {  	_ =	swait.ge [sflag:s10], $0x2800  }
0xc4: {  	[sflag:s10] =	ssyncset.done $0x0  }
0xc5: {  	[sflag:s10] =	ssyncadd.s32 $0xFFFFD800  }
0xc6: {  	_ =	swait.ge [sflag:s10], $0x2800  }
0xc7: {  	[sflag:s10] =	ssyncset.done $0x0  }
0xc8: {  	[sflag:s10] =	ssyncadd.s32 $0xFFFFD800  }
0xc9: {  	_ =	swait.ge [sflag:s10], $0x2800  }
0xca: {  	[sflag:s10] =	ssyncset.done $0x0  }
0xcb: {  	s22 =	stileid.u32;
	[sflag:s10] =	ssyncadd.s32 $0xFFFFD800  }
0xcc: {  	s5 =	sshll.u32 s22, $0x6;
	[bflag:$0x0] =	sbarrier.arrive $0xFFFF  }
0xcd: {  	s23 =	sshrl.u32 s7, $0x3;
	s5 =	sor.u32 $0x1C04, s5;
	s24 =	rddreg [dreg:$0x14]  }
0xce: {  	[hbm:s24], [sflag:s5] =	dma.local [spmem:s23], $0x2800  }
0xcf: {  	_ =	swait.ge [sflag:s11], $0x2800  }
0xd0: {  	s12 =	sadd.s32 $0x1, s12;
	s25 =	rddreg [dreg:$0x15]  }
0xd1: {  	p0 =	sne.s32 s12, s25  }
.Ltmp2:
0xd2: {  	_ = 	snop;
	(pc) =	sbr.rel @p0 .LBB2_1-.Ltmp2, $3  }
0xd3: {  	_ =	sdelay $0x1  }
0xd4: {  	[sflag:s11] =	ssyncset.done $0x0  }
0xd5: {  	[sflag:s11] =	ssyncadd.s32 $0xFFFFD800  }
0xd6: {  	_ =	sfence.sel $0x180000  }
0xd7: {  	[bflag:$0x0] =	sbarrier.arrive $0xFFFF  }
0xd8: {  	_ =	strace $0x9000004A  }
0xd9: {  	s0 =	stileid.u32;
	[bflag:$0x2] =	sbarrier.arrive $0xFFFF  }
0xda: {  	p0 =	sne.s32 s0, $0x0;
	s0 =	rddreg [dreg:$0x2]  }
0xdb: {  	s0 =	sadd.s32 @!p0 $0x100000, s0  }
0xdc: {  	[sflag:s0] =	ssyncadd.tile.s32 @!p0 $0x1;
	_ =	shalt  }
.Lfunc_end2:
_tile_overlayer_lowered:
.L_overlay_start_2:
0xdd: {  	(tag) =	ssettag $0x2  }
0xde: {  	s0 =	rddreg [dreg:$0x0];
	s2 =	stileid.u32  }
0xdf: {  	s1 =	rddreg [dreg:$0x1];
	p0 =	sne.s32 s2, $0x0  }
0xe0: {  	s3 =	rddreg [dreg:$0x2];
	[bflag:$0x3] =	sbarrier.arrive $0xFFFF;
	s2 =	simm.s32 @!p0 $0x1C04  }
0xe1: {  	[timem:s3], [sflag:s2] =	dma.local @!p0 [hbm:s0], s1  }
0xe2: {  	s0 =	simm.s32 @!p0 $0x4  }
0xe3: {  	_ =	swait.ge @!p0 [sflag:s0], s1  }
0xe4: {  	s1 =	ssub.s32 @!p0 $0x0, s1;
	[sflag:s0] =	ssyncset.done @!p0 $0x0  }
0xe5: {  	[sflag:s0] =	ssyncadd.s32 @!p0 s1  }
0xe6: {  	[bflag:$0x3] =	sbarrier.arrive $0xFFFF  }
0xe7: {  	_ =	shalt  }

// kernel: kernel.17.cloned.1.call-start
scs
__scs_entry_jumppad:
0x0: {  	(pc) =	sbr.rel $0x88, $3  }
0x1: {  	(tag) =	ssettag $0x0;
	lr =	simm.s32 $0x1  }
0x2: {  	[smem:$0x3F99] =	sst lr;
	_ =	strace $0xD0000000  }
0x3: {  	_ = 	snop  }
0x4: {  	_ = 	snop  }
0x5: {  	_ = 	snop  }
0x6: {  	_ = 	snop  }
0x7: {  	_ = 	snop  }
__scs_overlays_trampoline_lowered:
0x8: {  	[smem:$0x3FA8] =	sst s0  }
0x9: {  	[smem:$0x3FA9] =	sst s1  }
0xa: {  	[smem:$0x3FAA] =	sst s2  }
0xb: {  	[smem:$0x3FAB] =	sst s3  }
0xc: {  	[smem:$0x3FAC] =	sst s4  }
0xd: {  	[smem:$0x3FAD] =	sst s5  }
0xe: {  	[smem:$0x3FAE] =	sst s6  }
0xf: {  	[smem:$0x3FAF] =	sst s7  }
0x10: {  	[smem:$0x3FB0] =	sst s8  }
0x11: {  	[smem:$0x3FB1] =	sst s9;
	s0 =	simm.s32 @!p0 $0x0  }
0x12: {  	s1 =	sld [smem:$0x3F97];
	s0 =	simm.s32 @p0 $0x1  }
0x13: {  	[smem:$0x3FB2] =	sst s0;
	s0 =	simm.s32 @!p1 $0x0  }
0x14: {  	s2 =	sld [smem:$0x3F96];
	s0 =	simm.s32 @p1 $0x1  }
0x15: {  	[smem:$0x3FB3] =	sst s0;
	s0 =	simm.s32 @!p2 $0x0  }
0x16: {  	s3 =	sld [smem:$0x3FDB];
	s0 =	simm.s32 @p2 $0x1  }
0x17: {  	s4 =	simm.s32 $0x1BF5;
	[smem:$0x3FB5] =	sst s0  }
0x18: {  	s0 =	sld [smem:$0x3F98];
	_ =	swait.ge [sflag:s4], $0x0  }
0x19: {  	s7 =	sld [smem:$0x3F99]  }
0x1a: {  	s8 =	sadd.s32 $0xFFFFE003, lr  }
0x1b: {  	s9 =	sadd.s32 $0xFFFFFEF7, lr;
	s5 =	simm.s32 $0xFFFFFFFF;
	p2 =	slt.u32 s8, $0xFFFFF086  }
0x1c: {  	p1 =	slt.u32 s9, $0xF7A;
	s5 =	simm.s32 @!p2 $0x0  }
0x1d: {  	s5 =	simm.s32 @p1 $0x1;
	p0 =	seq.s32 s7, s2  }
0x1e: {  	s7 =	smul.u32 @!p0 $0xF7A, s2;
	p2 =	seq.s32 @!p0 s5, $0x0  }
0x1f: {  	s9 =	smul.u32 $0xF7A, s1;
	s8 =	simm.s32 @!p0 $0x1BF5;
	p2 =	por !p2, p0  }
0x20: {  	[sflag:s8] =	ssyncset.s32 @!p0 $0xFFFFF086;
	s6 =	sadd.s32 @!p0 s3, s7;
	s7 =	simm.s32 @!p0 $0x108  }
0x21: {  	s3 =	sadd.s32 s3, s9;
	s6 =	sadd.s32 @!p0 $0x88, s6;
	s7 =	simm.s32 @p2 $0x1082  }
0x22: {  	[simem:s7], [sflag:s8] =	dma.local @!p0 [hbm:s6], $0xF7A  }
0x23: {  	s9 =	sor.u32 $0xD0000000, s2;
	s6 =	simm.s32 $0x108;
	_ =	swait.ge @!p0 [sflag:s8], $0x0  }
0x24: {  	s3 =	sadd.s32 $0x88, s3;
	s6 =	simm.s32 @!p1 $0x1082;
	[sflag:s4] =	ssyncset.s32 $0xFFFFF086  }
0x25: {  	[simem:s6], [sflag:s4] =	dma.local [hbm:s3], $0xF7A  }
0x26: {  	[smem:$0x3F99] =	sst s1;
	(tag) =	ssettag s2;
	_ =	strace s9  }
0x27: {  	s1 =	sld [smem:$0x3FA9]  }
0x28: {  	s2 =	sld [smem:$0x3FAA]  }
0x29: {  	s4 =	sld [smem:$0x3FAC]  }
0x2a: {  	p0 =	seq.s32 s5, $0x0;
	s5 =	sld [smem:$0x3FAD]  }
0x2b: {  	s6 =	sld [smem:$0x3FAE]  }
0x2c: {  	s7 =	sld [smem:$0x3FAF]  }
0x2d: {  	s3 =	simm.s32 $0x108;
	s8 =	sld [smem:$0x3FB0]  }
0x2e: {  	s3 =	simm.s32 @!p0 $0x1082;
	s9 =	sld [smem:$0x3FB1]  }
0x2f: {  	lr =	sadd.s32 s0, s3;
	s0 =	sld [smem:$0x3FA8]  }
0x30: {  	s3 =	sld [smem:$0x3FAB]  }
0x31: {  	[smem:$0x3FB4] =	sst s10  }
0x32: {  	s10 =	sld [smem:$0x3FB2];
	_ =	sdelay $0x3  }
0x33: {  	p0 =	seq.s32 s10, $0x1;
	s10 =	sld [smem:$0x3FB4];
	_ =	sdelay $0x3  }
0x34: {  	[smem:$0x3FB4] =	sst s10  }
0x35: {  	s10 =	sld [smem:$0x3FB3];
	_ =	sdelay $0x3  }
0x36: {  	p1 =	seq.s32 s10, $0x1;
	s10 =	sld [smem:$0x3FB4];
	_ =	sdelay $0x3  }
0x37: {  	[smem:$0x3FB4] =	sst s10  }
0x38: {  	s10 =	sld [smem:$0x3FB5]  }
0x39: {  	_ = 	snop;
	(pc) =	sbr.ind lr, $3  }
0x3a: {  	_ = 	snop  }
0x3b: {  	_ = 	snop  }
0x3c: {  	p2 =	seq.s32 s10, $0x1;
	s10 =	sld [smem:$0x3FB4]  }
0x3d: {  	_ =	shalt  }
0x3e: {  	_ =	shalt  }
0x3f: {  	_ =	shalt  }
0x40: {  	_ =	shalt  }
0x41: {  	_ =	shalt  }
0x42: {  	_ =	shalt  }
0x43: {  	_ =	shalt  }
0x44: {  	_ =	shalt  }
0x45: {  	_ =	shalt  }
0x46: {  	_ =	shalt  }
0x47: {  	_ =	shalt  }
0x48: {  	_ =	shalt  }
0x49: {  	_ =	shalt  }
0x4a: {  	_ =	shalt  }
0x4b: {  	_ =	shalt  }
0x4c: {  	_ =	shalt  }
0x4d: {  	_ =	shalt  }
0x4e: {  	_ =	shalt  }
0x4f: {  	_ =	shalt  }
0x50: {  	_ =	shalt  }
0x51: {  	_ =	shalt  }
0x52: {  	_ =	shalt  }
0x53: {  	_ =	shalt  }
0x54: {  	_ =	shalt  }
0x55: {  	_ =	shalt  }
0x56: {  	_ =	shalt  }
0x57: {  	_ =	shalt  }
0x58: {  	_ =	shalt  }
0x59: {  	_ =	shalt  }
0x5a: {  	_ =	shalt  }
0x5b: {  	_ =	shalt  }
0x5c: {  	_ =	shalt  }
0x5d: {  	_ =	shalt  }
0x5e: {  	_ =	shalt  }
0x5f: {  	_ =	shalt  }
0x60: {  	_ =	shalt  }
0x61: {  	_ =	shalt  }
0x62: {  	_ =	shalt  }
0x63: {  	_ =	shalt  }
0x64: {  	_ =	shalt  }
0x65: {  	_ =	shalt  }
0x66: {  	_ =	shalt  }
0x67: {  	_ =	shalt  }
0x68: {  	_ =	shalt  }
0x69: {  	_ =	shalt  }
0x6a: {  	_ =	shalt  }
0x6b: {  	_ =	shalt  }
0x6c: {  	_ =	shalt  }
0x6d: {  	_ =	shalt  }
0x6e: {  	_ =	shalt  }
0x6f: {  	_ =	shalt  }
0x70: {  	_ =	shalt  }
0x71: {  	_ =	shalt  }
0x72: {  	_ =	shalt  }
0x73: {  	_ =	shalt  }
0x74: {  	_ =	shalt  }
0x75: {  	_ =	shalt  }
0x76: {  	_ =	shalt  }
0x77: {  	_ =	shalt  }
0x78: {  	_ =	shalt  }
0x79: {  	_ =	shalt  }
0x7a: {  	_ =	shalt  }
0x7b: {  	_ =	shalt  }
0x7c: {  	_ =	shalt  }
0x7d: {  	_ =	shalt  }
0x7e: {  	_ =	shalt  }
0x7f: {  	_ =	shalt  }
0x80: {  	_ =	shalt  }
0x81: {  	_ =	shalt  }
0x82: {  	_ =	shalt  }
0x83: {  	_ =	shalt  }
0x84: {  	_ =	shalt  }
0x85: {  	_ =	shalt  }
0x86: {  	_ =	shalt  }
0x87: {  	_ =	shalt  }
.Lfunc_end0:
.L_simem_size_0:
called_computation.2_lowered:
.L_overlay_start_0:
0x88: {  	s2 =	sld [smem:$0x3FD9]  }
0x89: {  	s3 =	sld [smem:$0x3FFE];
	_ =	sdelay $0x1  }
0x8a: {  	s1 =	srdreg.scid  }
0x8b: {  	s0 =	sand.u32 $0x1, s1  }
0x8c: {  	s16 =	sshll.u32 s0, $0xA;
	s2 =	sadd.s32 s3, s2  }
0x8d: {  	s2 =	sadd.s32 s2, s16  }
0x8e: {  	[smem:$0x3FC0] =	sst s2  }
0x8f: {  	_ = 	snop  }
0x90: {  	(tm) =	ssettm $0x1  }
0x91: {  	s17 =	sld [smem:$0x3FFB];
	_ =	sdelay $0x3  }
0x92: {  	_ =	strace s17  }
0x93: {  	s2 =	sld [smem:$0x3FFC];
	_ =	sdelay $0x3  }
0x94: {  	_ =	strace s2  }
0x95: {  	s2 =	sld [smem:$0x3FFD];
	_ =	sdelay $0x3  }
0x96: {  	_ =	strace s2  }
0x97: {  	_ =	strace $0x8FFFFFFF  }
0x98: {  	s18 =	sld [smem:$0x3FDB];
	_ =	sdelay $0x1  }
0x99: {  	s19 =	simm.s32 $_scs_section_size  }
0x9a: {  	s4 =	simm.s32 $_size__tile_overlayer_lowered;
	s5 =	simm.s32 $_tile_overlayer_lowered  }
0x9b: {  	s22 =	simm.s32 $0x1BFF;
	s21 =	sshll.u32 s5, $0x1;
	s2 =	sadd.s32 s19, s18  }
0x9c: {  	s6 =	simm.s32 $0x0;
	s20 =	sshll.u32 s4, $0x1;
	s4 =	sadd.s32 s21, s2  }
0x9d: {  	[timem:s6], [sflag:s22] =	dma.local [hbm:s4], s20  }
0x9e: {  	_ =	swait.ge [sflag:s22], s20  }
0x9f: {  	s3 =	ssub.s32 $0x0, s20;
	[sflag:s22] =	ssyncset.done $0x0  }
0xa0: {  	[sflag:s22] =	ssyncadd.s32 s3;
	_ =	sdelay $0x1  }
0xa1: {  	s23 =	simm.s32 $0x1B8B  }
0xa2: {  	_ =	swait.ge [sflag:s23], $0x1  }
0xa3: {  	[sflag:s23] =	ssyncset.done $0x0  }
0xa4: {  	s25 =	simm.s32 $0x1B8E;
	s24 =	sld [smem:$0x3FFE];
	[sflag:s23] =	ssyncadd.s32 $0xFFFFFFFF  }
0xa5: {  	s26 =	simm.s32 $execute0_lowered;
	[smem:$0x3FD2] =	sst s25  }
0xa6: {  	s4 =	sshll.u32 s26, $0x1;
	_ =	strace $0x8000004C;
	[dreg:$0x1] =	wrdreg $0xFFFFFFFF  }
0xa7: {  	s28 =	simm.s32 $_size_execute0_lowered;
	s2 =	sadd.s32 s2, s4;
	[dreg:$0x0] =	wrdreg $0x0  }
0xa8: {  	s4 =	sshll.u32 s28, $0x1;
	[dreg:$0x2] =	wrdreg s2  }
0xa9: {  	[dreg:$0x3] =	wrdreg s4  }
0xaa: {  	[dreg:$0x4] =	wrdreg $0xC0  }
0xab: {  	_ =	task [dreg:s6], $0x5FFFF  }
0xac: {  	[dreg:$0x1] =	wrdreg $0xFFFFFFFF  }
0xad: {  	[dreg:$0x0] =	wrdreg $0x60  }
0xae: {  	[dreg:$0x2] =	wrdreg s24  }
0xaf: {  	[dreg:$0x3] =	wrdreg $0xB6000  }
0xb0: {  	[dreg:$0x4] =	wrdreg $0x9  }
0xb1: {  	_ =	task.clear_ibuf [dreg:s6], $0x5FFFF;
	_ =	strace $0x9000004C  }
0xb2: {  	s29 =	simm.s32 $0x9;
	_ =	strace $0x8000004E  }
0xb3: {  	_ =	swait.ge [sflag:s29], $0x1  }
0xb4: {  	[sflag:s29] =	ssyncadd.s32 $0xFFFFFFFF  }
0xb5: {  	_ =	strace $0x9000004E  }
0xb6: {  	_ =	sfence  }
0xb7: {  	s30 =	sld [smem:$0x0];
	_ =	sdelay $0x2  }
0xb8: {  	s31 =	sshll.u32 s1, $0xD;
	s1 =	sshrl.u32 s1, $0x2  }
0xb9: {  	s3 =	sand.u32 $0x4000, s31;
	s1 =	sadd.s32 s1, s30  }
0xba: {  	s0 =	sor.u32 s3, s0;
	s1 =	sshll.u32 s1, $0x11  }
0xbb: {  	s0 =	sor.u32 s1, s0  }
0xbc: {  	s0 =	sadd.s32 $0x8F2B, s0  }
0xbd: {  	[sflag:s0] =	ssyncadd.remote.s32 $0x1  }
0xbe: {  	_ =	sfence.sel $0xFFFF  }
0xbf: {  	[dreg:$0x0] =	wrdreg $0xFFFFFFFF;
	(pc) =	sbr.abs _section_cstart, $3  }
0xc0: {  	[dreg:$0x1] =	wrdreg $0xFFFFFFFF  }
0xc1: {  	_ =	task.clear_ibuf [dreg:s6], $0x2FFFF;
	_ =	strace $0x9FFFFFFF  }
0xc2: {  	(tm) =	ssettm $0x7FFFFFFF  }
0xc3: {  	_ =	shalt  }
tec
execute0_lowered:
.L_overlay_start_1:
0x0: {  	(tag) =	ssettag $0x1  }
0x1: {  	s0 =	rddreg [dreg:$0x0]  }
0x2: {  	s1 =	rddreg [dreg:$0x1]  }
0x3: {  	s2 =	srdreg.scid;
	s10 =	stileid.u32  }
0x4: {  	s3 =	simm.s32 $0x0;
	s2 =	sand.u32 $0x1, s2;
	s6 =	smul.u32 $0x14000, s10  }
0x5: {  	[smem:$0x7FF] =	sst s3;
	s4 =	sshll.u32 s10, $0x1;
	s23 =	smul.u32 $0x50000, s10  }
0x6: {  	s8 =	sadd.s32 $0x18600, s0;
	s12 =	smul.u32 $0xFA00, s10;
	s10 =	simm.s32 $0x3  }
0x7: {  	s5 =	smul.u32 $0x140000, s2;
	_ =	strace $0x8000004D;
	s7 =	sor.u32 s2, s4  }
0x8: {  	s4 =	sadd.s32 $0x37A00, s0;
	s22 =	smul.u32 $0x7D00, s7;
	s7 =	sshrl.u32 s23, $0x2  }
0x9: {  	s9 =	ssub.s32 $0x2, s2;
	s2 =	smul.u32 $0x7D00, s2;
	s7 =	sadd.s32 s7, s1  }
0xa: {  	s25 =	sshrl.u32 s9, $0x1;
	s5 =	sadd.s32 s6, s5;
	s11 =	sadd.s32 $0x1000, s7  }
0xb: {  	s6 =	ssub.s32 s9, s25;
	s13 =	sadd.s32 $0x2000, s7;
	[dreg:$0x6] =	wrdreg s11  }
0xc: {  	s2 =	sadd.s32 s2, s12;
	s14 =	sadd.s32 $0x3000, s7;
	[dreg:$0x7] =	wrdreg s13  }
0xd: {  	s9 =	simm.s32 $0x2;
	s15 =	sadd.s32 $0x4000, s7;
	[dreg:$0x8] =	wrdreg s14  }
0xe: {  	s12 =	simm.s32 $0x0;
	s16 =	sadd.s32 $0x5000, s7;
	[dreg:$0x9] =	wrdreg s15  }
0xf: {  	s5 =	sshrl.u32 s5, $0x3;
	s17 =	sadd.s32 $0x6000, s7;
	[dreg:$0xa] =	wrdreg s16  }
0x10: {  	s24 =	sshrl.u32 s22, $0x3;
	s18 =	sadd.s32 $0x7000, s7;
	[dreg:$0xb] =	wrdreg s17  }
0x11: {  	s19 =	sadd.s32 $0x8000, s7;
	s20 =	sadd.s32 $0x9000, s7;
	[dreg:$0xc] =	wrdreg s18  }
0x12: {  	s21 =	sadd.s32 $0xA000, s7;
	s2 =	sadd.s32 $0x300, s2;
	[dreg:$0xd] =	wrdreg s19  }
0x13: {  	s22 =	sadd.s32 $0xB000, s7;
	s23 =	sadd.s32 $0xC000, s7;
	[dreg:$0xe] =	wrdreg s20  }
0x14: {  	s25 =	sadd.s32 $0xE000, s7;
	s28 =	sadd.s32 $0x10000, s7;
	[dreg:$0xf] =	wrdreg s21  }
0x15: {  	s29 =	sadd.s32 $0x11000, s7;
	s30 =	sadd.s32 $0x12000, s7;
	[dreg:$0x10] =	wrdreg s22  }
0x16: {  	s31 =	sadd.s32 $0x13000, s7;
	s0 =	sadd.s32 s5, s0;
	[dreg:$0x11] =	wrdreg s23  }
0x17: {  	s5 =	sadd.s32 s8, s24;
	s2 =	sshrl.u32 s2, $0x3;
	[dreg:$0x13] =	wrdreg s25  }
0x18: {  	s24 =	sadd.s32 $0xD000, s7;
	s11 =	simm.s32 $0x4;
	[dreg:$0x3] =	wrdreg s5  }
0x19: {  	s26 =	sadd.s32 $0x20, s5;
	s5 =	sadd.s32 $0x40, s5;
	[dreg:$0x12] =	wrdreg s24  }
0x1a: {  	s15 =	sadd.s32 s2, s8;
	s0 =	sadd.s32 $0x5EC00, s0;
	[dreg:$0x4] =	wrdreg s26  }
0x1b: {  	s2 =	simm.s32 $0xA600;
	s8 =	simm.s32 $0x50;
	[dreg:$0x5] =	wrdreg s5  }
0x1c: {  	[dreg:$0x14] =	wrdreg s0;
	s26 =	smax.u32 s6, $0x1;
	s0 =	simm.s32 $0x100  }
0x1d: {  	v0 =	vimm.f32 $0.0e+00;
	s6 =	simm.s32 $0x1;
	[dreg:$0x15] =	wrdreg s26;
	s26 =	sadd.s32 $0xF000, s7  }
.LBB2_1:
0x1e: {  	s5 =	rddreg [dreg:$0x3]  }
0x1f: {  	s23 =	rddreg [dreg:$0x4]  }
0x20: {  	[tilespmem:s3], [sflag:$0x1] =	stream.linear.gather [hbm4b:s5+s3], $0x100, $0x38;
	[tilespmem:$0x1F600] =	vst v63  }
0x21: {  	s24 =	rddreg [dreg:$0x5];
	s25 =	sand.u32 $0x3E00, s3  }
0x22: {  	[tilespmem:s0], [sflag:$0x1] =	stream.linear.gather [hbm4b:s23+s3], $0x100, $0x38;
	[tilespmem:$0x1F600] =	vst v63  }
0x23: {  	s13 =	simm.s32 $0x200;
	s14 =	sand.u32 $0x70, s3;
	s16 =	sshrl.u32 s25, $0x2  }
0x24: {  	[tilespmem:s13], [sflag:$0x1] =	stream.linear.gather [hbm4b:s24+s3], $0x100, $0x38;
	[tilespmem:$0x1F600] =	vst v63  }
0x25: {  	s16 =	sor.u32 s14, s16;
	s14 =	simm.s32 $0x0;
	s13 =	simm.s32 $0x40  }
.LBB2_2:
0x26: {  	p0 =	sne.s32 s13, $0x3FC0  }
0x27: {  	[tilespmem:s16+$0xA600] =	vst v0;
	s14 =	sadd.s32 $0x10, s14;
	s16 =	smov.u32 s13;
	s13 =	sadd.s32 $0x40, s13  }
.Ltmp0:
0x28: {  	(pc) =	sbr.rel @p0 .LBB2_2-.Ltmp0, $4  }
0x29: {  	_ = 	snop  }
0x2a: {  	s16 =	sand.u32 $0x3E00, s16  }
0x2b: {  	s17 =	sand.u32 $0x70, s14;
	s16 =	sshrl.u32 s16, $0x2  }
0x2c: {  	s16 =	sor.u32 s17, s16  }
0x2d: {  	[tilespmem:s16+$0xA600] =	vst v0  }
0x2e: {  	[spmem:s7] =	stream.linear.scatter [tilespmem:s2], [sflag:$0x3], $0x1000, $0x38;
	[tilespmem:$0x1F600] =	vst v63  }
0x2f: {  	s5 =	rddreg [dreg:$0x6]  }
0x30: {  	[spmem:s5] =	stream.linear.scatter [tilespmem:s2], [sflag:$0x3], $0x1000, $0x38;
	[tilespmem:$0x1F600] =	vst v63  }
0x31: {  	s21 =	rddreg [dreg:$0x7]  }
0x32: {  	[spmem:s21] =	stream.linear.scatter [tilespmem:s2], [sflag:$0x3], $0x1000, $0x38;
	[tilespmem:$0x1F600] =	vst v63  }
0x33: {  	s22 =	rddreg [dreg:$0x8]  }
0x34: {  	[spmem:s22] =	stream.linear.scatter [tilespmem:s2], [sflag:$0x3], $0x1000, $0x38;
	[tilespmem:$0x1F600] =	vst v63  }
0x35: {  	s23 =	rddreg [dreg:$0x9]  }
0x36: {  	[spmem:s23] =	stream.linear.scatter [tilespmem:s2], [sflag:$0x3], $0x1000, $0x38;
	[tilespmem:$0x1F600] =	vst v63  }
0x37: {  	s24 =	rddreg [dreg:$0xa]  }
0x38: {  	[spmem:s24] =	stream.linear.scatter [tilespmem:s2], [sflag:$0x3], $0x1000, $0x38;
	[tilespmem:$0x1F600] =	vst v63  }
0x39: {  	s25 =	rddreg [dreg:$0xb]  }
0x3a: {  	[spmem:s25] =	stream.linear.scatter [tilespmem:s2], [sflag:$0x3], $0x1000, $0x38;
	[tilespmem:$0x1F600] =	vst v63  }
0x3b: {  	s13 =	rddreg [dreg:$0xc]  }
0x3c: {  	[spmem:s13] =	stream.linear.scatter [tilespmem:s2], [sflag:$0x3], $0x1000, $0x38;
	[tilespmem:$0x1F600] =	vst v63  }
0x3d: {  	s14 =	rddreg [dreg:$0xd]  }
0x3e: {  	[spmem:s14] =	stream.linear.scatter [tilespmem:s2], [sflag:$0x3], $0x1000, $0x38;
	[tilespmem:$0x1F600] =	vst v63  }
0x3f: {  	s16 =	rddreg [dreg:$0xe]  }
0x40: {  	[spmem:s16] =	stream.linear.scatter [tilespmem:s2], [sflag:$0x3], $0x1000, $0x38;
	[tilespmem:$0x1F600] =	vst v63  }
0x41: {  	s17 =	rddreg [dreg:$0xf]  }
0x42: {  	[spmem:s17] =	stream.linear.scatter [tilespmem:s2], [sflag:$0x3], $0x1000, $0x38;
	[tilespmem:$0x1F600] =	vst v63  }
0x43: {  	s18 =	rddreg [dreg:$0x10]  }
0x44: {  	[spmem:s18] =	stream.linear.scatter [tilespmem:s2], [sflag:$0x3], $0x1000, $0x38;
	[tilespmem:$0x1F600] =	vst v63  }
0x45: {  	s19 =	rddreg [dreg:$0x11]  }
0x46: {  	[spmem:s19] =	stream.linear.scatter [tilespmem:s2], [sflag:$0x3], $0x1000, $0x38;
	[tilespmem:$0x1F600] =	vst v63  }
0x47: {  	s20 =	rddreg [dreg:$0x12]  }
0x48: {  	[spmem:s20] =	stream.linear.scatter [tilespmem:s2], [sflag:$0x3], $0x1000, $0x38;
	[tilespmem:$0x1F600] =	vst v63  }
0x49: {  	s21 =	rddreg [dreg:$0x13]  }
0x4a: {  	[spmem:s21] =	stream.linear.scatter [tilespmem:s2], [sflag:$0x3], $0x1000, $0x38;
	[tilespmem:$0x1F600] =	vst v63  }
0x4b: {  	_ = 	snop  }
0x4c: {  	[spmem:s26] =	stream.linear.scatter [tilespmem:s2], [sflag:$0x3], $0x1000, $0x38;
	[tilespmem:$0x1F600] =	vst v63  }
0x4d: {  	_ = 	snop  }
0x4e: {  	[spmem:s28] =	stream.linear.scatter [tilespmem:s2], [sflag:$0x3], $0x1000, $0x38;
	[tilespmem:$0x1F600] =	vst v63  }
0x4f: {  	_ = 	snop  }
0x50: {  	[spmem:s29] =	stream.linear.scatter [tilespmem:s2], [sflag:$0x3], $0x1000, $0x38;
	[tilespmem:$0x1F600] =	vst v63  }
0x51: {  	_ = 	snop  }
0x52: {  	[spmem:s30] =	stream.linear.scatter [tilespmem:s2], [sflag:$0x3], $0x1000, $0x38;
	[tilespmem:$0x1F600] =	vst v63  }
0x53: {  	s13 =	simm.s32 $0x3  }
0x54: {  	[spmem:s31] =	stream.linear.scatter [tilespmem:s2], [sflag:$0x3], $0x1000, $0x38;
	[tilespmem:$0x1F600] =	vst v63  }
0x55: {  	_ =	swait.ge [sflag:s13], $0x1000  }
0x56: {  	[sflag:s13] =	ssyncset.done $0x0  }
0x57: {  	[sflag:s13] =	ssyncadd.s32 $0xFFFFF000  }
0x58: {  	_ =	swait.ge [sflag:s13], $0x1000  }
0x59: {  	[sflag:s13] =	ssyncset.done $0x0  }
0x5a: {  	[sflag:s13] =	ssyncadd.s32 $0xFFFFF000  }
0x5b: {  	_ =	swait.ge [sflag:s13], $0x1000  }
0x5c: {  	[sflag:s13] =	ssyncset.done $0x0  }
0x5d: {  	[sflag:s13] =	ssyncadd.s32 $0xFFFFF000  }
0x5e: {  	_ =	swait.ge [sflag:s13], $0x1000  }
0x5f: {  	[sflag:s13] =	ssyncset.done $0x0  }
0x60: {  	[sflag:s13] =	ssyncadd.s32 $0xFFFFF000  }
0x61: {  	_ =	swait.ge [sflag:s13], $0x1000  }
0x62: {  	[sflag:s13] =	ssyncset.done $0x0  }
0x63: {  	[sflag:s13] =	ssyncadd.s32 $0xFFFFF000  }
0x64: {  	_ =	swait.ge [sflag:s13], $0x1000  }
0x65: {  	[sflag:s13] =	ssyncset.done $0x0  }
0x66: {  	[sflag:s13] =	ssyncadd.s32 $0xFFFFF000  }
0x67: {  	_ =	swait.ge [sflag:s13], $0x1000  }
0x68: {  	[sflag:s13] =	ssyncset.done $0x0  }
0x69: {  	[sflag:s13] =	ssyncadd.s32 $0xFFFFF000  }
0x6a: {  	_ =	swait.ge [sflag:s13], $0x1000  }
0x6b: {  	[sflag:s13] =	ssyncset.done $0x0  }
0x6c: {  	[sflag:s13] =	ssyncadd.s32 $0xFFFFF000  }
0x6d: {  	_ =	swait.ge [sflag:s13], $0x1000  }
0x6e: {  	[sflag:s13] =	ssyncset.done $0x0  }
0x6f: {  	[sflag:s13] =	ssyncadd.s32 $0xFFFFF000  }
0x70: {  	_ =	swait.ge [sflag:s13], $0x1000  }
0x71: {  	[sflag:s13] =	ssyncset.done $0x0  }
0x72: {  	[sflag:s13] =	ssyncadd.s32 $0xFFFFF000  }
0x73: {  	_ =	swait.ge [sflag:s13], $0x1000  }
0x74: {  	[sflag:s13] =	ssyncset.done $0x0  }
0x75: {  	[sflag:s13] =	ssyncadd.s32 $0xFFFFF000  }
0x76: {  	_ =	swait.ge [sflag:s13], $0x1000  }
0x77: {  	[sflag:s13] =	ssyncset.done $0x0  }
0x78: {  	[sflag:s13] =	ssyncadd.s32 $0xFFFFF000  }
0x79: {  	_ =	swait.ge [sflag:s13], $0x1000  }
0x7a: {  	[sflag:s13] =	ssyncset.done $0x0  }
0x7b: {  	[sflag:s13] =	ssyncadd.s32 $0xFFFFF000  }
0x7c: {  	_ =	swait.ge [sflag:s13], $0x1000  }
0x7d: {  	[sflag:s13] =	ssyncset.done $0x0  }
0x7e: {  	[sflag:s13] =	ssyncadd.s32 $0xFFFFF000  }
0x7f: {  	_ =	swait.ge [sflag:s13], $0x1000  }
0x80: {  	[sflag:s13] =	ssyncset.done $0x0  }
0x81: {  	[sflag:s13] =	ssyncadd.s32 $0xFFFFF000  }
0x82: {  	_ =	swait.ge [sflag:s13], $0x1000  }
0x83: {  	[sflag:s13] =	ssyncset.done $0x0  }
0x84: {  	[sflag:s13] =	ssyncadd.s32 $0xFFFFF000  }
0x85: {  	_ =	swait.ge [sflag:s13], $0x1000  }
0x86: {  	[sflag:s13] =	ssyncset.done $0x0  }
0x87: {  	[sflag:s13] =	ssyncadd.s32 $0xFFFFF000  }
0x88: {  	_ =	swait.ge [sflag:s13], $0x1000  }
0x89: {  	[sflag:s13] =	ssyncset.done $0x0  }
0x8a: {  	[sflag:s13] =	ssyncadd.s32 $0xFFFFF000  }
0x8b: {  	p1 =	por $0x0, $0x0;
	_ =	swait.ge [sflag:s13], $0x1000  }
0x8c: {  	p0 =	por @!p1 $0x0, $0x0;
	[sflag:s13] =	ssyncset.done $0x0  }
0x8d: {  	p2 =	por @!p1 $0x1, $0x1;
	p0 =	por p0, p1;
	[sflag:s13] =	ssyncadd.s32 $0xFFFFF000  }
0x8e: {  	p2 =	por p2, p1;
	s14 =	simm.s32 $0x0;
	_ =	swait.ge [sflag:s13], $0x1000  }
0x8f: {  	s22 =	simm.s32 $0x600;
	s23 =	smul.u32 $0xAB, s14;
	[sflag:s13] =	ssyncset.done $0x0  }
0x90: {  	s24 =	simm.s32 $0x2E00;
	s14 =	sand.u32 $0x3, s14;
	[sflag:s13] =	ssyncadd.s32 $0xFFFFF000  }
0x91: {  	s16 =	sshrl.u32 s23, $0xA;
	s17 =	smul.u32 $0xA000, s14;
	[bflag:$0x0] =	sbarrier.arrive $0xFFFF  }
0x92: {  	s25 =	sand.u32 $0x3F, s16;
	s16 =	simm.s32 $0x2;
	_ =	swait.ge [sflag:s6], $0x100  }
0x93: {  	s14 =	simm.s32 $0x4;
	s17 =	sshrl.u32 s17, $0x2;
	[sflag:s6] =	ssyncset.done $0x0  }
0x94: {  	s18 =	smul.u32 $0x6, s25;
	s17 =	sor.u32 $0x600, s17;
	[sflag:s6] =	ssyncadd.s32 $0xFFFFFF00  }
0x95: {  	[tilespmem:s22], [sflag:$0x2] =	stream.indirect.gather [hbm4b:s4+s8], $0x80, s3, s8, $0xb8;
	[tilespmem:$0x1F600] =	vst v63  }
0x96: {  	s19 =	smul.u32 @!p1 $0xAB, s16;
	s16 =	sand.u32 @!p1 $0x3, s16;
	_ =	swait.ge [sflag:s6], $0x100  }
0x97: {  	s18 =	ssub.s32 $0x0, s18;
	s16 =	smul.u32 @!p1 $0xA000, s16;
	[sflag:s6] =	ssyncset.done $0x0  }
0x98: {  	s18 =	sand.u32 $0xFF, s18;
	s19 =	sshrl.u32 @!p1 s19, $0xA;
	[sflag:s6] =	ssyncadd.s32 $0xFFFFFF00  }
0x99: {  	[tilespmem:s24], [sflag:$0x2] =	stream.indirect.gather [hbm4b:s4+s8], $0x80, s0, s8, $0xb8;
	[tilespmem:$0x1F600] =	vst v63  }
0x9a: {  	s18 =	sshll.u32 s18, $0x8;
	s22 =	smul.u32 @!p0 $0xAB, s13;
	_ =	swait.ge [sflag:s9], $0x2800  }
0x9b: {  	s19 =	sand.u32 @!p1 $0x3F, s19;
	s18 =	sor.u32 $0x80, s18;
	[sflag:s9] =	ssyncset.done $0x0  }
0x9c: {  	s19 =	smul.u32 @!p1 $0x6, s19;
	s22 =	sshrl.u32 @!p0 s22, $0xA;
	[sflag:s9] =	ssyncadd.s32 $0xFFFFD800  }
0x9d: {  	[spmem:s1] =	stream.indirect.scatter.add.f32 [tilespmem:s17], [sflag:$0x3], $0x80, s18, s8, $0xb8;
	[tilespmem:$0x1F600] =	vst v63  }
0x9e: {  	s22 =	sand.u32 @!p0 $0x3F, s22;
	s18 =	simm.s32 @!p1 $0x1;
	s17 =	ssub.s32 @!p1 $0x2, s19  }
0x9f: {  	s19 =	smul.u32 @!p0 $0x6, s22;
	s22 =	smov.u32 s15;
	_ =	swait.ge @!p1 [sflag:s18], $0x100  }
.LBB2_4:
0xa0: {  	s16 =	sshrl.u32 @!p1 s16, $0x2;
	s5 =	smov.u32 s14;
	s14 =	sadd.s32 $0x1, s14  }
0xa1: {  	s20 =	smov.u32 s22;
	s22 =	sadd.s32 $0x20, s22;
	p4 =	por p1, p1  }
0xa2: {  	s21 =	sadd.s32 $0xFFFFFFFD, s5;
	p3 =	sne.s32 s14, $0x80;
	s16 =	sor.u32 @!p4 $0x600, s16  }
0xa3: {  	s13 =	ssub.s32 @!p0 s13, s19  }
0xa4: {  	s25 =	simm.s32 @!p4 $0x50;
	s23 =	sand.u32 $0x3, s21;
	s24 =	smul.u32 $0xAB, s21  }
0xa5: {  	s13 =	sand.u32 @!p0 $0xFF, s13;
	s19 =	smul.u32 $0xA000, s23;
	[sflag:s18] =	ssyncset.done @!p4 $0x0  }
0xa6: {  	s23 =	sshll.u32 @!p0 s13, $0x8;
	[sflag:s18] =	ssyncadd.s32 @!p4 $0xFFFFFF00;
	s18 =	simm.s32 @!p2 $0x3  }
0xa7: {  	s17 =	sand.u32 @!p4 $0xFF, s17;
	s13 =	smov.u32 s5;
	_ =	swait.ge @!p2 [sflag:s18], $0x2800  }
0xa8: {  	p1 =	sgt.u32 s21, $0x7A;
	s5 =	sshrl.u32 s24, $0xA;
	[sflag:s18] =	ssyncset.done @!p2 $0x0  }
0xa9: {  	s24 =	sadd.s32 $0xFFFFFFFF, s13;
	s5 =	sand.u32 $0x3F, s5;
	[sflag:s18] =	ssyncadd.s32 @!p2 $0xFFFFD800  }
0xaa: {  	s17 =	sshll.u32 @!p4 s17, $0x8;
	s19 =	sshrl.u32 s19, $0x2;
	s5 =	smul.u32 $0x6, s5  }
0xab: {  	[tilespmem:s16], [sflag:$0x2] =	stream.indirect.gather @!p4 [hbm4b:s4+s25], $0x80, s17, s25, $0xb8;
	[tilespmem:$0x1F600] =	vst v63  }
0xac: {  	p2 =	slt.u32 @!p1 s21, $0x2;
	s17 =	smul.u32 @!p1 $0xAB, s24;
	s16 =	sand.u32 @!p1 $0x3, s24  }
0xad: {  	s5 =	ssub.s32 s21, s5;
	s18 =	simm.s32 @!p0 $0x0;
	s16 =	smul.u32 @!p1 $0xA000, s16  }
0xae: {  	[tilespmem:s23], [sflag:$0x1] =	stream.linear.gather @!p0 [hbm4b:s20+s18], $0x100, $0x38;
	[tilespmem:$0x1F600] =	vst v63  }
0xaf: {  	s5 =	sand.u32 $0xFF, s5;
	p2 =	por p2, p1;
	p0 =	seq.s32 @!p1 s13, $0x7D  }
0xb0: {  	s17 =	sshrl.u32 @!p1 s17, $0xA;
	p0 =	por p0, p1;
	_ =	swait.ge [sflag:s9], $0x2800  }
0xb1: {  	s5 =	sshll.u32 s5, $0x8;
	s20 =	smul.u32 @!p0 $0xAB, s13;
	[sflag:s9] =	ssyncset.done $0x0  }
.Ltmp1:
0xb2: {  	s17 =	sand.u32 @!p1 $0x3F, s17;
	[sflag:s9] =	ssyncadd.s32 $0xFFFFD800;
	(pc) =	sbr.rel @p3 .LBB2_4-.Ltmp1, $4  }
0xb3: {  	s18 =	simm.s32 @!p1 $0x1;
	s17 =	smul.u32 @!p1 $0x6, s17;
	s20 =	sshrl.u32 @!p0 s20, $0xA  }
0xb4: {  	s19 =	sor.u32 $0x600, s19;
	s5 =	sor.u32 $0x80, s5;
	s20 =	sand.u32 @!p0 $0x3F, s20  }
0xb5: {  	[spmem:s1] =	stream.indirect.scatter.add.f32 [tilespmem:s19], [sflag:$0x3], $0x80, s5, s8, $0xb8;
	[tilespmem:$0x1F600] =	vst v63  }
0xb6: {  	s17 =	ssub.s32 @!p1 s24, s17;
	s19 =	smul.u32 @!p0 $0x6, s20;
	_ =	swait.ge @!p1 [sflag:s18], $0x100  }
0xb7: {  	p3 =	por p1, p1  }
0xb8: {  	[sflag:s18] =	ssyncset.done @!p3 $0x0  }
0xb9: {  	s5 =	sshrl.u32 @!p1 s16, $0x2;
	s14 =	simm.s32 @!p2 $0x3;
	[sflag:s18] =	ssyncadd.s32 @!p3 $0xFFFFFF00  }
0xba: {  	s5 =	sor.u32 @!p3 $0x600, s5;
	s13 =	ssub.s32 @!p0 s13, s19;
	_ =	swait.ge @!p2 [sflag:s14], $0x2800  }
0xbb: {  	s16 =	sand.u32 @!p3 $0xFF, s17;
	s17 =	simm.s32 @!p3 $0x50;
	[sflag:s14] =	ssyncset.done @!p2 $0x0  }
0xbc: {  	s13 =	sand.u32 @!p0 $0xFF, s13;
	[sflag:s14] =	ssyncadd.s32 @!p2 $0xFFFFD800;
	s14 =	sshll.u32 @!p3 s16, $0x8  }
0xbd: {  	[tilespmem:s5], [sflag:$0x2] =	stream.indirect.gather @!p3 [hbm4b:s4+s17], $0x80, s14, s17, $0xb8;
	[tilespmem:$0x1F600] =	vst v63  }
0xbe: {  	s5 =	sshll.u32 @!p0 s13, $0x8;
	s13 =	simm.s32 @!p0 $0x0  }
0xbf: {  	[tilespmem:s5], [sflag:$0x1] =	stream.linear.gather @!p0 [hbm4b:s22+s13], $0x100, $0x38;
	[tilespmem:$0x1F600] =	vst v63  }
0xc0: {  	_ =	swait.ge [sflag:s10], $0x2800  }
0xc1: {  	[sflag:s10] =	ssyncset.done $0x0  }
0xc2: {  	[sflag:s10] =	ssyncadd.s32 $0xFFFFD800  }
0xc3: {  	_ =	swait.ge [sflag:s10], $0x2800  }
0xc4: {  	[sflag:s10] =	ssyncset.done $0x0  }
0xc5: {  	[sflag:s10] =	ssyncadd.s32 $0xFFFFD800  }
0xc6: {  	_ =	swait.ge [sflag:s10], $0x2800  }
0xc7: {  	[sflag:s10] =	ssyncset.done $0x0  }
0xc8: {  	[sflag:s10] =	ssyncadd.s32 $0xFFFFD800  }
0xc9: {  	_ =	swait.ge [sflag:s10], $0x2800  }
0xca: {  	[sflag:s10] =	ssyncset.done $0x0  }
0xcb: {  	s22 =	stileid.u32;
	[sflag:s10] =	ssyncadd.s32 $0xFFFFD800  }
0xcc: {  	s5 =	sshll.u32 s22, $0x6;
	[bflag:$0x0] =	sbarrier.arrive $0xFFFF  }
0xcd: {  	s23 =	sshrl.u32 s7, $0x3;
	s5 =	sor.u32 $0x1C04, s5;
	s24 =	rddreg [dreg:$0x14]  }
0xce: {  	[hbm:s24], [sflag:s5] =	dma.local [spmem:s23], $0x2800  }
0xcf: {  	_ =	swait.ge [sflag:s11], $0x2800  }
0xd0: {  	s12 =	sadd.s32 $0x1, s12;
	s25 =	rddreg [dreg:$0x15]  }
0xd1: {  	p0 =	sne.s32 s12, s25  }
.Ltmp2:
0xd2: {  	_ = 	snop;
	(pc) =	sbr.rel @p0 .LBB2_1-.Ltmp2, $3  }
0xd3: {  	_ =	sdelay $0x1  }
0xd4: {  	[sflag:s11] =	ssyncset.done $0x0  }
0xd5: {  	[sflag:s11] =	ssyncadd.s32 $0xFFFFD800  }
0xd6: {  	_ =	sfence.sel $0x180000  }
0xd7: {  	[bflag:$0x0] =	sbarrier.arrive $0xFFFF  }
0xd8: {  	_ =	strace $0x9000004D  }
0xd9: {  	s0 =	stileid.u32;
	[bflag:$0x2] =	sbarrier.arrive $0xFFFF  }
0xda: {  	p0 =	sne.s32 s0, $0x0;
	s0 =	rddreg [dreg:$0x2]  }
0xdb: {  	s0 =	sadd.s32 @!p0 $0x100000, s0  }
0xdc: {  	[sflag:s0] =	ssyncadd.tile.s32 @!p0 $0x1;
	_ =	shalt  }
.Lfunc_end2:
_tile_overlayer_lowered:
.L_overlay_start_2:
0xdd: {  	(tag) =	ssettag $0x2  }
0xde: {  	s0 =	rddreg [dreg:$0x0];
	s2 =	stileid.u32  }
0xdf: {  	s1 =	rddreg [dreg:$0x1];
	p0 =	sne.s32 s2, $0x0  }
0xe0: {  	s3 =	rddreg [dreg:$0x2];
	[bflag:$0x3] =	sbarrier.arrive $0xFFFF;
	s2 =	simm.s32 @!p0 $0x1C04  }
0xe1: {  	[timem:s3], [sflag:s2] =	dma.local @!p0 [hbm:s0], s1  }
0xe2: {  	s0 =	simm.s32 @!p0 $0x4  }
0xe3: {  	_ =	swait.ge @!p0 [sflag:s0], s1  }
0xe4: {  	s1 =	ssub.s32 @!p0 $0x0, s1;
	[sflag:s0] =	ssyncset.done @!p0 $0x0  }
0xe5: {  	[sflag:s0] =	ssyncadd.s32 @!p0 s1  }
0xe6: {  	[bflag:$0x3] =	sbarrier.arrive $0xFFFF  }
0xe7: {  	_ =	shalt  }

// kernel: kernel.20.cloned.1.call-start
scs
__scs_entry_jumppad:
0x0: {  	(pc) =	sbr.rel $0x88, $3  }
0x1: {  	(tag) =	ssettag $0x0;
	lr =	simm.s32 $0x1  }
0x2: {  	[smem:$0x3F99] =	sst lr;
	_ =	strace $0xD0000000  }
0x3: {  	_ = 	snop  }
0x4: {  	_ = 	snop  }
0x5: {  	_ = 	snop  }
0x6: {  	_ = 	snop  }
0x7: {  	_ = 	snop  }
__scs_overlays_trampoline_lowered:
0x8: {  	[smem:$0x3FA8] =	sst s0  }
0x9: {  	[smem:$0x3FA9] =	sst s1  }
0xa: {  	[smem:$0x3FAA] =	sst s2  }
0xb: {  	[smem:$0x3FAB] =	sst s3  }
0xc: {  	[smem:$0x3FAC] =	sst s4  }
0xd: {  	[smem:$0x3FAD] =	sst s5  }
0xe: {  	[smem:$0x3FAE] =	sst s6  }
0xf: {  	[smem:$0x3FAF] =	sst s7  }
0x10: {  	[smem:$0x3FB0] =	sst s8  }
0x11: {  	[smem:$0x3FB1] =	sst s9;
	s0 =	simm.s32 @!p0 $0x0  }
0x12: {  	s1 =	sld [smem:$0x3F97];
	s0 =	simm.s32 @p0 $0x1  }
0x13: {  	[smem:$0x3FB2] =	sst s0;
	s0 =	simm.s32 @!p1 $0x0  }
0x14: {  	s2 =	sld [smem:$0x3F96];
	s0 =	simm.s32 @p1 $0x1  }
0x15: {  	[smem:$0x3FB3] =	sst s0;
	s0 =	simm.s32 @!p2 $0x0  }
0x16: {  	s3 =	sld [smem:$0x3FDB];
	s0 =	simm.s32 @p2 $0x1  }
0x17: {  	s4 =	simm.s32 $0x1BF5;
	[smem:$0x3FB5] =	sst s0  }
0x18: {  	s0 =	sld [smem:$0x3F98];
	_ =	swait.ge [sflag:s4], $0x0  }
0x19: {  	s7 =	sld [smem:$0x3F99]  }
0x1a: {  	s8 =	sadd.s32 $0xFFFFE003, lr  }
0x1b: {  	s9 =	sadd.s32 $0xFFFFFEF7, lr;
	s5 =	simm.s32 $0xFFFFFFFF;
	p2 =	slt.u32 s8, $0xFFFFF086  }
0x1c: {  	p1 =	slt.u32 s9, $0xF7A;
	s5 =	simm.s32 @!p2 $0x0  }
0x1d: {  	s5 =	simm.s32 @p1 $0x1;
	p0 =	seq.s32 s7, s2  }
0x1e: {  	s7 =	smul.u32 @!p0 $0xF7A, s2;
	p2 =	seq.s32 @!p0 s5, $0x0  }
0x1f: {  	s9 =	smul.u32 $0xF7A, s1;
	s8 =	simm.s32 @!p0 $0x1BF5;
	p2 =	por !p2, p0  }
0x20: {  	[sflag:s8] =	ssyncset.s32 @!p0 $0xFFFFF086;
	s6 =	sadd.s32 @!p0 s3, s7;
	s7 =	simm.s32 @!p0 $0x108  }
0x21: {  	s3 =	sadd.s32 s3, s9;
	s6 =	sadd.s32 @!p0 $0x88, s6;
	s7 =	simm.s32 @p2 $0x1082  }
0x22: {  	[simem:s7], [sflag:s8] =	dma.local @!p0 [hbm:s6], $0xF7A  }
0x23: {  	s9 =	sor.u32 $0xD0000000, s2;
	s6 =	simm.s32 $0x108;
	_ =	swait.ge @!p0 [sflag:s8], $0x0  }
0x24: {  	s3 =	sadd.s32 $0x88, s3;
	s6 =	simm.s32 @!p1 $0x1082;
	[sflag:s4] =	ssyncset.s32 $0xFFFFF086  }
0x25: {  	[simem:s6], [sflag:s4] =	dma.local [hbm:s3], $0xF7A  }
0x26: {  	[smem:$0x3F99] =	sst s1;
	(tag) =	ssettag s2;
	_ =	strace s9  }
0x27: {  	s1 =	sld [smem:$0x3FA9]  }
0x28: {  	s2 =	sld [smem:$0x3FAA]  }
0x29: {  	s4 =	sld [smem:$0x3FAC]  }
0x2a: {  	p0 =	seq.s32 s5, $0x0;
	s5 =	sld [smem:$0x3FAD]  }
0x2b: {  	s6 =	sld [smem:$0x3FAE]  }
0x2c: {  	s7 =	sld [smem:$0x3FAF]  }
0x2d: {  	s3 =	simm.s32 $0x108;
	s8 =	sld [smem:$0x3FB0]  }
0x2e: {  	s3 =	simm.s32 @!p0 $0x1082;
	s9 =	sld [smem:$0x3FB1]  }
0x2f: {  	lr =	sadd.s32 s0, s3;
	s0 =	sld [smem:$0x3FA8]  }
0x30: {  	s3 =	sld [smem:$0x3FAB]  }
0x31: {  	[smem:$0x3FB4] =	sst s10  }
0x32: {  	s10 =	sld [smem:$0x3FB2];
	_ =	sdelay $0x3  }
0x33: {  	p0 =	seq.s32 s10, $0x1;
	s10 =	sld [smem:$0x3FB4];
	_ =	sdelay $0x3  }
0x34: {  	[smem:$0x3FB4] =	sst s10  }
0x35: {  	s10 =	sld [smem:$0x3FB3];
	_ =	sdelay $0x3  }
0x36: {  	p1 =	seq.s32 s10, $0x1;
	s10 =	sld [smem:$0x3FB4];
	_ =	sdelay $0x3  }
0x37: {  	[smem:$0x3FB4] =	sst s10  }
0x38: {  	s10 =	sld [smem:$0x3FB5]  }
0x39: {  	_ = 	snop;
	(pc) =	sbr.ind lr, $3  }
0x3a: {  	_ = 	snop  }
0x3b: {  	_ = 	snop  }
0x3c: {  	p2 =	seq.s32 s10, $0x1;
	s10 =	sld [smem:$0x3FB4]  }
0x3d: {  	_ =	shalt  }
0x3e: {  	_ =	shalt  }
0x3f: {  	_ =	shalt  }
0x40: {  	_ =	shalt  }
0x41: {  	_ =	shalt  }
0x42: {  	_ =	shalt  }
0x43: {  	_ =	shalt  }
0x44: {  	_ =	shalt  }
0x45: {  	_ =	shalt  }
0x46: {  	_ =	shalt  }
0x47: {  	_ =	shalt  }
0x48: {  	_ =	shalt  }
0x49: {  	_ =	shalt  }
0x4a: {  	_ =	shalt  }
0x4b: {  	_ =	shalt  }
0x4c: {  	_ =	shalt  }
0x4d: {  	_ =	shalt  }
0x4e: {  	_ =	shalt  }
0x4f: {  	_ =	shalt  }
0x50: {  	_ =	shalt  }
0x51: {  	_ =	shalt  }
0x52: {  	_ =	shalt  }
0x53: {  	_ =	shalt  }
0x54: {  	_ =	shalt  }
0x55: {  	_ =	shalt  }
0x56: {  	_ =	shalt  }
0x57: {  	_ =	shalt  }
0x58: {  	_ =	shalt  }
0x59: {  	_ =	shalt  }
0x5a: {  	_ =	shalt  }
0x5b: {  	_ =	shalt  }
0x5c: {  	_ =	shalt  }
0x5d: {  	_ =	shalt  }
0x5e: {  	_ =	shalt  }
0x5f: {  	_ =	shalt  }
0x60: {  	_ =	shalt  }
0x61: {  	_ =	shalt  }
0x62: {  	_ =	shalt  }
0x63: {  	_ =	shalt  }
0x64: {  	_ =	shalt  }
0x65: {  	_ =	shalt  }
0x66: {  	_ =	shalt  }
0x67: {  	_ =	shalt  }
0x68: {  	_ =	shalt  }
0x69: {  	_ =	shalt  }
0x6a: {  	_ =	shalt  }
0x6b: {  	_ =	shalt  }
0x6c: {  	_ =	shalt  }
0x6d: {  	_ =	shalt  }
0x6e: {  	_ =	shalt  }
0x6f: {  	_ =	shalt  }
0x70: {  	_ =	shalt  }
0x71: {  	_ =	shalt  }
0x72: {  	_ =	shalt  }
0x73: {  	_ =	shalt  }
0x74: {  	_ =	shalt  }
0x75: {  	_ =	shalt  }
0x76: {  	_ =	shalt  }
0x77: {  	_ =	shalt  }
0x78: {  	_ =	shalt  }
0x79: {  	_ =	shalt  }
0x7a: {  	_ =	shalt  }
0x7b: {  	_ =	shalt  }
0x7c: {  	_ =	shalt  }
0x7d: {  	_ =	shalt  }
0x7e: {  	_ =	shalt  }
0x7f: {  	_ =	shalt  }
0x80: {  	_ =	shalt  }
0x81: {  	_ =	shalt  }
0x82: {  	_ =	shalt  }
0x83: {  	_ =	shalt  }
0x84: {  	_ =	shalt  }
0x85: {  	_ =	shalt  }
0x86: {  	_ =	shalt  }
0x87: {  	_ =	shalt  }
.Lfunc_end0:
.L_simem_size_0:
called_computation.3_lowered:
.L_overlay_start_0:
0x88: {  	s2 =	sld [smem:$0x3FD9]  }
0x89: {  	s3 =	sld [smem:$0x3FFE];
	_ =	sdelay $0x1  }
0x8a: {  	s1 =	srdreg.scid  }
0x8b: {  	s0 =	sand.u32 $0x1, s1  }
0x8c: {  	s16 =	sshll.u32 s0, $0xA;
	s2 =	sadd.s32 s3, s2  }
0x8d: {  	s2 =	sadd.s32 s2, s16  }
0x8e: {  	[smem:$0x3FC0] =	sst s2  }
0x8f: {  	_ = 	snop  }
0x90: {  	(tm) =	ssettm $0x1  }
0x91: {  	s17 =	sld [smem:$0x3FFB];
	_ =	sdelay $0x3  }
0x92: {  	_ =	strace s17  }
0x93: {  	s2 =	sld [smem:$0x3FFC];
	_ =	sdelay $0x3  }
0x94: {  	_ =	strace s2  }
0x95: {  	s2 =	sld [smem:$0x3FFD];
	_ =	sdelay $0x3  }
0x96: {  	_ =	strace s2  }
0x97: {  	_ =	strace $0x8FFFFFFF  }
0x98: {  	s18 =	sld [smem:$0x3FDB];
	_ =	sdelay $0x1  }
0x99: {  	s19 =	simm.s32 $_scs_section_size  }
0x9a: {  	s4 =	simm.s32 $_size__tile_overlayer_lowered;
	s5 =	simm.s32 $_tile_overlayer_lowered  }
0x9b: {  	s22 =	simm.s32 $0x1BFF;
	s21 =	sshll.u32 s5, $0x1;
	s2 =	sadd.s32 s19, s18  }
0x9c: {  	s6 =	simm.s32 $0x0;
	s20 =	sshll.u32 s4, $0x1;
	s4 =	sadd.s32 s21, s2  }
0x9d: {  	[timem:s6], [sflag:s22] =	dma.local [hbm:s4], s20  }
0x9e: {  	_ =	swait.ge [sflag:s22], s20  }
0x9f: {  	s3 =	ssub.s32 $0x0, s20;
	[sflag:s22] =	ssyncset.done $0x0  }
0xa0: {  	[sflag:s22] =	ssyncadd.s32 s3;
	_ =	sdelay $0x1  }
0xa1: {  	s23 =	simm.s32 $0x1B8B  }
0xa2: {  	_ =	swait.ge [sflag:s23], $0x1  }
0xa3: {  	[sflag:s23] =	ssyncset.done $0x0  }
0xa4: {  	s25 =	simm.s32 $0x1B8E;
	s24 =	sld [smem:$0x3FFE];
	[sflag:s23] =	ssyncadd.s32 $0xFFFFFFFF  }
0xa5: {  	s26 =	simm.s32 $execute0_lowered;
	[smem:$0x3FD2] =	sst s25  }
0xa6: {  	s4 =	sshll.u32 s26, $0x1;
	_ =	strace $0x8000004F;
	[dreg:$0x1] =	wrdreg $0xFFFFFFFF  }
0xa7: {  	s28 =	simm.s32 $_size_execute0_lowered;
	s2 =	sadd.s32 s2, s4;
	[dreg:$0x0] =	wrdreg $0x0  }
0xa8: {  	s4 =	sshll.u32 s28, $0x1;
	[dreg:$0x2] =	wrdreg s2  }
0xa9: {  	[dreg:$0x3] =	wrdreg s4  }
0xaa: {  	[dreg:$0x4] =	wrdreg $0xC0  }
0xab: {  	_ =	task [dreg:s6], $0x5FFFF  }
0xac: {  	[dreg:$0x1] =	wrdreg $0xFFFFFFFF  }
0xad: {  	[dreg:$0x0] =	wrdreg $0x60  }
0xae: {  	[dreg:$0x2] =	wrdreg s24  }
0xaf: {  	[dreg:$0x3] =	wrdreg $0x5E000  }
0xb0: {  	[dreg:$0x4] =	wrdreg $0x9  }
0xb1: {  	_ =	task.clear_ibuf [dreg:s6], $0x5FFFF;
	_ =	strace $0x9000004F  }
0xb2: {  	s29 =	simm.s32 $0x9;
	_ =	strace $0x80000051  }
0xb3: {  	_ =	swait.ge [sflag:s29], $0x1  }
0xb4: {  	[sflag:s29] =	ssyncadd.s32 $0xFFFFFFFF  }
0xb5: {  	_ =	strace $0x90000051  }
0xb6: {  	_ =	sfence  }
0xb7: {  	s30 =	sld [smem:$0x0];
	_ =	sdelay $0x2  }
0xb8: {  	s31 =	sshll.u32 s1, $0xD;
	s1 =	sshrl.u32 s1, $0x2  }
0xb9: {  	s3 =	sand.u32 $0x4000, s31;
	s1 =	sadd.s32 s1, s30  }
0xba: {  	s0 =	sor.u32 s3, s0;
	s1 =	sshll.u32 s1, $0x11  }
0xbb: {  	s0 =	sor.u32 s1, s0  }
0xbc: {  	s0 =	sadd.s32 $0x8F2B, s0  }
0xbd: {  	[sflag:s0] =	ssyncadd.remote.s32 $0x1  }
0xbe: {  	_ =	sfence.sel $0xFFFF  }
0xbf: {  	[dreg:$0x0] =	wrdreg $0xFFFFFFFF;
	(pc) =	sbr.abs _section_cstart, $3  }
0xc0: {  	[dreg:$0x1] =	wrdreg $0xFFFFFFFF  }
0xc1: {  	_ =	task.clear_ibuf [dreg:s6], $0x2FFFF;
	_ =	strace $0x9FFFFFFF  }
0xc2: {  	(tm) =	ssettm $0x7FFFFFFF  }
0xc3: {  	_ =	shalt  }
tec
execute0_lowered:
.L_overlay_start_1:
0x0: {  	(tag) =	ssettag $0x1  }
0x1: {  	s0 =	rddreg [dreg:$0x0];
	s11 =	stileid.u32  }
0x2: {  	s2 =	rddreg [dreg:$0x1];
	s3 =	simm.s32 $0x0;
	s9 =	smul.u32 $0xA000, s11  }
0x3: {  	s1 =	srdreg.scid;
	[smem:$0x7FF] =	sst s3  }
0x4: {  	s1 =	sand.u32 $0x1, s1;
	s6 =	smul.u32 $0x2800, s11;
	s9 =	sshrl.u32 s9, $0x2  }
0x5: {  	s4 =	sadd.s32 $0x17400, s0;
	s7 =	sadd.s32 $0x3800, s0;
	s28 =	sadd.s32 s9, s2  }
0x6: {  	s8 =	sshll.u32 s11, $0x1;
	s31 =	smul.u32 $0x9E00, s11;
	s9 =	sadd.s32 $0x200, s28  }
0x7: {  	_ =	strace $0x80000050;
	s29 =	sadd.s32 $0x400, s28;
	[dreg:$0x3] =	wrdreg s9  }
0x8: {  	s11 =	simm.s32 $0x400;
	s30 =	sadd.s32 $0x600, s28;
	[dreg:$0x4] =	wrdreg s29  }
0x9: {  	s5 =	smul.u32 $0x28000, s1;
	s12 =	sadd.s32 $0x800, s28;
	[dreg:$0x5] =	wrdreg s30  }
0xa: {  	s8 =	sor.u32 s1, s8;
	s13 =	sadd.s32 $0xA00, s28;
	[dreg:$0x6] =	wrdreg s12  }
0xb: {  	s10 =	ssub.s32 $0x2, s1;
	s14 =	sadd.s32 $0xC00, s28;
	[dreg:$0x7] =	wrdreg s13  }
0xc: {  	s1 =	smul.u32 $0x4F00, s1;
	s15 =	sadd.s32 $0xE00, s28;
	[dreg:$0x8] =	wrdreg s14  }
0xd: {  	s8 =	smul.u32 $0x4F00, s8;
	s16 =	sadd.s32 $0x1000, s28;
	[dreg:$0x9] =	wrdreg s15  }
0xe: {  	s25 =	sshrl.u32 s10, $0x1;
	s17 =	sadd.s32 $0x1200, s28;
	[dreg:$0xa] =	wrdreg s16  }
0xf: {  	s5 =	sadd.s32 s6, s5;
	s18 =	sadd.s32 $0x1400, s28;
	[dreg:$0xb] =	wrdreg s17  }
0x10: {  	s10 =	ssub.s32 s10, s25;
	s19 =	sadd.s32 $0x1600, s28;
	[dreg:$0xc] =	wrdreg s18  }
0x11: {  	s6 =	sadd.s32 s6, s2;
	s20 =	sadd.s32 $0x1800, s28;
	[dreg:$0xd] =	wrdreg s19  }
0x12: {  	s1 =	sadd.s32 s1, s31;
	s21 =	sadd.s32 $0x1A00, s28;
	[dreg:$0xe] =	wrdreg s20  }
0x13: {  	s5 =	sshrl.u32 s5, $0x3;
	s22 =	sadd.s32 $0x1C00, s28;
	[dreg:$0xf] =	wrdreg s21  }
0x14: {  	s26 =	sshrl.u32 s8, $0x3;
	s23 =	sadd.s32 $0x1E00, s28;
	[dreg:$0x10] =	wrdreg s22  }
0x15: {  	s1 =	sadd.s32 $0x600, s1;
	s24 =	sadd.s32 $0x2000, s28;
	[dreg:$0x11] =	wrdreg s23  }
0x16: {  	s25 =	sadd.s32 $0x2200, s28;
	s0 =	sadd.s32 s5, s0;
	[dreg:$0x12] =	wrdreg s24  }
0x17: {  	s5 =	sadd.s32 s7, s26;
	s1 =	sshrl.u32 s1, $0x3;
	[dreg:$0x13] =	wrdreg s25  }
0x18: {  	s26 =	sadd.s32 $0x2400, s28;
	s28 =	sadd.s32 $0x2600, s28;
	s29 =	smax.u32 s10, $0x1  }
0x19: {  	s10 =	simm.s32 $0x300;
	s12 =	simm.s32 $0x5C00;
	s13 =	simm.s32 $0x3  }
0x1a: {  	s14 =	simm.s32 $0x1;
	s15 =	simm.s32 $0x80;
	[dreg:$0x14] =	wrdreg s26  }
0x1b: {  	s16 =	simm.s32 $0x2;
	s17 =	simm.s32 $0x4;
	[dreg:$0x15] =	wrdreg s28  }
0x1c: {  	s18 =	simm.s32 $0x0;
	s0 =	sadd.s32 $0x1C400, s0;
	[dreg:$0x17] =	wrdreg s29  }
0x1d: {  	s22 =	sadd.s32 s1, s7;
	s30 =	sadd.s32 $0x20, s5;
	[dreg:$0x16] =	wrdreg s0  }
0x1e: {  	s31 =	sadd.s32 $0x40, s5;
	s1 =	sadd.s32 $0x80, s5;
	[dreg:$0x18] =	wrdreg s30  }
0x1f: {  	v0 =	vimm.f32 $0.0e+00;
	s7 =	sadd.s32 $0xA0, s5;
	[dreg:$0x19] =	wrdreg s31;
	s0 =	sadd.s32 $0x60, s5  }
.LBB2_1:
0x20: {  	[tilespmem:s3], [sflag:$0x1] =	stream.linear.gather [hbm4b:s5+s3], $0x100, $0x38;
	[tilespmem:$0x8600] =	vst v63  }
0x21: {  	s8 =	rddreg [dreg:$0x18];
	s9 =	simm.s32 $0x100  }
0x22: {  	[tilespmem:s9], [sflag:$0x1] =	stream.linear.gather [hbm4b:s8+s3], $0x100, $0x38;
	[tilespmem:$0x8600] =	vst v63  }
0x23: {  	s26 =	rddreg [dreg:$0x19];
	s19 =	simm.s32 $0x200  }
0x24: {  	[tilespmem:s19], [sflag:$0x1] =	stream.linear.gather [hbm4b:s26+s3], $0x100, $0x38;
	[tilespmem:$0x8600] =	vst v63  }
0x25: {  	_ = 	snop  }
0x26: {  	[tilespmem:s10], [sflag:$0x1] =	stream.linear.gather [hbm4b:s0+s3], $0x100, $0x38;
	[tilespmem:$0x8600] =	vst v63  }
0x27: {  	_ = 	snop  }
0x28: {  	[tilespmem:s11], [sflag:$0x1] =	stream.linear.gather [hbm4b:s1+s3], $0x100, $0x38;
	[tilespmem:$0x8600] =	vst v63  }
0x29: {  	s30 =	simm.s32 $0x500  }
0x2a: {  	[tilespmem:s30], [sflag:$0x1] =	stream.linear.gather [hbm4b:s7+s3], $0x100, $0x38;
	[tilespmem:$0x8600] =	vst v63  }
0x2b: {  	[tilespmem:$0x5C00] =	vst v0  }
0x2c: {  	[tilespmem:$0x5C10] =	vst v0  }
0x2d: {  	[tilespmem:$0x5C20] =	vst v0  }
0x2e: {  	[tilespmem:$0x5C30] =	vst v0  }
0x2f: {  	[tilespmem:$0x5C40] =	vst v0  }
0x30: {  	[tilespmem:$0x5C50] =	vst v0  }
0x31: {  	[tilespmem:$0x5C60] =	vst v0  }
0x32: {  	[tilespmem:$0x5C70] =	vst v0  }
0x33: {  	[tilespmem:$0x5C80] =	vst v0  }
0x34: {  	[tilespmem:$0x5C90] =	vst v0  }
0x35: {  	[tilespmem:$0x5CA0] =	vst v0  }
0x36: {  	[tilespmem:$0x5CB0] =	vst v0  }
0x37: {  	[tilespmem:$0x5CC0] =	vst v0  }
0x38: {  	[tilespmem:$0x5CD0] =	vst v0  }
0x39: {  	[tilespmem:$0x5CE0] =	vst v0  }
0x3a: {  	[tilespmem:$0x5CF0] =	vst v0  }
0x3b: {  	[tilespmem:$0x5D00] =	vst v0  }
0x3c: {  	[tilespmem:$0x5D10] =	vst v0  }
0x3d: {  	[tilespmem:$0x5D20] =	vst v0  }
0x3e: {  	[tilespmem:$0x5D30] =	vst v0  }
0x3f: {  	[tilespmem:$0x5D40] =	vst v0  }
0x40: {  	[tilespmem:$0x5D50] =	vst v0  }
0x41: {  	[tilespmem:$0x5D60] =	vst v0  }
0x42: {  	[tilespmem:$0x5D70] =	vst v0  }
0x43: {  	[tilespmem:$0x5D80] =	vst v0  }
0x44: {  	[tilespmem:$0x5D90] =	vst v0  }
0x45: {  	[tilespmem:$0x5DA0] =	vst v0  }
0x46: {  	[tilespmem:$0x5DB0] =	vst v0  }
0x47: {  	[tilespmem:$0x5DC0] =	vst v0  }
0x48: {  	[tilespmem:$0x5DD0] =	vst v0  }
0x49: {  	[tilespmem:$0x5DE0] =	vst v0  }
0x4a: {  	[tilespmem:$0x5DF0] =	vst v0  }
0x4b: {  	[spmem:s6] =	stream.linear.scatter [tilespmem:s12], [sflag:$0x3], $0x200, $0x38;
	[tilespmem:$0x8600] =	vst v63  }
0x4c: {  	s31 =	rddreg [dreg:$0x3]  }
0x4d: {  	[spmem:s31] =	stream.linear.scatter [tilespmem:s12], [sflag:$0x3], $0x200, $0x38;
	[tilespmem:$0x8600] =	vst v63  }
0x4e: {  	s20 =	rddreg [dreg:$0x4]  }
0x4f: {  	[spmem:s20] =	stream.linear.scatter [tilespmem:s12], [sflag:$0x3], $0x200, $0x38;
	[tilespmem:$0x8600] =	vst v63  }
0x50: {  	s21 =	rddreg [dreg:$0x5]  }
0x51: {  	[spmem:s21] =	stream.linear.scatter [tilespmem:s12], [sflag:$0x3], $0x200, $0x38;
	[tilespmem:$0x8600] =	vst v63  }
0x52: {  	s23 =	rddreg [dreg:$0x6]  }
0x53: {  	[spmem:s23] =	stream.linear.scatter [tilespmem:s12], [sflag:$0x3], $0x200, $0x38;
	[tilespmem:$0x8600] =	vst v63  }
0x54: {  	s24 =	rddreg [dreg:$0x7]  }
0x55: {  	[spmem:s24] =	stream.linear.scatter [tilespmem:s12], [sflag:$0x3], $0x200, $0x38;
	[tilespmem:$0x8600] =	vst v63  }
0x56: {  	s25 =	rddreg [dreg:$0x8]  }
0x57: {  	[spmem:s25] =	stream.linear.scatter [tilespmem:s12], [sflag:$0x3], $0x200, $0x38;
	[tilespmem:$0x8600] =	vst v63  }
0x58: {  	s26 =	rddreg [dreg:$0x9]  }
0x59: {  	[spmem:s26] =	stream.linear.scatter [tilespmem:s12], [sflag:$0x3], $0x200, $0x38;
	[tilespmem:$0x8600] =	vst v63  }
0x5a: {  	s30 =	rddreg [dreg:$0xa]  }
0x5b: {  	[spmem:s30] =	stream.linear.scatter [tilespmem:s12], [sflag:$0x3], $0x200, $0x38;
	[tilespmem:$0x8600] =	vst v63  }
0x5c: {  	s31 =	rddreg [dreg:$0xb]  }
0x5d: {  	[spmem:s31] =	stream.linear.scatter [tilespmem:s12], [sflag:$0x3], $0x200, $0x38;
	[tilespmem:$0x8600] =	vst v63  }
0x5e: {  	s20 =	rddreg [dreg:$0xc]  }
0x5f: {  	[spmem:s20] =	stream.linear.scatter [tilespmem:s12], [sflag:$0x3], $0x200, $0x38;
	[tilespmem:$0x8600] =	vst v63  }
0x60: {  	s21 =	rddreg [dreg:$0xd]  }
0x61: {  	[spmem:s21] =	stream.linear.scatter [tilespmem:s12], [sflag:$0x3], $0x200, $0x38;
	[tilespmem:$0x8600] =	vst v63  }
0x62: {  	s23 =	rddreg [dreg:$0xe]  }
0x63: {  	[spmem:s23] =	stream.linear.scatter [tilespmem:s12], [sflag:$0x3], $0x200, $0x38;
	[tilespmem:$0x8600] =	vst v63  }
0x64: {  	s24 =	rddreg [dreg:$0xf]  }
0x65: {  	[spmem:s24] =	stream.linear.scatter [tilespmem:s12], [sflag:$0x3], $0x200, $0x38;
	[tilespmem:$0x8600] =	vst v63  }
0x66: {  	s25 =	rddreg [dreg:$0x10]  }
0x67: {  	[spmem:s25] =	stream.linear.scatter [tilespmem:s12], [sflag:$0x3], $0x200, $0x38;
	[tilespmem:$0x8600] =	vst v63  }
0x68: {  	s26 =	rddreg [dreg:$0x11]  }
0x69: {  	[spmem:s26] =	stream.linear.scatter [tilespmem:s12], [sflag:$0x3], $0x200, $0x38;
	[tilespmem:$0x8600] =	vst v63  }
0x6a: {  	s30 =	rddreg [dreg:$0x12]  }
0x6b: {  	[spmem:s30] =	stream.linear.scatter [tilespmem:s12], [sflag:$0x3], $0x200, $0x38;
	[tilespmem:$0x8600] =	vst v63  }
0x6c: {  	s31 =	rddreg [dreg:$0x13]  }
0x6d: {  	[spmem:s31] =	stream.linear.scatter [tilespmem:s12], [sflag:$0x3], $0x200, $0x38;
	[tilespmem:$0x8600] =	vst v63  }
0x6e: {  	s20 =	rddreg [dreg:$0x14]  }
0x6f: {  	[spmem:s20] =	stream.linear.scatter [tilespmem:s12], [sflag:$0x3], $0x200, $0x38;
	[tilespmem:$0x8600] =	vst v63  }
0x70: {  	s21 =	rddreg [dreg:$0x15]  }
0x71: {  	[spmem:s21] =	stream.linear.scatter [tilespmem:s12], [sflag:$0x3], $0x200, $0x38;
	[tilespmem:$0x8600] =	vst v63  }
0x72: {  	_ =	swait.ge [sflag:s13], $0x200  }
0x73: {  	[sflag:s13] =	ssyncset.done $0x0  }
0x74: {  	[sflag:s13] =	ssyncadd.s32 $0xFFFFFE00  }
0x75: {  	_ =	swait.ge [sflag:s13], $0x200  }
0x76: {  	[sflag:s13] =	ssyncset.done $0x0  }
0x77: {  	[sflag:s13] =	ssyncadd.s32 $0xFFFFFE00  }
0x78: {  	_ =	swait.ge [sflag:s13], $0x200  }
0x79: {  	[sflag:s13] =	ssyncset.done $0x0  }
0x7a: {  	[sflag:s13] =	ssyncadd.s32 $0xFFFFFE00  }
0x7b: {  	_ =	swait.ge [sflag:s13], $0x200  }
0x7c: {  	[sflag:s13] =	ssyncset.done $0x0  }
0x7d: {  	[sflag:s13] =	ssyncadd.s32 $0xFFFFFE00  }
0x7e: {  	_ =	swait.ge [sflag:s13], $0x200  }
0x7f: {  	[sflag:s13] =	ssyncset.done $0x0  }
0x80: {  	[sflag:s13] =	ssyncadd.s32 $0xFFFFFE00  }
0x81: {  	_ =	swait.ge [sflag:s13], $0x200  }
0x82: {  	[sflag:s13] =	ssyncset.done $0x0  }
0x83: {  	[sflag:s13] =	ssyncadd.s32 $0xFFFFFE00  }
0x84: {  	_ =	swait.ge [sflag:s13], $0x200  }
0x85: {  	[sflag:s13] =	ssyncset.done $0x0  }
0x86: {  	[sflag:s13] =	ssyncadd.s32 $0xFFFFFE00  }
0x87: {  	_ =	swait.ge [sflag:s13], $0x200  }
0x88: {  	[sflag:s13] =	ssyncset.done $0x0  }
0x89: {  	[sflag:s13] =	ssyncadd.s32 $0xFFFFFE00  }
0x8a: {  	_ =	swait.ge [sflag:s13], $0x200  }
0x8b: {  	[sflag:s13] =	ssyncset.done $0x0  }
0x8c: {  	[sflag:s13] =	ssyncadd.s32 $0xFFFFFE00  }
0x8d: {  	_ =	swait.ge [sflag:s13], $0x200  }
0x8e: {  	[sflag:s13] =	ssyncset.done $0x0  }
0x8f: {  	[sflag:s13] =	ssyncadd.s32 $0xFFFFFE00  }
0x90: {  	_ =	swait.ge [sflag:s13], $0x200  }
0x91: {  	[sflag:s13] =	ssyncset.done $0x0  }
0x92: {  	[sflag:s13] =	ssyncadd.s32 $0xFFFFFE00  }
0x93: {  	_ =	swait.ge [sflag:s13], $0x200  }
0x94: {  	[sflag:s13] =	ssyncset.done $0x0  }
0x95: {  	[sflag:s13] =	ssyncadd.s32 $0xFFFFFE00  }
0x96: {  	_ =	swait.ge [sflag:s13], $0x200  }
0x97: {  	[sflag:s13] =	ssyncset.done $0x0  }
0x98: {  	[sflag:s13] =	ssyncadd.s32 $0xFFFFFE00  }
0x99: {  	_ =	swait.ge [sflag:s13], $0x200  }
0x9a: {  	[sflag:s13] =	ssyncset.done $0x0  }
0x9b: {  	[sflag:s13] =	ssyncadd.s32 $0xFFFFFE00  }
0x9c: {  	_ =	swait.ge [sflag:s13], $0x200  }
0x9d: {  	[sflag:s13] =	ssyncset.done $0x0  }
0x9e: {  	[sflag:s13] =	ssyncadd.s32 $0xFFFFFE00  }
0x9f: {  	_ =	swait.ge [sflag:s13], $0x200  }
0xa0: {  	[sflag:s13] =	ssyncset.done $0x0  }
0xa1: {  	[sflag:s13] =	ssyncadd.s32 $0xFFFFFE00  }
0xa2: {  	_ =	swait.ge [sflag:s13], $0x200  }
0xa3: {  	[sflag:s13] =	ssyncset.done $0x0  }
0xa4: {  	[sflag:s13] =	ssyncadd.s32 $0xFFFFFE00  }
0xa5: {  	_ =	swait.ge [sflag:s13], $0x200  }
0xa6: {  	[sflag:s13] =	ssyncset.done $0x0  }
0xa7: {  	[sflag:s13] =	ssyncadd.s32 $0xFFFFFE00  }
0xa8: {  	_ =	swait.ge [sflag:s13], $0x200  }
0xa9: {  	[sflag:s13] =	ssyncset.done $0x0  }
0xaa: {  	[sflag:s13] =	ssyncadd.s32 $0xFFFFFE00  }
0xab: {  	_ =	swait.ge [sflag:s13], $0x200  }
0xac: {  	[sflag:s13] =	ssyncset.done $0x0  }
0xad: {  	p0 =	por $0x0, $0x0;
	[sflag:s13] =	ssyncadd.s32 $0xFFFFFE00  }
0xae: {  	p1 =	por @!p0 $0x0, $0x0;
	[bflag:$0x0] =	sbarrier.arrive $0xFFFF  }
0xaf: {  	p2 =	por @!p0 $0x1, $0x1;
	p1 =	por p1, p0;
	_ =	swait.ge [sflag:s14], $0x100  }
0xb0: {  	s8 =	simm.s32 @!p0 $0x1;
	s31 =	simm.s32 $0x0;
	[sflag:s14] =	ssyncset.done $0x0  }
0xb1: {  	s23 =	simm.s32 $0xC00;
	s21 =	smul.u32 $0xAB, s31;
	[sflag:s14] =	ssyncadd.s32 $0xFFFFFF00  }
0xb2: {  	[tilespmem:s23], [sflag:$0x2] =	stream.indirect.gather [hbm4b:s4+s15], $0x10, s3, s15, $0xb8;
	[tilespmem:$0x8600] =	vst v63  }
0xb3: {  	p3 =	por p2, p0;
	s21 =	sshrl.u32 s21, $0xB;
	_ =	swait.ge [sflag:s14], $0x100  }
0xb4: {  	s24 =	simm.s32 $0x1400;
	s21 =	sand.u32 $0x1F, s21;
	[sflag:s14] =	ssyncset.done $0x0  }
0xb5: {  	s25 =	simm.s32 $0x1C00;
	s21 =	smul.u32 $0xC, s21;
	[sflag:s14] =	ssyncadd.s32 $0xFFFFFF00  }
0xb6: {  	[tilespmem:s24], [sflag:$0x2] =	stream.indirect.gather [hbm4b:s4+s15], $0x10, s9, s15, $0xb8;
	[tilespmem:$0x8600] =	vst v63  }
0xb7: {  	s26 =	simm.s32 $0x2400;
	s20 =	smul.u32 $0xCD, s31;
	_ =	swait.ge [sflag:s14], $0x100  }
0xb8: {  	s30 =	simm.s32 $0x2C00;
	s21 =	ssub.s32 $0x0, s21;
	[sflag:s14] =	ssyncset.done $0x0  }
0xb9: {  	s20 =	sshrl.u32 s20, $0xB;
	s21 =	sand.u32 $0xFF, s21;
	[sflag:s14] =	ssyncadd.s32 $0xFFFFFF00  }
0xba: {  	[tilespmem:s25], [sflag:$0x2] =	stream.indirect.gather [hbm4b:s4+s15], $0x10, s19, s15, $0xb8;
	[tilespmem:$0x8600] =	vst v63  }
0xbb: {  	s20 =	sand.u32 $0x1F, s20;
	s21 =	sshll.u32 s21, $0x8;
	_ =	swait.ge [sflag:s14], $0x100  }
0xbc: {  	s23 =	smul.u32 $0xA, s20;
	s24 =	simm.s32 $0x6;
	[sflag:s14] =	ssyncset.done $0x0  }
0xbd: {  	s21 =	sor.u32 $0x80, s21;
	s24 =	smul.u32 @!p1 $0xAB, s24;
	[sflag:s14] =	ssyncadd.s32 $0xFFFFFF00  }
0xbe: {  	[tilespmem:s26], [sflag:$0x2] =	stream.indirect.gather [hbm4b:s4+s15], $0x10, s10, s15, $0xb8;
	[tilespmem:$0x8600] =	vst v63  }
0xbf: {  	s24 =	sshrl.u32 @!p1 s24, $0xB;
	s25 =	ssub.s32 $0x0, s23;
	_ =	swait.ge [sflag:s14], $0x100  }
0xc0: {  	s23 =	simm.s32 @!p0 $0x5;
	s24 =	sand.u32 @!p1 $0x1F, s24;
	[sflag:s14] =	ssyncset.done $0x0  }
0xc1: {  	s25 =	sand.u32 $0xFF, s25;
	s26 =	sand.u32 @!p0 $0xFF, s23;
	[sflag:s14] =	ssyncadd.s32 $0xFFFFFF00  }
0xc2: {  	[tilespmem:s30], [sflag:$0x2] =	stream.indirect.gather [hbm4b:s4+s15], $0x10, s11, s15, $0xb8;
	[tilespmem:$0x8600] =	vst v63  }
0xc3: {  	s25 =	sshll.u32 s25, $0xB;
	s28 =	smul.u32 @!p0 $0xCD, s26;
	_ =	swait.ge [sflag:s16], $0x800  }
0xc4: {  	s24 =	smul.u32 @!p1 $0xC, s24;
	s25 =	sadd.s32 $0xC00, s25;
	[sflag:s16] =	ssyncset.done $0x0  }
0xc5: {  	s26 =	smul.u32 @!p0 $0xAB, s26;
	s28 =	sshrl.u32 @!p0 s28, $0xB;
	[sflag:s16] =	ssyncadd.s32 $0xFFFFF800  }
0xc6: {  	[spmem:s2] =	stream.indirect.scatter.add.f32 [tilespmem:s25], [sflag:$0x3], $0x10, s21, s15, $0xb8;
	[tilespmem:$0x8600] =	vst v63  }
0xc7: {  	s20 =	sadd.s32 $0x20, s22;
	s19 =	simm.s32 $0x7;
	s21 =	smul.u32 @!p0 $0xA, s28  }
0xc8: {  	s24 =	ssub.s32 @!p1 $0x6, s24;
	s25 =	simm.s32 @!p3 $0x3;
	s28 =	sshrl.u32 @!p0 s26, $0xB  }
0xc9: {  	s26 =	simm.s32 @!p0 $0x80;
	_ =	swait.ge @!p0 [sflag:s8], $0x100;
	s21 =	ssub.s32 @!p0 $0x5, s21  }
0xca: {  	s29 =	smul.u32 @!p0 $0xC, s28;
	[sflag:s8] =	ssyncset.done @!p0 $0x0;
	s21 =	sand.u32 @!p0 $0xFF, s21  }
0xcb: {  	[sflag:s8] =	ssyncadd.s32 @!p0 $0xFFFFFF00;
	s28 =	sshll.u32 @!p0 s21, $0xB;
	s21 =	smov.u32 s22  }
.LBB2_2:
0xcc: {  	_ =	swait.ge @!p3 [sflag:s25], $0x800  }
0xcd: {  	s8 =	ssub.s32 @!p0 s23, s29;
	s23 =	sand.u32 @!p1 $0xFF, s24;
	s24 =	smov.u32 s19  }
0xce: {  	[sflag:s25] =	ssyncset.done @!p3 $0x0;
	s8 =	sand.u32 @!p0 $0xFF, s8;
	s23 =	sshll.u32 @!p1 s23, $0x8  }
0xcf: {  	[sflag:s25] =	ssyncadd.s32 @!p3 $0xFFFFF800;
	s25 =	sadd.s32 @!p0 $0xC00, s28;
	s8 =	sshll.u32 @!p0 s8, $0x8  }
0xd0: {  	[tilespmem:s25], [sflag:$0x2] =	stream.indirect.gather @!p0 [hbm4b:s4+s26], $0x10, s8, s26, $0xb8;
	[tilespmem:$0x8600] =	vst v63  }
0xd1: {  	s19 =	sadd.s32 $0x1, s19;
	s8 =	sadd.s32 $0xFFFFFFFA, s24;
	s25 =	simm.s32 @!p1 $0x0  }
0xd2: {  	[tilespmem:s23], [sflag:$0x1] =	stream.linear.gather @!p1 [hbm4b:s21+s25], $0x100, $0x38;
	[tilespmem:$0x8600] =	vst v63  }
0xd3: {  	p2 =	sne.s32 s19, $0x55;
	s23 =	smul.u32 $0xCD, s8;
	s21 =	smov.u32 s20  }
0xd4: {  	s25 =	smul.u32 $0xAB, s8  }
0xd5: {  	s23 =	sshrl.u32 s23, $0xB  }
0xd6: {  	p0 =	sgt.u32 s8, $0x49;
	s25 =	sshrl.u32 s25, $0xB;
	s23 =	sand.u32 $0x1F, s23  }
0xd7: {  	s20 =	sadd.s32 $0x20, s20;
	s25 =	sand.u32 $0x1F, s25;
	s23 =	smul.u32 $0xA, s23  }
0xd8: {  	p3 =	slt.u32 @!p0 s8, $0x5;
	s25 =	smul.u32 $0xC, s25;
	_ =	swait.ge [sflag:s16], $0x800  }
0xd9: {  	p1 =	seq.s32 @!p0 s24, $0x4F;
	s26 =	ssub.s32 s8, s23;
	s23 =	sadd.s32 @!p0 $0x5, s8  }
0xda: {  	p1 =	por p1, p0;
	s8 =	ssub.s32 s8, s25;
	s26 =	sand.u32 $0xFF, s26  }
0xdb: {  	s8 =	sand.u32 $0xFF, s8;
	s25 =	sshll.u32 s26, $0xB;
	s26 =	sand.u32 @!p0 $0xFF, s23  }
0xdc: {  	s8 =	sshll.u32 s8, $0x8;
	s28 =	sadd.s32 $0xC00, s25;
	s25 =	smul.u32 @!p0 $0xCD, s26  }
0xdd: {  	s30 =	smul.u32 @!p1 $0xAB, s24;
	s8 =	sor.u32 $0x80, s8;
	[sflag:s16] =	ssyncset.done $0x0  }
0xde: {  	s9 =	simm.s32 @!p0 $0x1;
	s29 =	sshrl.u32 @!p0 s25, $0xB;
	[sflag:s16] =	ssyncadd.s32 $0xFFFFF800  }
0xdf: {  	p3 =	por p3, p0;
	s30 =	sshrl.u32 @!p1 s30, $0xB;
	s26 =	smul.u32 @!p0 $0xAB, s26  }
0xe0: {  	s30 =	sand.u32 @!p1 $0x1F, s30;
	s25 =	simm.s32 @!p3 $0x3;
	s29 =	smul.u32 @!p0 $0xA, s29  }
.Ltmp0:
0xe1: {  	s31 =	sshrl.u32 @!p0 s26, $0xB;
	s26 =	simm.s32 @!p0 $0x80;
	(pc) =	sbr.rel @p2 .LBB2_2-.Ltmp0, $4  }
0xe2: {  	[spmem:s2] =	stream.indirect.scatter.add.f32 [tilespmem:s28], [sflag:$0x3], $0x10, s8, s15, $0xb8;
	[tilespmem:$0x8600] =	vst v63  }
0xe3: {  	s30 =	smul.u32 @!p1 $0xC, s30;
	s8 =	ssub.s32 @!p0 s23, s29;
	_ =	swait.ge @!p0 [sflag:s9], $0x100  }
0xe4: {  	s29 =	smul.u32 @!p0 $0xC, s31;
	s8 =	sand.u32 @!p0 $0xFF, s8;
	[sflag:s9] =	ssyncset.done @!p0 $0x0  }
0xe5: {  	s24 =	ssub.s32 @!p1 s24, s30;
	s28 =	sshll.u32 @!p0 s8, $0xB;
	[sflag:s9] =	ssyncadd.s32 @!p0 $0xFFFFFF00  }
0xe6: {  	_ =	swait.ge @!p3 [sflag:s25], $0x800;
	s8 =	ssub.s32 @!p0 s23, s29  }
0xe7: {  	s9 =	sand.u32 @!p1 $0xFF, s24;
	[sflag:s25] =	ssyncset.done @!p3 $0x0;
	s8 =	sand.u32 @!p0 $0xFF, s8  }
0xe8: {  	s19 =	sadd.s32 @!p0 $0xC00, s28;
	[sflag:s25] =	ssyncadd.s32 @!p3 $0xFFFFF800;
	s8 =	sshll.u32 @!p0 s8, $0x8  }
0xe9: {  	[tilespmem:s19], [sflag:$0x2] =	stream.indirect.gather @!p0 [hbm4b:s4+s26], $0x10, s8, s26, $0xb8;
	[tilespmem:$0x8600] =	vst v63  }
0xea: {  	s8 =	sshll.u32 @!p1 s9, $0x8;
	s9 =	simm.s32 @!p1 $0x0  }
0xeb: {  	[tilespmem:s8], [sflag:$0x1] =	stream.linear.gather @!p1 [hbm4b:s21+s9], $0x100, $0x38;
	[tilespmem:$0x8600] =	vst v63  }
0xec: {  	_ =	swait.ge [sflag:s13], $0x800  }
0xed: {  	[sflag:s13] =	ssyncset.done $0x0  }
0xee: {  	[sflag:s13] =	ssyncadd.s32 $0xFFFFF800  }
0xef: {  	_ =	swait.ge [sflag:s13], $0x800  }
0xf0: {  	[sflag:s13] =	ssyncset.done $0x0  }
0xf1: {  	[sflag:s13] =	ssyncadd.s32 $0xFFFFF800  }
0xf2: {  	_ =	swait.ge [sflag:s13], $0x800  }
0xf3: {  	[sflag:s13] =	ssyncset.done $0x0  }
0xf4: {  	[sflag:s13] =	ssyncadd.s32 $0xFFFFF800  }
0xf5: {  	_ =	swait.ge [sflag:s13], $0x800  }
0xf6: {  	[sflag:s13] =	ssyncset.done $0x0  }
0xf7: {  	[sflag:s13] =	ssyncadd.s32 $0xFFFFF800  }
0xf8: {  	_ =	swait.ge [sflag:s13], $0x800  }
0xf9: {  	[sflag:s13] =	ssyncset.done $0x0  }
0xfa: {  	[sflag:s13] =	ssyncadd.s32 $0xFFFFF800  }
0xfb: {  	_ =	swait.ge [sflag:s13], $0x800  }
0xfc: {  	[sflag:s13] =	ssyncset.done $0x0  }
0xfd: {  	[sflag:s13] =	ssyncadd.s32 $0xFFFFF800  }
0xfe: {  	_ =	swait.ge [sflag:s13], $0x800  }
0xff: {  	[sflag:s13] =	ssyncset.done $0x0  }
0x100: {  	[sflag:s13] =	ssyncadd.s32 $0xFFFFF800  }
0x101: {  	_ =	swait.ge [sflag:s13], $0x800  }
0x102: {  	[sflag:s13] =	ssyncset.done $0x0  }
0x103: {  	[sflag:s13] =	ssyncadd.s32 $0xFFFFF800  }
0x104: {  	_ =	swait.ge [sflag:s13], $0x800  }
0x105: {  	[sflag:s13] =	ssyncset.done $0x0  }
0x106: {  	[sflag:s13] =	ssyncadd.s32 $0xFFFFF800  }
0x107: {  	_ =	swait.ge [sflag:s13], $0x800  }
0x108: {  	[sflag:s13] =	ssyncset.done $0x0  }
0x109: {  	s28 =	stileid.u32;
	[sflag:s13] =	ssyncadd.s32 $0xFFFFF800  }
0x10a: {  	s8 =	sshll.u32 s28, $0x6;
	[bflag:$0x0] =	sbarrier.arrive $0xFFFF  }
0x10b: {  	s29 =	sshrl.u32 s6, $0x3;
	s8 =	sor.u32 $0x1C04, s8;
	s30 =	rddreg [dreg:$0x16]  }
0x10c: {  	[hbm:s30], [sflag:s8] =	dma.local [spmem:s29], $0x500  }
0x10d: {  	_ =	swait.ge [sflag:s17], $0x500  }
0x10e: {  	s18 =	sadd.s32 $0x1, s18;
	s31 =	rddreg [dreg:$0x17]  }
0x10f: {  	p0 =	sne.s32 s18, s31  }
.Ltmp1:
0x110: {  	_ = 	snop;
	(pc) =	sbr.rel @p0 .LBB2_1-.Ltmp1, $3  }
0x111: {  	_ =	sdelay $0x1  }
0x112: {  	[sflag:s17] =	ssyncset.done $0x0  }
0x113: {  	[sflag:s17] =	ssyncadd.s32 $0xFFFFFB00  }
0x114: {  	_ =	sfence.sel $0x180000  }
0x115: {  	[bflag:$0x0] =	sbarrier.arrive $0xFFFF  }
0x116: {  	_ =	strace $0x90000050  }
0x117: {  	s0 =	stileid.u32;
	[bflag:$0x2] =	sbarrier.arrive $0xFFFF  }
0x118: {  	p0 =	sne.s32 s0, $0x0;
	s0 =	rddreg [dreg:$0x2]  }
0x119: {  	s0 =	sadd.s32 @!p0 $0x100000, s0  }
0x11a: {  	[sflag:s0] =	ssyncadd.tile.s32 @!p0 $0x1;
	_ =	shalt  }
.Lfunc_end2:
_tile_overlayer_lowered:
.L_overlay_start_2:
0x11b: {  	(tag) =	ssettag $0x2  }
0x11c: {  	s0 =	rddreg [dreg:$0x0];
	s2 =	stileid.u32  }
0x11d: {  	s1 =	rddreg [dreg:$0x1];
	p0 =	sne.s32 s2, $0x0  }
0x11e: {  	s3 =	rddreg [dreg:$0x2];
	[bflag:$0x3] =	sbarrier.arrive $0xFFFF;
	s2 =	simm.s32 @!p0 $0x1C04  }
0x11f: {  	[timem:s3], [sflag:s2] =	dma.local @!p0 [hbm:s0], s1  }
0x120: {  	s0 =	simm.s32 @!p0 $0x4  }
0x121: {  	_ =	swait.ge @!p0 [sflag:s0], s1  }
0x122: {  	s1 =	ssub.s32 @!p0 $0x0, s1;
	[sflag:s0] =	ssyncset.done @!p0 $0x0  }
0x123: {  	[sflag:s0] =	ssyncadd.s32 @!p0 s1  }
0x124: {  	[bflag:$0x3] =	sbarrier.arrive $0xFFFF  }
0x125: {  	_ =	shalt  }

</sc_bundles>
